<compile_context>
chip_gen: v7x
topology: tpu7x:2x2x1
jax: 0.10.2.dev20260603
libtpu: 0.0.44.dev20260713+nightly
codegen_flags: <defaults>
</compile_context>

<pallas_src>
import functools

import jax
import jax.numpy as jnp
from jax import lax
from jax.experimental import pallas as pl
from jax.experimental.pallas import tpu as pltpu
from jax.experimental.pallas import tpu_sc as plsc

N = 10000
E_RAW = 320000
E_REAL = E_RAW + N
HEADS = 4
HID = 64
OUT = 128
NCLS = 50

NC = 2
NS = 16
NW = NC * NS
BLK = 128
NBLK = 81
EPAD = NW * NBLK * BLK
ROWS_PER_SUB = 632
NPAD = NS * ROWS_PER_SUB


def _sc_edge_pass(heads_in_pass, head_base):
    hh = heads_in_pass
    cols_per_head = 128 // hh
    mesh = plsc.VectorSubcoreMesh(core_axis_name="c", subcore_axis_name="s")

    @functools.partial(
        pl.kernel,
        mesh=mesh,
        compiler_params=pltpu.CompilerParams(
            use_tc_tiling_on_sc=False, needs_layout_passes=False),
        out_type=[
            jax.ShapeDtypeStruct((NC, NPAD, 128), jnp.float32),
            jax.ShapeDtypeStruct((NC, NPAD, 16), jnp.float32),
        ],
        scratch_types=(
            [pltpu.VMEM_SHARED((N,), jnp.float32)] * (3 * hh) + [
                pltpu.VMEM((BLK,), jnp.int32),
                pltpu.VMEM((BLK,), jnp.int32),
                pltpu.VMEM((hh * BLK,), jnp.float32),
                pltpu.VMEM((hh * BLK,), jnp.float32),
                pltpu.VMEM((hh * BLK,), jnp.float32),
                pltpu.VMEM((BLK, 128), jnp.float32),
                pltpu.VMEM((hh * BLK,), jnp.float32),
                pltpu.VMEM((BLK, 16), jnp.float32),
                pltpu.VMEM_SHARED((NPAD, 128), jnp.float32),
                pltpu.VMEM_SHARED((NPAD, 16), jnp.float32),
                pltpu.SemaphoreType.DMA,
            ]
        ),
    )
    def k(*refs):
        (src_hbm, dst_hbm, h_hbm, zacc_hbm, zden_hbm) = refs[:5]
        tbl_hbm = refs[5:5 + 3 * hh]
        acc_out, den_out = refs[5 + 3 * hh:7 + 3 * hh]
        scr = refs[7 + 3 * hh:]
        tbl_sp = scr[:3 * hh]
        (sbuf, dbuf, asb, adb, amb, fbuf, exbuf, denbuf,
         acc_sp, den_sp, sem) = scr[3 * hh:]

        c = lax.axis_index("c")
        s = lax.axis_index("s")
        wid = s * NC + c
        r0 = s * ROWS_PER_SUB

        @pl.when(s == 0)
        def _stage():
            for t_hbm, t_sp in zip(tbl_hbm, tbl_sp):
                pltpu.sync_copy(t_hbm, t_sp)
        pltpu.sync_copy(zacc_hbm.at[pl.ds(r0, ROWS_PER_SUB)],
                        acc_sp.at[pl.ds(r0, ROWS_PER_SUB)])
        pltpu.sync_copy(zden_hbm.at[pl.ds(r0, ROWS_PER_SUB)],
                        den_sp.at[pl.ds(r0, ROWS_PER_SUB)])
        plsc.subcore_barrier()

        base0 = wid * (NBLK * BLK)
        lanes = lax.iota(jnp.int32, 16)

        def blk_body(b, carry):
            base = base0 + b * BLK
            pltpu.sync_copy(src_hbm.at[pl.ds(base, BLK)], sbuf)
            pltpu.sync_copy(dst_hbm.at[pl.ds(base, BLK)], dbuf)
            pltpu.async_copy(h_hbm.at[sbuf], fbuf, sem).wait()
            for j in range(hh):
                pltpu.async_copy(tbl_sp[3 * j].at[sbuf],
                                 asb.at[pl.ds(j * BLK, BLK)], sem).wait()
                pltpu.async_copy(tbl_sp[3 * j + 1].at[dbuf],
                                 adb.at[pl.ds(j * BLK, BLK)], sem).wait()
                pltpu.async_copy(tbl_sp[3 * j + 2].at[dbuf],
                                 amb.at[pl.ds(j * BLK, BLK)], sem).wait()

            def zden_body(i, _):
                for t in range(8):
                    denbuf[i * 8 + t, :] = jnp.zeros((16,), jnp.float32)
                return 0
            lax.fori_loop(0, BLK // 8, zden_body, 0)

            def g_body(g, _):
                gid = base + g * 16 + lanes
                mask = gid < E_REAL
                rows = g * 16 + lanes
                for j in range(hh):
                    sv = asb[pl.ds(j * BLK + g * 16, 16)]
                    dv = adb[pl.ds(j * BLK + g * 16, 16)]
                    mv = amb[pl.ds(j * BLK + g * 16, 16)]
                    z = sv + dv
                    alpha = jnp.maximum(z, 0.2 * z)
                    exv = jnp.exp(alpha - mv)
                    exv = jnp.where(mask, exv, jnp.zeros((16,), jnp.float32))
                    exbuf[pl.ds(j * BLK + g * 16, 16)] = exv
                    plsc.store_scatter(
                        denbuf,
                        [rows, jnp.full((16,), head_base + j, jnp.int32)],
                        exv)
                return 0
            lax.fori_loop(0, BLK // 16, g_body, 0)

            def e_body(i, _):
                for t in range(4):
                    e = i * 4 + t
                    for j in range(hh):
                        exsplat = plsc.load_gather(
                            exbuf, [jnp.full((16,), j * BLK, jnp.int32) + e])
                        for r in range(cols_per_head // 16):
                            col = j * cols_per_head + r * 16
                            fbuf[e, pl.ds(col, 16)] = (
                                fbuf[e, pl.ds(col, 16)] * exsplat)
                return 0
            lax.fori_loop(0, BLK // 4, e_body, 0)

            pltpu.sync_copy(fbuf, acc_sp.at[dbuf], add=True)
            pltpu.sync_copy(denbuf, den_sp.at[dbuf], add=True)
            return 0
        lax.fori_loop(0, NBLK, blk_body, 0)

        plsc.subcore_barrier()
        pltpu.sync_copy(acc_sp.at[pl.ds(r0, ROWS_PER_SUB)],
                        acc_out.at[c, pl.ds(r0, ROWS_PER_SUB)])
        pltpu.sync_copy(den_sp.at[pl.ds(r0, ROWS_PER_SUB)],
                        den_out.at[c, pl.ds(r0, ROWS_PER_SUB)])

    return k


RTC = 2000


def _tc1_body(x_ref, w1_ref, as1_ref, ad1_ref, h1a_ref, h1b_ref,
              als_ref, ald_ref, m0_ref):
    h1 = jnp.dot(x_ref[...], w1_ref[...], preferred_element_type=jnp.float32)
    h1a_ref[...] = h1[:, :128]
    h1b_ref[...] = h1[:, 128:]
    als_l, ald_l, m0_l = [], [], []
    for h in range(HEADS):
        seg = h1[:, h * HID:(h + 1) * HID]
        als = jnp.sum(seg * as1_ref[h, :][None, :], axis=1)
        ald = jnp.sum(seg * ad1_ref[h, :][None, :], axis=1)
        z = als + ald
        als_l.append(als)
        ald_l.append(ald)
        m0_l.append(jnp.maximum(z, 0.2 * z))
    als_ref[...] = jnp.stack(als_l, axis=1)
    ald_ref[...] = jnp.stack(ald_l, axis=1)
    m0_ref[...] = jnp.stack(m0_l, axis=1)


def _tc2_body(acca_ref, accb_ref, dena_ref, denb_ref, b1_ref, w2_ref,
              as2_ref, ad2_ref, h3_ref, als2_ref, ald2_ref, m02_ref):
    acca = acca_ref[0] + acca_ref[1]
    accb = accb_ref[0] + accb_ref[1]
    den = dena_ref[0] + dena_ref[1] + denb_ref[0] + denb_ref[1]
    parts = []
    for h in range(HEADS):
        acc = acca if h < 2 else accb
        colbase = (h % 2) * HID
        d = den[:, h][:, None] + 1e-16
        parts.append(acc[:, colbase:colbase + HID] / d)
    h2 = jnp.concatenate(parts, axis=1) + b1_ref[...][None, :]
    h2 = jnp.maximum(h2, 0.0)
    h3 = jnp.dot(h2, w2_ref[...], preferred_element_type=jnp.float32)
    h3_ref[...] = h3
    als2 = jnp.sum(h3 * as2_ref[0, :][None, :], axis=1)
    ald2 = jnp.sum(h3 * ad2_ref[0, :][None, :], axis=1)
    z = als2 + ald2
    als2_ref[...] = als2[:, None]
    ald2_ref[...] = ald2[:, None]
    m02_ref[...] = jnp.maximum(z, 0.2 * z)[:, None]


def _tc3_body(acc_ref, den_ref, b2_ref, gamma_ref, beta_ref, fcw_ref,
              fcb_ref, out_ref):
    acc = acc_ref[0] + acc_ref[1]
    den = den_ref[0] + den_ref[1]
    h4 = acc / (den[:, 0][:, None] + 1e-16)
    h4 = jnp.maximum(h4 + b2_ref[...][None, :], 0.0)
    mu = jnp.mean(h4, axis=0, keepdims=True)
    var = jnp.mean((h4 - mu) ** 2, axis=0, keepdims=True)
    hn = (h4 - mu) / jnp.sqrt(var + 1e-5) * gamma_ref[...][None, :] \
        + beta_ref[...][None, :]
    out_ref[...] = jnp.dot(hn, fcw_ref[...],
                           preferred_element_type=jnp.float32) \
        + fcb_ref[...][None, :]


def kernel(x, edge_index, W1, a_src1, a_dst1, b1, W2, a_src2, a_dst2, b2,
           gamma, beta, fcW, fcb):
    loop = jnp.arange(N, dtype=jnp.int32)
    pad = jnp.arange(EPAD - E_REAL, dtype=jnp.int32) % N
    src = jnp.concatenate([edge_index[0].astype(jnp.int32), loop, pad])
    dst = jnp.concatenate([edge_index[1].astype(jnp.int32), loop, pad])

    h1a, h1b, als1, ald1, m01 = pl.pallas_call(
        _tc1_body,
        grid=(N // RTC,),
        in_specs=[
            pl.BlockSpec((RTC, 128), lambda i: (i, 0)),
            pl.BlockSpec((128, HEADS * HID), lambda i: (0, 0)),
            pl.BlockSpec((HEADS, HID), lambda i: (0, 0)),
            pl.BlockSpec((HEADS, HID), lambda i: (0, 0)),
        ],
        out_specs=[
            pl.BlockSpec((RTC, 128), lambda i: (i, 0)),
            pl.BlockSpec((RTC, 128), lambda i: (i, 0)),
            pl.BlockSpec((RTC, HEADS), lambda i: (i, 0)),
            pl.BlockSpec((RTC, HEADS), lambda i: (i, 0)),
            pl.BlockSpec((RTC, HEADS), lambda i: (i, 0)),
        ],
        out_shape=[
            jax.ShapeDtypeStruct((N, 128), jnp.float32),
            jax.ShapeDtypeStruct((N, 128), jnp.float32),
            jax.ShapeDtypeStruct((N, HEADS), jnp.float32),
            jax.ShapeDtypeStruct((N, HEADS), jnp.float32),
            jax.ShapeDtypeStruct((N, HEADS), jnp.float32),
        ],
    )(x, W1, a_src1, a_dst1)

    zacc = jnp.zeros((NPAD, 128), jnp.float32)
    zden = jnp.zeros((NPAD, 16), jnp.float32)

    pass_a = _sc_edge_pass(2, 0)
    pass_b = _sc_edge_pass(2, 2)
    pass_c = _sc_edge_pass(1, 0)

    acc_a, den_a = pass_a(src, dst, h1a, zacc, zden,
                          als1[:, 0], ald1[:, 0], m01[:, 0],
                          als1[:, 1], ald1[:, 1], m01[:, 1])
    acc_b, den_b = pass_b(src, dst, h1b, zacc, zden,
                          als1[:, 2], ald1[:, 2], m01[:, 2],
                          als1[:, 3], ald1[:, 3], m01[:, 3])
    acc_a_n = acc_a[:, :N, :]
    acc_b_n = acc_b[:, :N, :]
    den_a_n = den_a[:, :N, :]
    den_b_n = den_b[:, :N, :]
    h3, als2, ald2, m02 = pl.pallas_call(
        _tc2_body,
        grid=(N // RTC,),
        in_specs=[
            pl.BlockSpec((NC, RTC, 128), lambda i: (0, i, 0)),
            pl.BlockSpec((NC, RTC, 128), lambda i: (0, i, 0)),
            pl.BlockSpec((NC, RTC, 16), lambda i: (0, i, 0)),
            pl.BlockSpec((NC, RTC, 16), lambda i: (0, i, 0)),
            pl.BlockSpec((HEADS * HID,), lambda i: (0,)),
            pl.BlockSpec((HEADS * HID, OUT), lambda i: (0, 0)),
            pl.BlockSpec((1, OUT), lambda i: (0, 0)),
            pl.BlockSpec((1, OUT), lambda i: (0, 0)),
        ],
        out_specs=[
            pl.BlockSpec((RTC, OUT), lambda i: (i, 0)),
            pl.BlockSpec((RTC, 1), lambda i: (i, 0)),
            pl.BlockSpec((RTC, 1), lambda i: (i, 0)),
            pl.BlockSpec((RTC, 1), lambda i: (i, 0)),
        ],
        out_shape=[
            jax.ShapeDtypeStruct((N, OUT), jnp.float32),
            jax.ShapeDtypeStruct((N, 1), jnp.float32),
            jax.ShapeDtypeStruct((N, 1), jnp.float32),
            jax.ShapeDtypeStruct((N, 1), jnp.float32),
        ],
    )(acc_a_n, acc_b_n, den_a_n, den_b_n, b1, W2, a_src2, a_dst2)

    acc2, den2 = pass_c(src, dst, h3, zacc, zden,
                        als2[:, 0], ald2[:, 0], m02[:, 0])

    out = pl.pallas_call(
        _tc3_body,
        out_shape=jax.ShapeDtypeStruct((N, NCLS), jnp.float32),
    )(acc2[:, :N, :], den2[:, :N, :], b2, gamma, beta, fcW, fcb)
    return out

# --- scband reference (transcript-rebuilt; emitter-appended) ---
"""Pipeline reference for scband-expert-62672162783963 (READ-ONLY COPY).

The authoritative reference and input builder live on the scoring server;
editing this copy changes nothing except your own understanding.
"""

import jax, jax.numpy as jnp
import numpy as np

N = 10000
E = 320000
D = 128
HID = 64
HEADS = 4
OUT = 128
NCLS = 50


def setup_inputs(seed: int = 0) -> dict:
    key = jax.random.key(seed)
    ks = jax.random.split(key, 16)
    x = jax.random.normal(ks[0], (N, D), dtype=jnp.float32)
    edge_index = jax.random.randint(ks[1], (2, E), 0, N, dtype=jnp.int32)
    # GATConv layer 1: in=D, out=HID, heads=HEADS, concat=True
    W1 = jax.random.normal(ks[2], (D, HEADS * HID), dtype=jnp.float32) * (1.0 / np.sqrt(D))
    a_src1 = jax.random.normal(ks[3], (HEADS, HID), dtype=jnp.float32) * (1.0 / np.sqrt(HID))
    a_dst1 = jax.random.normal(ks[4], (HEADS, HID), dtype=jnp.float32) * (1.0 / np.sqrt(HID))
    b1 = jnp.zeros((HEADS * HID,), dtype=jnp.float32)
    # GATConv layer 2: in=HEADS*HID, out=OUT, heads=1, concat=False
    W2 = jax.random.normal(ks[5], (HEADS * HID, OUT), dtype=jnp.float32) * (1.0 / np.sqrt(HEADS * HID))
    a_src2 = jax.random.normal(ks[6], (1, OUT), dtype=jnp.float32) * (1.0 / np.sqrt(OUT))
    a_dst2 = jax.random.normal(ks[7], (1, OUT), dtype=jnp.float32) * (1.0 / np.sqrt(OUT))
    b2 = jnp.zeros((OUT,), dtype=jnp.float32)
    # BatchNorm params
    gamma = jnp.ones((OUT,), dtype=jnp.float32)
    beta = jnp.zeros((OUT,), dtype=jnp.float32)
    # Final linear OUT -> 50
    fcW = jax.random.normal(ks[8], (OUT, NCLS), dtype=jnp.float32) * (1.0 / np.sqrt(OUT))
    fcb = jnp.zeros((NCLS,), dtype=jnp.float32)
    return {"x": x, "edge_index": edge_index, "W1": W1, "a_src1": a_src1, "a_dst1": a_dst1, "b1": b1, "W2": W2, "a_src2": a_src2, "a_dst2": a_dst2, "b2": b2, "gamma": gamma, "beta": beta, "fcW": fcW, "fcb": fcb}


def _gat_conv(x, edge_index, W, a_src, a_dst, b, heads, out_ch, concat):
    n = x.shape[0]
    loop = jnp.arange(n, dtype=edge_index.dtype)
    src = jnp.concatenate([edge_index[0], loop])
    dst = jnp.concatenate([edge_index[1], loop])
    h = (x @ W).reshape(n, heads, out_ch)
    al_s = jnp.sum(h * a_src[None, :, :], axis=-1)  # [n, heads]
    al_d = jnp.sum(h * a_dst[None, :, :], axis=-1)
    alpha = al_s[src] + al_d[dst]  # [e, heads]
    alpha = jax.nn.leaky_relu(alpha, 0.2)
    m = jax.lax.stop_gradient(jax.ops.segment_max(alpha, dst, num_segments=n))
    ex = jnp.exp(alpha - m[dst])
    den = jax.ops.segment_sum(ex, dst, num_segments=n)
    a = ex / (den[dst] + 1e-16)
    out = jax.ops.segment_sum(h[src] * a[:, :, None], dst, num_segments=n)  # [n, heads, out_ch]
    if concat:
        out = out.reshape(n, heads * out_ch)
    else:
        out = out.mean(axis=1)
    return out + b


def reference(x, edge_index, W1, a_src1, a_dst1, b1, W2, a_src2, a_dst2, b2, gamma, beta, fcW, fcb):
    h = jax.nn.relu(_gat_conv(x, edge_index, W1, a_src1, a_dst1, b1, HEADS, HID, True))
    h = jax.nn.relu(_gat_conv(h, edge_index, W2, a_src2, a_dst2, b2, 1, OUT, False))
    mu = jnp.mean(h, axis=0)
    var = jnp.var(h, axis=0)
    h = (h - mu) / jnp.sqrt(var + 1e-5) * gamma + beta
    return h @ fcW + fcb

if __name__ == "__main__":
    import jax
    _d = setup_inputs()
    print(jax.jit(kernel)(*tuple(_d.values())))

</pallas_src>

<mosaic_0001>
#map = affine_map<(d0, d1) -> (0)>
#map1 = affine_map<(d0, d1) -> (0, 0)>
#map2 = affine_map<(d0, d1) -> (0, 0, 0)>
module attributes {stable_mosaic.version = 14 : i64} {
  func.func @k(%arg0: i32, %arg1: i32, %arg2: memref<331776xi32, #tpu.memory_space<hbm>>, %arg3: memref<331776xi32, #tpu.memory_space<hbm>>, %arg4: memref<10000x128xf32, #tpu.memory_space<hbm>>, %arg5: memref<10112x128xf32, #tpu.memory_space<hbm>>, %arg6: memref<10112x16xf32, #tpu.memory_space<hbm>>, %arg7: memref<10000xf32, #tpu.memory_space<hbm>>, %arg8: memref<10000xf32, #tpu.memory_space<hbm>>, %arg9: memref<10000xf32, #tpu.memory_space<hbm>>, %arg10: memref<10000xf32, #tpu.memory_space<hbm>>, %arg11: memref<10000xf32, #tpu.memory_space<hbm>>, %arg12: memref<10000xf32, #tpu.memory_space<hbm>>, %arg13: memref<2x10112x128xf32, #tpu.memory_space<hbm>>, %arg14: memref<2x10112x16xf32, #tpu.memory_space<hbm>>, %arg15: memref<10000xf32, #tpu.memory_space<vmem_shared>>, %arg16: memref<10000xf32, #tpu.memory_space<vmem_shared>>, %arg17: memref<10000xf32, #tpu.memory_space<vmem_shared>>, %arg18: memref<10000xf32, #tpu.memory_space<vmem_shared>>, %arg19: memref<10000xf32, #tpu.memory_space<vmem_shared>>, %arg20: memref<10000xf32, #tpu.memory_space<vmem_shared>>, %arg21: memref<128xi32, #tpu.memory_space<vmem>>, %arg22: memref<128xi32, #tpu.memory_space<vmem>>, %arg23: memref<256xf32, #tpu.memory_space<vmem>>, %arg24: memref<256xf32, #tpu.memory_space<vmem>>, %arg25: memref<256xf32, #tpu.memory_space<vmem>>, %arg26: memref<128x128xf32, #tpu.memory_space<vmem>>, %arg27: memref<256xf32, #tpu.memory_space<vmem>>, %arg28: memref<128x16xf32, #tpu.memory_space<vmem>>, %arg29: memref<10112x128xf32, #tpu.memory_space<vmem_shared>>, %arg30: memref<10112x16xf32, #tpu.memory_space<vmem_shared>>, %arg31: memref<!tpu.dma_semaphore, #tpu.memory_space<semaphore_mem>>) attributes {dimension_semantics = [#tpu.dimension_semantics<core_parallel>, #tpu.dimension_semantics<subcore_parallel>], iteration_bounds = array<i64: 2, 16>, scalar_prefetch = 0 : i64, scratch_operands = 17 : i64, tpu.core_type = #tpu.core_type<sc_vector_subcore>, window_params = [{transform_indices = #map}, {transform_indices = #map}, {transform_indices = #map1}, {transform_indices = #map1}, {transform_indices = #map1}, {transform_indices = #map}, {transform_indices = #map}, {transform_indices = #map}, {transform_indices = #map}, {transform_indices = #map}, {transform_indices = #map}, {transform_indices = #map2}, {transform_indices = #map2}]} {
    %mul3A = arith.constant 2 : i32
    %mul3A_0 = arith.muli %arg1, %mul3A : i32
    %add3A = arith.addi %mul3A_0, %arg0 : i32
    %mul3A_1 = arith.constant 632 : i32
    %mul3A_2 = arith.muli %arg1, %mul3A_1 : i32
    %eq3A = arith.constant 0 : i32
    %eq3A_3 = arith.cmpi eq, %arg1, %eq3A : i32
    %convert_element_type3A = arith.extui %eq3A_3 : i1 to i32
    %cond3A = arith.constant 0 : i32
    %cond3A_4 = arith.cmpi ne, %convert_element_type3A, %cond3A : i32
    scf.if %cond3A_4 {
      "tpu.region"() ({
        %run_scoped3A = tpu.sem_alloc : memref<!tpu.dma_semaphore, #tpu.memory_space<semaphore_mem>>
        tpu.enqueue_dma source(%arg7 : memref<10000xf32, #tpu.memory_space<hbm>>) target(%arg15 : memref<10000xf32, #tpu.memory_space<vmem_shared>>) target_semaphore(%run_scoped3A : memref<!tpu.dma_semaphore, #tpu.memory_space<semaphore_mem>>)
        tpu.wait_dma2 semaphore(%run_scoped3A : memref<!tpu.dma_semaphore, #tpu.memory_space<semaphore_mem>>) src(%arg7 : memref<10000xf32, #tpu.memory_space<hbm>>) dst(%arg15 : memref<10000xf32, #tpu.memory_space<vmem_shared>>)
        tpu.yield
      }) : () -> ()
      "tpu.region"() ({
        %run_scoped3A = tpu.sem_alloc : memref<!tpu.dma_semaphore, #tpu.memory_space<semaphore_mem>>
        tpu.enqueue_dma source(%arg8 : memref<10000xf32, #tpu.memory_space<hbm>>) target(%arg16 : memref<10000xf32, #tpu.memory_space<vmem_shared>>) target_semaphore(%run_scoped3A : memref<!tpu.dma_semaphore, #tpu.memory_space<semaphore_mem>>)
        tpu.wait_dma2 semaphore(%run_scoped3A : memref<!tpu.dma_semaphore, #tpu.memory_space<semaphore_mem>>) src(%arg8 : memref<10000xf32, #tpu.memory_space<hbm>>) dst(%arg16 : memref<10000xf32, #tpu.memory_space<vmem_shared>>)
        tpu.yield
      }) : () -> ()
      "tpu.region"() ({
        %run_scoped3A = tpu.sem_alloc : memref<!tpu.dma_semaphore, #tpu.memory_space<semaphore_mem>>
        tpu.enqueue_dma source(%arg9 : memref<10000xf32, #tpu.memory_space<hbm>>) target(%arg17 : memref<10000xf32, #tpu.memory_space<vmem_shared>>) target_semaphore(%run_scoped3A : memref<!tpu.dma_semaphore, #tpu.memory_space<semaphore_mem>>)
        tpu.wait_dma2 semaphore(%run_scoped3A : memref<!tpu.dma_semaphore, #tpu.memory_space<semaphore_mem>>) src(%arg9 : memref<10000xf32, #tpu.memory_space<hbm>>) dst(%arg17 : memref<10000xf32, #tpu.memory_space<vmem_shared>>)
        tpu.yield
      }) : () -> ()
      "tpu.region"() ({
        %run_scoped3A = tpu.sem_alloc : memref<!tpu.dma_semaphore, #tpu.memory_space<semaphore_mem>>
        tpu.enqueue_dma source(%arg10 : memref<10000xf32, #tpu.memory_space<hbm>>) target(%arg18 : memref<10000xf32, #tpu.memory_space<vmem_shared>>) target_semaphore(%run_scoped3A : memref<!tpu.dma_semaphore, #tpu.memory_space<semaphore_mem>>)
        tpu.wait_dma2 semaphore(%run_scoped3A : memref<!tpu.dma_semaphore, #tpu.memory_space<semaphore_mem>>) src(%arg10 : memref<10000xf32, #tpu.memory_space<hbm>>) dst(%arg18 : memref<10000xf32, #tpu.memory_space<vmem_shared>>)
        tpu.yield
      }) : () -> ()
      "tpu.region"() ({
        %run_scoped3A = tpu.sem_alloc : memref<!tpu.dma_semaphore, #tpu.memory_space<semaphore_mem>>
        tpu.enqueue_dma source(%arg11 : memref<10000xf32, #tpu.memory_space<hbm>>) target(%arg19 : memref<10000xf32, #tpu.memory_space<vmem_shared>>) target_semaphore(%run_scoped3A : memref<!tpu.dma_semaphore, #tpu.memory_space<semaphore_mem>>)
        tpu.wait_dma2 semaphore(%run_scoped3A : memref<!tpu.dma_semaphore, #tpu.memory_space<semaphore_mem>>) src(%arg11 : memref<10000xf32, #tpu.memory_space<hbm>>) dst(%arg19 : memref<10000xf32, #tpu.memory_space<vmem_shared>>)
        tpu.yield
      }) : () -> ()
      "tpu.region"() ({
        %run_scoped3A = tpu.sem_alloc : memref<!tpu.dma_semaphore, #tpu.memory_space<semaphore_mem>>
        tpu.enqueue_dma source(%arg12 : memref<10000xf32, #tpu.memory_space<hbm>>) target(%arg20 : memref<10000xf32, #tpu.memory_space<vmem_shared>>) target_semaphore(%run_scoped3A : memref<!tpu.dma_semaphore, #tpu.memory_space<semaphore_mem>>)
        tpu.wait_dma2 semaphore(%run_scoped3A : memref<!tpu.dma_semaphore, #tpu.memory_space<semaphore_mem>>) src(%arg12 : memref<10000xf32, #tpu.memory_space<hbm>>) dst(%arg20 : memref<10000xf32, #tpu.memory_space<vmem_shared>>)
        tpu.yield
      }) : () -> ()
    } else {
    }
    "tpu.region"() ({
      %run_scoped3A = tpu.sem_alloc : memref<!tpu.dma_semaphore, #tpu.memory_space<semaphore_mem>>
      %dma_start3A = arith.constant 0 : i32
      %dma_start3A_14 = tpu.memref_slice %arg29[%mul3A_2, %dma_start3A] : memref<10112x128xf32, #tpu.memory_space<vmem_shared>> -> memref<632x128xf32, #tpu.memory_space<vmem_shared>>
      %dma_start3A_15 = arith.constant 0 : i32
      %dma_start3A_16 = tpu.memref_slice %arg5[%mul3A_2, %dma_start3A_15] : memref<10112x128xf32, #tpu.memory_space<hbm>> -> memref<632x128xf32, #tpu.memory_space<hbm>>
      tpu.enqueue_dma source(%dma_start3A_16 : memref<632x128xf32, #tpu.memory_space<hbm>>) target(%dma_start3A_14 : memref<632x128xf32, #tpu.memory_space<vmem_shared>>) target_semaphore(%run_scoped3A : memref<!tpu.dma_semaphore, #tpu.memory_space<semaphore_mem>>)
      %dma_wait3A = arith.constant 0 : i32
      %dma_wait3A_17 = tpu.memref_slice %arg29[%mul3A_2, %dma_wait3A] : memref<10112x128xf32, #tpu.memory_space<vmem_shared>> -> memref<632x128xf32, #tpu.memory_space<vmem_shared>>
      %dma_wait3A_18 = arith.constant 0 : i32
      %dma_wait3A_19 = tpu.memref_slice %arg5[%mul3A_2, %dma_wait3A_18] : memref<10112x128xf32, #tpu.memory_space<hbm>> -> memref<632x128xf32, #tpu.memory_space<hbm>>
      tpu.wait_dma2 semaphore(%run_scoped3A : memref<!tpu.dma_semaphore, #tpu.memory_space<semaphore_mem>>) src(%dma_wait3A_19 : memref<632x128xf32, #tpu.memory_space<hbm>>) dst(%dma_wait3A_17 : memref<632x128xf32, #tpu.memory_space<vmem_shared>>)
      tpu.yield
    }) : () -> ()
    "tpu.region"() ({
      %run_scoped3A = tpu.sem_alloc : memref<!tpu.dma_semaphore, #tpu.memory_space<semaphore_mem>>
      %dma_start3A = arith.constant 0 : i32
      %dma_start3A_14 = tpu.memref_slice %arg30[%mul3A_2, %dma_start3A] : memref<10112x16xf32, #tpu.memory_space<vmem_shared>> -> memref<632x16xf32, #tpu.memory_space<vmem_shared>>
      %dma_start3A_15 = arith.constant 0 : i32
      %dma_start3A_16 = tpu.memref_slice %arg6[%mul3A_2, %dma_start3A_15] : memref<10112x16xf32, #tpu.memory_space<hbm>> -> memref<632x16xf32, #tpu.memory_space<hbm>>
      tpu.enqueue_dma source(%dma_start3A_16 : memref<632x16xf32, #tpu.memory_space<hbm>>) target(%dma_start3A_14 : memref<632x16xf32, #tpu.memory_space<vmem_shared>>) target_semaphore(%run_scoped3A : memref<!tpu.dma_semaphore, #tpu.memory_space<semaphore_mem>>)
      %dma_wait3A = arith.constant 0 : i32
      %dma_wait3A_17 = tpu.memref_slice %arg30[%mul3A_2, %dma_wait3A] : memref<10112x16xf32, #tpu.memory_space<vmem_shared>> -> memref<632x16xf32, #tpu.memory_space<vmem_shared>>
      %dma_wait3A_18 = arith.constant 0 : i32
      %dma_wait3A_19 = tpu.memref_slice %arg6[%mul3A_2, %dma_wait3A_18] : memref<10112x16xf32, #tpu.memory_space<hbm>> -> memref<632x16xf32, #tpu.memory_space<hbm>>
      tpu.wait_dma2 semaphore(%run_scoped3A : memref<!tpu.dma_semaphore, #tpu.memory_space<semaphore_mem>>) src(%dma_wait3A_19 : memref<632x16xf32, #tpu.memory_space<hbm>>) dst(%dma_wait3A_17 : memref<632x16xf32, #tpu.memory_space<vmem_shared>>)
      tpu.yield
    }) : () -> ()
    %barrier3A = arith.constant 0 : index
    tpu.barrier barrier_id(%barrier3A)
    %mul3A_5 = arith.constant 10368 : i32
    %mul3A_6 = arith.muli %add3A, %mul3A_5 : i32
    %iota3A = tpu.iota {dimensions = array<i32: 0>} : vector<16xi32>
    %scan3A = arith.constant 0 : i32
    %scan3A_7 = arith.constant 0 : i32
    %scan3A_8 = arith.constant 81 : i32
    %scan3A_9 = arith.addi %scan3A_7, %scan3A_8 : i32
    %scan3A_10 = arith.constant 1 : i32
    %scan3A_11 = scf.for %scan3A_14 = %scan3A_7 to %scan3A_9 step %scan3A_10 iter_args(%scan3A_15 = %scan3A) -> (i32)  : i32 {
      %mul3A_16 = arith.constant 128 : i32
      %mul3A_17 = arith.muli %scan3A_14, %mul3A_16 : i32
      %add3A_18 = arith.addi %mul3A_6, %mul3A_17 : i32
      "tpu.region"() ({
        %run_scoped3A = tpu.sem_alloc : memref<!tpu.dma_semaphore, #tpu.memory_space<semaphore_mem>>
        %dma_start3A_93 = tpu.memref_slice %arg2[%add3A_18] : memref<331776xi32, #tpu.memory_space<hbm>> -> memref<128xi32, #tpu.memory_space<hbm>>
        %dma_start3A_94 = tpu.memref_slice %arg2[%add3A_18] : memref<331776xi32, #tpu.memory_space<hbm>> -> memref<128xi32, #tpu.memory_space<hbm>>
        tpu.enqueue_dma source(%dma_start3A_94 : memref<128xi32, #tpu.memory_space<hbm>>) target(%arg21 : memref<128xi32, #tpu.memory_space<vmem>>) target_semaphore(%run_scoped3A : memref<!tpu.dma_semaphore, #tpu.memory_space<semaphore_mem>>)
        %dma_wait3A_95 = tpu.memref_slice %arg2[%add3A_18] : memref<331776xi32, #tpu.memory_space<hbm>> -> memref<128xi32, #tpu.memory_space<hbm>>
        %dma_wait3A_96 = tpu.memref_slice %arg2[%add3A_18] : memref<331776xi32, #tpu.memory_space<hbm>> -> memref<128xi32, #tpu.memory_space<hbm>>
        tpu.wait_dma2 semaphore(%run_scoped3A : memref<!tpu.dma_semaphore, #tpu.memory_space<semaphore_mem>>) src(%dma_wait3A_96 : memref<128xi32, #tpu.memory_space<hbm>>) dst(%arg21 : memref<128xi32, #tpu.memory_space<vmem>>)
        tpu.yield
      }) : () -> ()
      "tpu.region"() ({
        %run_scoped3A = tpu.sem_alloc : memref<!tpu.dma_semaphore, #tpu.memory_space<semaphore_mem>>
        %dma_start3A_93 = tpu.memref_slice %arg3[%add3A_18] : memref<331776xi32, #tpu.memory_space<hbm>> -> memref<128xi32, #tpu.memory_space<hbm>>
        %dma_start3A_94 = tpu.memref_slice %arg3[%add3A_18] : memref<331776xi32, #tpu.memory_space<hbm>> -> memref<128xi32, #tpu.memory_space<hbm>>
        tpu.enqueue_dma source(%dma_start3A_94 : memref<128xi32, #tpu.memory_space<hbm>>) target(%arg22 : memref<128xi32, #tpu.memory_space<vmem>>) target_semaphore(%run_scoped3A : memref<!tpu.dma_semaphore, #tpu.memory_space<semaphore_mem>>)
        %dma_wait3A_95 = tpu.memref_slice %arg3[%add3A_18] : memref<331776xi32, #tpu.memory_space<hbm>> -> memref<128xi32, #tpu.memory_space<hbm>>
        %dma_wait3A_96 = tpu.memref_slice %arg3[%add3A_18] : memref<331776xi32, #tpu.memory_space<hbm>> -> memref<128xi32, #tpu.memory_space<hbm>>
        tpu.wait_dma2 semaphore(%run_scoped3A : memref<!tpu.dma_semaphore, #tpu.memory_space<semaphore_mem>>) src(%dma_wait3A_96 : memref<128xi32, #tpu.memory_space<hbm>>) dst(%arg22 : memref<128xi32, #tpu.memory_space<vmem>>)
        tpu.yield
      }) : () -> ()
      %dma_start3A = arith.constant 0 : i32
      %dma_start3A_19 = arith.constant 0 : i32
      %dma_start3A_20 = tpu.memref_slice %arg4[%dma_start3A, %dma_start3A_19] : memref<10000x128xf32, #tpu.memory_space<hbm>> -> memref<10000x128xf32, #tpu.memory_space<hbm>>
      tpu.enqueue_indirect_dma source(%dma_start3A_20 : memref<10000x128xf32, #tpu.memory_space<hbm>>) target(%arg26 : memref<128x128xf32, #tpu.memory_space<vmem>>) offsets(%arg21 : memref<128xi32, #tpu.memory_space<vmem>>) semaphore(%arg31 : memref<!tpu.dma_semaphore, #tpu.memory_space<semaphore_mem>>)
      %dma_wait3A = arith.constant 0 : i32
      %dma_wait3A_21 = arith.constant 0 : i32
      %dma_wait3A_22 = tpu.memref_slice %arg4[%dma_wait3A, %dma_wait3A_21] : memref<10000x128xf32, #tpu.memory_space<hbm>> -> memref<10000x128xf32, #tpu.memory_space<hbm>>
      tpu.wait_indirect_dma semaphore(%arg31 : memref<!tpu.dma_semaphore, #tpu.memory_space<semaphore_mem>>) src(%dma_wait3A_22 : memref<10000x128xf32, #tpu.memory_space<hbm>>) dst(%arg26 : memref<128x128xf32, #tpu.memory_space<vmem>>)
      %dma_start3A_23 = arith.constant 0 : i32
      %dma_start3A_24 = tpu.memref_slice %arg23[%dma_start3A_23] : memref<256xf32, #tpu.memory_space<vmem>> -> memref<128xf32, #tpu.memory_space<vmem>>
      %dma_start3A_25 = arith.constant 0 : i32
      %dma_start3A_26 = tpu.memref_slice %arg15[%dma_start3A_25] : memref<10000xf32, #tpu.memory_space<vmem_shared>> -> memref<10000xf32, #tpu.memory_space<vmem_shared>>
      tpu.enqueue_indirect_dma source(%dma_start3A_26 : memref<10000xf32, #tpu.memory_space<vmem_shared>>) target(%dma_start3A_24 : memref<128xf32, #tpu.memory_space<vmem>>) offsets(%arg21 : memref<128xi32, #tpu.memory_space<vmem>>) semaphore(%arg31 : memref<!tpu.dma_semaphore, #tpu.memory_space<semaphore_mem>>)
      %dma_wait3A_27 = arith.constant 0 : i32
      %dma_wait3A_28 = tpu.memref_slice %arg23[%dma_wait3A_27] : memref<256xf32, #tpu.memory_space<vmem>> -> memref<128xf32, #tpu.memory_space<vmem>>
      %dma_wait3A_29 = arith.constant 0 : i32
      %dma_wait3A_30 = tpu.memref_slice %arg15[%dma_wait3A_29] : memref<10000xf32, #tpu.memory_space<vmem_shared>> -> memref<10000xf32, #tpu.memory_space<vmem_shared>>
      tpu.wait_indirect_dma semaphore(%arg31 : memref<!tpu.dma_semaphore, #tpu.memory_space<semaphore_mem>>) src(%dma_wait3A_30 : memref<10000xf32, #tpu.memory_space<vmem_shared>>) dst(%dma_wait3A_28 : memref<128xf32, #tpu.memory_space<vmem>>)
      %dma_start3A_31 = arith.constant 0 : i32
      %dma_start3A_32 = tpu.memref_slice %arg24[%dma_start3A_31] : memref<256xf32, #tpu.memory_space<vmem>> -> memref<128xf32, #tpu.memory_space<vmem>>
      %dma_start3A_33 = arith.constant 0 : i32
      %dma_start3A_34 = tpu.memref_slice %arg16[%dma_start3A_33] : memref<10000xf32, #tpu.memory_space<vmem_shared>> -> memref<10000xf32, #tpu.memory_space<vmem_shared>>
      tpu.enqueue_indirect_dma source(%dma_start3A_34 : memref<10000xf32, #tpu.memory_space<vmem_shared>>) target(%dma_start3A_32 : memref<128xf32, #tpu.memory_space<vmem>>) offsets(%arg22 : memref<128xi32, #tpu.memory_space<vmem>>) semaphore(%arg31 : memref<!tpu.dma_semaphore, #tpu.memory_space<semaphore_mem>>)
      %dma_wait3A_35 = arith.constant 0 : i32
      %dma_wait3A_36 = tpu.memref_slice %arg24[%dma_wait3A_35] : memref<256xf32, #tpu.memory_space<vmem>> -> memref<128xf32, #tpu.memory_space<vmem>>
      %dma_wait3A_37 = arith.constant 0 : i32
      %dma_wait3A_38 = tpu.memref_slice %arg16[%dma_wait3A_37] : memref<10000xf32, #tpu.memory_space<vmem_shared>> -> memref<10000xf32, #tpu.memory_space<vmem_shared>>
      tpu.wait_indirect_dma semaphore(%arg31 : memref<!tpu.dma_semaphore, #tpu.memory_space<semaphore_mem>>) src(%dma_wait3A_38 : memref<10000xf32, #tpu.memory_space<vmem_shared>>) dst(%dma_wait3A_36 : memref<128xf32, #tpu.memory_space<vmem>>)
      %dma_start3A_39 = arith.constant 0 : i32
      %dma_start3A_40 = tpu.memref_slice %arg25[%dma_start3A_39] : memref<256xf32, #tpu.memory_space<vmem>> -> memref<128xf32, #tpu.memory_space<vmem>>
      %dma_start3A_41 = arith.constant 0 : i32
      %dma_start3A_42 = tpu.memref_slice %arg17[%dma_start3A_41] : memref<10000xf32, #tpu.memory_space<vmem_shared>> -> memref<10000xf32, #tpu.memory_space<vmem_shared>>
      tpu.enqueue_indirect_dma source(%dma_start3A_42 : memref<10000xf32, #tpu.memory_space<vmem_shared>>) target(%dma_start3A_40 : memref<128xf32, #tpu.memory_space<vmem>>) offsets(%arg22 : memref<128xi32, #tpu.memory_space<vmem>>) semaphore(%arg31 : memref<!tpu.dma_semaphore, #tpu.memory_space<semaphore_mem>>)
      %dma_wait3A_43 = arith.constant 0 : i32
      %dma_wait3A_44 = tpu.memref_slice %arg25[%dma_wait3A_43] : memref<256xf32, #tpu.memory_space<vmem>> -> memref<128xf32, #tpu.memory_space<vmem>>
      %dma_wait3A_45 = arith.constant 0 : i32
      %dma_wait3A_46 = tpu.memref_slice %arg17[%dma_wait3A_45] : memref<10000xf32, #tpu.memory_space<vmem_shared>> -> memref<10000xf32, #tpu.memory_space<vmem_shared>>
      tpu.wait_indirect_dma semaphore(%arg31 : memref<!tpu.dma_semaphore, #tpu.memory_space<semaphore_mem>>) src(%dma_wait3A_46 : memref<10000xf32, #tpu.memory_space<vmem_shared>>) dst(%dma_wait3A_44 : memref<128xf32, #tpu.memory_space<vmem>>)
      %dma_start3A_47 = arith.constant 128 : i32
      %dma_start3A_48 = tpu.memref_slice %arg23[%dma_start3A_47] : memref<256xf32, #tpu.memory_space<vmem>> -> memref<128xf32, #tpu.memory_space<vmem>>
      %dma_start3A_49 = arith.constant 0 : i32
      %dma_start3A_50 = tpu.memref_slice %arg18[%dma_start3A_49] : memref<10000xf32, #tpu.memory_space<vmem_shared>> -> memref<10000xf32, #tpu.memory_space<vmem_shared>>
      tpu.enqueue_indirect_dma source(%dma_start3A_50 : memref<10000xf32, #tpu.memory_space<vmem_shared>>) target(%dma_start3A_48 : memref<128xf32, #tpu.memory_space<vmem>>) offsets(%arg21 : memref<128xi32, #tpu.memory_space<vmem>>) semaphore(%arg31 : memref<!tpu.dma_semaphore, #tpu.memory_space<semaphore_mem>>)
      %dma_wait3A_51 = arith.constant 128 : i32
      %dma_wait3A_52 = tpu.memref_slice %arg23[%dma_wait3A_51] : memref<256xf32, #tpu.memory_space<vmem>> -> memref<128xf32, #tpu.memory_space<vmem>>
      %dma_wait3A_53 = arith.constant 0 : i32
      %dma_wait3A_54 = tpu.memref_slice %arg18[%dma_wait3A_53] : memref<10000xf32, #tpu.memory_space<vmem_shared>> -> memref<10000xf32, #tpu.memory_space<vmem_shared>>
      tpu.wait_indirect_dma semaphore(%arg31 : memref<!tpu.dma_semaphore, #tpu.memory_space<semaphore_mem>>) src(%dma_wait3A_54 : memref<10000xf32, #tpu.memory_space<vmem_shared>>) dst(%dma_wait3A_52 : memref<128xf32, #tpu.memory_space<vmem>>)
      %dma_start3A_55 = arith.constant 128 : i32
      %dma_start3A_56 = tpu.memref_slice %arg24[%dma_start3A_55] : memref<256xf32, #tpu.memory_space<vmem>> -> memref<128xf32, #tpu.memory_space<vmem>>
      %dma_start3A_57 = arith.constant 0 : i32
      %dma_start3A_58 = tpu.memref_slice %arg19[%dma_start3A_57] : memref<10000xf32, #tpu.memory_space<vmem_shared>> -> memref<10000xf32, #tpu.memory_space<vmem_shared>>
      tpu.enqueue_indirect_dma source(%dma_start3A_58 : memref<10000xf32, #tpu.memory_space<vmem_shared>>) target(%dma_start3A_56 : memref<128xf32, #tpu.memory_space<vmem>>) offsets(%arg22 : memref<128xi32, #tpu.memory_space<vmem>>) semaphore(%arg31 : memref<!tpu.dma_semaphore, #tpu.memory_space<semaphore_mem>>)
      %dma_wait3A_59 = arith.constant 128 : i32
      %dma_wait3A_60 = tpu.memref_slice %arg24[%dma_wait3A_59] : memref<256xf32, #tpu.memory_space<vmem>> -> memref<128xf32, #tpu.memory_space<vmem>>
      %dma_wait3A_61 = arith.constant 0 : i32
      %dma_wait3A_62 = tpu.memref_slice %arg19[%dma_wait3A_61] : memref<10000xf32, #tpu.memory_space<vmem_shared>> -> memref<10000xf32, #tpu.memory_space<vmem_shared>>
      tpu.wait_indirect_dma semaphore(%arg31 : memref<!tpu.dma_semaphore, #tpu.memory_space<semaphore_mem>>) src(%dma_wait3A_62 : memref<10000xf32, #tpu.memory_space<vmem_shared>>) dst(%dma_wait3A_60 : memref<128xf32, #tpu.memory_space<vmem>>)
      %dma_start3A_63 = arith.constant 128 : i32
      %dma_start3A_64 = tpu.memref_slice %arg25[%dma_start3A_63] : memref<256xf32, #tpu.memory_space<vmem>> -> memref<128xf32, #tpu.memory_space<vmem>>
      %dma_start3A_65 = arith.constant 0 : i32
      %dma_start3A_66 = tpu.memref_slice %arg20[%dma_start3A_65] : memref<10000xf32, #tpu.memory_space<vmem_shared>> -> memref<10000xf32, #tpu.memory_space<vmem_shared>>
      tpu.enqueue_indirect_dma source(%dma_start3A_66 : memref<10000xf32, #tpu.memory_space<vmem_shared>>) target(%dma_start3A_64 : memref<128xf32, #tpu.memory_space<vmem>>) offsets(%arg22 : memref<128xi32, #tpu.memory_space<vmem>>) semaphore(%arg31 : memref<!tpu.dma_semaphore, #tpu.memory_space<semaphore_mem>>)
      %dma_wait3A_67 = arith.constant 128 : i32
      %dma_wait3A_68 = tpu.memref_slice %arg25[%dma_wait3A_67] : memref<256xf32, #tpu.memory_space<vmem>> -> memref<128xf32, #tpu.memory_space<vmem>>
      %dma_wait3A_69 = arith.constant 0 : i32
      %dma_wait3A_70 = tpu.memref_slice %arg20[%dma_wait3A_69] : memref<10000xf32, #tpu.memory_space<vmem_shared>> -> memref<10000xf32, #tpu.memory_space<vmem_shared>>
      tpu.wait_indirect_dma semaphore(%arg31 : memref<!tpu.dma_semaphore, #tpu.memory_space<semaphore_mem>>) src(%dma_wait3A_70 : memref<10000xf32, #tpu.memory_space<vmem_shared>>) dst(%dma_wait3A_68 : memref<128xf32, #tpu.memory_space<vmem>>)
      %scan3A_71 = arith.constant 0 : i32
      %scan3A_72 = arith.constant 0 : i32
      %scan3A_73 = arith.constant 16 : i32
      %scan3A_74 = arith.addi %scan3A_72, %scan3A_73 : i32
      %scan3A_75 = arith.constant 1 : i32
      %scan3A_76 = scf.for %scan3A_93 = %scan3A_72 to %scan3A_74 step %scan3A_75 iter_args(%scan3A_94 = %scan3A_71) -> (i32)  : i32 {
        %broadcast_in_dim3A = arith.constant 0.000000e+00 : f32
        %broadcast_in_dim3A_95 = vector.broadcast %broadcast_in_dim3A : f32 to vector<16xf32>
        %mul3A_96 = arith.constant 8 : i32
        %mul3A_97 = arith.muli %scan3A_93, %mul3A_96 : i32
        %add3A_98 = arith.constant 0 : i32
        %add3A_99 = arith.addi %mul3A_97, %add3A_98 : i32
        %swap3A = arith.index_cast %add3A_99 : i32 to index
        %swap3A_100 = arith.constant 0 : index
        %swap3A_101 = tpu.vector_load %arg28[%swap3A, %swap3A_100] {strides = array<i32>} : memref<128x16xf32, #tpu.memory_space<vmem>>, vector<16xf32>,
        tpu.vector_store %arg28[%swap3A, %swap3A_100], %broadcast_in_dim3A_95 {strides = array<i32>} : memref<128x16xf32, #tpu.memory_space<vmem>>, vector<16xf32>,
        %broadcast_in_dim3A_102 = arith.constant 0.000000e+00 : f32
        %broadcast_in_dim3A_103 = vector.broadcast %broadcast_in_dim3A_102 : f32 to vector<16xf32>
        %mul3A_104 = arith.constant 8 : i32
        %mul3A_105 = arith.muli %scan3A_93, %mul3A_104 : i32
        %add3A_106 = arith.constant 1 : i32
        %add3A_107 = arith.addi %mul3A_105, %add3A_106 : i32
        %swap3A_108 = arith.index_cast %add3A_107 : i32 to index
        %swap3A_109 = arith.constant 0 : index
        %swap3A_110 = tpu.vector_load %arg28[%swap3A_108, %swap3A_109] {strides = array<i32>} : memref<128x16xf32, #tpu.memory_space<vmem>>, vector<16xf32>,
        tpu.vector_store %arg28[%swap3A_108, %swap3A_109], %broadcast_in_dim3A_103 {strides = array<i32>} : memref<128x16xf32, #tpu.memory_space<vmem>>, vector<16xf32>,
        %broadcast_in_dim3A_111 = arith.constant 0.000000e+00 : f32
        %broadcast_in_dim3A_112 = vector.broadcast %broadcast_in_dim3A_111 : f32 to vector<16xf32>
        %mul3A_113 = arith.constant 8 : i32
        %mul3A_114 = arith.muli %scan3A_93, %mul3A_113 : i32
        %add3A_115 = arith.constant 2 : i32
        %add3A_116 = arith.addi %mul3A_114, %add3A_115 : i32
        %swap3A_117 = arith.index_cast %add3A_116 : i32 to index
        %swap3A_118 = arith.constant 0 : index
        %swap3A_119 = tpu.vector_load %arg28[%swap3A_117, %swap3A_118] {strides = array<i32>} : memref<128x16xf32, #tpu.memory_space<vmem>>, vector<16xf32>,
        tpu.vector_store %arg28[%swap3A_117, %swap3A_118], %broadcast_in_dim3A_112 {strides = array<i32>} : memref<128x16xf32, #tpu.memory_space<vmem>>, vector<16xf32>,
        %broadcast_in_dim3A_120 = arith.constant 0.000000e+00 : f32
        %broadcast_in_dim3A_121 = vector.broadcast %broadcast_in_dim3A_120 : f32 to vector<16xf32>
        %mul3A_122 = arith.constant 8 : i32
        %mul3A_123 = arith.muli %scan3A_93, %mul3A_122 : i32
        %add3A_124 = arith.constant 3 : i32
        %add3A_125 = arith.addi %mul3A_123, %add3A_124 : i32
        %swap3A_126 = arith.index_cast %add3A_125 : i32 to index
        %swap3A_127 = arith.constant 0 : index
        %swap3A_128 = tpu.vector_load %arg28[%swap3A_126, %swap3A_127] {strides = array<i32>} : memref<128x16xf32, #tpu.memory_space<vmem>>, vector<16xf32>,
        tpu.vector_store %arg28[%swap3A_126, %swap3A_127], %broadcast_in_dim3A_121 {strides = array<i32>} : memref<128x16xf32, #tpu.memory_space<vmem>>, vector<16xf32>,
        %broadcast_in_dim3A_129 = arith.constant 0.000000e+00 : f32
        %broadcast_in_dim3A_130 = vector.broadcast %broadcast_in_dim3A_129 : f32 to vector<16xf32>
        %mul3A_131 = arith.constant 8 : i32
        %mul3A_132 = arith.muli %scan3A_93, %mul3A_131 : i32
        %add3A_133 = arith.constant 4 : i32
        %add3A_134 = arith.addi %mul3A_132, %add3A_133 : i32
        %swap3A_135 = arith.index_cast %add3A_134 : i32 to index
        %swap3A_136 = arith.constant 0 : index
        %swap3A_137 = tpu.vector_load %arg28[%swap3A_135, %swap3A_136] {strides = array<i32>} : memref<128x16xf32, #tpu.memory_space<vmem>>, vector<16xf32>,
        tpu.vector_store %arg28[%swap3A_135, %swap3A_136], %broadcast_in_dim3A_130 {strides = array<i32>} : memref<128x16xf32, #tpu.memory_space<vmem>>, vector<16xf32>,
        %broadcast_in_dim3A_138 = arith.constant 0.000000e+00 : f32
        %broadcast_in_dim3A_139 = vector.broadcast %broadcast_in_dim3A_138 : f32 to vector<16xf32>
        %mul3A_140 = arith.constant 8 : i32
        %mul3A_141 = arith.muli %scan3A_93, %mul3A_140 : i32
        %add3A_142 = arith.constant 5 : i32
        %add3A_143 = arith.addi %mul3A_141, %add3A_142 : i32
        %swap3A_144 = arith.index_cast %add3A_143 : i32 to index
        %swap3A_145 = arith.constant 0 : index
        %swap3A_146 = tpu.vector_load %arg28[%swap3A_144, %swap3A_145] {strides = array<i32>} : memref<128x16xf32, #tpu.memory_space<vmem>>, vector<16xf32>,
        tpu.vector_store %arg28[%swap3A_144, %swap3A_145], %broadcast_in_dim3A_139 {strides = array<i32>} : memref<128x16xf32, #tpu.memory_space<vmem>>, vector<16xf32>,
        %broadcast_in_dim3A_147 = arith.constant 0.000000e+00 : f32
        %broadcast_in_dim3A_148 = vector.broadcast %broadcast_in_dim3A_147 : f32 to vector<16xf32>
        %mul3A_149 = arith.constant 8 : i32
        %mul3A_150 = arith.muli %scan3A_93, %mul3A_149 : i32
        %add3A_151 = arith.constant 6 : i32
        %add3A_152 = arith.addi %mul3A_150, %add3A_151 : i32
        %swap3A_153 = arith.index_cast %add3A_152 : i32 to index
        %swap3A_154 = arith.constant 0 : index
        %swap3A_155 = tpu.vector_load %arg28[%swap3A_153, %swap3A_154] {strides = array<i32>} : memref<128x16xf32, #tpu.memory_space<vmem>>, vector<16xf32>,
        tpu.vector_store %arg28[%swap3A_153, %swap3A_154], %broadcast_in_dim3A_148 {strides = array<i32>} : memref<128x16xf32, #tpu.memory_space<vmem>>, vector<16xf32>,
        %broadcast_in_dim3A_156 = arith.constant 0.000000e+00 : f32
        %broadcast_in_dim3A_157 = vector.broadcast %broadcast_in_dim3A_156 : f32 to vector<16xf32>
        %mul3A_158 = arith.constant 8 : i32
        %mul3A_159 = arith.muli %scan3A_93, %mul3A_158 : i32
        %add3A_160 = arith.constant 7 : i32
        %add3A_161 = arith.addi %mul3A_159, %add3A_160 : i32
        %swap3A_162 = arith.index_cast %add3A_161 : i32 to index
        %swap3A_163 = arith.constant 0 : index
        %swap3A_164 = tpu.vector_load %arg28[%swap3A_162, %swap3A_163] {strides = array<i32>} : memref<128x16xf32, #tpu.memory_space<vmem>>, vector<16xf32>,
        tpu.vector_store %arg28[%swap3A_162, %swap3A_163], %broadcast_in_dim3A_157 {strides = array<i32>} : memref<128x16xf32, #tpu.memory_space<vmem>>, vector<16xf32>,
        %scan3A_165 = arith.constant 0 : i32
        scf.yield %scan3A_165 : i32
      }
      %scan3A_77 = arith.constant 16 : i32
      %scan3A_78 = arith.constant 0 : i32
      %scan3A_79 = arith.constant 0 : i32
      %scan3A_80 = arith.constant 8 : i32
      %scan3A_81 = arith.addi %scan3A_79, %scan3A_80 : i32
      %scan3A_82 = arith.constant 1 : i32
      %scan3A_83 = scf.for %scan3A_93 = %scan3A_79 to %scan3A_81 step %scan3A_82 iter_args(%scan3A_94 = %scan3A_78) -> (i32)  : i32 {
        %mul3A_95 = arith.constant 16 : i32
        %mul3A_96 = arith.muli %scan3A_93, %mul3A_95 : i32
        %add3A_97 = arith.addi %add3A_18, %mul3A_96 : i32
        %add3A_98 = vector.broadcast %add3A_97 : i32 to vector<16xi32>
        %add3A_99 = arith.addi %add3A_98, %iota3A : vector<16xi32>
        %lt3A = arith.constant 330000 : i32
        %lt3A_100 = vector.broadcast %lt3A : i32 to vector<16xi32>
        %lt3A_101 = arith.cmpi slt, %add3A_99, %lt3A_100 : vector<16xi32>
        %mul3A_102 = arith.constant 16 : i32
        %mul3A_103 = arith.muli %scan3A_93, %mul3A_102 : i32
        %add3A_104 = vector.broadcast %mul3A_103 : i32 to vector<16xi32>
        %add3A_105 = arith.addi %add3A_104, %iota3A : vector<16xi32>
        %mul3A_106 = arith.constant 16 : i32
        %mul3A_107 = arith.muli %scan3A_93, %mul3A_106 : i32
        %add3A_108 = arith.constant 0 : i32
        %add3A_109 = arith.addi %add3A_108, %mul3A_107 : i32
        %get3A = arith.index_cast %add3A_109 : i32 to index
        %get3A_110 = tpu.vector_load %arg23[%get3A] {strides = array<i32>} : memref<256xf32, #tpu.memory_space<vmem>>, vector<16xf32>,
        %mul3A_111 = arith.constant 16 : i32
        %mul3A_112 = arith.muli %scan3A_93, %mul3A_111 : i32
        %add3A_113 = arith.constant 0 : i32
        %add3A_114 = arith.addi %add3A_113, %mul3A_112 : i32
        %get3A_115 = arith.index_cast %add3A_114 : i32 to index
        %get3A_116 = tpu.vector_load %arg24[%get3A_115] {strides = array<i32>} : memref<256xf32, #tpu.memory_space<vmem>>, vector<16xf32>,
        %mul3A_117 = arith.constant 16 : i32
        %mul3A_118 = arith.muli %scan3A_93, %mul3A_117 : i32
        %add3A_119 = arith.constant 0 : i32
        %add3A_120 = arith.addi %add3A_119, %mul3A_118 : i32
        %get3A_121 = arith.index_cast %add3A_120 : i32 to index
        %get3A_122 = tpu.vector_load %arg25[%get3A_121] {strides = array<i32>} : memref<256xf32, #tpu.memory_space<vmem>>, vector<16xf32>,
        %add3A_123 = arith.addf %get3A_110, %get3A_116 : vector<16xf32>
        %mul3A_124 = arith.constant 2.000000e-01 : f32
        %mul3A_125 = vector.broadcast %mul3A_124 : f32 to vector<16xf32>
        %mul3A_126 = arith.mulf %mul3A_125, %add3A_123 : vector<16xf32>
        %max3A = arith.maximumf %add3A_123, %mul3A_126 : vector<16xf32>
        %sub3A = arith.subf %max3A, %get3A_122 : vector<16xf32>
        %exp3A = math.exp %sub3A : vector<16xf32>
        %broadcast_in_dim3A = arith.constant 0.000000e+00 : f32
        %broadcast_in_dim3A_127 = vector.broadcast %broadcast_in_dim3A : f32 to vector<16xf32>
        %select_n3A = arith.select %lt3A_101, %exp3A, %broadcast_in_dim3A_127 : vector<16xi1>, vector<16xf32>
        %mul3A_128 = arith.constant 16 : i32
        %mul3A_129 = arith.muli %scan3A_93, %mul3A_128 : i32
        %add3A_130 = arith.constant 0 : i32
        %add3A_131 = arith.addi %add3A_130, %mul3A_129 : i32
        %swap3A = arith.index_cast %add3A_131 : i32 to index
        %swap3A_132 = tpu.vector_load %arg27[%swap3A] {strides = array<i32>} : memref<256xf32, #tpu.memory_space<vmem>>, vector<16xf32>,
        tpu.vector_store %arg27[%swap3A], %select_n3A {strides = array<i32>} : memref<256xf32, #tpu.memory_space<vmem>>, vector<16xf32>,
        %broadcast_in_dim3A_133 = arith.constant 2 : i32
        %broadcast_in_dim3A_134 = vector.broadcast %broadcast_in_dim3A_133 : i32 to vector<16xi32>
        tpu.vector_store_idx %arg28[%add3A_105, %broadcast_in_dim3A_134], %select_n3A : memref<128x16xf32, #tpu.memory_space<vmem>>[vector<16xi32>, vector<16xi32>], vector<16xf32>,
        %mul3A_135 = arith.constant 16 : i32
        %mul3A_136 = arith.muli %scan3A_93, %mul3A_135 : i32
        %add3A_137 = arith.constant 128 : i32
        %add3A_138 = arith.addi %add3A_137, %mul3A_136 : i32
        %get3A_139 = arith.index_cast %add3A_138 : i32 to index
        %get3A_140 = tpu.vector_load %arg23[%get3A_139] {strides = array<i32>} : memref<256xf32, #tpu.memory_space<vmem>>, vector<16xf32>,
        %mul3A_141 = arith.constant 16 : i32
        %mul3A_142 = arith.muli %scan3A_93, %mul3A_141 : i32
        %add3A_143 = arith.constant 128 : i32
        %add3A_144 = arith.addi %add3A_143, %mul3A_142 : i32
        %get3A_145 = arith.index_cast %add3A_144 : i32 to index
        %get3A_146 = tpu.vector_load %arg24[%get3A_145] {strides = array<i32>} : memref<256xf32, #tpu.memory_space<vmem>>, vector<16xf32>,
        %mul3A_147 = arith.constant 16 : i32
        %mul3A_148 = arith.muli %scan3A_93, %mul3A_147 : i32
        %add3A_149 = arith.constant 128 : i32
        %add3A_150 = arith.addi %add3A_149, %mul3A_148 : i32
        %get3A_151 = arith.index_cast %add3A_150 : i32 to index
        %get3A_152 = tpu.vector_load %arg25[%get3A_151] {strides = array<i32>} : memref<256xf32, #tpu.memory_space<vmem>>, vector<16xf32>,
        %add3A_153 = arith.addf %get3A_140, %get3A_146 : vector<16xf32>
        %mul3A_154 = arith.constant 2.000000e-01 : f32
        %mul3A_155 = vector.broadcast %mul3A_154 : f32 to vector<16xf32>
        %mul3A_156 = arith.mulf %mul3A_155, %add3A_153 : vector<16xf32>
        %max3A_157 = arith.maximumf %add3A_153, %mul3A_156 : vector<16xf32>
        %sub3A_158 = arith.subf %max3A_157, %get3A_152 : vector<16xf32>
        %exp3A_159 = math.exp %sub3A_158 : vector<16xf32>
        %broadcast_in_dim3A_160 = arith.constant 0.000000e+00 : f32
        %broadcast_in_dim3A_161 = vector.broadcast %broadcast_in_dim3A_160 : f32 to vector<16xf32>
        %select_n3A_162 = arith.select %lt3A_101, %exp3A_159, %broadcast_in_dim3A_161 : vector<16xi1>, vector<16xf32>
        %mul3A_163 = arith.constant 16 : i32
        %mul3A_164 = arith.muli %scan3A_93, %mul3A_163 : i32
        %add3A_165 = arith.constant 128 : i32
        %add3A_166 = arith.addi %add3A_165, %mul3A_164 : i32
        %swap3A_167 = arith.index_cast %add3A_166 : i32 to index
        %swap3A_168 = tpu.vector_load %arg27[%swap3A_167] {strides = array<i32>} : memref<256xf32, #tpu.memory_space<vmem>>, vector<16xf32>,
        tpu.vector_store %arg27[%swap3A_167], %select_n3A_162 {strides = array<i32>} : memref<256xf32, #tpu.memory_space<vmem>>, vector<16xf32>,
        %broadcast_in_dim3A_169 = arith.constant 3 : i32
        %broadcast_in_dim3A_170 = vector.broadcast %broadcast_in_dim3A_169 : i32 to vector<16xi32>
        tpu.vector_store_idx %arg28[%add3A_105, %broadcast_in_dim3A_170], %select_n3A_162 : memref<128x16xf32, #tpu.memory_space<vmem>>[vector<16xi32>, vector<16xi32>], vector<16xf32>,
        %scan3A_171 = arith.constant 0 : i32
        scf.yield %scan3A_171 : i32
      }
      %scan3A_84 = arith.constant 8 : i32
      %scan3A_85 = arith.constant 0 : i32
      %scan3A_86 = arith.constant 0 : i32
      %scan3A_87 = arith.constant 32 : i32
      %scan3A_88 = arith.addi %scan3A_86, %scan3A_87 : i32
      %scan3A_89 = arith.constant 1 : i32
      %scan3A_90 = scf.for %scan3A_93 = %scan3A_86 to %scan3A_88 step %scan3A_89 iter_args(%scan3A_94 = %scan3A_85) -> (i32)  : i32 {
        %mul3A_95 = arith.constant 4 : i32
        %mul3A_96 = arith.muli %scan3A_93, %mul3A_95 : i32
        %add3A_97 = arith.constant 0 : i32
        %add3A_98 = arith.addi %mul3A_96, %add3A_97 : i32
        %broadcast_in_dim3A = arith.constant 0 : i32
        %broadcast_in_dim3A_99 = vector.broadcast %broadcast_in_dim3A : i32 to vector<16xi32>
        %add3A_100 = vector.broadcast %add3A_98 : i32 to vector<16xi32>
        %add3A_101 = arith.addi %broadcast_in_dim3A_99, %add3A_100 : vector<16xi32>
        %gather3A = tpu.vector_load_idx %arg27[%add3A_101] : memref<256xf32, #tpu.memory_space<vmem>>[vector<16xi32>], vector<16xf32>,
        %get3A = arith.index_cast %add3A_98 : i32 to index
        %get3A_102 = arith.constant 0 : index
        %get3A_103 = tpu.vector_load %arg26[%get3A, %get3A_102] {strides = array<i32>} : memref<128x128xf32, #tpu.memory_space<vmem>>, vector<16xf32>,
        %mul3A_104 = arith.mulf %get3A_103, %gather3A : vector<16xf32>
        %swap3A = arith.index_cast %add3A_98 : i32 to index
        %swap3A_105 = arith.constant 0 : index
        %swap3A_106 = tpu.vector_load %arg26[%swap3A, %swap3A_105] {strides = array<i32>} : memref<128x128xf32, #tpu.memory_space<vmem>>, vector<16xf32>,
        tpu.vector_store %arg26[%swap3A, %swap3A_105], %mul3A_104 {strides = array<i32>} : memref<128x128xf32, #tpu.memory_space<vmem>>, vector<16xf32>,
        %get3A_107 = arith.index_cast %add3A_98 : i32 to index
        %get3A_108 = arith.constant 16 : index
        %get3A_109 = tpu.vector_load %arg26[%get3A_107, %get3A_108] {strides = array<i32>} : memref<128x128xf32, #tpu.memory_space<vmem>>, vector<16xf32>,
        %mul3A_110 = arith.mulf %get3A_109, %gather3A : vector<16xf32>
        %swap3A_111 = arith.index_cast %add3A_98 : i32 to index
        %swap3A_112 = arith.constant 16 : index
        %swap3A_113 = tpu.vector_load %arg26[%swap3A_111, %swap3A_112] {strides = array<i32>} : memref<128x128xf32, #tpu.memory_space<vmem>>, vector<16xf32>,
        tpu.vector_store %arg26[%swap3A_111, %swap3A_112], %mul3A_110 {strides = array<i32>} : memref<128x128xf32, #tpu.memory_space<vmem>>, vector<16xf32>,
        %get3A_114 = arith.index_cast %add3A_98 : i32 to index
        %get3A_115 = arith.constant 32 : index
        %get3A_116 = tpu.vector_load %arg26[%get3A_114, %get3A_115] {strides = array<i32>} : memref<128x128xf32, #tpu.memory_space<vmem>>, vector<16xf32>,
        %mul3A_117 = arith.mulf %get3A_116, %gather3A : vector<16xf32>
        %swap3A_118 = arith.index_cast %add3A_98 : i32 to index
        %swap3A_119 = arith.constant 32 : index
        %swap3A_120 = tpu.vector_load %arg26[%swap3A_118, %swap3A_119] {strides = array<i32>} : memref<128x128xf32, #tpu.memory_space<vmem>>, vector<16xf32>,
        tpu.vector_store %arg26[%swap3A_118, %swap3A_119], %mul3A_117 {strides = array<i32>} : memref<128x128xf32, #tpu.memory_space<vmem>>, vector<16xf32>,
        %get3A_121 = arith.index_cast %add3A_98 : i32 to index
        %get3A_122 = arith.constant 48 : index
        %get3A_123 = tpu.vector_load %arg26[%get3A_121, %get3A_122] {strides = array<i32>} : memref<128x128xf32, #tpu.memory_space<vmem>>, vector<16xf32>,
        %mul3A_124 = arith.mulf %get3A_123, %gather3A : vector<16xf32>
        %swap3A_125 = arith.index_cast %add3A_98 : i32 to index
        %swap3A_126 = arith.constant 48 : index
        %swap3A_127 = tpu.vector_load %arg26[%swap3A_125, %swap3A_126] {strides = array<i32>} : memref<128x128xf32, #tpu.memory_space<vmem>>, vector<16xf32>,
        tpu.vector_store %arg26[%swap3A_125, %swap3A_126], %mul3A_124 {strides = array<i32>} : memref<128x128xf32, #tpu.memory_space<vmem>>, vector<16xf32>,
        %broadcast_in_dim3A_128 = arith.constant 128 : i32
        %broadcast_in_dim3A_129 = vector.broadcast %broadcast_in_dim3A_128 : i32 to vector<16xi32>
        %add3A_130 = vector.broadcast %add3A_98 : i32 to vector<16xi32>
        %add3A_131 = arith.addi %broadcast_in_dim3A_129, %add3A_130 : vector<16xi32>
        %gather3A_132 = tpu.vector_load_idx %arg27[%add3A_131] : memref<256xf32, #tpu.memory_space<vmem>>[vector<16xi32>], vector<16xf32>,
        %get3A_133 = arith.index_cast %add3A_98 : i32 to index
        %get3A_134 = arith.constant 64 : index
        %get3A_135 = tpu.vector_load %arg26[%get3A_133, %get3A_134] {strides = array<i32>} : memref<128x128xf32, #tpu.memory_space<vmem>>, vector<16xf32>,
        %mul3A_136 = arith.mulf %get3A_135, %gather3A_132 : vector<16xf32>
        %swap3A_137 = arith.index_cast %add3A_98 : i32 to index
        %swap3A_138 = arith.constant 64 : index
        %swap3A_139 = tpu.vector_load %arg26[%swap3A_137, %swap3A_138] {strides = array<i32>} : memref<128x128xf32, #tpu.memory_space<vmem>>, vector<16xf32>,
        tpu.vector_store %arg26[%swap3A_137, %swap3A_138], %mul3A_136 {strides = array<i32>} : memref<128x128xf32, #tpu.memory_space<vmem>>, vector<16xf32>,
        %get3A_140 = arith.index_cast %add3A_98 : i32 to index
        %get3A_141 = arith.constant 80 : index
        %get3A_142 = tpu.vector_load %arg26[%get3A_140, %get3A_141] {strides = array<i32>} : memref<128x128xf32, #tpu.memory_space<vmem>>, vector<16xf32>,
        %mul3A_143 = arith.mulf %get3A_142, %gather3A_132 : vector<16xf32>
        %swap3A_144 = arith.index_cast %add3A_98 : i32 to index
        %swap3A_145 = arith.constant 80 : index
        %swap3A_146 = tpu.vector_load %arg26[%swap3A_144, %swap3A_145] {strides = array<i32>} : memref<128x128xf32, #tpu.memory_space<vmem>>, vector<16xf32>,
        tpu.vector_store %arg26[%swap3A_144, %swap3A_145], %mul3A_143 {strides = array<i32>} : memref<128x128xf32, #tpu.memory_space<vmem>>, vector<16xf32>,
        %get3A_147 = arith.index_cast %add3A_98 : i32 to index
        %get3A_148 = arith.constant 96 : index
        %get3A_149 = tpu.vector_load %arg26[%get3A_147, %get3A_148] {strides = array<i32>} : memref<128x128xf32, #tpu.memory_space<vmem>>, vector<16xf32>,
        %mul3A_150 = arith.mulf %get3A_149, %gather3A_132 : vector<16xf32>
        %swap3A_151 = arith.index_cast %add3A_98 : i32 to index
        %swap3A_152 = arith.constant 96 : index
        %swap3A_153 = tpu.vector_load %arg26[%swap3A_151, %swap3A_152] {strides = array<i32>} : memref<128x128xf32, #tpu.memory_space<vmem>>, vector<16xf32>,
        tpu.vector_store %arg26[%swap3A_151, %swap3A_152], %mul3A_150 {strides = array<i32>} : memref<128x128xf32, #tpu.memory_space<vmem>>, vector<16xf32>,
        %get3A_154 = arith.index_cast %add3A_98 : i32 to index
        %get3A_155 = arith.constant 112 : index
        %get3A_156 = tpu.vector_load %arg26[%get3A_154, %get3A_155] {strides = array<i32>} : memref<128x128xf32, #tpu.memory_space<vmem>>, vector<16xf32>,
        %mul3A_157 = arith.mulf %get3A_156, %gather3A_132 : vector<16xf32>
        %swap3A_158 = arith.index_cast %add3A_98 : i32 to index
        %swap3A_159 = arith.constant 112 : index
        %swap3A_160 = tpu.vector_load %arg26[%swap3A_158, %swap3A_159] {strides = array<i32>} : memref<128x128xf32, #tpu.memory_space<vmem>>, vector<16xf32>,
        tpu.vector_store %arg26[%swap3A_158, %swap3A_159], %mul3A_157 {strides = array<i32>} : memref<128x128xf32, #tpu.memory_space<vmem>>, vector<16xf32>,
        %mul3A_161 = arith.constant 4 : i32
        %mul3A_162 = arith.muli %scan3A_93, %mul3A_161 : i32
        %add3A_163 = arith.constant 1 : i32
        %add3A_164 = arith.addi %mul3A_162, %add3A_163 : i32
        %broadcast_in_dim3A_165 = arith.constant 0 : i32
        %broadcast_in_dim3A_166 = vector.broadcast %broadcast_in_dim3A_165 : i32 to vector<16xi32>
        %add3A_167 = vector.broadcast %add3A_164 : i32 to vector<16xi32>
        %add3A_168 = arith.addi %broadcast_in_dim3A_166, %add3A_167 : vector<16xi32>
        %gather3A_169 = tpu.vector_load_idx %arg27[%add3A_168] : memref<256xf32, #tpu.memory_space<vmem>>[vector<16xi32>], vector<16xf32>,
        %get3A_170 = arith.index_cast %add3A_164 : i32 to index
        %get3A_171 = arith.constant 0 : index
        %get3A_172 = tpu.vector_load %arg26[%get3A_170, %get3A_171] {strides = array<i32>} : memref<128x128xf32, #tpu.memory_space<vmem>>, vector<16xf32>,
        %mul3A_173 = arith.mulf %get3A_172, %gather3A_169 : vector<16xf32>
        %swap3A_174 = arith.index_cast %add3A_164 : i32 to index
        %swap3A_175 = arith.constant 0 : index
        %swap3A_176 = tpu.vector_load %arg26[%swap3A_174, %swap3A_175] {strides = array<i32>} : memref<128x128xf32, #tpu.memory_space<vmem>>, vector<16xf32>,
        tpu.vector_store %arg26[%swap3A_174, %swap3A_175], %mul3A_173 {strides = array<i32>} : memref<128x128xf32, #tpu.memory_space<vmem>>, vector<16xf32>,
        %get3A_177 = arith.index_cast %add3A_164 : i32 to index
        %get3A_178 = arith.constant 16 : index
        %get3A_179 = tpu.vector_load %arg26[%get3A_177, %get3A_178] {strides = array<i32>} : memref<128x128xf32, #tpu.memory_space<vmem>>, vector<16xf32>,
        %mul3A_180 = arith.mulf %get3A_179, %gather3A_169 : vector<16xf32>
        %swap3A_181 = arith.index_cast %add3A_164 : i32 to index
        %swap3A_182 = arith.constant 16 : index
        %swap3A_183 = tpu.vector_load %arg26[%swap3A_181, %swap3A_182] {strides = array<i32>} : memref<128x128xf32, #tpu.memory_space<vmem>>, vector<16xf32>,
        tpu.vector_store %arg26[%swap3A_181, %swap3A_182], %mul3A_180 {strides = array<i32>} : memref<128x128xf32, #tpu.memory_space<vmem>>, vector<16xf32>,
        %get3A_184 = arith.index_cast %add3A_164 : i32 to index
        %get3A_185 = arith.constant 32 : index
        %get3A_186 = tpu.vector_load %arg26[%get3A_184, %get3A_185] {strides = array<i32>} : memref<128x128xf32, #tpu.memory_space<vmem>>, vector<16xf32>,
        %mul3A_187 = arith.mulf %get3A_186, %gather3A_169 : vector<16xf32>
        %swap3A_188 = arith.index_cast %add3A_164 : i32 to index
        %swap3A_189 = arith.constant 32 : index
        %swap3A_190 = tpu.vector_load %arg26[%swap3A_188, %swap3A_189] {strides = array<i32>} : memref<128x128xf32, #tpu.memory_space<vmem>>, vector<16xf32>,
        tpu.vector_store %arg26[%swap3A_188, %swap3A_189], %mul3A_187 {strides = array<i32>} : memref<128x128xf32, #tpu.memory_space<vmem>>, vector<16xf32>,
        %get3A_191 = arith.index_cast %add3A_164 : i32 to index
        %get3A_192 = arith.constant 48 : index
        %get3A_193 = tpu.vector_load %arg26[%get3A_191, %get3A_192] {strides = array<i32>} : memref<128x128xf32, #tpu.memory_space<vmem>>, vector<16xf32>,
        %mul3A_194 = arith.mulf %get3A_193, %gather3A_169 : vector<16xf32>
        %swap3A_195 = arith.index_cast %add3A_164 : i32 to index
        %swap3A_196 = arith.constant 48 : index
        %swap3A_197 = tpu.vector_load %arg26[%swap3A_195, %swap3A_196] {strides = array<i32>} : memref<128x128xf32, #tpu.memory_space<vmem>>, vector<16xf32>,
        tpu.vector_store %arg26[%swap3A_195, %swap3A_196], %mul3A_194 {strides = array<i32>} : memref<128x128xf32, #tpu.memory_space<vmem>>, vector<16xf32>,
        %broadcast_in_dim3A_198 = arith.constant 128 : i32
        %broadcast_in_dim3A_199 = vector.broadcast %broadcast_in_dim3A_198 : i32 to vector<16xi32>
        %add3A_200 = vector.broadcast %add3A_164 : i32 to vector<16xi32>
        %add3A_201 = arith.addi %broadcast_in_dim3A_199, %add3A_200 : vector<16xi32>
        %gather3A_202 = tpu.vector_load_idx %arg27[%add3A_201] : memref<256xf32, #tpu.memory_space<vmem>>[vector<16xi32>], vector<16xf32>,
        %get3A_203 = arith.index_cast %add3A_164 : i32 to index
        %get3A_204 = arith.constant 64 : index
        %get3A_205 = tpu.vector_load %arg26[%get3A_203, %get3A_204] {strides = array<i32>} : memref<128x128xf32, #tpu.memory_space<vmem>>, vector<16xf32>,
        %mul3A_206 = arith.mulf %get3A_205, %gather3A_202 : vector<16xf32>
        %swap3A_207 = arith.index_cast %add3A_164 : i32 to index
        %swap3A_208 = arith.constant 64 : index
        %swap3A_209 = tpu.vector_load %arg26[%swap3A_207, %swap3A_208] {strides = array<i32>} : memref<128x128xf32, #tpu.memory_space<vmem>>, vector<16xf32>,
        tpu.vector_store %arg26[%swap3A_207, %swap3A_208], %mul3A_206 {strides = array<i32>} : memref<128x128xf32, #tpu.memory_space<vmem>>, vector<16xf32>,
        %get3A_210 = arith.index_cast %add3A_164 : i32 to index
        %get3A_211 = arith.constant 80 : index
        %get3A_212 = tpu.vector_load %arg26[%get3A_210, %get3A_211] {strides = array<i32>} : memref<128x128xf32, #tpu.memory_space<vmem>>, vector<16xf32>,
        %mul3A_213 = arith.mulf %get3A_212, %gather3A_202 : vector<16xf32>
        %swap3A_214 = arith.index_cast %add3A_164 : i32 to index
        %swap3A_215 = arith.constant 80 : index
        %swap3A_216 = tpu.vector_load %arg26[%swap3A_214, %swap3A_215] {strides = array<i32>} : memref<128x128xf32, #tpu.memory_space<vmem>>, vector<16xf32>,
        tpu.vector_store %arg26[%swap3A_214, %swap3A_215], %mul3A_213 {strides = array<i32>} : memref<128x128xf32, #tpu.memory_space<vmem>>, vector<16xf32>,
        %get3A_217 = arith.index_cast %add3A_164 : i32 to index
        %get3A_218 = arith.constant 96 : index
        %get3A_219 = tpu.vector_load %arg26[%get3A_217, %get3A_218] {strides = array<i32>} : memref<128x128xf32, #tpu.memory_space<vmem>>, vector<16xf32>,
        %mul3A_220 = arith.mulf %get3A_219, %gather3A_202 : vector<16xf32>
        %swap3A_221 = arith.index_cast %add3A_164 : i32 to index
        %swap3A_222 = arith.constant 96 : index
        %swap3A_223 = tpu.vector_load %arg26[%swap3A_221, %swap3A_222] {strides = array<i32>} : memref<128x128xf32, #tpu.memory_space<vmem>>, vector<16xf32>,
        tpu.vector_store %arg26[%swap3A_221, %swap3A_222], %mul3A_220 {strides = array<i32>} : memref<128x128xf32, #tpu.memory_space<vmem>>, vector<16xf32>,
        %get3A_224 = arith.index_cast %add3A_164 : i32 to index
        %get3A_225 = arith.constant 112 : index
        %get3A_226 = tpu.vector_load %arg26[%get3A_224, %get3A_225] {strides = array<i32>} : memref<128x128xf32, #tpu.memory_space<vmem>>, vector<16xf32>,
        %mul3A_227 = arith.mulf %get3A_226, %gather3A_202 : vector<16xf32>
        %swap3A_228 = arith.index_cast %add3A_164 : i32 to index
        %swap3A_229 = arith.constant 112 : index
        %swap3A_230 = tpu.vector_load %arg26[%swap3A_228, %swap3A_229] {strides = array<i32>} : memref<128x128xf32, #tpu.memory_space<vmem>>, vector<16xf32>,
        tpu.vector_store %arg26[%swap3A_228, %swap3A_229], %mul3A_227 {strides = array<i32>} : memref<128x128xf32, #tpu.memory_space<vmem>>, vector<16xf32>,
        %mul3A_231 = arith.constant 4 : i32
        %mul3A_232 = arith.muli %scan3A_93, %mul3A_231 : i32
        %add3A_233 = arith.constant 2 : i32
        %add3A_234 = arith.addi %mul3A_232, %add3A_233 : i32
        %broadcast_in_dim3A_235 = arith.constant 0 : i32
        %broadcast_in_dim3A_236 = vector.broadcast %broadcast_in_dim3A_235 : i32 to vector<16xi32>
        %add3A_237 = vector.broadcast %add3A_234 : i32 to vector<16xi32>
        %add3A_238 = arith.addi %broadcast_in_dim3A_236, %add3A_237 : vector<16xi32>
        %gather3A_239 = tpu.vector_load_idx %arg27[%add3A_238] : memref<256xf32, #tpu.memory_space<vmem>>[vector<16xi32>], vector<16xf32>,
        %get3A_240 = arith.index_cast %add3A_234 : i32 to index
        %get3A_241 = arith.constant 0 : index
        %get3A_242 = tpu.vector_load %arg26[%get3A_240, %get3A_241] {strides = array<i32>} : memref<128x128xf32, #tpu.memory_space<vmem>>, vector<16xf32>,
        %mul3A_243 = arith.mulf %get3A_242, %gather3A_239 : vector<16xf32>
        %swap3A_244 = arith.index_cast %add3A_234 : i32 to index
        %swap3A_245 = arith.constant 0 : index
        %swap3A_246 = tpu.vector_load %arg26[%swap3A_244, %swap3A_245] {strides = array<i32>} : memref<128x128xf32, #tpu.memory_space<vmem>>, vector<16xf32>,
        tpu.vector_store %arg26[%swap3A_244, %swap3A_245], %mul3A_243 {strides = array<i32>} : memref<128x128xf32, #tpu.memory_space<vmem>>, vector<16xf32>,
        %get3A_247 = arith.index_cast %add3A_234 : i32 to index
        %get3A_248 = arith.constant 16 : index
        %get3A_249 = tpu.vector_load %arg26[%get3A_247, %get3A_248] {strides = array<i32>} : memref<128x128xf32, #tpu.memory_space<vmem>>, vector<16xf32>,
        %mul3A_250 = arith.mulf %get3A_249, %gather3A_239 : vector<16xf32>
        %swap3A_251 = arith.index_cast %add3A_234 : i32 to index
        %swap3A_252 = arith.constant 16 : index
        %swap3A_253 = tpu.vector_load %arg26[%swap3A_251, %swap3A_252] {strides = array<i32>} : memref<128x128xf32, #tpu.memory_space<vmem>>, vector<16xf32>,
        tpu.vector_store %arg26[%swap3A_251, %swap3A_252], %mul3A_250 {strides = array<i32>} : memref<128x128xf32, #tpu.memory_space<vmem>>, vector<16xf32>,
        %get3A_254 = arith.index_cast %add3A_234 : i32 to index
        %get3A_255 = arith.constant 32 : index
        %get3A_256 = tpu.vector_load %arg26[%get3A_254, %get3A_255] {strides = array<i32>} : memref<128x128xf32, #tpu.memory_space<vmem>>, vector<16xf32>,
        %mul3A_257 = arith.mulf %get3A_256, %gather3A_239 : vector<16xf32>
        %swap3A_258 = arith.index_cast %add3A_234 : i32 to index
        %swap3A_259 = arith.constant 32 : index
        %swap3A_260 = tpu.vector_load %arg26[%swap3A_258, %swap3A_259] {strides = array<i32>} : memref<128x128xf32, #tpu.memory_space<vmem>>, vector<16xf32>,
        tpu.vector_store %arg26[%swap3A_258, %swap3A_259], %mul3A_257 {strides = array<i32>} : memref<128x128xf32, #tpu.memory_space<vmem>>, vector<16xf32>,
        %get3A_261 = arith.index_cast %add3A_234 : i32 to index
        %get3A_262 = arith.constant 48 : index
        %get3A_263 = tpu.vector_load %arg26[%get3A_261, %get3A_262] {strides = array<i32>} : memref<128x128xf32, #tpu.memory_space<vmem>>, vector<16xf32>,
        %mul3A_264 = arith.mulf %get3A_263, %gather3A_239 : vector<16xf32>
        %swap3A_265 = arith.index_cast %add3A_234 : i32 to index
        %swap3A_266 = arith.constant 48 : index
        %swap3A_267 = tpu.vector_load %arg26[%swap3A_265, %swap3A_266] {strides = array<i32>} : memref<128x128xf32, #tpu.memory_space<vmem>>, vector<16xf32>,
        tpu.vector_store %arg26[%swap3A_265, %swap3A_266], %mul3A_264 {strides = array<i32>} : memref<128x128xf32, #tpu.memory_space<vmem>>, vector<16xf32>,
        %broadcast_in_dim3A_268 = arith.constant 128 : i32
        %broadcast_in_dim3A_269 = vector.broadcast %broadcast_in_dim3A_268 : i32 to vector<16xi32>
        %add3A_270 = vector.broadcast %add3A_234 : i32 to vector<16xi32>
        %add3A_271 = arith.addi %broadcast_in_dim3A_269, %add3A_270 : vector<16xi32>
        %gather3A_272 = tpu.vector_load_idx %arg27[%add3A_271] : memref<256xf32, #tpu.memory_space<vmem>>[vector<16xi32>], vector<16xf32>,
        %get3A_273 = arith.index_cast %add3A_234 : i32 to index
        %get3A_274 = arith.constant 64 : index
        %get3A_275 = tpu.vector_load %arg26[%get3A_273, %get3A_274] {strides = array<i32>} : memref<128x128xf32, #tpu.memory_space<vmem>>, vector<16xf32>,
        %mul3A_276 = arith.mulf %get3A_275, %gather3A_272 : vector<16xf32>
        %swap3A_277 = arith.index_cast %add3A_234 : i32 to index
        %swap3A_278 = arith.constant 64 : index
        %swap3A_279 = tpu.vector_load %arg26[%swap3A_277, %swap3A_278] {strides = array<i32>} : memref<128x128xf32, #tpu.memory_space<vmem>>, vector<16xf32>,
        tpu.vector_store %arg26[%swap3A_277, %swap3A_278], %mul3A_276 {strides = array<i32>} : memref<128x128xf32, #tpu.memory_space<vmem>>, vector<16xf32>,
        %get3A_280 = arith.index_cast %add3A_234 : i32 to index
        %get3A_281 = arith.constant 80 : index
        %get3A_282 = tpu.vector_load %arg26[%get3A_280, %get3A_281] {strides = array<i32>} : memref<128x128xf32, #tpu.memory_space<vmem>>, vector<16xf32>,
        %mul3A_283 = arith.mulf %get3A_282, %gather3A_272 : vector<16xf32>
        %swap3A_284 = arith.index_cast %add3A_234 : i32 to index
        %swap3A_285 = arith.constant 80 : index
        %swap3A_286 = tpu.vector_load %arg26[%swap3A_284, %swap3A_285] {strides = array<i32>} : memref<128x128xf32, #tpu.memory_space<vmem>>, vector<16xf32>,
        tpu.vector_store %arg26[%swap3A_284, %swap3A_285], %mul3A_283 {strides = array<i32>} : memref<128x128xf32, #tpu.memory_space<vmem>>, vector<16xf32>,
        %get3A_287 = arith.index_cast %add3A_234 : i32 to index
        %get3A_288 = arith.constant 96 : index
        %get3A_289 = tpu.vector_load %arg26[%get3A_287, %get3A_288] {strides = array<i32>} : memref<128x128xf32, #tpu.memory_space<vmem>>, vector<16xf32>,
        %mul3A_290 = arith.mulf %get3A_289, %gather3A_272 : vector<16xf32>
        %swap3A_291 = arith.index_cast %add3A_234 : i32 to index
        %swap3A_292 = arith.constant 96 : index
        %swap3A_293 = tpu.vector_load %arg26[%swap3A_291, %swap3A_292] {strides = array<i32>} : memref<128x128xf32, #tpu.memory_space<vmem>>, vector<16xf32>,
        tpu.vector_store %arg26[%swap3A_291, %swap3A_292], %mul3A_290 {strides = array<i32>} : memref<128x128xf32, #tpu.memory_space<vmem>>, vector<16xf32>,
        %get3A_294 = arith.index_cast %add3A_234 : i32 to index
        %get3A_295 = arith.constant 112 : index
        %get3A_296 = tpu.vector_load %arg26[%get3A_294, %get3A_295] {strides = array<i32>} : memref<128x128xf32, #tpu.memory_space<vmem>>, vector<16xf32>,
        %mul3A_297 = arith.mulf %get3A_296, %gather3A_272 : vector<16xf32>
        %swap3A_298 = arith.index_cast %add3A_234 : i32 to index
        %swap3A_299 = arith.constant 112 : index
        %swap3A_300 = tpu.vector_load %arg26[%swap3A_298, %swap3A_299] {strides = array<i32>} : memref<128x128xf32, #tpu.memory_space<vmem>>, vector<16xf32>,
        tpu.vector_store %arg26[%swap3A_298, %swap3A_299], %mul3A_297 {strides = array<i32>} : memref<128x128xf32, #tpu.memory_space<vmem>>, vector<16xf32>,
        %mul3A_301 = arith.constant 4 : i32
        %mul3A_302 = arith.muli %scan3A_93, %mul3A_301 : i32
        %add3A_303 = arith.constant 3 : i32
        %add3A_304 = arith.addi %mul3A_302, %add3A_303 : i32
        %broadcast_in_dim3A_305 = arith.constant 0 : i32
        %broadcast_in_dim3A_306 = vector.broadcast %broadcast_in_dim3A_305 : i32 to vector<16xi32>
        %add3A_307 = vector.broadcast %add3A_304 : i32 to vector<16xi32>
        %add3A_308 = arith.addi %broadcast_in_dim3A_306, %add3A_307 : vector<16xi32>
        %gather3A_309 = tpu.vector_load_idx %arg27[%add3A_308] : memref<256xf32, #tpu.memory_space<vmem>>[vector<16xi32>], vector<16xf32>,
        %get3A_310 = arith.index_cast %add3A_304 : i32 to index
        %get3A_311 = arith.constant 0 : index
        %get3A_312 = tpu.vector_load %arg26[%get3A_310, %get3A_311] {strides = array<i32>} : memref<128x128xf32, #tpu.memory_space<vmem>>, vector<16xf32>,
        %mul3A_313 = arith.mulf %get3A_312, %gather3A_309 : vector<16xf32>
        %swap3A_314 = arith.index_cast %add3A_304 : i32 to index
        %swap3A_315 = arith.constant 0 : index
        %swap3A_316 = tpu.vector_load %arg26[%swap3A_314, %swap3A_315] {strides = array<i32>} : memref<128x128xf32, #tpu.memory_space<vmem>>, vector<16xf32>,
        tpu.vector_store %arg26[%swap3A_314, %swap3A_315], %mul3A_313 {strides = array<i32>} : memref<128x128xf32, #tpu.memory_space<vmem>>, vector<16xf32>,
        %get3A_317 = arith.index_cast %add3A_304 : i32 to index
        %get3A_318 = arith.constant 16 : index
        %get3A_319 = tpu.vector_load %arg26[%get3A_317, %get3A_318] {strides = array<i32>} : memref<128x128xf32, #tpu.memory_space<vmem>>, vector<16xf32>,
        %mul3A_320 = arith.mulf %get3A_319, %gather3A_309 : vector<16xf32>
        %swap3A_321 = arith.index_cast %add3A_304 : i32 to index
        %swap3A_322 = arith.constant 16 : index
        %swap3A_323 = tpu.vector_load %arg26[%swap3A_321, %swap3A_322] {strides = array<i32>} : memref<128x128xf32, #tpu.memory_space<vmem>>, vector<16xf32>,
        tpu.vector_store %arg26[%swap3A_321, %swap3A_322], %mul3A_320 {strides = array<i32>} : memref<128x128xf32, #tpu.memory_space<vmem>>, vector<16xf32>,
        %get3A_324 = arith.index_cast %add3A_304 : i32 to index
        %get3A_325 = arith.constant 32 : index
        %get3A_326 = tpu.vector_load %arg26[%get3A_324, %get3A_325] {strides = array<i32>} : memref<128x128xf32, #tpu.memory_space<vmem>>, vector<16xf32>,
        %mul3A_327 = arith.mulf %get3A_326, %gather3A_309 : vector<16xf32>
        %swap3A_328 = arith.index_cast %add3A_304 : i32 to index
        %swap3A_329 = arith.constant 32 : index
        %swap3A_330 = tpu.vector_load %arg26[%swap3A_328, %swap3A_329] {strides = array<i32>} : memref<128x128xf32, #tpu.memory_space<vmem>>, vector<16xf32>,
        tpu.vector_store %arg26[%swap3A_328, %swap3A_329], %mul3A_327 {strides = array<i32>} : memref<128x128xf32, #tpu.memory_space<vmem>>, vector<16xf32>,
        %get3A_331 = arith.index_cast %add3A_304 : i32 to index
        %get3A_332 = arith.constant 48 : index
        %get3A_333 = tpu.vector_load %arg26[%get3A_331, %get3A_332] {strides = array<i32>} : memref<128x128xf32, #tpu.memory_space<vmem>>, vector<16xf32>,
        %mul3A_334 = arith.mulf %get3A_333, %gather3A_309 : vector<16xf32>
        %swap3A_335 = arith.index_cast %add3A_304 : i32 to index
        %swap3A_336 = arith.constant 48 : index
        %swap3A_337 = tpu.vector_load %arg26[%swap3A_335, %swap3A_336] {strides = array<i32>} : memref<128x128xf32, #tpu.memory_space<vmem>>, vector<16xf32>,
        tpu.vector_store %arg26[%swap3A_335, %swap3A_336], %mul3A_334 {strides = array<i32>} : memref<128x128xf32, #tpu.memory_space<vmem>>, vector<16xf32>,
        %broadcast_in_dim3A_338 = arith.constant 128 : i32
        %broadcast_in_dim3A_339 = vector.broadcast %broadcast_in_dim3A_338 : i32 to vector<16xi32>
        %add3A_340 = vector.broadcast %add3A_304 : i32 to vector<16xi32>
        %add3A_341 = arith.addi %broadcast_in_dim3A_339, %add3A_340 : vector<16xi32>
        %gather3A_342 = tpu.vector_load_idx %arg27[%add3A_341] : memref<256xf32, #tpu.memory_space<vmem>>[vector<16xi32>], vector<16xf32>,
        %get3A_343 = arith.index_cast %add3A_304 : i32 to index
        %get3A_344 = arith.constant 64 : index
        %get3A_345 = tpu.vector_load %arg26[%get3A_343, %get3A_344] {strides = array<i32>} : memref<128x128xf32, #tpu.memory_space<vmem>>, vector<16xf32>,
        %mul3A_346 = arith.mulf %get3A_345, %gather3A_342 : vector<16xf32>
        %swap3A_347 = arith.index_cast %add3A_304 : i32 to index
        %swap3A_348 = arith.constant 64 : index
        %swap3A_349 = tpu.vector_load %arg26[%swap3A_347, %swap3A_348] {strides = array<i32>} : memref<128x128xf32, #tpu.memory_space<vmem>>, vector<16xf32>,
        tpu.vector_store %arg26[%swap3A_347, %swap3A_348], %mul3A_346 {strides = array<i32>} : memref<128x128xf32, #tpu.memory_space<vmem>>, vector<16xf32>,
        %get3A_350 = arith.index_cast %add3A_304 : i32 to index
        %get3A_351 = arith.constant 80 : index
        %get3A_352 = tpu.vector_load %arg26[%get3A_350, %get3A_351] {strides = array<i32>} : memref<128x128xf32, #tpu.memory_space<vmem>>, vector<16xf32>,
        %mul3A_353 = arith.mulf %get3A_352, %gather3A_342 : vector<16xf32>
        %swap3A_354 = arith.index_cast %add3A_304 : i32 to index
        %swap3A_355 = arith.constant 80 : index
        %swap3A_356 = tpu.vector_load %arg26[%swap3A_354, %swap3A_355] {strides = array<i32>} : memref<128x128xf32, #tpu.memory_space<vmem>>, vector<16xf32>,
        tpu.vector_store %arg26[%swap3A_354, %swap3A_355], %mul3A_353 {strides = array<i32>} : memref<128x128xf32, #tpu.memory_space<vmem>>, vector<16xf32>,
        %get3A_357 = arith.index_cast %add3A_304 : i32 to index
        %get3A_358 = arith.constant 96 : index
        %get3A_359 = tpu.vector_load %arg26[%get3A_357, %get3A_358] {strides = array<i32>} : memref<128x128xf32, #tpu.memory_space<vmem>>, vector<16xf32>,
        %mul3A_360 = arith.mulf %get3A_359, %gather3A_342 : vector<16xf32>
        %swap3A_361 = arith.index_cast %add3A_304 : i32 to index
        %swap3A_362 = arith.constant 96 : index
        %swap3A_363 = tpu.vector_load %arg26[%swap3A_361, %swap3A_362] {strides = array<i32>} : memref<128x128xf32, #tpu.memory_space<vmem>>, vector<16xf32>,
        tpu.vector_store %arg26[%swap3A_361, %swap3A_362], %mul3A_360 {strides = array<i32>} : memref<128x128xf32, #tpu.memory_space<vmem>>, vector<16xf32>,
        %get3A_364 = arith.index_cast %add3A_304 : i32 to index
        %get3A_365 = arith.constant 112 : index
        %get3A_366 = tpu.vector_load %arg26[%get3A_364, %get3A_365] {strides = array<i32>} : memref<128x128xf32, #tpu.memory_space<vmem>>, vector<16xf32>,
        %mul3A_367 = arith.mulf %get3A_366, %gather3A_342 : vector<16xf32>
        %swap3A_368 = arith.index_cast %add3A_304 : i32 to index
        %swap3A_369 = arith.constant 112 : index
        %swap3A_370 = tpu.vector_load %arg26[%swap3A_368, %swap3A_369] {strides = array<i32>} : memref<128x128xf32, #tpu.memory_space<vmem>>, vector<16xf32>,
        tpu.vector_store %arg26[%swap3A_368, %swap3A_369], %mul3A_367 {strides = array<i32>} : memref<128x128xf32, #tpu.memory_space<vmem>>, vector<16xf32>,
        %scan3A_371 = arith.constant 0 : i32
        scf.yield %scan3A_371 : i32
      }
      %scan3A_91 = arith.constant 32 : i32
      "tpu.region"() ({
        %run_scoped3A = tpu.sem_alloc : memref<!tpu.dma_semaphore, #tpu.memory_space<semaphore_mem>>
        %dma_start3A_93 = arith.constant 0 : i32
        %dma_start3A_94 = arith.constant 0 : i32
        %dma_start3A_95 = tpu.memref_slice %arg29[%dma_start3A_93, %dma_start3A_94] : memref<10112x128xf32, #tpu.memory_space<vmem_shared>> -> memref<10112x128xf32, #tpu.memory_space<vmem_shared>>
        tpu.enqueue_indirect_dma source(%arg26 : memref<128x128xf32, #tpu.memory_space<vmem>>) target(%dma_start3A_95 : memref<10112x128xf32, #tpu.memory_space<vmem_shared>>) offsets(%arg22 : memref<128xi32, #tpu.memory_space<vmem>>) semaphore(%run_scoped3A : memref<!tpu.dma_semaphore, #tpu.memory_space<semaphore_mem>>) {add = true}
        %dma_wait3A_96 = arith.constant 0 : i32
        %dma_wait3A_97 = arith.constant 0 : i32
        %dma_wait3A_98 = tpu.memref_slice %arg29[%dma_wait3A_96, %dma_wait3A_97] : memref<10112x128xf32, #tpu.memory_space<vmem_shared>> -> memref<10112x128xf32, #tpu.memory_space<vmem_shared>>
        tpu.wait_indirect_dma semaphore(%run_scoped3A : memref<!tpu.dma_semaphore, #tpu.memory_space<semaphore_mem>>) src(%arg26 : memref<128x128xf32, #tpu.memory_space<vmem>>) dst(%dma_wait3A_98 : memref<10112x128xf32, #tpu.memory_space<vmem_shared>>)
        tpu.yield
      }) : () -> ()
      "tpu.region"() ({
        %run_scoped3A = tpu.sem_alloc : memref<!tpu.dma_semaphore, #tpu.memory_space<semaphore_mem>>
        %dma_start3A_93 = arith.constant 0 : i32
        %dma_start3A_94 = arith.constant 0 : i32
        %dma_start3A_95 = tpu.memref_slice %arg30[%dma_start3A_93, %dma_start3A_94] : memref<10112x16xf32, #tpu.memory_space<vmem_shared>> -> memref<10112x16xf32, #tpu.memory_space<vmem_shared>>
        tpu.enqueue_indirect_dma source(%arg28 : memref<128x16xf32, #tpu.memory_space<vmem>>) target(%dma_start3A_95 : memref<10112x16xf32, #tpu.memory_space<vmem_shared>>) offsets(%arg22 : memref<128xi32, #tpu.memory_space<vmem>>) semaphore(%run_scoped3A : memref<!tpu.dma_semaphore, #tpu.memory_space<semaphore_mem>>) {add = true}
        %dma_wait3A_96 = arith.constant 0 : i32
        %dma_wait3A_97 = arith.constant 0 : i32
        %dma_wait3A_98 = tpu.memref_slice %arg30[%dma_wait3A_96, %dma_wait3A_97] : memref<10112x16xf32, #tpu.memory_space<vmem_shared>> -> memref<10112x16xf32, #tpu.memory_space<vmem_shared>>
        tpu.wait_indirect_dma semaphore(%run_scoped3A : memref<!tpu.dma_semaphore, #tpu.memory_space<semaphore_mem>>) src(%arg28 : memref<128x16xf32, #tpu.memory_space<vmem>>) dst(%dma_wait3A_98 : memref<10112x16xf32, #tpu.memory_space<vmem_shared>>)
        tpu.yield
      }) : () -> ()
      %scan3A_92 = arith.constant 0 : i32
      scf.yield %scan3A_92 : i32
    }
    %scan3A_12 = arith.constant 81 : i32
    %barrier3A_13 = arith.constant 0 : index
    tpu.barrier barrier_id(%barrier3A_13)
    "tpu.region"() ({
      %run_scoped3A = tpu.sem_alloc : memref<!tpu.dma_semaphore, #tpu.memory_space<semaphore_mem>>
      %dma_start3A = arith.constant 0 : i32
      %dma_start3A_14 = tpu.memref_slice %arg13[%arg0, %mul3A_2, %dma_start3A] : memref<2x10112x128xf32, #tpu.memory_space<hbm>> -> memref<1x632x128xf32, #tpu.memory_space<hbm>>
      %dma_start3A_15 = tpu.memref_squeeze %dma_start3A_14 : memref<1x632x128xf32, #tpu.memory_space<hbm>> -> memref<632x128xf32, #tpu.memory_space<hbm>>
      %dma_start3A_16 = arith.constant 0 : i32
      %dma_start3A_17 = tpu.memref_slice %arg29[%mul3A_2, %dma_start3A_16] : memref<10112x128xf32, #tpu.memory_space<vmem_shared>> -> memref<632x128xf32, #tpu.memory_space<vmem_shared>>
      tpu.enqueue_dma source(%dma_start3A_17 : memref<632x128xf32, #tpu.memory_space<vmem_shared>>) target(%dma_start3A_15 : memref<632x128xf32, #tpu.memory_space<hbm>>) target_semaphore(%run_scoped3A : memref<!tpu.dma_semaphore, #tpu.memory_space<semaphore_mem>>)
      %dma_wait3A = arith.constant 0 : i32
      %dma_wait3A_18 = tpu.memref_slice %arg13[%arg0, %mul3A_2, %dma_wait3A] : memref<2x10112x128xf32, #tpu.memory_space<hbm>> -> memref<1x632x128xf32, #tpu.memory_space<hbm>>
      %dma_wait3A_19 = tpu.memref_squeeze %dma_wait3A_18 : memref<1x632x128xf32, #tpu.memory_space<hbm>> -> memref<632x128xf32, #tpu.memory_space<hbm>>
      %dma_wait3A_20 = arith.constant 0 : i32
      %dma_wait3A_21 = tpu.memref_slice %arg29[%mul3A_2, %dma_wait3A_20] : memref<10112x128xf32, #tpu.memory_space<vmem_shared>> -> memref<632x128xf32, #tpu.memory_space<vmem_shared>>
      tpu.wait_dma2 semaphore(%run_scoped3A : memref<!tpu.dma_semaphore, #tpu.memory_space<semaphore_mem>>) src(%dma_wait3A_21 : memref<632x128xf32, #tpu.memory_space<vmem_shared>>) dst(%dma_wait3A_19 : memref<632x128xf32, #tpu.memory_space<hbm>>)
      tpu.yield
    }) : () -> ()
    "tpu.region"() ({
      %run_scoped3A = tpu.sem_alloc : memref<!tpu.dma_semaphore, #tpu.memory_space<semaphore_mem>>
      %dma_start3A = arith.constant 0 : i32
      %dma_start3A_14 = tpu.memref_slice %arg14[%arg0, %mul3A_2, %dma_start3A] : memref<2x10112x16xf32, #tpu.memory_space<hbm>> -> memref<1x632x16xf32, #tpu.memory_space<hbm>>
      %dma_start3A_15 = tpu.memref_squeeze %dma_start3A_14 : memref<1x632x16xf32, #tpu.memory_space<hbm>> -> memref<632x16xf32, #tpu.memory_space<hbm>>
      %dma_start3A_16 = arith.constant 0 : i32
      %dma_start3A_17 = tpu.memref_slice %arg30[%mul3A_2, %dma_start3A_16] : memref<10112x16xf32, #tpu.memory_space<vmem_shared>> -> memref<632x16xf32, #tpu.memory_space<vmem_shared>>
      tpu.enqueue_dma source(%dma_start3A_17 : memref<632x16xf32, #tpu.memory_space<vmem_shared>>) target(%dma_start3A_15 : memref<632x16xf32, #tpu.memory_space<hbm>>) target_semaphore(%run_scoped3A : memref<!tpu.dma_semaphore, #tpu.memory_space<semaphore_mem>>)
      %dma_wait3A = arith.constant 0 : i32
      %dma_wait3A_18 = tpu.memref_slice %arg14[%arg0, %mul3A_2, %dma_wait3A] : memref<2x10112x16xf32, #tpu.memory_space<hbm>> -> memref<1x632x16xf32, #tpu.memory_space<hbm>>
      %dma_wait3A_19 = tpu.memref_squeeze %dma_wait3A_18 : memref<1x632x16xf32, #tpu.memory_space<hbm>> -> memref<632x16xf32, #tpu.memory_space<hbm>>
      %dma_wait3A_20 = arith.constant 0 : i32
      %dma_wait3A_21 = tpu.memref_slice %arg30[%mul3A_2, %dma_wait3A_20] : memref<10112x16xf32, #tpu.memory_space<vmem_shared>> -> memref<632x16xf32, #tpu.memory_space<vmem_shared>>
      tpu.wait_dma2 semaphore(%run_scoped3A : memref<!tpu.dma_semaphore, #tpu.memory_space<semaphore_mem>>) src(%dma_wait3A_21 : memref<632x16xf32, #tpu.memory_space<vmem_shared>>) dst(%dma_wait3A_19 : memref<632x16xf32, #tpu.memory_space<hbm>>)
      tpu.yield
    }) : () -> ()
    return
  }
}

#map = affine_map<(d0, d1) -> (0)>
#map1 = affine_map<(d0, d1) -> (0, 0)>
#map2 = affine_map<(d0, d1) -> (0, 0, 0)>
module attributes {stable_mosaic.version = 14 : i64} {
  func.func @k(%arg0: i32, %arg1: i32, %arg2: memref<331776xi32, #tpu.memory_space<hbm>>, %arg3: memref<331776xi32, #tpu.memory_space<hbm>>, %arg4: memref<10000x128xf32, #tpu.memory_space<hbm>>, %arg5: memref<10112x128xf32, #tpu.memory_space<hbm>>, %arg6: memref<10112x16xf32, #tpu.memory_space<hbm>>, %arg7: memref<10000xf32, #tpu.memory_space<hbm>>, %arg8: memref<10000xf32, #tpu.memory_space<hbm>>, %arg9: memref<10000xf32, #tpu.memory_space<hbm>>, %arg10: memref<10000xf32, #tpu.memory_space<hbm>>, %arg11: memref<10000xf32, #tpu.memory_space<hbm>>, %arg12: memref<10000xf32, #tpu.memory_space<hbm>>, %arg13: memref<2x10112x128xf32, #tpu.memory_space<hbm>>, %arg14: memref<2x10112x16xf32, #tpu.memory_space<hbm>>, %arg15: memref<10000xf32, #tpu.memory_space<vmem_shared>>, %arg16: memref<10000xf32, #tpu.memory_space<vmem_shared>>, %arg17: memref<10000xf32, #tpu.memory_space<vmem_shared>>, %arg18: memref<10000xf32, #tpu.memory_space<vmem_shared>>, %arg19: memref<10000xf32, #tpu.memory_space<vmem_shared>>, %arg20: memref<10000xf32, #tpu.memory_space<vmem_shared>>, %arg21: memref<128xi32, #tpu.memory_space<vmem>>, %arg22: memref<128xi32, #tpu.memory_space<vmem>>, %arg23: memref<256xf32, #tpu.memory_space<vmem>>, %arg24: memref<256xf32, #tpu.memory_space<vmem>>, %arg25: memref<256xf32, #tpu.memory_space<vmem>>, %arg26: memref<128x128xf32, #tpu.memory_space<vmem>>, %arg27: memref<256xf32, #tpu.memory_space<vmem>>, %arg28: memref<128x16xf32, #tpu.memory_space<vmem>>, %arg29: memref<10112x128xf32, #tpu.memory_space<vmem_shared>>, %arg30: memref<10112x16xf32, #tpu.memory_space<vmem_shared>>, %arg31: memref<!tpu.dma_semaphore, #tpu.memory_space<semaphore_mem>>) attributes {dimension_semantics = [#tpu.dimension_semantics<core_parallel>, #tpu.dimension_semantics<subcore_parallel>], iteration_bounds = array<i64: 2, 16>, scalar_prefetch = 0 : i64, scratch_operands = 17 : i64, tpu.core_type = #tpu.core_type<sc_vector_subcore>, window_params = [{transform_indices = #map}, {transform_indices = #map}, {transform_indices = #map1}, {transform_indices = #map1}, {transform_indices = #map1}, {transform_indices = #map}, {transform_indices = #map}, {transform_indices = #map}, {transform_indices = #map}, {transform_indices = #map}, {transform_indices = #map}, {transform_indices = #map2}, {transform_indices = #map2}]} {
    %mul3A = arith.constant 2 : i32
    %mul3A_0 = arith.muli %arg1, %mul3A : i32
    %add3A = arith.addi %mul3A_0, %arg0 : i32
    %mul3A_1 = arith.constant 632 : i32
    %mul3A_2 = arith.muli %arg1, %mul3A_1 : i32
    %eq3A = arith.constant 0 : i32
    %eq3A_3 = arith.cmpi eq, %arg1, %eq3A : i32
    %convert_element_type3A = arith.extui %eq3A_3 : i1 to i32
    %cond3A = arith.constant 0 : i32
    %cond3A_4 = arith.cmpi ne, %convert_element_type3A, %cond3A : i32
    scf.if %cond3A_4 {
      "tpu.region"() ({
        %run_scoped3A = tpu.sem_alloc : memref<!tpu.dma_semaphore, #tpu.memory_space<semaphore_mem>>
        tpu.enqueue_dma source(%arg7 : memref<10000xf32, #tpu.memory_space<hbm>>) target(%arg15 : memref<10000xf32, #tpu.memory_space<vmem_shared>>) target_semaphore(%run_scoped3A : memref<!tpu.dma_semaphore, #tpu.memory_space<semaphore_mem>>)
        tpu.wait_dma2 semaphore(%run_scoped3A : memref<!tpu.dma_semaphore, #tpu.memory_space<semaphore_mem>>) src(%arg7 : memref<10000xf32, #tpu.memory_space<hbm>>) dst(%arg15 : memref<10000xf32, #tpu.memory_space<vmem_shared>>)
        tpu.yield
      }) : () -> ()
      "tpu.region"() ({
        %run_scoped3A = tpu.sem_alloc : memref<!tpu.dma_semaphore, #tpu.memory_space<semaphore_mem>>
        tpu.enqueue_dma source(%arg8 : memref<10000xf32, #tpu.memory_space<hbm>>) target(%arg16 : memref<10000xf32, #tpu.memory_space<vmem_shared>>) target_semaphore(%run_scoped3A : memref<!tpu.dma_semaphore, #tpu.memory_space<semaphore_mem>>)
        tpu.wait_dma2 semaphore(%run_scoped3A : memref<!tpu.dma_semaphore, #tpu.memory_space<semaphore_mem>>) src(%arg8 : memref<10000xf32, #tpu.memory_space<hbm>>) dst(%arg16 : memref<10000xf32, #tpu.memory_space<vmem_shared>>)
        tpu.yield
      }) : () -> ()
      "tpu.region"() ({
        %run_scoped3A = tpu.sem_alloc : memref<!tpu.dma_semaphore, #tpu.memory_space<semaphore_mem>>
        tpu.enqueue_dma source(%arg9 : memref<10000xf32, #tpu.memory_space<hbm>>) target(%arg17 : memref<10000xf32, #tpu.memory_space<vmem_shared>>) target_semaphore(%run_scoped3A : memref<!tpu.dma_semaphore, #tpu.memory_space<semaphore_mem>>)
        tpu.wait_dma2 semaphore(%run_scoped3A : memref<!tpu.dma_semaphore, #tpu.memory_space<semaphore_mem>>) src(%arg9 : memref<10000xf32, #tpu.memory_space<hbm>>) dst(%arg17 : memref<10000xf32, #tpu.memory_space<vmem_shared>>)
        tpu.yield
      }) : () -> ()
      "tpu.region"() ({
        %run_scoped3A = tpu.sem_alloc : memref<!tpu.dma_semaphore, #tpu.memory_space<semaphore_mem>>
        tpu.enqueue_dma source(%arg10 : memref<10000xf32, #tpu.memory_space<hbm>>) target(%arg18 : memref<10000xf32, #tpu.memory_space<vmem_shared>>) target_semaphore(%run_scoped3A : memref<!tpu.dma_semaphore, #tpu.memory_space<semaphore_mem>>)
        tpu.wait_dma2 semaphore(%run_scoped3A : memref<!tpu.dma_semaphore, #tpu.memory_space<semaphore_mem>>) src(%arg10 : memref<10000xf32, #tpu.memory_space<hbm>>) dst(%arg18 : memref<10000xf32, #tpu.memory_space<vmem_shared>>)
        tpu.yield
      }) : () -> ()
      "tpu.region"() ({
        %run_scoped3A = tpu.sem_alloc : memref<!tpu.dma_semaphore, #tpu.memory_space<semaphore_mem>>
        tpu.enqueue_dma source(%arg11 : memref<10000xf32, #tpu.memory_space<hbm>>) target(%arg19 : memref<10000xf32, #tpu.memory_space<vmem_shared>>) target_semaphore(%run_scoped3A : memref<!tpu.dma_semaphore, #tpu.memory_space<semaphore_mem>>)
        tpu.wait_dma2 semaphore(%run_scoped3A : memref<!tpu.dma_semaphore, #tpu.memory_space<semaphore_mem>>) src(%arg11 : memref<10000xf32, #tpu.memory_space<hbm>>) dst(%arg19 : memref<10000xf32, #tpu.memory_space<vmem_shared>>)
        tpu.yield
      }) : () -> ()
      "tpu.region"() ({
        %run_scoped3A = tpu.sem_alloc : memref<!tpu.dma_semaphore, #tpu.memory_space<semaphore_mem>>
        tpu.enqueue_dma source(%arg12 : memref<10000xf32, #tpu.memory_space<hbm>>) target(%arg20 : memref<10000xf32, #tpu.memory_space<vmem_shared>>) target_semaphore(%run_scoped3A : memref<!tpu.dma_semaphore, #tpu.memory_space<semaphore_mem>>)
        tpu.wait_dma2 semaphore(%run_scoped3A : memref<!tpu.dma_semaphore, #tpu.memory_space<semaphore_mem>>) src(%arg12 : memref<10000xf32, #tpu.memory_space<hbm>>) dst(%arg20 : memref<10000xf32, #tpu.memory_space<vmem_shared>>)
        tpu.yield
      }) : () -> ()
    } else {
    }
    "tpu.region"() ({
      %run_scoped3A = tpu.sem_alloc : memref<!tpu.dma_semaphore, #tpu.memory_space<semaphore_mem>>
      %dma_start3A = arith.constant 0 : i32
      %dma_start3A_14 = tpu.memref_slice %arg29[%mul3A_2, %dma_start3A] : memref<10112x128xf32, #tpu.memory_space<vmem_shared>> -> memref<632x128xf32, #tpu.memory_space<vmem_shared>>
      %dma_start3A_15 = arith.constant 0 : i32
      %dma_start3A_16 = tpu.memref_slice %arg5[%mul3A_2, %dma_start3A_15] : memref<10112x128xf32, #tpu.memory_space<hbm>> -> memref<632x128xf32, #tpu.memory_space<hbm>>
      tpu.enqueue_dma source(%dma_start3A_16 : memref<632x128xf32, #tpu.memory_space<hbm>>) target(%dma_start3A_14 : memref<632x128xf32, #tpu.memory_space<vmem_shared>>) target_semaphore(%run_scoped3A : memref<!tpu.dma_semaphore, #tpu.memory_space<semaphore_mem>>)
      %dma_wait3A = arith.constant 0 : i32
      %dma_wait3A_17 = tpu.memref_slice %arg29[%mul3A_2, %dma_wait3A] : memref<10112x128xf32, #tpu.memory_space<vmem_shared>> -> memref<632x128xf32, #tpu.memory_space<vmem_shared>>
      %dma_wait3A_18 = arith.constant 0 : i32
      %dma_wait3A_19 = tpu.memref_slice %arg5[%mul3A_2, %dma_wait3A_18] : memref<10112x128xf32, #tpu.memory_space<hbm>> -> memref<632x128xf32, #tpu.memory_space<hbm>>
      tpu.wait_dma2 semaphore(%run_scoped3A : memref<!tpu.dma_semaphore, #tpu.memory_space<semaphore_mem>>) src(%dma_wait3A_19 : memref<632x128xf32, #tpu.memory_space<hbm>>) dst(%dma_wait3A_17 : memref<632x128xf32, #tpu.memory_space<vmem_shared>>)
      tpu.yield
    }) : () -> ()
    "tpu.region"() ({
      %run_scoped3A = tpu.sem_alloc : memref<!tpu.dma_semaphore, #tpu.memory_space<semaphore_mem>>
      %dma_start3A = arith.constant 0 : i32
      %dma_start3A_14 = tpu.memref_slice %arg30[%mul3A_2, %dma_start3A] : memref<10112x16xf32, #tpu.memory_space<vmem_shared>> -> memref<632x16xf32, #tpu.memory_space<vmem_shared>>
      %dma_start3A_15 = arith.constant 0 : i32
      %dma_start3A_16 = tpu.memref_slice %arg6[%mul3A_2, %dma_start3A_15] : memref<10112x16xf32, #tpu.memory_space<hbm>> -> memref<632x16xf32, #tpu.memory_space<hbm>>
      tpu.enqueue_dma source(%dma_start3A_16 : memref<632x16xf32, #tpu.memory_space<hbm>>) target(%dma_start3A_14 : memref<632x16xf32, #tpu.memory_space<vmem_shared>>) target_semaphore(%run_scoped3A : memref<!tpu.dma_semaphore, #tpu.memory_space<semaphore_mem>>)
      %dma_wait3A = arith.constant 0 : i32
      %dma_wait3A_17 = tpu.memref_slice %arg30[%mul3A_2, %dma_wait3A] : memref<10112x16xf32, #tpu.memory_space<vmem_shared>> -> memref<632x16xf32, #tpu.memory_space<vmem_shared>>
      %dma_wait3A_18 = arith.constant 0 : i32
      %dma_wait3A_19 = tpu.memref_slice %arg6[%mul3A_2, %dma_wait3A_18] : memref<10112x16xf32, #tpu.memory_space<hbm>> -> memref<632x16xf32, #tpu.memory_space<hbm>>
      tpu.wait_dma2 semaphore(%run_scoped3A : memref<!tpu.dma_semaphore, #tpu.memory_space<semaphore_mem>>) src(%dma_wait3A_19 : memref<632x16xf32, #tpu.memory_space<hbm>>) dst(%dma_wait3A_17 : memref<632x16xf32, #tpu.memory_space<vmem_shared>>)
      tpu.yield
    }) : () -> ()
    %barrier3A = arith.constant 0 : index
    tpu.barrier barrier_id(%barrier3A)
    %mul3A_5 = arith.constant 10368 : i32
    %mul3A_6 = arith.muli %add3A, %mul3A_5 : i32
    %iota3A = tpu.iota {dimensions = array<i32: 0>} : vector<16xi32>
    %scan3A = arith.constant 0 : i32
    %scan3A_7 = arith.constant 0 : i32
    %scan3A_8 = arith.constant 81 : i32
    %scan3A_9 = arith.addi %scan3A_7, %scan3A_8 : i32
    %scan3A_10 = arith.constant 1 : i32
    %scan3A_11 = scf.for %scan3A_14 = %scan3A_7 to %scan3A_9 step %scan3A_10 iter_args(%scan3A_15 = %scan3A) -> (i32)  : i32 {
      %mul3A_16 = arith.constant 128 : i32
      %mul3A_17 = arith.muli %scan3A_14, %mul3A_16 : i32
      %add3A_18 = arith.addi %mul3A_6, %mul3A_17 : i32
      "tpu.region"() ({
        %run_scoped3A = tpu.sem_alloc : memref<!tpu.dma_semaphore, #tpu.memory_space<semaphore_mem>>
        %dma_start3A_93 = tpu.memref_slice %arg2[%add3A_18] : memref<331776xi32, #tpu.memory_space<hbm>> -> memref<128xi32, #tpu.memory_space<hbm>>
        %dma_start3A_94 = tpu.memref_slice %arg2[%add3A_18] : memref<331776xi32, #tpu.memory_space<hbm>> -> memref<128xi32, #tpu.memory_space<hbm>>
        tpu.enqueue_dma source(%dma_start3A_94 : memref<128xi32, #tpu.memory_space<hbm>>) target(%arg21 : memref<128xi32, #tpu.memory_space<vmem>>) target_semaphore(%run_scoped3A : memref<!tpu.dma_semaphore, #tpu.memory_space<semaphore_mem>>)
        %dma_wait3A_95 = tpu.memref_slice %arg2[%add3A_18] : memref<331776xi32, #tpu.memory_space<hbm>> -> memref<128xi32, #tpu.memory_space<hbm>>
        %dma_wait3A_96 = tpu.memref_slice %arg2[%add3A_18] : memref<331776xi32, #tpu.memory_space<hbm>> -> memref<128xi32, #tpu.memory_space<hbm>>
        tpu.wait_dma2 semaphore(%run_scoped3A : memref<!tpu.dma_semaphore, #tpu.memory_space<semaphore_mem>>) src(%dma_wait3A_96 : memref<128xi32, #tpu.memory_space<hbm>>) dst(%arg21 : memref<128xi32, #tpu.memory_space<vmem>>)
        tpu.yield
      }) : () -> ()
      "tpu.region"() ({
        %run_scoped3A = tpu.sem_alloc : memref<!tpu.dma_semaphore, #tpu.memory_space<semaphore_mem>>
        %dma_start3A_93 = tpu.memref_slice %arg3[%add3A_18] : memref<331776xi32, #tpu.memory_space<hbm>> -> memref<128xi32, #tpu.memory_space<hbm>>
        %dma_start3A_94 = tpu.memref_slice %arg3[%add3A_18] : memref<331776xi32, #tpu.memory_space<hbm>> -> memref<128xi32, #tpu.memory_space<hbm>>
        tpu.enqueue_dma source(%dma_start3A_94 : memref<128xi32, #tpu.memory_space<hbm>>) target(%arg22 : memref<128xi32, #tpu.memory_space<vmem>>) target_semaphore(%run_scoped3A : memref<!tpu.dma_semaphore, #tpu.memory_space<semaphore_mem>>)
        %dma_wait3A_95 = tpu.memref_slice %arg3[%add3A_18] : memref<331776xi32, #tpu.memory_space<hbm>> -> memref<128xi32, #tpu.memory_space<hbm>>
        %dma_wait3A_96 = tpu.memref_slice %arg3[%add3A_18] : memref<331776xi32, #tpu.memory_space<hbm>> -> memref<128xi32, #tpu.memory_space<hbm>>
        tpu.wait_dma2 semaphore(%run_scoped3A : memref<!tpu.dma_semaphore, #tpu.memory_space<semaphore_mem>>) src(%dma_wait3A_96 : memref<128xi32, #tpu.memory_space<hbm>>) dst(%arg22 : memref<128xi32, #tpu.memory_space<vmem>>)
        tpu.yield
      }) : () -> ()
      %dma_start3A = arith.constant 0 : i32
      %dma_start3A_19 = arith.constant 0 : i32
      %dma_start3A_20 = tpu.memref_slice %arg4[%dma_start3A, %dma_start3A_19] : memref<10000x128xf32, #tpu.memory_space<hbm>> -> memref<10000x128xf32, #tpu.memory_space<hbm>>
      tpu.enqueue_indirect_dma source(%dma_start3A_20 : memref<10000x128xf32, #tpu.memory_space<hbm>>) target(%arg26 : memref<128x128xf32, #tpu.memory_space<vmem>>) offsets(%arg21 : memref<128xi32, #tpu.memory_space<vmem>>) semaphore(%arg31 : memref<!tpu.dma_semaphore, #tpu.memory_space<semaphore_mem>>)
      %dma_wait3A = arith.constant 0 : i32
      %dma_wait3A_21 = arith.constant 0 : i32
      %dma_wait3A_22 = tpu.memref_slice %arg4[%dma_wait3A, %dma_wait3A_21] : memref<10000x128xf32, #tpu.memory_space<hbm>> -> memref<10000x128xf32, #tpu.memory_space<hbm>>
      tpu.wait_indirect_dma semaphore(%arg31 : memref<!tpu.dma_semaphore, #tpu.memory_space<semaphore_mem>>) src(%dma_wait3A_22 : memref<10000x128xf32, #tpu.memory_space<hbm>>) dst(%arg26 : memref<128x128xf32, #tpu.memory_space<vmem>>)
      %dma_start3A_23 = arith.constant 0 : i32
      %dma_start3A_24 = tpu.memref_slice %arg23[%dma_start3A_23] : memref<256xf32, #tpu.memory_space<vmem>> -> memref<128xf32, #tpu.memory_space<vmem>>
      %dma_start3A_25 = arith.constant 0 : i32
      %dma_start3A_26 = tpu.memref_slice %arg15[%dma_start3A_25] : memref<10000xf32, #tpu.memory_space<vmem_shared>> -> memref<10000xf32, #tpu.memory_space<vmem_shared>>
      tpu.enqueue_indirect_dma source(%dma_start3A_26 : memref<10000xf32, #tpu.memory_space<vmem_shared>>) target(%dma_start3A_24 : memref<128xf32, #tpu.memory_space<vmem>>) offsets(%arg21 : memref<128xi32, #tpu.memory_space<vmem>>) semaphore(%arg31 : memref<!tpu.dma_semaphore, #tpu.memory_space<semaphore_mem>>)
      %dma_wait3A_27 = arith.constant 0 : i32
      %dma_wait3A_28 = tpu.memref_slice %arg23[%dma_wait3A_27] : memref<256xf32, #tpu.memory_space<vmem>> -> memref<128xf32, #tpu.memory_space<vmem>>
      %dma_wait3A_29 = arith.constant 0 : i32
      %dma_wait3A_30 = tpu.memref_slice %arg15[%dma_wait3A_29] : memref<10000xf32, #tpu.memory_space<vmem_shared>> -> memref<10000xf32, #tpu.memory_space<vmem_shared>>
      tpu.wait_indirect_dma semaphore(%arg31 : memref<!tpu.dma_semaphore, #tpu.memory_space<semaphore_mem>>) src(%dma_wait3A_30 : memref<10000xf32, #tpu.memory_space<vmem_shared>>) dst(%dma_wait3A_28 : memref<128xf32, #tpu.memory_space<vmem>>)
      %dma_start3A_31 = arith.constant 0 : i32
      %dma_start3A_32 = tpu.memref_slice %arg24[%dma_start3A_31] : memref<256xf32, #tpu.memory_space<vmem>> -> memref<128xf32, #tpu.memory_space<vmem>>
      %dma_start3A_33 = arith.constant 0 : i32
      %dma_start3A_34 = tpu.memref_slice %arg16[%dma_start3A_33] : memref<10000xf32, #tpu.memory_space<vmem_shared>> -> memref<10000xf32, #tpu.memory_space<vmem_shared>>
      tpu.enqueue_indirect_dma source(%dma_start3A_34 : memref<10000xf32, #tpu.memory_space<vmem_shared>>) target(%dma_start3A_32 : memref<128xf32, #tpu.memory_space<vmem>>) offsets(%arg22 : memref<128xi32, #tpu.memory_space<vmem>>) semaphore(%arg31 : memref<!tpu.dma_semaphore, #tpu.memory_space<semaphore_mem>>)
      %dma_wait3A_35 = arith.constant 0 : i32
      %dma_wait3A_36 = tpu.memref_slice %arg24[%dma_wait3A_35] : memref<256xf32, #tpu.memory_space<vmem>> -> memref<128xf32, #tpu.memory_space<vmem>>
      %dma_wait3A_37 = arith.constant 0 : i32
      %dma_wait3A_38 = tpu.memref_slice %arg16[%dma_wait3A_37] : memref<10000xf32, #tpu.memory_space<vmem_shared>> -> memref<10000xf32, #tpu.memory_space<vmem_shared>>
      tpu.wait_indirect_dma semaphore(%arg31 : memref<!tpu.dma_semaphore, #tpu.memory_space<semaphore_mem>>) src(%dma_wait3A_38 : memref<10000xf32, #tpu.memory_space<vmem_shared>>) dst(%dma_wait3A_36 : memref<128xf32, #tpu.memory_space<vmem>>)
      %dma_start3A_39 = arith.constant 0 : i32
      %dma_start3A_40 = tpu.memref_slice %arg25[%dma_start3A_39] : memref<256xf32, #tpu.memory_space<vmem>> -> memref<128xf32, #tpu.memory_space<vmem>>
      %dma_start3A_41 = arith.constant 0 : i32
      %dma_start3A_42 = tpu.memref_slice %arg17[%dma_start3A_41] : memref<10000xf32, #tpu.memory_space<vmem_shared>> -> memref<10000xf32, #tpu.memory_space<vmem_shared>>
      tpu.enqueue_indirect_dma source(%dma_start3A_42 : memref<10000xf32, #tpu.memory_space<vmem_shared>>) target(%dma_start3A_40 : memref<128xf32, #tpu.memory_space<vmem>>) offsets(%arg22 : memref<128xi32, #tpu.memory_space<vmem>>) semaphore(%arg31 : memref<!tpu.dma_semaphore, #tpu.memory_space<semaphore_mem>>)
      %dma_wait3A_43 = arith.constant 0 : i32
      %dma_wait3A_44 = tpu.memref_slice %arg25[%dma_wait3A_43] : memref<256xf32, #tpu.memory_space<vmem>> -> memref<128xf32, #tpu.memory_space<vmem>>
      %dma_wait3A_45 = arith.constant 0 : i32
      %dma_wait3A_46 = tpu.memref_slice %arg17[%dma_wait3A_45] : memref<10000xf32, #tpu.memory_space<vmem_shared>> -> memref<10000xf32, #tpu.memory_space<vmem_shared>>
      tpu.wait_indirect_dma semaphore(%arg31 : memref<!tpu.dma_semaphore, #tpu.memory_space<semaphore_mem>>) src(%dma_wait3A_46 : memref<10000xf32, #tpu.memory_space<vmem_shared>>) dst(%dma_wait3A_44 : memref<128xf32, #tpu.memory_space<vmem>>)
      %dma_start3A_47 = arith.constant 128 : i32
      %dma_start3A_48 = tpu.memref_slice %arg23[%dma_start3A_47] : memref<256xf32, #tpu.memory_space<vmem>> -> memref<128xf32, #tpu.memory_space<vmem>>
      %dma_start3A_49 = arith.constant 0 : i32
      %dma_start3A_50 = tpu.memref_slice %arg18[%dma_start3A_49] : memref<10000xf32, #tpu.memory_space<vmem_shared>> -> memref<10000xf32, #tpu.memory_space<vmem_shared>>
      tpu.enqueue_indirect_dma source(%dma_start3A_50 : memref<10000xf32, #tpu.memory_space<vmem_shared>>) target(%dma_start3A_48 : memref<128xf32, #tpu.memory_space<vmem>>) offsets(%arg21 : memref<128xi32, #tpu.memory_space<vmem>>) semaphore(%arg31 : memref<!tpu.dma_semaphore, #tpu.memory_space<semaphore_mem>>)
      %dma_wait3A_51 = arith.constant 128 : i32
      %dma_wait3A_52 = tpu.memref_slice %arg23[%dma_wait3A_51] : memref<256xf32, #tpu.memory_space<vmem>> -> memref<128xf32, #tpu.memory_space<vmem>>
      %dma_wait3A_53 = arith.constant 0 : i32
      %dma_wait3A_54 = tpu.memref_slice %arg18[%dma_wait3A_53] : memref<10000xf32, #tpu.memory_space<vmem_shared>> -> memref<10000xf32, #tpu.memory_space<vmem_shared>>
      tpu.wait_indirect_dma semaphore(%arg31 : memref<!tpu.dma_semaphore, #tpu.memory_space<semaphore_mem>>) src(%dma_wait3A_54 : memref<10000xf32, #tpu.memory_space<vmem_shared>>) dst(%dma_wait3A_52 : memref<128xf32, #tpu.memory_space<vmem>>)
      %dma_start3A_55 = arith.constant 128 : i32
      %dma_start3A_56 = tpu.memref_slice %arg24[%dma_start3A_55] : memref<256xf32, #tpu.memory_space<vmem>> -> memref<128xf32, #tpu.memory_space<vmem>>
      %dma_start3A_57 = arith.constant 0 : i32
      %dma_start3A_58 = tpu.memref_slice %arg19[%dma_start3A_57] : memref<10000xf32, #tpu.memory_space<vmem_shared>> -> memref<10000xf32, #tpu.memory_space<vmem_shared>>
      tpu.enqueue_indirect_dma source(%dma_start3A_58 : memref<10000xf32, #tpu.memory_space<vmem_shared>>) target(%dma_start3A_56 : memref<128xf32, #tpu.memory_space<vmem>>) offsets(%arg22 : memref<128xi32, #tpu.memory_space<vmem>>) semaphore(%arg31 : memref<!tpu.dma_semaphore, #tpu.memory_space<semaphore_mem>>)
      %dma_wait3A_59 = arith.constant 128 : i32
      %dma_wait3A_60 = tpu.memref_slice %arg24[%dma_wait3A_59] : memref<256xf32, #tpu.memory_space<vmem>> -> memref<128xf32, #tpu.memory_space<vmem>>
      %dma_wait3A_61 = arith.constant 0 : i32
      %dma_wait3A_62 = tpu.memref_slice %arg19[%dma_wait3A_61] : memref<10000xf32, #tpu.memory_space<vmem_shared>> -> memref<10000xf32, #tpu.memory_space<vmem_shared>>
      tpu.wait_indirect_dma semaphore(%arg31 : memref<!tpu.dma_semaphore, #tpu.memory_space<semaphore_mem>>) src(%dma_wait3A_62 : memref<10000xf32, #tpu.memory_space<vmem_shared>>) dst(%dma_wait3A_60 : memref<128xf32, #tpu.memory_space<vmem>>)
      %dma_start3A_63 = arith.constant 128 : i32
      %dma_start3A_64 = tpu.memref_slice %arg25[%dma_start3A_63] : memref<256xf32, #tpu.memory_space<vmem>> -> memref<128xf32, #tpu.memory_space<vmem>>
      %dma_start3A_65 = arith.constant 0 : i32
      %dma_start3A_66 = tpu.memref_slice %arg20[%dma_start3A_65] : memref<10000xf32, #tpu.memory_space<vmem_shared>> -> memref<10000xf32, #tpu.memory_space<vmem_shared>>
      tpu.enqueue_indirect_dma source(%dma_start3A_66 : memref<10000xf32, #tpu.memory_space<vmem_shared>>) target(%dma_start3A_64 : memref<128xf32, #tpu.memory_space<vmem>>) offsets(%arg22 : memref<128xi32, #tpu.memory_space<vmem>>) semaphore(%arg31 : memref<!tpu.dma_semaphore, #tpu.memory_space<semaphore_mem>>)
      %dma_wait3A_67 = arith.constant 128 : i32
      %dma_wait3A_68 = tpu.memref_slice %arg25[%dma_wait3A_67] : memref<256xf32, #tpu.memory_space<vmem>> -> memref<128xf32, #tpu.memory_space<vmem>>
      %dma_wait3A_69 = arith.constant 0 : i32
      %dma_wait3A_70 = tpu.memref_slice %arg20[%dma_wait3A_69] : memref<10000xf32, #tpu.memory_space<vmem_shared>> -> memref<10000xf32, #tpu.memory_space<vmem_shared>>
      tpu.wait_indirect_dma semaphore(%arg31 : memref<!tpu.dma_semaphore, #tpu.memory_space<semaphore_mem>>) src(%dma_wait3A_70 : memref<10000xf32, #tpu.memory_space<vmem_shared>>) dst(%dma_wait3A_68 : memref<128xf32, #tpu.memory_space<vmem>>)
      %scan3A_71 = arith.constant 0 : i32
      %scan3A_72 = arith.constant 0 : i32
      %scan3A_73 = arith.constant 16 : i32
      %scan3A_74 = arith.addi %scan3A_72, %scan3A_73 : i32
      %scan3A_75 = arith.constant 1 : i32
      %scan3A_76 = scf.for %scan3A_93 = %scan3A_72 to %scan3A_74 step %scan3A_75 iter_args(%scan3A_94 = %scan3A_71) -> (i32)  : i32 {
        %broadcast_in_dim3A = arith.constant 0.000000e+00 : f32
        %broadcast_in_dim3A_95 = vector.broadcast %broadcast_in_dim3A : f32 to vector<16xf32>
        %mul3A_96 = arith.constant 8 : i32
        %mul3A_97 = arith.muli %scan3A_93, %mul3A_96 : i32
        %add3A_98 = arith.constant 0 : i32
        %add3A_99 = arith.addi %mul3A_97, %add3A_98 : i32
        %swap3A = arith.index_cast %add3A_99 : i32 to index
        %swap3A_100 = arith.constant 0 : index
        %swap3A_101 = tpu.vector_load %arg28[%swap3A, %swap3A_100] {strides = array<i32>} : memref<128x16xf32, #tpu.memory_space<vmem>>, vector<16xf32>,
        tpu.vector_store %arg28[%swap3A, %swap3A_100], %broadcast_in_dim3A_95 {strides = array<i32>} : memref<128x16xf32, #tpu.memory_space<vmem>>, vector<16xf32>,
        %broadcast_in_dim3A_102 = arith.constant 0.000000e+00 : f32
        %broadcast_in_dim3A_103 = vector.broadcast %broadcast_in_dim3A_102 : f32 to vector<16xf32>
        %mul3A_104 = arith.constant 8 : i32
        %mul3A_105 = arith.muli %scan3A_93, %mul3A_104 : i32
        %add3A_106 = arith.constant 1 : i32
        %add3A_107 = arith.addi %mul3A_105, %add3A_106 : i32
        %swap3A_108 = arith.index_cast %add3A_107 : i32 to index
        %swap3A_109 = arith.constant 0 : index
        %swap3A_110 = tpu.vector_load %arg28[%swap3A_108, %swap3A_109] {strides = array<i32>} : memref<128x16xf32, #tpu.memory_space<vmem>>, vector<16xf32>,
        tpu.vector_store %arg28[%swap3A_108, %swap3A_109], %broadcast_in_dim3A_103 {strides = array<i32>} : memref<128x16xf32, #tpu.memory_space<vmem>>, vector<16xf32>,
        %broadcast_in_dim3A_111 = arith.constant 0.000000e+00 : f32
        %broadcast_in_dim3A_112 = vector.broadcast %broadcast_in_dim3A_111 : f32 to vector<16xf32>
        %mul3A_113 = arith.constant 8 : i32
        %mul3A_114 = arith.muli %scan3A_93, %mul3A_113 : i32
        %add3A_115 = arith.constant 2 : i32
        %add3A_116 = arith.addi %mul3A_114, %add3A_115 : i32
        %swap3A_117 = arith.index_cast %add3A_116 : i32 to index
        %swap3A_118 = arith.constant 0 : index
        %swap3A_119 = tpu.vector_load %arg28[%swap3A_117, %swap3A_118] {strides = array<i32>} : memref<128x16xf32, #tpu.memory_space<vmem>>, vector<16xf32>,
        tpu.vector_store %arg28[%swap3A_117, %swap3A_118], %broadcast_in_dim3A_112 {strides = array<i32>} : memref<128x16xf32, #tpu.memory_space<vmem>>, vector<16xf32>,
        %broadcast_in_dim3A_120 = arith.constant 0.000000e+00 : f32
        %broadcast_in_dim3A_121 = vector.broadcast %broadcast_in_dim3A_120 : f32 to vector<16xf32>
        %mul3A_122 = arith.constant 8 : i32
        %mul3A_123 = arith.muli %scan3A_93, %mul3A_122 : i32
        %add3A_124 = arith.constant 3 : i32
        %add3A_125 = arith.addi %mul3A_123, %add3A_124 : i32
        %swap3A_126 = arith.index_cast %add3A_125 : i32 to index
        %swap3A_127 = arith.constant 0 : index
        %swap3A_128 = tpu.vector_load %arg28[%swap3A_126, %swap3A_127] {strides = array<i32>} : memref<128x16xf32, #tpu.memory_space<vmem>>, vector<16xf32>,
        tpu.vector_store %arg28[%swap3A_126, %swap3A_127], %broadcast_in_dim3A_121 {strides = array<i32>} : memref<128x16xf32, #tpu.memory_space<vmem>>, vector<16xf32>,
        %broadcast_in_dim3A_129 = arith.constant 0.000000e+00 : f32
        %broadcast_in_dim3A_130 = vector.broadcast %broadcast_in_dim3A_129 : f32 to vector<16xf32>
        %mul3A_131 = arith.constant 8 : i32
        %mul3A_132 = arith.muli %scan3A_93, %mul3A_131 : i32
        %add3A_133 = arith.constant 4 : i32
        %add3A_134 = arith.addi %mul3A_132, %add3A_133 : i32
        %swap3A_135 = arith.index_cast %add3A_134 : i32 to index
        %swap3A_136 = arith.constant 0 : index
        %swap3A_137 = tpu.vector_load %arg28[%swap3A_135, %swap3A_136] {strides = array<i32>} : memref<128x16xf32, #tpu.memory_space<vmem>>, vector<16xf32>,
        tpu.vector_store %arg28[%swap3A_135, %swap3A_136], %broadcast_in_dim3A_130 {strides = array<i32>} : memref<128x16xf32, #tpu.memory_space<vmem>>, vector<16xf32>,
        %broadcast_in_dim3A_138 = arith.constant 0.000000e+00 : f32
        %broadcast_in_dim3A_139 = vector.broadcast %broadcast_in_dim3A_138 : f32 to vector<16xf32>
        %mul3A_140 = arith.constant 8 : i32
        %mul3A_141 = arith.muli %scan3A_93, %mul3A_140 : i32
        %add3A_142 = arith.constant 5 : i32
        %add3A_143 = arith.addi %mul3A_141, %add3A_142 : i32
        %swap3A_144 = arith.index_cast %add3A_143 : i32 to index
        %swap3A_145 = arith.constant 0 : index
        %swap3A_146 = tpu.vector_load %arg28[%swap3A_144, %swap3A_145] {strides = array<i32>} : memref<128x16xf32, #tpu.memory_space<vmem>>, vector<16xf32>,
        tpu.vector_store %arg28[%swap3A_144, %swap3A_145], %broadcast_in_dim3A_139 {strides = array<i32>} : memref<128x16xf32, #tpu.memory_space<vmem>>, vector<16xf32>,
        %broadcast_in_dim3A_147 = arith.constant 0.000000e+00 : f32
        %broadcast_in_dim3A_148 = vector.broadcast %broadcast_in_dim3A_147 : f32 to vector<16xf32>
        %mul3A_149 = arith.constant 8 : i32
        %mul3A_150 = arith.muli %scan3A_93, %mul3A_149 : i32
        %add3A_151 = arith.constant 6 : i32
        %add3A_152 = arith.addi %mul3A_150, %add3A_151 : i32
        %swap3A_153 = arith.index_cast %add3A_152 : i32 to index
        %swap3A_154 = arith.constant 0 : index
        %swap3A_155 = tpu.vector_load %arg28[%swap3A_153, %swap3A_154] {strides = array<i32>} : memref<128x16xf32, #tpu.memory_space<vmem>>, vector<16xf32>,
        tpu.vector_store %arg28[%swap3A_153, %swap3A_154], %broadcast_in_dim3A_148 {strides = array<i32>} : memref<128x16xf32, #tpu.memory_space<vmem>>, vector<16xf32>,
        %broadcast_in_dim3A_156 = arith.constant 0.000000e+00 : f32
        %broadcast_in_dim3A_157 = vector.broadcast %broadcast_in_dim3A_156 : f32 to vector<16xf32>
        %mul3A_158 = arith.constant 8 : i32
        %mul3A_159 = arith.muli %scan3A_93, %mul3A_158 : i32
        %add3A_160 = arith.constant 7 : i32
        %add3A_161 = arith.addi %mul3A_159, %add3A_160 : i32
        %swap3A_162 = arith.index_cast %add3A_161 : i32 to index
        %swap3A_163 = arith.constant 0 : index
        %swap3A_164 = tpu.vector_load %arg28[%swap3A_162, %swap3A_163] {strides = array<i32>} : memref<128x16xf32, #tpu.memory_space<vmem>>, vector<16xf32>,
        tpu.vector_store %arg28[%swap3A_162, %swap3A_163], %broadcast_in_dim3A_157 {strides = array<i32>} : memref<128x16xf32, #tpu.memory_space<vmem>>, vector<16xf32>,
        %scan3A_165 = arith.constant 0 : i32
        scf.yield %scan3A_165 : i32
      }
      %scan3A_77 = arith.constant 16 : i32
      %scan3A_78 = arith.constant 0 : i32
      %scan3A_79 = arith.constant 0 : i32
      %scan3A_80 = arith.constant 8 : i32
      %scan3A_81 = arith.addi %scan3A_79, %scan3A_80 : i32
      %scan3A_82 = arith.constant 1 : i32
      %scan3A_83 = scf.for %scan3A_93 = %scan3A_79 to %scan3A_81 step %scan3A_82 iter_args(%scan3A_94 = %scan3A_78) -> (i32)  : i32 {
        %mul3A_95 = arith.constant 16 : i32
        %mul3A_96 = arith.muli %scan3A_93, %mul3A_95 : i32
        %add3A_97 = arith.addi %add3A_18, %mul3A_96 : i32
        %add3A_98 = vector.broadcast %add3A_97 : i32 to vector<16xi32>
        %add3A_99 = arith.addi %add3A_98, %iota3A : vector<16xi32>
        %lt3A = arith.constant 330000 : i32
        %lt3A_100 = vector.broadcast %lt3A : i32 to vector<16xi32>
        %lt3A_101 = arith.cmpi slt, %add3A_99, %lt3A_100 : vector<16xi32>
        %mul3A_102 = arith.constant 16 : i32
        %mul3A_103 = arith.muli %scan3A_93, %mul3A_102 : i32
        %add3A_104 = vector.broadcast %mul3A_103 : i32 to vector<16xi32>
        %add3A_105 = arith.addi %add3A_104, %iota3A : vector<16xi32>
        %mul3A_106 = arith.constant 16 : i32
        %mul3A_107 = arith.muli %scan3A_93, %mul3A_106 : i32
        %add3A_108 = arith.constant 0 : i32
        %add3A_109 = arith.addi %add3A_108, %mul3A_107 : i32
        %get3A = arith.index_cast %add3A_109 : i32 to index
        %get3A_110 = tpu.vector_load %arg23[%get3A] {strides = array<i32>} : memref<256xf32, #tpu.memory_space<vmem>>, vector<16xf32>,
        %mul3A_111 = arith.constant 16 : i32
        %mul3A_112 = arith.muli %scan3A_93, %mul3A_111 : i32
        %add3A_113 = arith.constant 0 : i32
        %add3A_114 = arith.addi %add3A_113, %mul3A_112 : i32
        %get3A_115 = arith.index_cast %add3A_114 : i32 to index
        %get3A_116 = tpu.vector_load %arg24[%get3A_115] {strides = array<i32>} : memref<256xf32, #tpu.memory_space<vmem>>, vector<16xf32>,
        %mul3A_117 = arith.constant 16 : i32
        %mul3A_118 = arith.muli %scan3A_93, %mul3A_117 : i32
        %add3A_119 = arith.constant 0 : i32
        %add3A_120 = arith.addi %add3A_119, %mul3A_118 : i32
        %get3A_121 = arith.index_cast %add3A_120 : i32 to index
        %get3A_122 = tpu.vector_load %arg25[%get3A_121] {strides = array<i32>} : memref<256xf32, #tpu.memory_space<vmem>>, vector<16xf32>,
        %add3A_123 = arith.addf %get3A_110, %get3A_116 : vector<16xf32>
        %mul3A_124 = arith.constant 2.000000e-01 : f32
        %mul3A_125 = vector.broadcast %mul3A_124 : f32 to vector<16xf32>
        %mul3A_126 = arith.mulf %mul3A_125, %add3A_123 : vector<16xf32>
        %max3A = arith.maximumf %add3A_123, %mul3A_126 : vector<16xf32>
        %sub3A = arith.subf %max3A, %get3A_122 : vector<16xf32>
        %exp3A = math.exp %sub3A : vector<16xf32>
        %broadcast_in_dim3A = arith.constant 0.000000e+00 : f32
        %broadcast_in_dim3A_127 = vector.broadcast %broadcast_in_dim3A : f32 to vector<16xf32>
        %select_n3A = arith.select %lt3A_101, %exp3A, %broadcast_in_dim3A_127 : vector<16xi1>, vector<16xf32>
        %mul3A_128 = arith.constant 16 : i32
        %mul3A_129 = arith.muli %scan3A_93, %mul3A_128 : i32
        %add3A_130 = arith.constant 0 : i32
        %add3A_131 = arith.addi %add3A_130, %mul3A_129 : i32
        %swap3A = arith.index_cast %add3A_131 : i32 to index
        %swap3A_132 = tpu.vector_load %arg27[%swap3A] {strides = array<i32>} : memref<256xf32, #tpu.memory_space<vmem>>, vector<16xf32>,
        tpu.vector_store %arg27[%swap3A], %select_n3A {strides = array<i32>} : memref<256xf32, #tpu.memory_space<vmem>>, vector<16xf32>,
        %broadcast_in_dim3A_133 = arith.constant 0 : i32
        %broadcast_in_dim3A_134 = vector.broadcast %broadcast_in_dim3A_133 : i32 to vector<16xi32>
        tpu.vector_store_idx %arg28[%add3A_105, %broadcast_in_dim3A_134], %select_n3A : memref<128x16xf32, #tpu.memory_space<vmem>>[vector<16xi32>, vector<16xi32>], vector<16xf32>,
        %mul3A_135 = arith.constant 16 : i32
        %mul3A_136 = arith.muli %scan3A_93, %mul3A_135 : i32
        %add3A_137 = arith.constant 128 : i32
        %add3A_138 = arith.addi %add3A_137, %mul3A_136 : i32
        %get3A_139 = arith.index_cast %add3A_138 : i32 to index
        %get3A_140 = tpu.vector_load %arg23[%get3A_139] {strides = array<i32>} : memref<256xf32, #tpu.memory_space<vmem>>, vector<16xf32>,
        %mul3A_141 = arith.constant 16 : i32
        %mul3A_142 = arith.muli %scan3A_93, %mul3A_141 : i32
        %add3A_143 = arith.constant 128 : i32
        %add3A_144 = arith.addi %add3A_143, %mul3A_142 : i32
        %get3A_145 = arith.index_cast %add3A_144 : i32 to index
        %get3A_146 = tpu.vector_load %arg24[%get3A_145] {strides = array<i32>} : memref<256xf32, #tpu.memory_space<vmem>>, vector<16xf32>,
        %mul3A_147 = arith.constant 16 : i32
        %mul3A_148 = arith.muli %scan3A_93, %mul3A_147 : i32
        %add3A_149 = arith.constant 128 : i32
        %add3A_150 = arith.addi %add3A_149, %mul3A_148 : i32
        %get3A_151 = arith.index_cast %add3A_150 : i32 to index
        %get3A_152 = tpu.vector_load %arg25[%get3A_151] {strides = array<i32>} : memref<256xf32, #tpu.memory_space<vmem>>, vector<16xf32>,
        %add3A_153 = arith.addf %get3A_140, %get3A_146 : vector<16xf32>
        %mul3A_154 = arith.constant 2.000000e-01 : f32
        %mul3A_155 = vector.broadcast %mul3A_154 : f32 to vector<16xf32>
        %mul3A_156 = arith.mulf %mul3A_155, %add3A_153 : vector<16xf32>
        %max3A_157 = arith.maximumf %add3A_153, %mul3A_156 : vector<16xf32>
        %sub3A_158 = arith.subf %max3A_157, %get3A_152 : vector<16xf32>
        %exp3A_159 = math.exp %sub3A_158 : vector<16xf32>
        %broadcast_in_dim3A_160 = arith.constant 0.000000e+00 : f32
        %broadcast_in_dim3A_161 = vector.broadcast %broadcast_in_dim3A_160 : f32 to vector<16xf32>
        %select_n3A_162 = arith.select %lt3A_101, %exp3A_159, %broadcast_in_dim3A_161 : vector<16xi1>, vector<16xf32>
        %mul3A_163 = arith.constant 16 : i32
        %mul3A_164 = arith.muli %scan3A_93, %mul3A_163 : i32
        %add3A_165 = arith.constant 128 : i32
        %add3A_166 = arith.addi %add3A_165, %mul3A_164 : i32
        %swap3A_167 = arith.index_cast %add3A_166 : i32 to index
        %swap3A_168 = tpu.vector_load %arg27[%swap3A_167] {strides = array<i32>} : memref<256xf32, #tpu.memory_space<vmem>>, vector<16xf32>,
        tpu.vector_store %arg27[%swap3A_167], %select_n3A_162 {strides = array<i32>} : memref<256xf32, #tpu.memory_space<vmem>>, vector<16xf32>,
        %broadcast_in_dim3A_169 = arith.constant 1 : i32
        %broadcast_in_dim3A_170 = vector.broadcast %broadcast_in_dim3A_169 : i32 to vector<16xi32>
        tpu.vector_store_idx %arg28[%add3A_105, %broadcast_in_dim3A_170], %select_n3A_162 : memref<128x16xf32, #tpu.memory_space<vmem>>[vector<16xi32>, vector<16xi32>], vector<16xf32>,
        %scan3A_171 = arith.constant 0 : i32
        scf.yield %scan3A_171 : i32
      }
      %scan3A_84 = arith.constant 8 : i32
      %scan3A_85 = arith.constant 0 : i32
      %scan3A_86 = arith.constant 0 : i32
      %scan3A_87 = arith.constant 32 : i32
      %scan3A_88 = arith.addi %scan3A_86, %scan3A_87 : i32
      %scan3A_89 = arith.constant 1 : i32
      %scan3A_90 = scf.for %scan3A_93 = %scan3A_86 to %scan3A_88 step %scan3A_89 iter_args(%scan3A_94 = %scan3A_85) -> (i32)  : i32 {
        %mul3A_95 = arith.constant 4 : i32
        %mul3A_96 = arith.muli %scan3A_93, %mul3A_95 : i32
        %add3A_97 = arith.constant 0 : i32
        %add3A_98 = arith.addi %mul3A_96, %add3A_97 : i32
        %broadcast_in_dim3A = arith.constant 0 : i32
        %broadcast_in_dim3A_99 = vector.broadcast %broadcast_in_dim3A : i32 to vector<16xi32>
        %add3A_100 = vector.broadcast %add3A_98 : i32 to vector<16xi32>
        %add3A_101 = arith.addi %broadcast_in_dim3A_99, %add3A_100 : vector<16xi32>
        %gather3A = tpu.vector_load_idx %arg27[%add3A_101] : memref<256xf32, #tpu.memory_space<vmem>>[vector<16xi32>], vector<16xf32>,
        %get3A = arith.index_cast %add3A_98 : i32 to index
        %get3A_102 = arith.constant 0 : index
        %get3A_103 = tpu.vector_load %arg26[%get3A, %get3A_102] {strides = array<i32>} : memref<128x128xf32, #tpu.memory_space<vmem>>, vector<16xf32>,
        %mul3A_104 = arith.mulf %get3A_103, %gather3A : vector<16xf32>
        %swap3A = arith.index_cast %add3A_98 : i32 to index
        %swap3A_105 = arith.constant 0 : index
        %swap3A_106 = tpu.vector_load %arg26[%swap3A, %swap3A_105] {strides = array<i32>} : memref<128x128xf32, #tpu.memory_space<vmem>>, vector<16xf32>,
        tpu.vector_store %arg26[%swap3A, %swap3A_105], %mul3A_104 {strides = array<i32>} : memref<128x128xf32, #tpu.memory_space<vmem>>, vector<16xf32>,
        %get3A_107 = arith.index_cast %add3A_98 : i32 to index
        %get3A_108 = arith.constant 16 : index
        %get3A_109 = tpu.vector_load %arg26[%get3A_107, %get3A_108] {strides = array<i32>} : memref<128x128xf32, #tpu.memory_space<vmem>>, vector<16xf32>,
        %mul3A_110 = arith.mulf %get3A_109, %gather3A : vector<16xf32>
        %swap3A_111 = arith.index_cast %add3A_98 : i32 to index
        %swap3A_112 = arith.constant 16 : index
        %swap3A_113 = tpu.vector_load %arg26[%swap3A_111, %swap3A_112] {strides = array<i32>} : memref<128x128xf32, #tpu.memory_space<vmem>>, vector<16xf32>,
        tpu.vector_store %arg26[%swap3A_111, %swap3A_112], %mul3A_110 {strides = array<i32>} : memref<128x128xf32, #tpu.memory_space<vmem>>, vector<16xf32>,
        %get3A_114 = arith.index_cast %add3A_98 : i32 to index
        %get3A_115 = arith.constant 32 : index
        %get3A_116 = tpu.vector_load %arg26[%get3A_114, %get3A_115] {strides = array<i32>} : memref<128x128xf32, #tpu.memory_space<vmem>>, vector<16xf32>,
        %mul3A_117 = arith.mulf %get3A_116, %gather3A : vector<16xf32>
        %swap3A_118 = arith.index_cast %add3A_98 : i32 to index
        %swap3A_119 = arith.constant 32 : index
        %swap3A_120 = tpu.vector_load %arg26[%swap3A_118, %swap3A_119] {strides = array<i32>} : memref<128x128xf32, #tpu.memory_space<vmem>>, vector<16xf32>,
        tpu.vector_store %arg26[%swap3A_118, %swap3A_119], %mul3A_117 {strides = array<i32>} : memref<128x128xf32, #tpu.memory_space<vmem>>, vector<16xf32>,
        %get3A_121 = arith.index_cast %add3A_98 : i32 to index
        %get3A_122 = arith.constant 48 : index
        %get3A_123 = tpu.vector_load %arg26[%get3A_121, %get3A_122] {strides = array<i32>} : memref<128x128xf32, #tpu.memory_space<vmem>>, vector<16xf32>,
        %mul3A_124 = arith.mulf %get3A_123, %gather3A : vector<16xf32>
        %swap3A_125 = arith.index_cast %add3A_98 : i32 to index
        %swap3A_126 = arith.constant 48 : index
        %swap3A_127 = tpu.vector_load %arg26[%swap3A_125, %swap3A_126] {strides = array<i32>} : memref<128x128xf32, #tpu.memory_space<vmem>>, vector<16xf32>,
        tpu.vector_store %arg26[%swap3A_125, %swap3A_126], %mul3A_124 {strides = array<i32>} : memref<128x128xf32, #tpu.memory_space<vmem>>, vector<16xf32>,
        %broadcast_in_dim3A_128 = arith.constant 128 : i32
        %broadcast_in_dim3A_129 = vector.broadcast %broadcast_in_dim3A_128 : i32 to vector<16xi32>
        %add3A_130 = vector.broadcast %add3A_98 : i32 to vector<16xi32>
        %add3A_131 = arith.addi %broadcast_in_dim3A_129, %add3A_130 : vector<16xi32>
        %gather3A_132 = tpu.vector_load_idx %arg27[%add3A_131] : memref<256xf32, #tpu.memory_space<vmem>>[vector<16xi32>], vector<16xf32>,
        %get3A_133 = arith.index_cast %add3A_98 : i32 to index
        %get3A_134 = arith.constant 64 : index
        %get3A_135 = tpu.vector_load %arg26[%get3A_133, %get3A_134] {strides = array<i32>} : memref<128x128xf32, #tpu.memory_space<vmem>>, vector<16xf32>,
        %mul3A_136 = arith.mulf %get3A_135, %gather3A_132 : vector<16xf32>
        %swap3A_137 = arith.index_cast %add3A_98 : i32 to index
        %swap3A_138 = arith.constant 64 : index
        %swap3A_139 = tpu.vector_load %arg26[%swap3A_137, %swap3A_138] {strides = array<i32>} : memref<128x128xf32, #tpu.memory_space<vmem>>, vector<16xf32>,
        tpu.vector_store %arg26[%swap3A_137, %swap3A_138], %mul3A_136 {strides = array<i32>} : memref<128x128xf32, #tpu.memory_space<vmem>>, vector<16xf32>,
        %get3A_140 = arith.index_cast %add3A_98 : i32 to index
        %get3A_141 = arith.constant 80 : index
        %get3A_142 = tpu.vector_load %arg26[%get3A_140, %get3A_141] {strides = array<i32>} : memref<128x128xf32, #tpu.memory_space<vmem>>, vector<16xf32>,
        %mul3A_143 = arith.mulf %get3A_142, %gather3A_132 : vector<16xf32>
        %swap3A_144 = arith.index_cast %add3A_98 : i32 to index
        %swap3A_145 = arith.constant 80 : index
        %swap3A_146 = tpu.vector_load %arg26[%swap3A_144, %swap3A_145] {strides = array<i32>} : memref<128x128xf32, #tpu.memory_space<vmem>>, vector<16xf32>,
        tpu.vector_store %arg26[%swap3A_144, %swap3A_145], %mul3A_143 {strides = array<i32>} : memref<128x128xf32, #tpu.memory_space<vmem>>, vector<16xf32>,
        %get3A_147 = arith.index_cast %add3A_98 : i32 to index
        %get3A_148 = arith.constant 96 : index
        %get3A_149 = tpu.vector_load %arg26[%get3A_147, %get3A_148] {strides = array<i32>} : memref<128x128xf32, #tpu.memory_space<vmem>>, vector<16xf32>,
        %mul3A_150 = arith.mulf %get3A_149, %gather3A_132 : vector<16xf32>
        %swap3A_151 = arith.index_cast %add3A_98 : i32 to index
        %swap3A_152 = arith.constant 96 : index
        %swap3A_153 = tpu.vector_load %arg26[%swap3A_151, %swap3A_152] {strides = array<i32>} : memref<128x128xf32, #tpu.memory_space<vmem>>, vector<16xf32>,
        tpu.vector_store %arg26[%swap3A_151, %swap3A_152], %mul3A_150 {strides = array<i32>} : memref<128x128xf32, #tpu.memory_space<vmem>>, vector<16xf32>,
        %get3A_154 = arith.index_cast %add3A_98 : i32 to index
        %get3A_155 = arith.constant 112 : index
        %get3A_156 = tpu.vector_load %arg26[%get3A_154, %get3A_155] {strides = array<i32>} : memref<128x128xf32, #tpu.memory_space<vmem>>, vector<16xf32>,
        %mul3A_157 = arith.mulf %get3A_156, %gather3A_132 : vector<16xf32>
        %swap3A_158 = arith.index_cast %add3A_98 : i32 to index
        %swap3A_159 = arith.constant 112 : index
        %swap3A_160 = tpu.vector_load %arg26[%swap3A_158, %swap3A_159] {strides = array<i32>} : memref<128x128xf32, #tpu.memory_space<vmem>>, vector<16xf32>,
        tpu.vector_store %arg26[%swap3A_158, %swap3A_159], %mul3A_157 {strides = array<i32>} : memref<128x128xf32, #tpu.memory_space<vmem>>, vector<16xf32>,
        %mul3A_161 = arith.constant 4 : i32
        %mul3A_162 = arith.muli %scan3A_93, %mul3A_161 : i32
        %add3A_163 = arith.constant 1 : i32
        %add3A_164 = arith.addi %mul3A_162, %add3A_163 : i32
        %broadcast_in_dim3A_165 = arith.constant 0 : i32
        %broadcast_in_dim3A_166 = vector.broadcast %broadcast_in_dim3A_165 : i32 to vector<16xi32>
        %add3A_167 = vector.broadcast %add3A_164 : i32 to vector<16xi32>
        %add3A_168 = arith.addi %broadcast_in_dim3A_166, %add3A_167 : vector<16xi32>
        %gather3A_169 = tpu.vector_load_idx %arg27[%add3A_168] : memref<256xf32, #tpu.memory_space<vmem>>[vector<16xi32>], vector<16xf32>,
        %get3A_170 = arith.index_cast %add3A_164 : i32 to index
        %get3A_171 = arith.constant 0 : index
        %get3A_172 = tpu.vector_load %arg26[%get3A_170, %get3A_171] {strides = array<i32>} : memref<128x128xf32, #tpu.memory_space<vmem>>, vector<16xf32>,
        %mul3A_173 = arith.mulf %get3A_172, %gather3A_169 : vector<16xf32>
        %swap3A_174 = arith.index_cast %add3A_164 : i32 to index
        %swap3A_175 = arith.constant 0 : index
        %swap3A_176 = tpu.vector_load %arg26[%swap3A_174, %swap3A_175] {strides = array<i32>} : memref<128x128xf32, #tpu.memory_space<vmem>>, vector<16xf32>,
        tpu.vector_store %arg26[%swap3A_174, %swap3A_175], %mul3A_173 {strides = array<i32>} : memref<128x128xf32, #tpu.memory_space<vmem>>, vector<16xf32>,
        %get3A_177 = arith.index_cast %add3A_164 : i32 to index
        %get3A_178 = arith.constant 16 : index
        %get3A_179 = tpu.vector_load %arg26[%get3A_177, %get3A_178] {strides = array<i32>} : memref<128x128xf32, #tpu.memory_space<vmem>>, vector<16xf32>,
        %mul3A_180 = arith.mulf %get3A_179, %gather3A_169 : vector<16xf32>
        %swap3A_181 = arith.index_cast %add3A_164 : i32 to index
        %swap3A_182 = arith.constant 16 : index
        %swap3A_183 = tpu.vector_load %arg26[%swap3A_181, %swap3A_182] {strides = array<i32>} : memref<128x128xf32, #tpu.memory_space<vmem>>, vector<16xf32>,
        tpu.vector_store %arg26[%swap3A_181, %swap3A_182], %mul3A_180 {strides = array<i32>} : memref<128x128xf32, #tpu.memory_space<vmem>>, vector<16xf32>,
        %get3A_184 = arith.index_cast %add3A_164 : i32 to index
        %get3A_185 = arith.constant 32 : index
        %get3A_186 = tpu.vector_load %arg26[%get3A_184, %get3A_185] {strides = array<i32>} : memref<128x128xf32, #tpu.memory_space<vmem>>, vector<16xf32>,
        %mul3A_187 = arith.mulf %get3A_186, %gather3A_169 : vector<16xf32>
        %swap3A_188 = arith.index_cast %add3A_164 : i32 to index
        %swap3A_189 = arith.constant 32 : index
        %swap3A_190 = tpu.vector_load %arg26[%swap3A_188, %swap3A_189] {strides = array<i32>} : memref<128x128xf32, #tpu.memory_space<vmem>>, vector<16xf32>,
        tpu.vector_store %arg26[%swap3A_188, %swap3A_189], %mul3A_187 {strides = array<i32>} : memref<128x128xf32, #tpu.memory_space<vmem>>, vector<16xf32>,
        %get3A_191 = arith.index_cast %add3A_164 : i32 to index
        %get3A_192 = arith.constant 48 : index
        %get3A_193 = tpu.vector_load %arg26[%get3A_191, %get3A_192] {strides = array<i32>} : memref<128x128xf32, #tpu.memory_space<vmem>>, vector<16xf32>,
        %mul3A_194 = arith.mulf %get3A_193, %gather3A_169 : vector<16xf32>
        %swap3A_195 = arith.index_cast %add3A_164 : i32 to index
        %swap3A_196 = arith.constant 48 : index
        %swap3A_197 = tpu.vector_load %arg26[%swap3A_195, %swap3A_196] {strides = array<i32>} : memref<128x128xf32, #tpu.memory_space<vmem>>, vector<16xf32>,
        tpu.vector_store %arg26[%swap3A_195, %swap3A_196], %mul3A_194 {strides = array<i32>} : memref<128x128xf32, #tpu.memory_space<vmem>>, vector<16xf32>,
        %broadcast_in_dim3A_198 = arith.constant 128 : i32
        %broadcast_in_dim3A_199 = vector.broadcast %broadcast_in_dim3A_198 : i32 to vector<16xi32>
        %add3A_200 = vector.broadcast %add3A_164 : i32 to vector<16xi32>
        %add3A_201 = arith.addi %broadcast_in_dim3A_199, %add3A_200 : vector<16xi32>
        %gather3A_202 = tpu.vector_load_idx %arg27[%add3A_201] : memref<256xf32, #tpu.memory_space<vmem>>[vector<16xi32>], vector<16xf32>,
        %get3A_203 = arith.index_cast %add3A_164 : i32 to index
        %get3A_204 = arith.constant 64 : index
        %get3A_205 = tpu.vector_load %arg26[%get3A_203, %get3A_204] {strides = array<i32>} : memref<128x128xf32, #tpu.memory_space<vmem>>, vector<16xf32>,
        %mul3A_206 = arith.mulf %get3A_205, %gather3A_202 : vector<16xf32>
        %swap3A_207 = arith.index_cast %add3A_164 : i32 to index
        %swap3A_208 = arith.constant 64 : index
        %swap3A_209 = tpu.vector_load %arg26[%swap3A_207, %swap3A_208] {strides = array<i32>} : memref<128x128xf32, #tpu.memory_space<vmem>>, vector<16xf32>,
        tpu.vector_store %arg26[%swap3A_207, %swap3A_208], %mul3A_206 {strides = array<i32>} : memref<128x128xf32, #tpu.memory_space<vmem>>, vector<16xf32>,
        %get3A_210 = arith.index_cast %add3A_164 : i32 to index
        %get3A_211 = arith.constant 80 : index
        %get3A_212 = tpu.vector_load %arg26[%get3A_210, %get3A_211] {strides = array<i32>} : memref<128x128xf32, #tpu.memory_space<vmem>>, vector<16xf32>,
        %mul3A_213 = arith.mulf %get3A_212, %gather3A_202 : vector<16xf32>
        %swap3A_214 = arith.index_cast %add3A_164 : i32 to index
        %swap3A_215 = arith.constant 80 : index
        %swap3A_216 = tpu.vector_load %arg26[%swap3A_214, %swap3A_215] {strides = array<i32>} : memref<128x128xf32, #tpu.memory_space<vmem>>, vector<16xf32>,
        tpu.vector_store %arg26[%swap3A_214, %swap3A_215], %mul3A_213 {strides = array<i32>} : memref<128x128xf32, #tpu.memory_space<vmem>>, vector<16xf32>,
        %get3A_217 = arith.index_cast %add3A_164 : i32 to index
        %get3A_218 = arith.constant 96 : index
        %get3A_219 = tpu.vector_load %arg26[%get3A_217, %get3A_218] {strides = array<i32>} : memref<128x128xf32, #tpu.memory_space<vmem>>, vector<16xf32>,
        %mul3A_220 = arith.mulf %get3A_219, %gather3A_202 : vector<16xf32>
        %swap3A_221 = arith.index_cast %add3A_164 : i32 to index
        %swap3A_222 = arith.constant 96 : index
        %swap3A_223 = tpu.vector_load %arg26[%swap3A_221, %swap3A_222] {strides = array<i32>} : memref<128x128xf32, #tpu.memory_space<vmem>>, vector<16xf32>,
        tpu.vector_store %arg26[%swap3A_221, %swap3A_222], %mul3A_220 {strides = array<i32>} : memref<128x128xf32, #tpu.memory_space<vmem>>, vector<16xf32>,
        %get3A_224 = arith.index_cast %add3A_164 : i32 to index
        %get3A_225 = arith.constant 112 : index
        %get3A_226 = tpu.vector_load %arg26[%get3A_224, %get3A_225] {strides = array<i32>} : memref<128x128xf32, #tpu.memory_space<vmem>>, vector<16xf32>,
        %mul3A_227 = arith.mulf %get3A_226, %gather3A_202 : vector<16xf32>
        %swap3A_228 = arith.index_cast %add3A_164 : i32 to index
        %swap3A_229 = arith.constant 112 : index
        %swap3A_230 = tpu.vector_load %arg26[%swap3A_228, %swap3A_229] {strides = array<i32>} : memref<128x128xf32, #tpu.memory_space<vmem>>, vector<16xf32>,
        tpu.vector_store %arg26[%swap3A_228, %swap3A_229], %mul3A_227 {strides = array<i32>} : memref<128x128xf32, #tpu.memory_space<vmem>>, vector<16xf32>,
        %mul3A_231 = arith.constant 4 : i32
        %mul3A_232 = arith.muli %scan3A_93, %mul3A_231 : i32
        %add3A_233 = arith.constant 2 : i32
        %add3A_234 = arith.addi %mul3A_232, %add3A_233 : i32
        %broadcast_in_dim3A_235 = arith.constant 0 : i32
        %broadcast_in_dim3A_236 = vector.broadcast %broadcast_in_dim3A_235 : i32 to vector<16xi32>
        %add3A_237 = vector.broadcast %add3A_234 : i32 to vector<16xi32>
        %add3A_238 = arith.addi %broadcast_in_dim3A_236, %add3A_237 : vector<16xi32>
        %gather3A_239 = tpu.vector_load_idx %arg27[%add3A_238] : memref<256xf32, #tpu.memory_space<vmem>>[vector<16xi32>], vector<16xf32>,
        %get3A_240 = arith.index_cast %add3A_234 : i32 to index
        %get3A_241 = arith.constant 0 : index
        %get3A_242 = tpu.vector_load %arg26[%get3A_240, %get3A_241] {strides = array<i32>} : memref<128x128xf32, #tpu.memory_space<vmem>>, vector<16xf32>,
        %mul3A_243 = arith.mulf %get3A_242, %gather3A_239 : vector<16xf32>
        %swap3A_244 = arith.index_cast %add3A_234 : i32 to index
        %swap3A_245 = arith.constant 0 : index
        %swap3A_246 = tpu.vector_load %arg26[%swap3A_244, %swap3A_245] {strides = array<i32>} : memref<128x128xf32, #tpu.memory_space<vmem>>, vector<16xf32>,
        tpu.vector_store %arg26[%swap3A_244, %swap3A_245], %mul3A_243 {strides = array<i32>} : memref<128x128xf32, #tpu.memory_space<vmem>>, vector<16xf32>,
        %get3A_247 = arith.index_cast %add3A_234 : i32 to index
        %get3A_248 = arith.constant 16 : index
        %get3A_249 = tpu.vector_load %arg26[%get3A_247, %get3A_248] {strides = array<i32>} : memref<128x128xf32, #tpu.memory_space<vmem>>, vector<16xf32>,
        %mul3A_250 = arith.mulf %get3A_249, %gather3A_239 : vector<16xf32>
        %swap3A_251 = arith.index_cast %add3A_234 : i32 to index
        %swap3A_252 = arith.constant 16 : index
        %swap3A_253 = tpu.vector_load %arg26[%swap3A_251, %swap3A_252] {strides = array<i32>} : memref<128x128xf32, #tpu.memory_space<vmem>>, vector<16xf32>,
        tpu.vector_store %arg26[%swap3A_251, %swap3A_252], %mul3A_250 {strides = array<i32>} : memref<128x128xf32, #tpu.memory_space<vmem>>, vector<16xf32>,
        %get3A_254 = arith.index_cast %add3A_234 : i32 to index
        %get3A_255 = arith.constant 32 : index
        %get3A_256 = tpu.vector_load %arg26[%get3A_254, %get3A_255] {strides = array<i32>} : memref<128x128xf32, #tpu.memory_space<vmem>>, vector<16xf32>,
        %mul3A_257 = arith.mulf %get3A_256, %gather3A_239 : vector<16xf32>
        %swap3A_258 = arith.index_cast %add3A_234 : i32 to index
        %swap3A_259 = arith.constant 32 : index
        %swap3A_260 = tpu.vector_load %arg26[%swap3A_258, %swap3A_259] {strides = array<i32>} : memref<128x128xf32, #tpu.memory_space<vmem>>, vector<16xf32>,
        tpu.vector_store %arg26[%swap3A_258, %swap3A_259], %mul3A_257 {strides = array<i32>} : memref<128x128xf32, #tpu.memory_space<vmem>>, vector<16xf32>,
        %get3A_261 = arith.index_cast %add3A_234 : i32 to index
        %get3A_262 = arith.constant 48 : index
        %get3A_263 = tpu.vector_load %arg26[%get3A_261, %get3A_262] {strides = array<i32>} : memref<128x128xf32, #tpu.memory_space<vmem>>, vector<16xf32>,
        %mul3A_264 = arith.mulf %get3A_263, %gather3A_239 : vector<16xf32>
        %swap3A_265 = arith.index_cast %add3A_234 : i32 to index
        %swap3A_266 = arith.constant 48 : index
        %swap3A_267 = tpu.vector_load %arg26[%swap3A_265, %swap3A_266] {strides = array<i32>} : memref<128x128xf32, #tpu.memory_space<vmem>>, vector<16xf32>,
        tpu.vector_store %arg26[%swap3A_265, %swap3A_266], %mul3A_264 {strides = array<i32>} : memref<128x128xf32, #tpu.memory_space<vmem>>, vector<16xf32>,
        %broadcast_in_dim3A_268 = arith.constant 128 : i32
        %broadcast_in_dim3A_269 = vector.broadcast %broadcast_in_dim3A_268 : i32 to vector<16xi32>
        %add3A_270 = vector.broadcast %add3A_234 : i32 to vector<16xi32>
        %add3A_271 = arith.addi %broadcast_in_dim3A_269, %add3A_270 : vector<16xi32>
        %gather3A_272 = tpu.vector_load_idx %arg27[%add3A_271] : memref<256xf32, #tpu.memory_space<vmem>>[vector<16xi32>], vector<16xf32>,
        %get3A_273 = arith.index_cast %add3A_234 : i32 to index
        %get3A_274 = arith.constant 64 : index
        %get3A_275 = tpu.vector_load %arg26[%get3A_273, %get3A_274] {strides = array<i32>} : memref<128x128xf32, #tpu.memory_space<vmem>>, vector<16xf32>,
        %mul3A_276 = arith.mulf %get3A_275, %gather3A_272 : vector<16xf32>
        %swap3A_277 = arith.index_cast %add3A_234 : i32 to index
        %swap3A_278 = arith.constant 64 : index
        %swap3A_279 = tpu.vector_load %arg26[%swap3A_277, %swap3A_278] {strides = array<i32>} : memref<128x128xf32, #tpu.memory_space<vmem>>, vector<16xf32>,
        tpu.vector_store %arg26[%swap3A_277, %swap3A_278], %mul3A_276 {strides = array<i32>} : memref<128x128xf32, #tpu.memory_space<vmem>>, vector<16xf32>,
        %get3A_280 = arith.index_cast %add3A_234 : i32 to index
        %get3A_281 = arith.constant 80 : index
        %get3A_282 = tpu.vector_load %arg26[%get3A_280, %get3A_281] {strides = array<i32>} : memref<128x128xf32, #tpu.memory_space<vmem>>, vector<16xf32>,
        %mul3A_283 = arith.mulf %get3A_282, %gather3A_272 : vector<16xf32>
        %swap3A_284 = arith.index_cast %add3A_234 : i32 to index
        %swap3A_285 = arith.constant 80 : index
        %swap3A_286 = tpu.vector_load %arg26[%swap3A_284, %swap3A_285] {strides = array<i32>} : memref<128x128xf32, #tpu.memory_space<vmem>>, vector<16xf32>,
        tpu.vector_store %arg26[%swap3A_284, %swap3A_285], %mul3A_283 {strides = array<i32>} : memref<128x128xf32, #tpu.memory_space<vmem>>, vector<16xf32>,
        %get3A_287 = arith.index_cast %add3A_234 : i32 to index
        %get3A_288 = arith.constant 96 : index
        %get3A_289 = tpu.vector_load %arg26[%get3A_287, %get3A_288] {strides = array<i32>} : memref<128x128xf32, #tpu.memory_space<vmem>>, vector<16xf32>,
        %mul3A_290 = arith.mulf %get3A_289, %gather3A_272 : vector<16xf32>
        %swap3A_291 = arith.index_cast %add3A_234 : i32 to index
        %swap3A_292 = arith.constant 96 : index
        %swap3A_293 = tpu.vector_load %arg26[%swap3A_291, %swap3A_292] {strides = array<i32>} : memref<128x128xf32, #tpu.memory_space<vmem>>, vector<16xf32>,
        tpu.vector_store %arg26[%swap3A_291, %swap3A_292], %mul3A_290 {strides = array<i32>} : memref<128x128xf32, #tpu.memory_space<vmem>>, vector<16xf32>,
        %get3A_294 = arith.index_cast %add3A_234 : i32 to index
        %get3A_295 = arith.constant 112 : index
        %get3A_296 = tpu.vector_load %arg26[%get3A_294, %get3A_295] {strides = array<i32>} : memref<128x128xf32, #tpu.memory_space<vmem>>, vector<16xf32>,
        %mul3A_297 = arith.mulf %get3A_296, %gather3A_272 : vector<16xf32>
        %swap3A_298 = arith.index_cast %add3A_234 : i32 to index
        %swap3A_299 = arith.constant 112 : index
        %swap3A_300 = tpu.vector_load %arg26[%swap3A_298, %swap3A_299] {strides = array<i32>} : memref<128x128xf32, #tpu.memory_space<vmem>>, vector<16xf32>,
        tpu.vector_store %arg26[%swap3A_298, %swap3A_299], %mul3A_297 {strides = array<i32>} : memref<128x128xf32, #tpu.memory_space<vmem>>, vector<16xf32>,
        %mul3A_301 = arith.constant 4 : i32
        %mul3A_302 = arith.muli %scan3A_93, %mul3A_301 : i32
        %add3A_303 = arith.constant 3 : i32
        %add3A_304 = arith.addi %mul3A_302, %add3A_303 : i32
        %broadcast_in_dim3A_305 = arith.constant 0 : i32
        %broadcast_in_dim3A_306 = vector.broadcast %broadcast_in_dim3A_305 : i32 to vector<16xi32>
        %add3A_307 = vector.broadcast %add3A_304 : i32 to vector<16xi32>
        %add3A_308 = arith.addi %broadcast_in_dim3A_306, %add3A_307 : vector<16xi32>
        %gather3A_309 = tpu.vector_load_idx %arg27[%add3A_308] : memref<256xf32, #tpu.memory_space<vmem>>[vector<16xi32>], vector<16xf32>,
        %get3A_310 = arith.index_cast %add3A_304 : i32 to index
        %get3A_311 = arith.constant 0 : index
        %get3A_312 = tpu.vector_load %arg26[%get3A_310, %get3A_311] {strides = array<i32>} : memref<128x128xf32, #tpu.memory_space<vmem>>, vector<16xf32>,
        %mul3A_313 = arith.mulf %get3A_312, %gather3A_309 : vector<16xf32>
        %swap3A_314 = arith.index_cast %add3A_304 : i32 to index
        %swap3A_315 = arith.constant 0 : index
        %swap3A_316 = tpu.vector_load %arg26[%swap3A_314, %swap3A_315] {strides = array<i32>} : memref<128x128xf32, #tpu.memory_space<vmem>>, vector<16xf32>,
        tpu.vector_store %arg26[%swap3A_314, %swap3A_315], %mul3A_313 {strides = array<i32>} : memref<128x128xf32, #tpu.memory_space<vmem>>, vector<16xf32>,
        %get3A_317 = arith.index_cast %add3A_304 : i32 to index
        %get3A_318 = arith.constant 16 : index
        %get3A_319 = tpu.vector_load %arg26[%get3A_317, %get3A_318] {strides = array<i32>} : memref<128x128xf32, #tpu.memory_space<vmem>>, vector<16xf32>,
        %mul3A_320 = arith.mulf %get3A_319, %gather3A_309 : vector<16xf32>
        %swap3A_321 = arith.index_cast %add3A_304 : i32 to index
        %swap3A_322 = arith.constant 16 : index
        %swap3A_323 = tpu.vector_load %arg26[%swap3A_321, %swap3A_322] {strides = array<i32>} : memref<128x128xf32, #tpu.memory_space<vmem>>, vector<16xf32>,
        tpu.vector_store %arg26[%swap3A_321, %swap3A_322], %mul3A_320 {strides = array<i32>} : memref<128x128xf32, #tpu.memory_space<vmem>>, vector<16xf32>,
        %get3A_324 = arith.index_cast %add3A_304 : i32 to index
        %get3A_325 = arith.constant 32 : index
        %get3A_326 = tpu.vector_load %arg26[%get3A_324, %get3A_325] {strides = array<i32>} : memref<128x128xf32, #tpu.memory_space<vmem>>, vector<16xf32>,
        %mul3A_327 = arith.mulf %get3A_326, %gather3A_309 : vector<16xf32>
        %swap3A_328 = arith.index_cast %add3A_304 : i32 to index
        %swap3A_329 = arith.constant 32 : index
        %swap3A_330 = tpu.vector_load %arg26[%swap3A_328, %swap3A_329] {strides = array<i32>} : memref<128x128xf32, #tpu.memory_space<vmem>>, vector<16xf32>,
        tpu.vector_store %arg26[%swap3A_328, %swap3A_329], %mul3A_327 {strides = array<i32>} : memref<128x128xf32, #tpu.memory_space<vmem>>, vector<16xf32>,
        %get3A_331 = arith.index_cast %add3A_304 : i32 to index
        %get3A_332 = arith.constant 48 : index
        %get3A_333 = tpu.vector_load %arg26[%get3A_331, %get3A_332] {strides = array<i32>} : memref<128x128xf32, #tpu.memory_space<vmem>>, vector<16xf32>,
        %mul3A_334 = arith.mulf %get3A_333, %gather3A_309 : vector<16xf32>
        %swap3A_335 = arith.index_cast %add3A_304 : i32 to index
        %swap3A_336 = arith.constant 48 : index
        %swap3A_337 = tpu.vector_load %arg26[%swap3A_335, %swap3A_336] {strides = array<i32>} : memref<128x128xf32, #tpu.memory_space<vmem>>, vector<16xf32>,
        tpu.vector_store %arg26[%swap3A_335, %swap3A_336], %mul3A_334 {strides = array<i32>} : memref<128x128xf32, #tpu.memory_space<vmem>>, vector<16xf32>,
        %broadcast_in_dim3A_338 = arith.constant 128 : i32
        %broadcast_in_dim3A_339 = vector.broadcast %broadcast_in_dim3A_338 : i32 to vector<16xi32>
        %add3A_340 = vector.broadcast %add3A_304 : i32 to vector<16xi32>
        %add3A_341 = arith.addi %broadcast_in_dim3A_339, %add3A_340 : vector<16xi32>
        %gather3A_342 = tpu.vector_load_idx %arg27[%add3A_341] : memref<256xf32, #tpu.memory_space<vmem>>[vector<16xi32>], vector<16xf32>,
        %get3A_343 = arith.index_cast %add3A_304 : i32 to index
        %get3A_344 = arith.constant 64 : index
        %get3A_345 = tpu.vector_load %arg26[%get3A_343, %get3A_344] {strides = array<i32>} : memref<128x128xf32, #tpu.memory_space<vmem>>, vector<16xf32>,
        %mul3A_346 = arith.mulf %get3A_345, %gather3A_342 : vector<16xf32>
        %swap3A_347 = arith.index_cast %add3A_304 : i32 to index
        %swap3A_348 = arith.constant 64 : index
        %swap3A_349 = tpu.vector_load %arg26[%swap3A_347, %swap3A_348] {strides = array<i32>} : memref<128x128xf32, #tpu.memory_space<vmem>>, vector<16xf32>,
        tpu.vector_store %arg26[%swap3A_347, %swap3A_348], %mul3A_346 {strides = array<i32>} : memref<128x128xf32, #tpu.memory_space<vmem>>, vector<16xf32>,
        %get3A_350 = arith.index_cast %add3A_304 : i32 to index
        %get3A_351 = arith.constant 80 : index
        %get3A_352 = tpu.vector_load %arg26[%get3A_350, %get3A_351] {strides = array<i32>} : memref<128x128xf32, #tpu.memory_space<vmem>>, vector<16xf32>,
        %mul3A_353 = arith.mulf %get3A_352, %gather3A_342 : vector<16xf32>
        %swap3A_354 = arith.index_cast %add3A_304 : i32 to index
        %swap3A_355 = arith.constant 80 : index
        %swap3A_356 = tpu.vector_load %arg26[%swap3A_354, %swap3A_355] {strides = array<i32>} : memref<128x128xf32, #tpu.memory_space<vmem>>, vector<16xf32>,
        tpu.vector_store %arg26[%swap3A_354, %swap3A_355], %mul3A_353 {strides = array<i32>} : memref<128x128xf32, #tpu.memory_space<vmem>>, vector<16xf32>,
        %get3A_357 = arith.index_cast %add3A_304 : i32 to index
        %get3A_358 = arith.constant 96 : index
        %get3A_359 = tpu.vector_load %arg26[%get3A_357, %get3A_358] {strides = array<i32>} : memref<128x128xf32, #tpu.memory_space<vmem>>, vector<16xf32>,
        %mul3A_360 = arith.mulf %get3A_359, %gather3A_342 : vector<16xf32>
        %swap3A_361 = arith.index_cast %add3A_304 : i32 to index
        %swap3A_362 = arith.constant 96 : index
        %swap3A_363 = tpu.vector_load %arg26[%swap3A_361, %swap3A_362] {strides = array<i32>} : memref<128x128xf32, #tpu.memory_space<vmem>>, vector<16xf32>,
        tpu.vector_store %arg26[%swap3A_361, %swap3A_362], %mul3A_360 {strides = array<i32>} : memref<128x128xf32, #tpu.memory_space<vmem>>, vector<16xf32>,
        %get3A_364 = arith.index_cast %add3A_304 : i32 to index
        %get3A_365 = arith.constant 112 : index
        %get3A_366 = tpu.vector_load %arg26[%get3A_364, %get3A_365] {strides = array<i32>} : memref<128x128xf32, #tpu.memory_space<vmem>>, vector<16xf32>,
        %mul3A_367 = arith.mulf %get3A_366, %gather3A_342 : vector<16xf32>
        %swap3A_368 = arith.index_cast %add3A_304 : i32 to index
        %swap3A_369 = arith.constant 112 : index
        %swap3A_370 = tpu.vector_load %arg26[%swap3A_368, %swap3A_369] {strides = array<i32>} : memref<128x128xf32, #tpu.memory_space<vmem>>, vector<16xf32>,
        tpu.vector_store %arg26[%swap3A_368, %swap3A_369], %mul3A_367 {strides = array<i32>} : memref<128x128xf32, #tpu.memory_space<vmem>>, vector<16xf32>,
        %scan3A_371 = arith.constant 0 : i32
        scf.yield %scan3A_371 : i32
      }
      %scan3A_91 = arith.constant 32 : i32
      "tpu.region"() ({
        %run_scoped3A = tpu.sem_alloc : memref<!tpu.dma_semaphore, #tpu.memory_space<semaphore_mem>>
        %dma_start3A_93 = arith.constant 0 : i32
        %dma_start3A_94 = arith.constant 0 : i32
        %dma_start3A_95 = tpu.memref_slice %arg29[%dma_start3A_93, %dma_start3A_94] : memref<10112x128xf32, #tpu.memory_space<vmem_shared>> -> memref<10112x128xf32, #tpu.memory_space<vmem_shared>>
        tpu.enqueue_indirect_dma source(%arg26 : memref<128x128xf32, #tpu.memory_space<vmem>>) target(%dma_start3A_95 : memref<10112x128xf32, #tpu.memory_space<vmem_shared>>) offsets(%arg22 : memref<128xi32, #tpu.memory_space<vmem>>) semaphore(%run_scoped3A : memref<!tpu.dma_semaphore, #tpu.memory_space<semaphore_mem>>) {add = true}
        %dma_wait3A_96 = arith.constant 0 : i32
        %dma_wait3A_97 = arith.constant 0 : i32
        %dma_wait3A_98 = tpu.memref_slice %arg29[%dma_wait3A_96, %dma_wait3A_97] : memref<10112x128xf32, #tpu.memory_space<vmem_shared>> -> memref<10112x128xf32, #tpu.memory_space<vmem_shared>>
        tpu.wait_indirect_dma semaphore(%run_scoped3A : memref<!tpu.dma_semaphore, #tpu.memory_space<semaphore_mem>>) src(%arg26 : memref<128x128xf32, #tpu.memory_space<vmem>>) dst(%dma_wait3A_98 : memref<10112x128xf32, #tpu.memory_space<vmem_shared>>)
        tpu.yield
      }) : () -> ()
      "tpu.region"() ({
        %run_scoped3A = tpu.sem_alloc : memref<!tpu.dma_semaphore, #tpu.memory_space<semaphore_mem>>
        %dma_start3A_93 = arith.constant 0 : i32
        %dma_start3A_94 = arith.constant 0 : i32
        %dma_start3A_95 = tpu.memref_slice %arg30[%dma_start3A_93, %dma_start3A_94] : memref<10112x16xf32, #tpu.memory_space<vmem_shared>> -> memref<10112x16xf32, #tpu.memory_space<vmem_shared>>
        tpu.enqueue_indirect_dma source(%arg28 : memref<128x16xf32, #tpu.memory_space<vmem>>) target(%dma_start3A_95 : memref<10112x16xf32, #tpu.memory_space<vmem_shared>>) offsets(%arg22 : memref<128xi32, #tpu.memory_space<vmem>>) semaphore(%run_scoped3A : memref<!tpu.dma_semaphore, #tpu.memory_space<semaphore_mem>>) {add = true}
        %dma_wait3A_96 = arith.constant 0 : i32
        %dma_wait3A_97 = arith.constant 0 : i32
        %dma_wait3A_98 = tpu.memref_slice %arg30[%dma_wait3A_96, %dma_wait3A_97] : memref<10112x16xf32, #tpu.memory_space<vmem_shared>> -> memref<10112x16xf32, #tpu.memory_space<vmem_shared>>
        tpu.wait_indirect_dma semaphore(%run_scoped3A : memref<!tpu.dma_semaphore, #tpu.memory_space<semaphore_mem>>) src(%arg28 : memref<128x16xf32, #tpu.memory_space<vmem>>) dst(%dma_wait3A_98 : memref<10112x16xf32, #tpu.memory_space<vmem_shared>>)
        tpu.yield
      }) : () -> ()
      %scan3A_92 = arith.constant 0 : i32
      scf.yield %scan3A_92 : i32
    }
    %scan3A_12 = arith.constant 81 : i32
    %barrier3A_13 = arith.constant 0 : index
    tpu.barrier barrier_id(%barrier3A_13)
    "tpu.region"() ({
      %run_scoped3A = tpu.sem_alloc : memref<!tpu.dma_semaphore, #tpu.memory_space<semaphore_mem>>
      %dma_start3A = arith.constant 0 : i32
      %dma_start3A_14 = tpu.memref_slice %arg13[%arg0, %mul3A_2, %dma_start3A] : memref<2x10112x128xf32, #tpu.memory_space<hbm>> -> memref<1x632x128xf32, #tpu.memory_space<hbm>>
      %dma_start3A_15 = tpu.memref_squeeze %dma_start3A_14 : memref<1x632x128xf32, #tpu.memory_space<hbm>> -> memref<632x128xf32, #tpu.memory_space<hbm>>
      %dma_start3A_16 = arith.constant 0 : i32
      %dma_start3A_17 = tpu.memref_slice %arg29[%mul3A_2, %dma_start3A_16] : memref<10112x128xf32, #tpu.memory_space<vmem_shared>> -> memref<632x128xf32, #tpu.memory_space<vmem_shared>>
      tpu.enqueue_dma source(%dma_start3A_17 : memref<632x128xf32, #tpu.memory_space<vmem_shared>>) target(%dma_start3A_15 : memref<632x128xf32, #tpu.memory_space<hbm>>) target_semaphore(%run_scoped3A : memref<!tpu.dma_semaphore, #tpu.memory_space<semaphore_mem>>)
      %dma_wait3A = arith.constant 0 : i32
      %dma_wait3A_18 = tpu.memref_slice %arg13[%arg0, %mul3A_2, %dma_wait3A] : memref<2x10112x128xf32, #tpu.memory_space<hbm>> -> memref<1x632x128xf32, #tpu.memory_space<hbm>>
      %dma_wait3A_19 = tpu.memref_squeeze %dma_wait3A_18 : memref<1x632x128xf32, #tpu.memory_space<hbm>> -> memref<632x128xf32, #tpu.memory_space<hbm>>
      %dma_wait3A_20 = arith.constant 0 : i32
      %dma_wait3A_21 = tpu.memref_slice %arg29[%mul3A_2, %dma_wait3A_20] : memref<10112x128xf32, #tpu.memory_space<vmem_shared>> -> memref<632x128xf32, #tpu.memory_space<vmem_shared>>
      tpu.wait_dma2 semaphore(%run_scoped3A : memref<!tpu.dma_semaphore, #tpu.memory_space<semaphore_mem>>) src(%dma_wait3A_21 : memref<632x128xf32, #tpu.memory_space<vmem_shared>>) dst(%dma_wait3A_19 : memref<632x128xf32, #tpu.memory_space<hbm>>)
      tpu.yield
    }) : () -> ()
    "tpu.region"() ({
      %run_scoped3A = tpu.sem_alloc : memref<!tpu.dma_semaphore, #tpu.memory_space<semaphore_mem>>
      %dma_start3A = arith.constant 0 : i32
      %dma_start3A_14 = tpu.memref_slice %arg14[%arg0, %mul3A_2, %dma_start3A] : memref<2x10112x16xf32, #tpu.memory_space<hbm>> -> memref<1x632x16xf32, #tpu.memory_space<hbm>>
      %dma_start3A_15 = tpu.memref_squeeze %dma_start3A_14 : memref<1x632x16xf32, #tpu.memory_space<hbm>> -> memref<632x16xf32, #tpu.memory_space<hbm>>
      %dma_start3A_16 = arith.constant 0 : i32
      %dma_start3A_17 = tpu.memref_slice %arg30[%mul3A_2, %dma_start3A_16] : memref<10112x16xf32, #tpu.memory_space<vmem_shared>> -> memref<632x16xf32, #tpu.memory_space<vmem_shared>>
      tpu.enqueue_dma source(%dma_start3A_17 : memref<632x16xf32, #tpu.memory_space<vmem_shared>>) target(%dma_start3A_15 : memref<632x16xf32, #tpu.memory_space<hbm>>) target_semaphore(%run_scoped3A : memref<!tpu.dma_semaphore, #tpu.memory_space<semaphore_mem>>)
      %dma_wait3A = arith.constant 0 : i32
      %dma_wait3A_18 = tpu.memref_slice %arg14[%arg0, %mul3A_2, %dma_wait3A] : memref<2x10112x16xf32, #tpu.memory_space<hbm>> -> memref<1x632x16xf32, #tpu.memory_space<hbm>>
      %dma_wait3A_19 = tpu.memref_squeeze %dma_wait3A_18 : memref<1x632x16xf32, #tpu.memory_space<hbm>> -> memref<632x16xf32, #tpu.memory_space<hbm>>
      %dma_wait3A_20 = arith.constant 0 : i32
      %dma_wait3A_21 = tpu.memref_slice %arg30[%mul3A_2, %dma_wait3A_20] : memref<10112x16xf32, #tpu.memory_space<vmem_shared>> -> memref<632x16xf32, #tpu.memory_space<vmem_shared>>
      tpu.wait_dma2 semaphore(%run_scoped3A : memref<!tpu.dma_semaphore, #tpu.memory_space<semaphore_mem>>) src(%dma_wait3A_21 : memref<632x16xf32, #tpu.memory_space<vmem_shared>>) dst(%dma_wait3A_19 : memref<632x16xf32, #tpu.memory_space<hbm>>)
      tpu.yield
    }) : () -> ()
    return
  }
}

#map = affine_map<(d0, d1) -> (0)>
#map1 = affine_map<(d0, d1) -> (0, 0)>
#map2 = affine_map<(d0, d1) -> (0, 0, 0)>
module attributes {stable_mosaic.version = 14 : i64} {
  func.func @k(%arg0: i32, %arg1: i32, %arg2: memref<331776xi32, #tpu.memory_space<hbm>>, %arg3: memref<331776xi32, #tpu.memory_space<hbm>>, %arg4: memref<10000x128xf32, #tpu.memory_space<hbm>>, %arg5: memref<10112x128xf32, #tpu.memory_space<hbm>>, %arg6: memref<10112x16xf32, #tpu.memory_space<hbm>>, %arg7: memref<10000xf32, #tpu.memory_space<hbm>>, %arg8: memref<10000xf32, #tpu.memory_space<hbm>>, %arg9: memref<10000xf32, #tpu.memory_space<hbm>>, %arg10: memref<2x10112x128xf32, #tpu.memory_space<hbm>>, %arg11: memref<2x10112x16xf32, #tpu.memory_space<hbm>>, %arg12: memref<10000xf32, #tpu.memory_space<vmem_shared>>, %arg13: memref<10000xf32, #tpu.memory_space<vmem_shared>>, %arg14: memref<10000xf32, #tpu.memory_space<vmem_shared>>, %arg15: memref<128xi32, #tpu.memory_space<vmem>>, %arg16: memref<128xi32, #tpu.memory_space<vmem>>, %arg17: memref<128xf32, #tpu.memory_space<vmem>>, %arg18: memref<128xf32, #tpu.memory_space<vmem>>, %arg19: memref<128xf32, #tpu.memory_space<vmem>>, %arg20: memref<128x128xf32, #tpu.memory_space<vmem>>, %arg21: memref<128xf32, #tpu.memory_space<vmem>>, %arg22: memref<128x16xf32, #tpu.memory_space<vmem>>, %arg23: memref<10112x128xf32, #tpu.memory_space<vmem_shared>>, %arg24: memref<10112x16xf32, #tpu.memory_space<vmem_shared>>, %arg25: memref<!tpu.dma_semaphore, #tpu.memory_space<semaphore_mem>>) attributes {dimension_semantics = [#tpu.dimension_semantics<core_parallel>, #tpu.dimension_semantics<subcore_parallel>], iteration_bounds = array<i64: 2, 16>, scalar_prefetch = 0 : i64, scratch_operands = 14 : i64, tpu.core_type = #tpu.core_type<sc_vector_subcore>, window_params = [{transform_indices = #map}, {transform_indices = #map}, {transform_indices = #map1}, {transform_indices = #map1}, {transform_indices = #map1}, {transform_indices = #map}, {transform_indices = #map}, {transform_indices = #map}, {transform_indices = #map2}, {transform_indices = #map2}]} {
    %mul3A = arith.constant 2 : i32
    %mul3A_0 = arith.muli %arg1, %mul3A : i32
    %add3A = arith.addi %mul3A_0, %arg0 : i32
    %mul3A_1 = arith.constant 632 : i32
    %mul3A_2 = arith.muli %arg1, %mul3A_1 : i32
    %eq3A = arith.constant 0 : i32
    %eq3A_3 = arith.cmpi eq, %arg1, %eq3A : i32
    %convert_element_type3A = arith.extui %eq3A_3 : i1 to i32
    %cond3A = arith.constant 0 : i32
    %cond3A_4 = arith.cmpi ne, %convert_element_type3A, %cond3A : i32
    scf.if %cond3A_4 {
      "tpu.region"() ({
        %run_scoped3A = tpu.sem_alloc : memref<!tpu.dma_semaphore, #tpu.memory_space<semaphore_mem>>
        tpu.enqueue_dma source(%arg7 : memref<10000xf32, #tpu.memory_space<hbm>>) target(%arg12 : memref<10000xf32, #tpu.memory_space<vmem_shared>>) target_semaphore(%run_scoped3A : memref<!tpu.dma_semaphore, #tpu.memory_space<semaphore_mem>>)
        tpu.wait_dma2 semaphore(%run_scoped3A : memref<!tpu.dma_semaphore, #tpu.memory_space<semaphore_mem>>) src(%arg7 : memref<10000xf32, #tpu.memory_space<hbm>>) dst(%arg12 : memref<10000xf32, #tpu.memory_space<vmem_shared>>)
        tpu.yield
      }) : () -> ()
      "tpu.region"() ({
        %run_scoped3A = tpu.sem_alloc : memref<!tpu.dma_semaphore, #tpu.memory_space<semaphore_mem>>
        tpu.enqueue_dma source(%arg8 : memref<10000xf32, #tpu.memory_space<hbm>>) target(%arg13 : memref<10000xf32, #tpu.memory_space<vmem_shared>>) target_semaphore(%run_scoped3A : memref<!tpu.dma_semaphore, #tpu.memory_space<semaphore_mem>>)
        tpu.wait_dma2 semaphore(%run_scoped3A : memref<!tpu.dma_semaphore, #tpu.memory_space<semaphore_mem>>) src(%arg8 : memref<10000xf32, #tpu.memory_space<hbm>>) dst(%arg13 : memref<10000xf32, #tpu.memory_space<vmem_shared>>)
        tpu.yield
      }) : () -> ()
      "tpu.region"() ({
        %run_scoped3A = tpu.sem_alloc : memref<!tpu.dma_semaphore, #tpu.memory_space<semaphore_mem>>
        tpu.enqueue_dma source(%arg9 : memref<10000xf32, #tpu.memory_space<hbm>>) target(%arg14 : memref<10000xf32, #tpu.memory_space<vmem_shared>>) target_semaphore(%run_scoped3A : memref<!tpu.dma_semaphore, #tpu.memory_space<semaphore_mem>>)
        tpu.wait_dma2 semaphore(%run_scoped3A : memref<!tpu.dma_semaphore, #tpu.memory_space<semaphore_mem>>) src(%arg9 : memref<10000xf32, #tpu.memory_space<hbm>>) dst(%arg14 : memref<10000xf32, #tpu.memory_space<vmem_shared>>)
        tpu.yield
      }) : () -> ()
    } else {
    }
    "tpu.region"() ({
      %run_scoped3A = tpu.sem_alloc : memref<!tpu.dma_semaphore, #tpu.memory_space<semaphore_mem>>
      %dma_start3A = arith.constant 0 : i32
      %dma_start3A_14 = tpu.memref_slice %arg23[%mul3A_2, %dma_start3A] : memref<10112x128xf32, #tpu.memory_space<vmem_shared>> -> memref<632x128xf32, #tpu.memory_space<vmem_shared>>
      %dma_start3A_15 = arith.constant 0 : i32
      %dma_start3A_16 = tpu.memref_slice %arg5[%mul3A_2, %dma_start3A_15] : memref<10112x128xf32, #tpu.memory_space<hbm>> -> memref<632x128xf32, #tpu.memory_space<hbm>>
      tpu.enqueue_dma source(%dma_start3A_16 : memref<632x128xf32, #tpu.memory_space<hbm>>) target(%dma_start3A_14 : memref<632x128xf32, #tpu.memory_space<vmem_shared>>) target_semaphore(%run_scoped3A : memref<!tpu.dma_semaphore, #tpu.memory_space<semaphore_mem>>)
      %dma_wait3A = arith.constant 0 : i32
      %dma_wait3A_17 = tpu.memref_slice %arg23[%mul3A_2, %dma_wait3A] : memref<10112x128xf32, #tpu.memory_space<vmem_shared>> -> memref<632x128xf32, #tpu.memory_space<vmem_shared>>
      %dma_wait3A_18 = arith.constant 0 : i32
      %dma_wait3A_19 = tpu.memref_slice %arg5[%mul3A_2, %dma_wait3A_18] : memref<10112x128xf32, #tpu.memory_space<hbm>> -> memref<632x128xf32, #tpu.memory_space<hbm>>
      tpu.wait_dma2 semaphore(%run_scoped3A : memref<!tpu.dma_semaphore, #tpu.memory_space<semaphore_mem>>) src(%dma_wait3A_19 : memref<632x128xf32, #tpu.memory_space<hbm>>) dst(%dma_wait3A_17 : memref<632x128xf32, #tpu.memory_space<vmem_shared>>)
      tpu.yield
    }) : () -> ()
    "tpu.region"() ({
      %run_scoped3A = tpu.sem_alloc : memref<!tpu.dma_semaphore, #tpu.memory_space<semaphore_mem>>
      %dma_start3A = arith.constant 0 : i32
      %dma_start3A_14 = tpu.memref_slice %arg24[%mul3A_2, %dma_start3A] : memref<10112x16xf32, #tpu.memory_space<vmem_shared>> -> memref<632x16xf32, #tpu.memory_space<vmem_shared>>
      %dma_start3A_15 = arith.constant 0 : i32
      %dma_start3A_16 = tpu.memref_slice %arg6[%mul3A_2, %dma_start3A_15] : memref<10112x16xf32, #tpu.memory_space<hbm>> -> memref<632x16xf32, #tpu.memory_space<hbm>>
      tpu.enqueue_dma source(%dma_start3A_16 : memref<632x16xf32, #tpu.memory_space<hbm>>) target(%dma_start3A_14 : memref<632x16xf32, #tpu.memory_space<vmem_shared>>) target_semaphore(%run_scoped3A : memref<!tpu.dma_semaphore, #tpu.memory_space<semaphore_mem>>)
      %dma_wait3A = arith.constant 0 : i32
      %dma_wait3A_17 = tpu.memref_slice %arg24[%mul3A_2, %dma_wait3A] : memref<10112x16xf32, #tpu.memory_space<vmem_shared>> -> memref<632x16xf32, #tpu.memory_space<vmem_shared>>
      %dma_wait3A_18 = arith.constant 0 : i32
      %dma_wait3A_19 = tpu.memref_slice %arg6[%mul3A_2, %dma_wait3A_18] : memref<10112x16xf32, #tpu.memory_space<hbm>> -> memref<632x16xf32, #tpu.memory_space<hbm>>
      tpu.wait_dma2 semaphore(%run_scoped3A : memref<!tpu.dma_semaphore, #tpu.memory_space<semaphore_mem>>) src(%dma_wait3A_19 : memref<632x16xf32, #tpu.memory_space<hbm>>) dst(%dma_wait3A_17 : memref<632x16xf32, #tpu.memory_space<vmem_shared>>)
      tpu.yield
    }) : () -> ()
    %barrier3A = arith.constant 0 : index
    tpu.barrier barrier_id(%barrier3A)
    %mul3A_5 = arith.constant 10368 : i32
    %mul3A_6 = arith.muli %add3A, %mul3A_5 : i32
    %iota3A = tpu.iota {dimensions = array<i32: 0>} : vector<16xi32>
    %scan3A = arith.constant 0 : i32
    %scan3A_7 = arith.constant 0 : i32
    %scan3A_8 = arith.constant 81 : i32
    %scan3A_9 = arith.addi %scan3A_7, %scan3A_8 : i32
    %scan3A_10 = arith.constant 1 : i32
    %scan3A_11 = scf.for %scan3A_14 = %scan3A_7 to %scan3A_9 step %scan3A_10 iter_args(%scan3A_15 = %scan3A) -> (i32)  : i32 {
      %mul3A_16 = arith.constant 128 : i32
      %mul3A_17 = arith.muli %scan3A_14, %mul3A_16 : i32
      %add3A_18 = arith.addi %mul3A_6, %mul3A_17 : i32
      "tpu.region"() ({
        %run_scoped3A = tpu.sem_alloc : memref<!tpu.dma_semaphore, #tpu.memory_space<semaphore_mem>>
        %dma_start3A_69 = tpu.memref_slice %arg2[%add3A_18] : memref<331776xi32, #tpu.memory_space<hbm>> -> memref<128xi32, #tpu.memory_space<hbm>>
        %dma_start3A_70 = tpu.memref_slice %arg2[%add3A_18] : memref<331776xi32, #tpu.memory_space<hbm>> -> memref<128xi32, #tpu.memory_space<hbm>>
        tpu.enqueue_dma source(%dma_start3A_70 : memref<128xi32, #tpu.memory_space<hbm>>) target(%arg15 : memref<128xi32, #tpu.memory_space<vmem>>) target_semaphore(%run_scoped3A : memref<!tpu.dma_semaphore, #tpu.memory_space<semaphore_mem>>)
        %dma_wait3A_71 = tpu.memref_slice %arg2[%add3A_18] : memref<331776xi32, #tpu.memory_space<hbm>> -> memref<128xi32, #tpu.memory_space<hbm>>
        %dma_wait3A_72 = tpu.memref_slice %arg2[%add3A_18] : memref<331776xi32, #tpu.memory_space<hbm>> -> memref<128xi32, #tpu.memory_space<hbm>>
        tpu.wait_dma2 semaphore(%run_scoped3A : memref<!tpu.dma_semaphore, #tpu.memory_space<semaphore_mem>>) src(%dma_wait3A_72 : memref<128xi32, #tpu.memory_space<hbm>>) dst(%arg15 : memref<128xi32, #tpu.memory_space<vmem>>)
        tpu.yield
      }) : () -> ()
      "tpu.region"() ({
        %run_scoped3A = tpu.sem_alloc : memref<!tpu.dma_semaphore, #tpu.memory_space<semaphore_mem>>
        %dma_start3A_69 = tpu.memref_slice %arg3[%add3A_18] : memref<331776xi32, #tpu.memory_space<hbm>> -> memref<128xi32, #tpu.memory_space<hbm>>
        %dma_start3A_70 = tpu.memref_slice %arg3[%add3A_18] : memref<331776xi32, #tpu.memory_space<hbm>> -> memref<128xi32, #tpu.memory_space<hbm>>
        tpu.enqueue_dma source(%dma_start3A_70 : memref<128xi32, #tpu.memory_space<hbm>>) target(%arg16 : memref<128xi32, #tpu.memory_space<vmem>>) target_semaphore(%run_scoped3A : memref<!tpu.dma_semaphore, #tpu.memory_space<semaphore_mem>>)
        %dma_wait3A_71 = tpu.memref_slice %arg3[%add3A_18] : memref<331776xi32, #tpu.memory_space<hbm>> -> memref<128xi32, #tpu.memory_space<hbm>>
        %dma_wait3A_72 = tpu.memref_slice %arg3[%add3A_18] : memref<331776xi32, #tpu.memory_space<hbm>> -> memref<128xi32, #tpu.memory_space<hbm>>
        tpu.wait_dma2 semaphore(%run_scoped3A : memref<!tpu.dma_semaphore, #tpu.memory_space<semaphore_mem>>) src(%dma_wait3A_72 : memref<128xi32, #tpu.memory_space<hbm>>) dst(%arg16 : memref<128xi32, #tpu.memory_space<vmem>>)
        tpu.yield
      }) : () -> ()
      %dma_start3A = arith.constant 0 : i32
      %dma_start3A_19 = arith.constant 0 : i32
      %dma_start3A_20 = tpu.memref_slice %arg4[%dma_start3A, %dma_start3A_19] : memref<10000x128xf32, #tpu.memory_space<hbm>> -> memref<10000x128xf32, #tpu.memory_space<hbm>>
      tpu.enqueue_indirect_dma source(%dma_start3A_20 : memref<10000x128xf32, #tpu.memory_space<hbm>>) target(%arg20 : memref<128x128xf32, #tpu.memory_space<vmem>>) offsets(%arg15 : memref<128xi32, #tpu.memory_space<vmem>>) semaphore(%arg25 : memref<!tpu.dma_semaphore, #tpu.memory_space<semaphore_mem>>)
      %dma_wait3A = arith.constant 0 : i32
      %dma_wait3A_21 = arith.constant 0 : i32
      %dma_wait3A_22 = tpu.memref_slice %arg4[%dma_wait3A, %dma_wait3A_21] : memref<10000x128xf32, #tpu.memory_space<hbm>> -> memref<10000x128xf32, #tpu.memory_space<hbm>>
      tpu.wait_indirect_dma semaphore(%arg25 : memref<!tpu.dma_semaphore, #tpu.memory_space<semaphore_mem>>) src(%dma_wait3A_22 : memref<10000x128xf32, #tpu.memory_space<hbm>>) dst(%arg20 : memref<128x128xf32, #tpu.memory_space<vmem>>)
      %dma_start3A_23 = arith.constant 0 : i32
      %dma_start3A_24 = tpu.memref_slice %arg17[%dma_start3A_23] : memref<128xf32, #tpu.memory_space<vmem>> -> memref<128xf32, #tpu.memory_space<vmem>>
      %dma_start3A_25 = arith.constant 0 : i32
      %dma_start3A_26 = tpu.memref_slice %arg12[%dma_start3A_25] : memref<10000xf32, #tpu.memory_space<vmem_shared>> -> memref<10000xf32, #tpu.memory_space<vmem_shared>>
      tpu.enqueue_indirect_dma source(%dma_start3A_26 : memref<10000xf32, #tpu.memory_space<vmem_shared>>) target(%dma_start3A_24 : memref<128xf32, #tpu.memory_space<vmem>>) offsets(%arg15 : memref<128xi32, #tpu.memory_space<vmem>>) semaphore(%arg25 : memref<!tpu.dma_semaphore, #tpu.memory_space<semaphore_mem>>)
      %dma_wait3A_27 = arith.constant 0 : i32
      %dma_wait3A_28 = tpu.memref_slice %arg17[%dma_wait3A_27] : memref<128xf32, #tpu.memory_space<vmem>> -> memref<128xf32, #tpu.memory_space<vmem>>
      %dma_wait3A_29 = arith.constant 0 : i32
      %dma_wait3A_30 = tpu.memref_slice %arg12[%dma_wait3A_29] : memref<10000xf32, #tpu.memory_space<vmem_shared>> -> memref<10000xf32, #tpu.memory_space<vmem_shared>>
      tpu.wait_indirect_dma semaphore(%arg25 : memref<!tpu.dma_semaphore, #tpu.memory_space<semaphore_mem>>) src(%dma_wait3A_30 : memref<10000xf32, #tpu.memory_space<vmem_shared>>) dst(%dma_wait3A_28 : memref<128xf32, #tpu.memory_space<vmem>>)
      %dma_start3A_31 = arith.constant 0 : i32
      %dma_start3A_32 = tpu.memref_slice %arg18[%dma_start3A_31] : memref<128xf32, #tpu.memory_space<vmem>> -> memref<128xf32, #tpu.memory_space<vmem>>
      %dma_start3A_33 = arith.constant 0 : i32
      %dma_start3A_34 = tpu.memref_slice %arg13[%dma_start3A_33] : memref<10000xf32, #tpu.memory_space<vmem_shared>> -> memref<10000xf32, #tpu.memory_space<vmem_shared>>
      tpu.enqueue_indirect_dma source(%dma_start3A_34 : memref<10000xf32, #tpu.memory_space<vmem_shared>>) target(%dma_start3A_32 : memref<128xf32, #tpu.memory_space<vmem>>) offsets(%arg16 : memref<128xi32, #tpu.memory_space<vmem>>) semaphore(%arg25 : memref<!tpu.dma_semaphore, #tpu.memory_space<semaphore_mem>>)
      %dma_wait3A_35 = arith.constant 0 : i32
      %dma_wait3A_36 = tpu.memref_slice %arg18[%dma_wait3A_35] : memref<128xf32, #tpu.memory_space<vmem>> -> memref<128xf32, #tpu.memory_space<vmem>>
      %dma_wait3A_37 = arith.constant 0 : i32
      %dma_wait3A_38 = tpu.memref_slice %arg13[%dma_wait3A_37] : memref<10000xf32, #tpu.memory_space<vmem_shared>> -> memref<10000xf32, #tpu.memory_space<vmem_shared>>
      tpu.wait_indirect_dma semaphore(%arg25 : memref<!tpu.dma_semaphore, #tpu.memory_space<semaphore_mem>>) src(%dma_wait3A_38 : memref<10000xf32, #tpu.memory_space<vmem_shared>>) dst(%dma_wait3A_36 : memref<128xf32, #tpu.memory_space<vmem>>)
      %dma_start3A_39 = arith.constant 0 : i32
      %dma_start3A_40 = tpu.memref_slice %arg19[%dma_start3A_39] : memref<128xf32, #tpu.memory_space<vmem>> -> memref<128xf32, #tpu.memory_space<vmem>>
      %dma_start3A_41 = arith.constant 0 : i32
      %dma_start3A_42 = tpu.memref_slice %arg14[%dma_start3A_41] : memref<10000xf32, #tpu.memory_space<vmem_shared>> -> memref<10000xf32, #tpu.memory_space<vmem_shared>>
      tpu.enqueue_indirect_dma source(%dma_start3A_42 : memref<10000xf32, #tpu.memory_space<vmem_shared>>) target(%dma_start3A_40 : memref<128xf32, #tpu.memory_space<vmem>>) offsets(%arg16 : memref<128xi32, #tpu.memory_space<vmem>>) semaphore(%arg25 : memref<!tpu.dma_semaphore, #tpu.memory_space<semaphore_mem>>)
      %dma_wait3A_43 = arith.constant 0 : i32
      %dma_wait3A_44 = tpu.memref_slice %arg19[%dma_wait3A_43] : memref<128xf32, #tpu.memory_space<vmem>> -> memref<128xf32, #tpu.memory_space<vmem>>
      %dma_wait3A_45 = arith.constant 0 : i32
      %dma_wait3A_46 = tpu.memref_slice %arg14[%dma_wait3A_45] : memref<10000xf32, #tpu.memory_space<vmem_shared>> -> memref<10000xf32, #tpu.memory_space<vmem_shared>>
      tpu.wait_indirect_dma semaphore(%arg25 : memref<!tpu.dma_semaphore, #tpu.memory_space<semaphore_mem>>) src(%dma_wait3A_46 : memref<10000xf32, #tpu.memory_space<vmem_shared>>) dst(%dma_wait3A_44 : memref<128xf32, #tpu.memory_space<vmem>>)
      %scan3A_47 = arith.constant 0 : i32
      %scan3A_48 = arith.constant 0 : i32
      %scan3A_49 = arith.constant 16 : i32
      %scan3A_50 = arith.addi %scan3A_48, %scan3A_49 : i32
      %scan3A_51 = arith.constant 1 : i32
      %scan3A_52 = scf.for %scan3A_69 = %scan3A_48 to %scan3A_50 step %scan3A_51 iter_args(%scan3A_70 = %scan3A_47) -> (i32)  : i32 {
        %broadcast_in_dim3A = arith.constant 0.000000e+00 : f32
        %broadcast_in_dim3A_71 = vector.broadcast %broadcast_in_dim3A : f32 to vector<16xf32>
        %mul3A_72 = arith.constant 8 : i32
        %mul3A_73 = arith.muli %scan3A_69, %mul3A_72 : i32
        %add3A_74 = arith.constant 0 : i32
        %add3A_75 = arith.addi %mul3A_73, %add3A_74 : i32
        %swap3A = arith.index_cast %add3A_75 : i32 to index
        %swap3A_76 = arith.constant 0 : index
        %swap3A_77 = tpu.vector_load %arg22[%swap3A, %swap3A_76] {strides = array<i32>} : memref<128x16xf32, #tpu.memory_space<vmem>>, vector<16xf32>,
        tpu.vector_store %arg22[%swap3A, %swap3A_76], %broadcast_in_dim3A_71 {strides = array<i32>} : memref<128x16xf32, #tpu.memory_space<vmem>>, vector<16xf32>,
        %broadcast_in_dim3A_78 = arith.constant 0.000000e+00 : f32
        %broadcast_in_dim3A_79 = vector.broadcast %broadcast_in_dim3A_78 : f32 to vector<16xf32>
        %mul3A_80 = arith.constant 8 : i32
        %mul3A_81 = arith.muli %scan3A_69, %mul3A_80 : i32
        %add3A_82 = arith.constant 1 : i32
        %add3A_83 = arith.addi %mul3A_81, %add3A_82 : i32
        %swap3A_84 = arith.index_cast %add3A_83 : i32 to index
        %swap3A_85 = arith.constant 0 : index
        %swap3A_86 = tpu.vector_load %arg22[%swap3A_84, %swap3A_85] {strides = array<i32>} : memref<128x16xf32, #tpu.memory_space<vmem>>, vector<16xf32>,
        tpu.vector_store %arg22[%swap3A_84, %swap3A_85], %broadcast_in_dim3A_79 {strides = array<i32>} : memref<128x16xf32, #tpu.memory_space<vmem>>, vector<16xf32>,
        %broadcast_in_dim3A_87 = arith.constant 0.000000e+00 : f32
        %broadcast_in_dim3A_88 = vector.broadcast %broadcast_in_dim3A_87 : f32 to vector<16xf32>
        %mul3A_89 = arith.constant 8 : i32
        %mul3A_90 = arith.muli %scan3A_69, %mul3A_89 : i32
        %add3A_91 = arith.constant 2 : i32
        %add3A_92 = arith.addi %mul3A_90, %add3A_91 : i32
        %swap3A_93 = arith.index_cast %add3A_92 : i32 to index
        %swap3A_94 = arith.constant 0 : index
        %swap3A_95 = tpu.vector_load %arg22[%swap3A_93, %swap3A_94] {strides = array<i32>} : memref<128x16xf32, #tpu.memory_space<vmem>>, vector<16xf32>,
        tpu.vector_store %arg22[%swap3A_93, %swap3A_94], %broadcast_in_dim3A_88 {strides = array<i32>} : memref<128x16xf32, #tpu.memory_space<vmem>>, vector<16xf32>,
        %broadcast_in_dim3A_96 = arith.constant 0.000000e+00 : f32
        %broadcast_in_dim3A_97 = vector.broadcast %broadcast_in_dim3A_96 : f32 to vector<16xf32>
        %mul3A_98 = arith.constant 8 : i32
        %mul3A_99 = arith.muli %scan3A_69, %mul3A_98 : i32
        %add3A_100 = arith.constant 3 : i32
        %add3A_101 = arith.addi %mul3A_99, %add3A_100 : i32
        %swap3A_102 = arith.index_cast %add3A_101 : i32 to index
        %swap3A_103 = arith.constant 0 : index
        %swap3A_104 = tpu.vector_load %arg22[%swap3A_102, %swap3A_103] {strides = array<i32>} : memref<128x16xf32, #tpu.memory_space<vmem>>, vector<16xf32>,
        tpu.vector_store %arg22[%swap3A_102, %swap3A_103], %broadcast_in_dim3A_97 {strides = array<i32>} : memref<128x16xf32, #tpu.memory_space<vmem>>, vector<16xf32>,
        %broadcast_in_dim3A_105 = arith.constant 0.000000e+00 : f32
        %broadcast_in_dim3A_106 = vector.broadcast %broadcast_in_dim3A_105 : f32 to vector<16xf32>
        %mul3A_107 = arith.constant 8 : i32
        %mul3A_108 = arith.muli %scan3A_69, %mul3A_107 : i32
        %add3A_109 = arith.constant 4 : i32
        %add3A_110 = arith.addi %mul3A_108, %add3A_109 : i32
        %swap3A_111 = arith.index_cast %add3A_110 : i32 to index
        %swap3A_112 = arith.constant 0 : index
        %swap3A_113 = tpu.vector_load %arg22[%swap3A_111, %swap3A_112] {strides = array<i32>} : memref<128x16xf32, #tpu.memory_space<vmem>>, vector<16xf32>,
        tpu.vector_store %arg22[%swap3A_111, %swap3A_112], %broadcast_in_dim3A_106 {strides = array<i32>} : memref<128x16xf32, #tpu.memory_space<vmem>>, vector<16xf32>,
        %broadcast_in_dim3A_114 = arith.constant 0.000000e+00 : f32
        %broadcast_in_dim3A_115 = vector.broadcast %broadcast_in_dim3A_114 : f32 to vector<16xf32>
        %mul3A_116 = arith.constant 8 : i32
        %mul3A_117 = arith.muli %scan3A_69, %mul3A_116 : i32
        %add3A_118 = arith.constant 5 : i32
        %add3A_119 = arith.addi %mul3A_117, %add3A_118 : i32
        %swap3A_120 = arith.index_cast %add3A_119 : i32 to index
        %swap3A_121 = arith.constant 0 : index
        %swap3A_122 = tpu.vector_load %arg22[%swap3A_120, %swap3A_121] {strides = array<i32>} : memref<128x16xf32, #tpu.memory_space<vmem>>, vector<16xf32>,
        tpu.vector_store %arg22[%swap3A_120, %swap3A_121], %broadcast_in_dim3A_115 {strides = array<i32>} : memref<128x16xf32, #tpu.memory_space<vmem>>, vector<16xf32>,
        %broadcast_in_dim3A_123 = arith.constant 0.000000e+00 : f32
        %broadcast_in_dim3A_124 = vector.broadcast %broadcast_in_dim3A_123 : f32 to vector<16xf32>
        %mul3A_125 = arith.constant 8 : i32
        %mul3A_126 = arith.muli %scan3A_69, %mul3A_125 : i32
        %add3A_127 = arith.constant 6 : i32
        %add3A_128 = arith.addi %mul3A_126, %add3A_127 : i32
        %swap3A_129 = arith.index_cast %add3A_128 : i32 to index
        %swap3A_130 = arith.constant 0 : index
        %swap3A_131 = tpu.vector_load %arg22[%swap3A_129, %swap3A_130] {strides = array<i32>} : memref<128x16xf32, #tpu.memory_space<vmem>>, vector<16xf32>,
        tpu.vector_store %arg22[%swap3A_129, %swap3A_130], %broadcast_in_dim3A_124 {strides = array<i32>} : memref<128x16xf32, #tpu.memory_space<vmem>>, vector<16xf32>,
        %broadcast_in_dim3A_132 = arith.constant 0.000000e+00 : f32
        %broadcast_in_dim3A_133 = vector.broadcast %broadcast_in_dim3A_132 : f32 to vector<16xf32>
        %mul3A_134 = arith.constant 8 : i32
        %mul3A_135 = arith.muli %scan3A_69, %mul3A_134 : i32
        %add3A_136 = arith.constant 7 : i32
        %add3A_137 = arith.addi %mul3A_135, %add3A_136 : i32
        %swap3A_138 = arith.index_cast %add3A_137 : i32 to index
        %swap3A_139 = arith.constant 0 : index
        %swap3A_140 = tpu.vector_load %arg22[%swap3A_138, %swap3A_139] {strides = array<i32>} : memref<128x16xf32, #tpu.memory_space<vmem>>, vector<16xf32>,
        tpu.vector_store %arg22[%swap3A_138, %swap3A_139], %broadcast_in_dim3A_133 {strides = array<i32>} : memref<128x16xf32, #tpu.memory_space<vmem>>, vector<16xf32>,
        %scan3A_141 = arith.constant 0 : i32
        scf.yield %scan3A_141 : i32
      }
      %scan3A_53 = arith.constant 16 : i32
      %scan3A_54 = arith.constant 0 : i32
      %scan3A_55 = arith.constant 0 : i32
      %scan3A_56 = arith.constant 8 : i32
      %scan3A_57 = arith.addi %scan3A_55, %scan3A_56 : i32
      %scan3A_58 = arith.constant 1 : i32
      %scan3A_59 = scf.for %scan3A_69 = %scan3A_55 to %scan3A_57 step %scan3A_58 iter_args(%scan3A_70 = %scan3A_54) -> (i32)  : i32 {
        %mul3A_71 = arith.constant 16 : i32
        %mul3A_72 = arith.muli %scan3A_69, %mul3A_71 : i32
        %add3A_73 = arith.addi %add3A_18, %mul3A_72 : i32
        %add3A_74 = vector.broadcast %add3A_73 : i32 to vector<16xi32>
        %add3A_75 = arith.addi %add3A_74, %iota3A : vector<16xi32>
        %lt3A = arith.constant 330000 : i32
        %lt3A_76 = vector.broadcast %lt3A : i32 to vector<16xi32>
        %lt3A_77 = arith.cmpi slt, %add3A_75, %lt3A_76 : vector<16xi32>
        %mul3A_78 = arith.constant 16 : i32
        %mul3A_79 = arith.muli %scan3A_69, %mul3A_78 : i32
        %add3A_80 = vector.broadcast %mul3A_79 : i32 to vector<16xi32>
        %add3A_81 = arith.addi %add3A_80, %iota3A : vector<16xi32>
        %mul3A_82 = arith.constant 16 : i32
        %mul3A_83 = arith.muli %scan3A_69, %mul3A_82 : i32
        %add3A_84 = arith.constant 0 : i32
        %add3A_85 = arith.addi %add3A_84, %mul3A_83 : i32
        %get3A = arith.index_cast %add3A_85 : i32 to index
        %get3A_86 = tpu.vector_load %arg17[%get3A] {strides = array<i32>} : memref<128xf32, #tpu.memory_space<vmem>>, vector<16xf32>,
        %mul3A_87 = arith.constant 16 : i32
        %mul3A_88 = arith.muli %scan3A_69, %mul3A_87 : i32
        %add3A_89 = arith.constant 0 : i32
        %add3A_90 = arith.addi %add3A_89, %mul3A_88 : i32
        %get3A_91 = arith.index_cast %add3A_90 : i32 to index
        %get3A_92 = tpu.vector_load %arg18[%get3A_91] {strides = array<i32>} : memref<128xf32, #tpu.memory_space<vmem>>, vector<16xf32>,
        %mul3A_93 = arith.constant 16 : i32
        %mul3A_94 = arith.muli %scan3A_69, %mul3A_93 : i32
        %add3A_95 = arith.constant 0 : i32
        %add3A_96 = arith.addi %add3A_95, %mul3A_94 : i32
        %get3A_97 = arith.index_cast %add3A_96 : i32 to index
        %get3A_98 = tpu.vector_load %arg19[%get3A_97] {strides = array<i32>} : memref<128xf32, #tpu.memory_space<vmem>>, vector<16xf32>,
        %add3A_99 = arith.addf %get3A_86, %get3A_92 : vector<16xf32>
        %mul3A_100 = arith.constant 2.000000e-01 : f32
        %mul3A_101 = vector.broadcast %mul3A_100 : f32 to vector<16xf32>
        %mul3A_102 = arith.mulf %mul3A_101, %add3A_99 : vector<16xf32>
        %max3A = arith.maximumf %add3A_99, %mul3A_102 : vector<16xf32>
        %sub3A = arith.subf %max3A, %get3A_98 : vector<16xf32>
        %exp3A = math.exp %sub3A : vector<16xf32>
        %broadcast_in_dim3A = arith.constant 0.000000e+00 : f32
        %broadcast_in_dim3A_103 = vector.broadcast %broadcast_in_dim3A : f32 to vector<16xf32>
        %select_n3A = arith.select %lt3A_77, %exp3A, %broadcast_in_dim3A_103 : vector<16xi1>, vector<16xf32>
        %mul3A_104 = arith.constant 16 : i32
        %mul3A_105 = arith.muli %scan3A_69, %mul3A_104 : i32
        %add3A_106 = arith.constant 0 : i32
        %add3A_107 = arith.addi %add3A_106, %mul3A_105 : i32
        %swap3A = arith.index_cast %add3A_107 : i32 to index
        %swap3A_108 = tpu.vector_load %arg21[%swap3A] {strides = array<i32>} : memref<128xf32, #tpu.memory_space<vmem>>, vector<16xf32>,
        tpu.vector_store %arg21[%swap3A], %select_n3A {strides = array<i32>} : memref<128xf32, #tpu.memory_space<vmem>>, vector<16xf32>,
        %broadcast_in_dim3A_109 = arith.constant 0 : i32
        %broadcast_in_dim3A_110 = vector.broadcast %broadcast_in_dim3A_109 : i32 to vector<16xi32>
        tpu.vector_store_idx %arg22[%add3A_81, %broadcast_in_dim3A_110], %select_n3A : memref<128x16xf32, #tpu.memory_space<vmem>>[vector<16xi32>, vector<16xi32>], vector<16xf32>,
        %scan3A_111 = arith.constant 0 : i32
        scf.yield %scan3A_111 : i32
      }
      %scan3A_60 = arith.constant 8 : i32
      %scan3A_61 = arith.constant 0 : i32
      %scan3A_62 = arith.constant 0 : i32
      %scan3A_63 = arith.constant 32 : i32
      %scan3A_64 = arith.addi %scan3A_62, %scan3A_63 : i32
      %scan3A_65 = arith.constant 1 : i32
      %scan3A_66 = scf.for %scan3A_69 = %scan3A_62 to %scan3A_64 step %scan3A_65 iter_args(%scan3A_70 = %scan3A_61) -> (i32)  : i32 {
        %mul3A_71 = arith.constant 4 : i32
        %mul3A_72 = arith.muli %scan3A_69, %mul3A_71 : i32
        %add3A_73 = arith.constant 0 : i32
        %add3A_74 = arith.addi %mul3A_72, %add3A_73 : i32
        %broadcast_in_dim3A = arith.constant 0 : i32
        %broadcast_in_dim3A_75 = vector.broadcast %broadcast_in_dim3A : i32 to vector<16xi32>
        %add3A_76 = vector.broadcast %add3A_74 : i32 to vector<16xi32>
        %add3A_77 = arith.addi %broadcast_in_dim3A_75, %add3A_76 : vector<16xi32>
        %gather3A = tpu.vector_load_idx %arg21[%add3A_77] : memref<128xf32, #tpu.memory_space<vmem>>[vector<16xi32>], vector<16xf32>,
        %get3A = arith.index_cast %add3A_74 : i32 to index
        %get3A_78 = arith.constant 0 : index
        %get3A_79 = tpu.vector_load %arg20[%get3A, %get3A_78] {strides = array<i32>} : memref<128x128xf32, #tpu.memory_space<vmem>>, vector<16xf32>,
        %mul3A_80 = arith.mulf %get3A_79, %gather3A : vector<16xf32>
        %swap3A = arith.index_cast %add3A_74 : i32 to index
        %swap3A_81 = arith.constant 0 : index
        %swap3A_82 = tpu.vector_load %arg20[%swap3A, %swap3A_81] {strides = array<i32>} : memref<128x128xf32, #tpu.memory_space<vmem>>, vector<16xf32>,
        tpu.vector_store %arg20[%swap3A, %swap3A_81], %mul3A_80 {strides = array<i32>} : memref<128x128xf32, #tpu.memory_space<vmem>>, vector<16xf32>,
        %get3A_83 = arith.index_cast %add3A_74 : i32 to index
        %get3A_84 = arith.constant 16 : index
        %get3A_85 = tpu.vector_load %arg20[%get3A_83, %get3A_84] {strides = array<i32>} : memref<128x128xf32, #tpu.memory_space<vmem>>, vector<16xf32>,
        %mul3A_86 = arith.mulf %get3A_85, %gather3A : vector<16xf32>
        %swap3A_87 = arith.index_cast %add3A_74 : i32 to index
        %swap3A_88 = arith.constant 16 : index
        %swap3A_89 = tpu.vector_load %arg20[%swap3A_87, %swap3A_88] {strides = array<i32>} : memref<128x128xf32, #tpu.memory_space<vmem>>, vector<16xf32>,
        tpu.vector_store %arg20[%swap3A_87, %swap3A_88], %mul3A_86 {strides = array<i32>} : memref<128x128xf32, #tpu.memory_space<vmem>>, vector<16xf32>,
        %get3A_90 = arith.index_cast %add3A_74 : i32 to index
        %get3A_91 = arith.constant 32 : index
        %get3A_92 = tpu.vector_load %arg20[%get3A_90, %get3A_91] {strides = array<i32>} : memref<128x128xf32, #tpu.memory_space<vmem>>, vector<16xf32>,
        %mul3A_93 = arith.mulf %get3A_92, %gather3A : vector<16xf32>
        %swap3A_94 = arith.index_cast %add3A_74 : i32 to index
        %swap3A_95 = arith.constant 32 : index
        %swap3A_96 = tpu.vector_load %arg20[%swap3A_94, %swap3A_95] {strides = array<i32>} : memref<128x128xf32, #tpu.memory_space<vmem>>, vector<16xf32>,
        tpu.vector_store %arg20[%swap3A_94, %swap3A_95], %mul3A_93 {strides = array<i32>} : memref<128x128xf32, #tpu.memory_space<vmem>>, vector<16xf32>,
        %get3A_97 = arith.index_cast %add3A_74 : i32 to index
        %get3A_98 = arith.constant 48 : index
        %get3A_99 = tpu.vector_load %arg20[%get3A_97, %get3A_98] {strides = array<i32>} : memref<128x128xf32, #tpu.memory_space<vmem>>, vector<16xf32>,
        %mul3A_100 = arith.mulf %get3A_99, %gather3A : vector<16xf32>
        %swap3A_101 = arith.index_cast %add3A_74 : i32 to index
        %swap3A_102 = arith.constant 48 : index
        %swap3A_103 = tpu.vector_load %arg20[%swap3A_101, %swap3A_102] {strides = array<i32>} : memref<128x128xf32, #tpu.memory_space<vmem>>, vector<16xf32>,
        tpu.vector_store %arg20[%swap3A_101, %swap3A_102], %mul3A_100 {strides = array<i32>} : memref<128x128xf32, #tpu.memory_space<vmem>>, vector<16xf32>,
        %get3A_104 = arith.index_cast %add3A_74 : i32 to index
        %get3A_105 = arith.constant 64 : index
        %get3A_106 = tpu.vector_load %arg20[%get3A_104, %get3A_105] {strides = array<i32>} : memref<128x128xf32, #tpu.memory_space<vmem>>, vector<16xf32>,
        %mul3A_107 = arith.mulf %get3A_106, %gather3A : vector<16xf32>
        %swap3A_108 = arith.index_cast %add3A_74 : i32 to index
        %swap3A_109 = arith.constant 64 : index
        %swap3A_110 = tpu.vector_load %arg20[%swap3A_108, %swap3A_109] {strides = array<i32>} : memref<128x128xf32, #tpu.memory_space<vmem>>, vector<16xf32>,
        tpu.vector_store %arg20[%swap3A_108, %swap3A_109], %mul3A_107 {strides = array<i32>} : memref<128x128xf32, #tpu.memory_space<vmem>>, vector<16xf32>,
        %get3A_111 = arith.index_cast %add3A_74 : i32 to index
        %get3A_112 = arith.constant 80 : index
        %get3A_113 = tpu.vector_load %arg20[%get3A_111, %get3A_112] {strides = array<i32>} : memref<128x128xf32, #tpu.memory_space<vmem>>, vector<16xf32>,
        %mul3A_114 = arith.mulf %get3A_113, %gather3A : vector<16xf32>
        %swap3A_115 = arith.index_cast %add3A_74 : i32 to index
        %swap3A_116 = arith.constant 80 : index
        %swap3A_117 = tpu.vector_load %arg20[%swap3A_115, %swap3A_116] {strides = array<i32>} : memref<128x128xf32, #tpu.memory_space<vmem>>, vector<16xf32>,
        tpu.vector_store %arg20[%swap3A_115, %swap3A_116], %mul3A_114 {strides = array<i32>} : memref<128x128xf32, #tpu.memory_space<vmem>>, vector<16xf32>,
        %get3A_118 = arith.index_cast %add3A_74 : i32 to index
        %get3A_119 = arith.constant 96 : index
        %get3A_120 = tpu.vector_load %arg20[%get3A_118, %get3A_119] {strides = array<i32>} : memref<128x128xf32, #tpu.memory_space<vmem>>, vector<16xf32>,
        %mul3A_121 = arith.mulf %get3A_120, %gather3A : vector<16xf32>
        %swap3A_122 = arith.index_cast %add3A_74 : i32 to index
        %swap3A_123 = arith.constant 96 : index
        %swap3A_124 = tpu.vector_load %arg20[%swap3A_122, %swap3A_123] {strides = array<i32>} : memref<128x128xf32, #tpu.memory_space<vmem>>, vector<16xf32>,
        tpu.vector_store %arg20[%swap3A_122, %swap3A_123], %mul3A_121 {strides = array<i32>} : memref<128x128xf32, #tpu.memory_space<vmem>>, vector<16xf32>,
        %get3A_125 = arith.index_cast %add3A_74 : i32 to index
        %get3A_126 = arith.constant 112 : index
        %get3A_127 = tpu.vector_load %arg20[%get3A_125, %get3A_126] {strides = array<i32>} : memref<128x128xf32, #tpu.memory_space<vmem>>, vector<16xf32>,
        %mul3A_128 = arith.mulf %get3A_127, %gather3A : vector<16xf32>
        %swap3A_129 = arith.index_cast %add3A_74 : i32 to index
        %swap3A_130 = arith.constant 112 : index
        %swap3A_131 = tpu.vector_load %arg20[%swap3A_129, %swap3A_130] {strides = array<i32>} : memref<128x128xf32, #tpu.memory_space<vmem>>, vector<16xf32>,
        tpu.vector_store %arg20[%swap3A_129, %swap3A_130], %mul3A_128 {strides = array<i32>} : memref<128x128xf32, #tpu.memory_space<vmem>>, vector<16xf32>,
        %mul3A_132 = arith.constant 4 : i32
        %mul3A_133 = arith.muli %scan3A_69, %mul3A_132 : i32
        %add3A_134 = arith.constant 1 : i32
        %add3A_135 = arith.addi %mul3A_133, %add3A_134 : i32
        %broadcast_in_dim3A_136 = arith.constant 0 : i32
        %broadcast_in_dim3A_137 = vector.broadcast %broadcast_in_dim3A_136 : i32 to vector<16xi32>
        %add3A_138 = vector.broadcast %add3A_135 : i32 to vector<16xi32>
        %add3A_139 = arith.addi %broadcast_in_dim3A_137, %add3A_138 : vector<16xi32>
        %gather3A_140 = tpu.vector_load_idx %arg21[%add3A_139] : memref<128xf32, #tpu.memory_space<vmem>>[vector<16xi32>], vector<16xf32>,
        %get3A_141 = arith.index_cast %add3A_135 : i32 to index
        %get3A_142 = arith.constant 0 : index
        %get3A_143 = tpu.vector_load %arg20[%get3A_141, %get3A_142] {strides = array<i32>} : memref<128x128xf32, #tpu.memory_space<vmem>>, vector<16xf32>,
        %mul3A_144 = arith.mulf %get3A_143, %gather3A_140 : vector<16xf32>
        %swap3A_145 = arith.index_cast %add3A_135 : i32 to index
        %swap3A_146 = arith.constant 0 : index
        %swap3A_147 = tpu.vector_load %arg20[%swap3A_145, %swap3A_146] {strides = array<i32>} : memref<128x128xf32, #tpu.memory_space<vmem>>, vector<16xf32>,
        tpu.vector_store %arg20[%swap3A_145, %swap3A_146], %mul3A_144 {strides = array<i32>} : memref<128x128xf32, #tpu.memory_space<vmem>>, vector<16xf32>,
        %get3A_148 = arith.index_cast %add3A_135 : i32 to index
        %get3A_149 = arith.constant 16 : index
        %get3A_150 = tpu.vector_load %arg20[%get3A_148, %get3A_149] {strides = array<i32>} : memref<128x128xf32, #tpu.memory_space<vmem>>, vector<16xf32>,
        %mul3A_151 = arith.mulf %get3A_150, %gather3A_140 : vector<16xf32>
        %swap3A_152 = arith.index_cast %add3A_135 : i32 to index
        %swap3A_153 = arith.constant 16 : index
        %swap3A_154 = tpu.vector_load %arg20[%swap3A_152, %swap3A_153] {strides = array<i32>} : memref<128x128xf32, #tpu.memory_space<vmem>>, vector<16xf32>,
        tpu.vector_store %arg20[%swap3A_152, %swap3A_153], %mul3A_151 {strides = array<i32>} : memref<128x128xf32, #tpu.memory_space<vmem>>, vector<16xf32>,
        %get3A_155 = arith.index_cast %add3A_135 : i32 to index
        %get3A_156 = arith.constant 32 : index
        %get3A_157 = tpu.vector_load %arg20[%get3A_155, %get3A_156] {strides = array<i32>} : memref<128x128xf32, #tpu.memory_space<vmem>>, vector<16xf32>,
        %mul3A_158 = arith.mulf %get3A_157, %gather3A_140 : vector<16xf32>
        %swap3A_159 = arith.index_cast %add3A_135 : i32 to index
        %swap3A_160 = arith.constant 32 : index
        %swap3A_161 = tpu.vector_load %arg20[%swap3A_159, %swap3A_160] {strides = array<i32>} : memref<128x128xf32, #tpu.memory_space<vmem>>, vector<16xf32>,
        tpu.vector_store %arg20[%swap3A_159, %swap3A_160], %mul3A_158 {strides = array<i32>} : memref<128x128xf32, #tpu.memory_space<vmem>>, vector<16xf32>,
        %get3A_162 = arith.index_cast %add3A_135 : i32 to index
        %get3A_163 = arith.constant 48 : index
        %get3A_164 = tpu.vector_load %arg20[%get3A_162, %get3A_163] {strides = array<i32>} : memref<128x128xf32, #tpu.memory_space<vmem>>, vector<16xf32>,
        %mul3A_165 = arith.mulf %get3A_164, %gather3A_140 : vector<16xf32>
        %swap3A_166 = arith.index_cast %add3A_135 : i32 to index
        %swap3A_167 = arith.constant 48 : index
        %swap3A_168 = tpu.vector_load %arg20[%swap3A_166, %swap3A_167] {strides = array<i32>} : memref<128x128xf32, #tpu.memory_space<vmem>>, vector<16xf32>,
        tpu.vector_store %arg20[%swap3A_166, %swap3A_167], %mul3A_165 {strides = array<i32>} : memref<128x128xf32, #tpu.memory_space<vmem>>, vector<16xf32>,
        %get3A_169 = arith.index_cast %add3A_135 : i32 to index
        %get3A_170 = arith.constant 64 : index
        %get3A_171 = tpu.vector_load %arg20[%get3A_169, %get3A_170] {strides = array<i32>} : memref<128x128xf32, #tpu.memory_space<vmem>>, vector<16xf32>,
        %mul3A_172 = arith.mulf %get3A_171, %gather3A_140 : vector<16xf32>
        %swap3A_173 = arith.index_cast %add3A_135 : i32 to index
        %swap3A_174 = arith.constant 64 : index
        %swap3A_175 = tpu.vector_load %arg20[%swap3A_173, %swap3A_174] {strides = array<i32>} : memref<128x128xf32, #tpu.memory_space<vmem>>, vector<16xf32>,
        tpu.vector_store %arg20[%swap3A_173, %swap3A_174], %mul3A_172 {strides = array<i32>} : memref<128x128xf32, #tpu.memory_space<vmem>>, vector<16xf32>,
        %get3A_176 = arith.index_cast %add3A_135 : i32 to index
        %get3A_177 = arith.constant 80 : index
        %get3A_178 = tpu.vector_load %arg20[%get3A_176, %get3A_177] {strides = array<i32>} : memref<128x128xf32, #tpu.memory_space<vmem>>, vector<16xf32>,
        %mul3A_179 = arith.mulf %get3A_178, %gather3A_140 : vector<16xf32>
        %swap3A_180 = arith.index_cast %add3A_135 : i32 to index
        %swap3A_181 = arith.constant 80 : index
        %swap3A_182 = tpu.vector_load %arg20[%swap3A_180, %swap3A_181] {strides = array<i32>} : memref<128x128xf32, #tpu.memory_space<vmem>>, vector<16xf32>,
        tpu.vector_store %arg20[%swap3A_180, %swap3A_181], %mul3A_179 {strides = array<i32>} : memref<128x128xf32, #tpu.memory_space<vmem>>, vector<16xf32>,
        %get3A_183 = arith.index_cast %add3A_135 : i32 to index
        %get3A_184 = arith.constant 96 : index
        %get3A_185 = tpu.vector_load %arg20[%get3A_183, %get3A_184] {strides = array<i32>} : memref<128x128xf32, #tpu.memory_space<vmem>>, vector<16xf32>,
        %mul3A_186 = arith.mulf %get3A_185, %gather3A_140 : vector<16xf32>
        %swap3A_187 = arith.index_cast %add3A_135 : i32 to index
        %swap3A_188 = arith.constant 96 : index
        %swap3A_189 = tpu.vector_load %arg20[%swap3A_187, %swap3A_188] {strides = array<i32>} : memref<128x128xf32, #tpu.memory_space<vmem>>, vector<16xf32>,
        tpu.vector_store %arg20[%swap3A_187, %swap3A_188], %mul3A_186 {strides = array<i32>} : memref<128x128xf32, #tpu.memory_space<vmem>>, vector<16xf32>,
        %get3A_190 = arith.index_cast %add3A_135 : i32 to index
        %get3A_191 = arith.constant 112 : index
        %get3A_192 = tpu.vector_load %arg20[%get3A_190, %get3A_191] {strides = array<i32>} : memref<128x128xf32, #tpu.memory_space<vmem>>, vector<16xf32>,
        %mul3A_193 = arith.mulf %get3A_192, %gather3A_140 : vector<16xf32>
        %swap3A_194 = arith.index_cast %add3A_135 : i32 to index
        %swap3A_195 = arith.constant 112 : index
        %swap3A_196 = tpu.vector_load %arg20[%swap3A_194, %swap3A_195] {strides = array<i32>} : memref<128x128xf32, #tpu.memory_space<vmem>>, vector<16xf32>,
        tpu.vector_store %arg20[%swap3A_194, %swap3A_195], %mul3A_193 {strides = array<i32>} : memref<128x128xf32, #tpu.memory_space<vmem>>, vector<16xf32>,
        %mul3A_197 = arith.constant 4 : i32
        %mul3A_198 = arith.muli %scan3A_69, %mul3A_197 : i32
        %add3A_199 = arith.constant 2 : i32
        %add3A_200 = arith.addi %mul3A_198, %add3A_199 : i32
        %broadcast_in_dim3A_201 = arith.constant 0 : i32
        %broadcast_in_dim3A_202 = vector.broadcast %broadcast_in_dim3A_201 : i32 to vector<16xi32>
        %add3A_203 = vector.broadcast %add3A_200 : i32 to vector<16xi32>
        %add3A_204 = arith.addi %broadcast_in_dim3A_202, %add3A_203 : vector<16xi32>
        %gather3A_205 = tpu.vector_load_idx %arg21[%add3A_204] : memref<128xf32, #tpu.memory_space<vmem>>[vector<16xi32>], vector<16xf32>,
        %get3A_206 = arith.index_cast %add3A_200 : i32 to index
        %get3A_207 = arith.constant 0 : index
        %get3A_208 = tpu.vector_load %arg20[%get3A_206, %get3A_207] {strides = array<i32>} : memref<128x128xf32, #tpu.memory_space<vmem>>, vector<16xf32>,
        %mul3A_209 = arith.mulf %get3A_208, %gather3A_205 : vector<16xf32>
        %swap3A_210 = arith.index_cast %add3A_200 : i32 to index
        %swap3A_211 = arith.constant 0 : index
        %swap3A_212 = tpu.vector_load %arg20[%swap3A_210, %swap3A_211] {strides = array<i32>} : memref<128x128xf32, #tpu.memory_space<vmem>>, vector<16xf32>,
        tpu.vector_store %arg20[%swap3A_210, %swap3A_211], %mul3A_209 {strides = array<i32>} : memref<128x128xf32, #tpu.memory_space<vmem>>, vector<16xf32>,
        %get3A_213 = arith.index_cast %add3A_200 : i32 to index
        %get3A_214 = arith.constant 16 : index
        %get3A_215 = tpu.vector_load %arg20[%get3A_213, %get3A_214] {strides = array<i32>} : memref<128x128xf32, #tpu.memory_space<vmem>>, vector<16xf32>,
        %mul3A_216 = arith.mulf %get3A_215, %gather3A_205 : vector<16xf32>
        %swap3A_217 = arith.index_cast %add3A_200 : i32 to index
        %swap3A_218 = arith.constant 16 : index
        %swap3A_219 = tpu.vector_load %arg20[%swap3A_217, %swap3A_218] {strides = array<i32>} : memref<128x128xf32, #tpu.memory_space<vmem>>, vector<16xf32>,
        tpu.vector_store %arg20[%swap3A_217, %swap3A_218], %mul3A_216 {strides = array<i32>} : memref<128x128xf32, #tpu.memory_space<vmem>>, vector<16xf32>,
        %get3A_220 = arith.index_cast %add3A_200 : i32 to index
        %get3A_221 = arith.constant 32 : index
        %get3A_222 = tpu.vector_load %arg20[%get3A_220, %get3A_221] {strides = array<i32>} : memref<128x128xf32, #tpu.memory_space<vmem>>, vector<16xf32>,
        %mul3A_223 = arith.mulf %get3A_222, %gather3A_205 : vector<16xf32>
        %swap3A_224 = arith.index_cast %add3A_200 : i32 to index
        %swap3A_225 = arith.constant 32 : index
        %swap3A_226 = tpu.vector_load %arg20[%swap3A_224, %swap3A_225] {strides = array<i32>} : memref<128x128xf32, #tpu.memory_space<vmem>>, vector<16xf32>,
        tpu.vector_store %arg20[%swap3A_224, %swap3A_225], %mul3A_223 {strides = array<i32>} : memref<128x128xf32, #tpu.memory_space<vmem>>, vector<16xf32>,
        %get3A_227 = arith.index_cast %add3A_200 : i32 to index
        %get3A_228 = arith.constant 48 : index
        %get3A_229 = tpu.vector_load %arg20[%get3A_227, %get3A_228] {strides = array<i32>} : memref<128x128xf32, #tpu.memory_space<vmem>>, vector<16xf32>,
        %mul3A_230 = arith.mulf %get3A_229, %gather3A_205 : vector<16xf32>
        %swap3A_231 = arith.index_cast %add3A_200 : i32 to index
        %swap3A_232 = arith.constant 48 : index
        %swap3A_233 = tpu.vector_load %arg20[%swap3A_231, %swap3A_232] {strides = array<i32>} : memref<128x128xf32, #tpu.memory_space<vmem>>, vector<16xf32>,
        tpu.vector_store %arg20[%swap3A_231, %swap3A_232], %mul3A_230 {strides = array<i32>} : memref<128x128xf32, #tpu.memory_space<vmem>>, vector<16xf32>,
        %get3A_234 = arith.index_cast %add3A_200 : i32 to index
        %get3A_235 = arith.constant 64 : index
        %get3A_236 = tpu.vector_load %arg20[%get3A_234, %get3A_235] {strides = array<i32>} : memref<128x128xf32, #tpu.memory_space<vmem>>, vector<16xf32>,
        %mul3A_237 = arith.mulf %get3A_236, %gather3A_205 : vector<16xf32>
        %swap3A_238 = arith.index_cast %add3A_200 : i32 to index
        %swap3A_239 = arith.constant 64 : index
        %swap3A_240 = tpu.vector_load %arg20[%swap3A_238, %swap3A_239] {strides = array<i32>} : memref<128x128xf32, #tpu.memory_space<vmem>>, vector<16xf32>,
        tpu.vector_store %arg20[%swap3A_238, %swap3A_239], %mul3A_237 {strides = array<i32>} : memref<128x128xf32, #tpu.memory_space<vmem>>, vector<16xf32>,
        %get3A_241 = arith.index_cast %add3A_200 : i32 to index
        %get3A_242 = arith.constant 80 : index
        %get3A_243 = tpu.vector_load %arg20[%get3A_241, %get3A_242] {strides = array<i32>} : memref<128x128xf32, #tpu.memory_space<vmem>>, vector<16xf32>,
        %mul3A_244 = arith.mulf %get3A_243, %gather3A_205 : vector<16xf32>
        %swap3A_245 = arith.index_cast %add3A_200 : i32 to index
        %swap3A_246 = arith.constant 80 : index
        %swap3A_247 = tpu.vector_load %arg20[%swap3A_245, %swap3A_246] {strides = array<i32>} : memref<128x128xf32, #tpu.memory_space<vmem>>, vector<16xf32>,
        tpu.vector_store %arg20[%swap3A_245, %swap3A_246], %mul3A_244 {strides = array<i32>} : memref<128x128xf32, #tpu.memory_space<vmem>>, vector<16xf32>,
        %get3A_248 = arith.index_cast %add3A_200 : i32 to index
        %get3A_249 = arith.constant 96 : index
        %get3A_250 = tpu.vector_load %arg20[%get3A_248, %get3A_249] {strides = array<i32>} : memref<128x128xf32, #tpu.memory_space<vmem>>, vector<16xf32>,
        %mul3A_251 = arith.mulf %get3A_250, %gather3A_205 : vector<16xf32>
        %swap3A_252 = arith.index_cast %add3A_200 : i32 to index
        %swap3A_253 = arith.constant 96 : index
        %swap3A_254 = tpu.vector_load %arg20[%swap3A_252, %swap3A_253] {strides = array<i32>} : memref<128x128xf32, #tpu.memory_space<vmem>>, vector<16xf32>,
        tpu.vector_store %arg20[%swap3A_252, %swap3A_253], %mul3A_251 {strides = array<i32>} : memref<128x128xf32, #tpu.memory_space<vmem>>, vector<16xf32>,
        %get3A_255 = arith.index_cast %add3A_200 : i32 to index
        %get3A_256 = arith.constant 112 : index
        %get3A_257 = tpu.vector_load %arg20[%get3A_255, %get3A_256] {strides = array<i32>} : memref<128x128xf32, #tpu.memory_space<vmem>>, vector<16xf32>,
        %mul3A_258 = arith.mulf %get3A_257, %gather3A_205 : vector<16xf32>
        %swap3A_259 = arith.index_cast %add3A_200 : i32 to index
        %swap3A_260 = arith.constant 112 : index
        %swap3A_261 = tpu.vector_load %arg20[%swap3A_259, %swap3A_260] {strides = array<i32>} : memref<128x128xf32, #tpu.memory_space<vmem>>, vector<16xf32>,
        tpu.vector_store %arg20[%swap3A_259, %swap3A_260], %mul3A_258 {strides = array<i32>} : memref<128x128xf32, #tpu.memory_space<vmem>>, vector<16xf32>,
        %mul3A_262 = arith.constant 4 : i32
        %mul3A_263 = arith.muli %scan3A_69, %mul3A_262 : i32
        %add3A_264 = arith.constant 3 : i32
        %add3A_265 = arith.addi %mul3A_263, %add3A_264 : i32
        %broadcast_in_dim3A_266 = arith.constant 0 : i32
        %broadcast_in_dim3A_267 = vector.broadcast %broadcast_in_dim3A_266 : i32 to vector<16xi32>
        %add3A_268 = vector.broadcast %add3A_265 : i32 to vector<16xi32>
        %add3A_269 = arith.addi %broadcast_in_dim3A_267, %add3A_268 : vector<16xi32>
        %gather3A_270 = tpu.vector_load_idx %arg21[%add3A_269] : memref<128xf32, #tpu.memory_space<vmem>>[vector<16xi32>], vector<16xf32>,
        %get3A_271 = arith.index_cast %add3A_265 : i32 to index
        %get3A_272 = arith.constant 0 : index
        %get3A_273 = tpu.vector_load %arg20[%get3A_271, %get3A_272] {strides = array<i32>} : memref<128x128xf32, #tpu.memory_space<vmem>>, vector<16xf32>,
        %mul3A_274 = arith.mulf %get3A_273, %gather3A_270 : vector<16xf32>
        %swap3A_275 = arith.index_cast %add3A_265 : i32 to index
        %swap3A_276 = arith.constant 0 : index
        %swap3A_277 = tpu.vector_load %arg20[%swap3A_275, %swap3A_276] {strides = array<i32>} : memref<128x128xf32, #tpu.memory_space<vmem>>, vector<16xf32>,
        tpu.vector_store %arg20[%swap3A_275, %swap3A_276], %mul3A_274 {strides = array<i32>} : memref<128x128xf32, #tpu.memory_space<vmem>>, vector<16xf32>,
        %get3A_278 = arith.index_cast %add3A_265 : i32 to index
        %get3A_279 = arith.constant 16 : index
        %get3A_280 = tpu.vector_load %arg20[%get3A_278, %get3A_279] {strides = array<i32>} : memref<128x128xf32, #tpu.memory_space<vmem>>, vector<16xf32>,
        %mul3A_281 = arith.mulf %get3A_280, %gather3A_270 : vector<16xf32>
        %swap3A_282 = arith.index_cast %add3A_265 : i32 to index
        %swap3A_283 = arith.constant 16 : index
        %swap3A_284 = tpu.vector_load %arg20[%swap3A_282, %swap3A_283] {strides = array<i32>} : memref<128x128xf32, #tpu.memory_space<vmem>>, vector<16xf32>,
        tpu.vector_store %arg20[%swap3A_282, %swap3A_283], %mul3A_281 {strides = array<i32>} : memref<128x128xf32, #tpu.memory_space<vmem>>, vector<16xf32>,
        %get3A_285 = arith.index_cast %add3A_265 : i32 to index
        %get3A_286 = arith.constant 32 : index
        %get3A_287 = tpu.vector_load %arg20[%get3A_285, %get3A_286] {strides = array<i32>} : memref<128x128xf32, #tpu.memory_space<vmem>>, vector<16xf32>,
        %mul3A_288 = arith.mulf %get3A_287, %gather3A_270 : vector<16xf32>
        %swap3A_289 = arith.index_cast %add3A_265 : i32 to index
        %swap3A_290 = arith.constant 32 : index
        %swap3A_291 = tpu.vector_load %arg20[%swap3A_289, %swap3A_290] {strides = array<i32>} : memref<128x128xf32, #tpu.memory_space<vmem>>, vector<16xf32>,
        tpu.vector_store %arg20[%swap3A_289, %swap3A_290], %mul3A_288 {strides = array<i32>} : memref<128x128xf32, #tpu.memory_space<vmem>>, vector<16xf32>,
        %get3A_292 = arith.index_cast %add3A_265 : i32 to index
        %get3A_293 = arith.constant 48 : index
        %get3A_294 = tpu.vector_load %arg20[%get3A_292, %get3A_293] {strides = array<i32>} : memref<128x128xf32, #tpu.memory_space<vmem>>, vector<16xf32>,
        %mul3A_295 = arith.mulf %get3A_294, %gather3A_270 : vector<16xf32>
        %swap3A_296 = arith.index_cast %add3A_265 : i32 to index
        %swap3A_297 = arith.constant 48 : index
        %swap3A_298 = tpu.vector_load %arg20[%swap3A_296, %swap3A_297] {strides = array<i32>} : memref<128x128xf32, #tpu.memory_space<vmem>>, vector<16xf32>,
        tpu.vector_store %arg20[%swap3A_296, %swap3A_297], %mul3A_295 {strides = array<i32>} : memref<128x128xf32, #tpu.memory_space<vmem>>, vector<16xf32>,
        %get3A_299 = arith.index_cast %add3A_265 : i32 to index
        %get3A_300 = arith.constant 64 : index
        %get3A_301 = tpu.vector_load %arg20[%get3A_299, %get3A_300] {strides = array<i32>} : memref<128x128xf32, #tpu.memory_space<vmem>>, vector<16xf32>,
        %mul3A_302 = arith.mulf %get3A_301, %gather3A_270 : vector<16xf32>
        %swap3A_303 = arith.index_cast %add3A_265 : i32 to index
        %swap3A_304 = arith.constant 64 : index
        %swap3A_305 = tpu.vector_load %arg20[%swap3A_303, %swap3A_304] {strides = array<i32>} : memref<128x128xf32, #tpu.memory_space<vmem>>, vector<16xf32>,
        tpu.vector_store %arg20[%swap3A_303, %swap3A_304], %mul3A_302 {strides = array<i32>} : memref<128x128xf32, #tpu.memory_space<vmem>>, vector<16xf32>,
        %get3A_306 = arith.index_cast %add3A_265 : i32 to index
        %get3A_307 = arith.constant 80 : index
        %get3A_308 = tpu.vector_load %arg20[%get3A_306, %get3A_307] {strides = array<i32>} : memref<128x128xf32, #tpu.memory_space<vmem>>, vector<16xf32>,
        %mul3A_309 = arith.mulf %get3A_308, %gather3A_270 : vector<16xf32>
        %swap3A_310 = arith.index_cast %add3A_265 : i32 to index
        %swap3A_311 = arith.constant 80 : index
        %swap3A_312 = tpu.vector_load %arg20[%swap3A_310, %swap3A_311] {strides = array<i32>} : memref<128x128xf32, #tpu.memory_space<vmem>>, vector<16xf32>,
        tpu.vector_store %arg20[%swap3A_310, %swap3A_311], %mul3A_309 {strides = array<i32>} : memref<128x128xf32, #tpu.memory_space<vmem>>, vector<16xf32>,
        %get3A_313 = arith.index_cast %add3A_265 : i32 to index
        %get3A_314 = arith.constant 96 : index
        %get3A_315 = tpu.vector_load %arg20[%get3A_313, %get3A_314] {strides = array<i32>} : memref<128x128xf32, #tpu.memory_space<vmem>>, vector<16xf32>,
        %mul3A_316 = arith.mulf %get3A_315, %gather3A_270 : vector<16xf32>
        %swap3A_317 = arith.index_cast %add3A_265 : i32 to index
        %swap3A_318 = arith.constant 96 : index
        %swap3A_319 = tpu.vector_load %arg20[%swap3A_317, %swap3A_318] {strides = array<i32>} : memref<128x128xf32, #tpu.memory_space<vmem>>, vector<16xf32>,
        tpu.vector_store %arg20[%swap3A_317, %swap3A_318], %mul3A_316 {strides = array<i32>} : memref<128x128xf32, #tpu.memory_space<vmem>>, vector<16xf32>,
        %get3A_320 = arith.index_cast %add3A_265 : i32 to index
        %get3A_321 = arith.constant 112 : index
        %get3A_322 = tpu.vector_load %arg20[%get3A_320, %get3A_321] {strides = array<i32>} : memref<128x128xf32, #tpu.memory_space<vmem>>, vector<16xf32>,
        %mul3A_323 = arith.mulf %get3A_322, %gather3A_270 : vector<16xf32>
        %swap3A_324 = arith.index_cast %add3A_265 : i32 to index
        %swap3A_325 = arith.constant 112 : index
        %swap3A_326 = tpu.vector_load %arg20[%swap3A_324, %swap3A_325] {strides = array<i32>} : memref<128x128xf32, #tpu.memory_space<vmem>>, vector<16xf32>,
        tpu.vector_store %arg20[%swap3A_324, %swap3A_325], %mul3A_323 {strides = array<i32>} : memref<128x128xf32, #tpu.memory_space<vmem>>, vector<16xf32>,
        %scan3A_327 = arith.constant 0 : i32
        scf.yield %scan3A_327 : i32
      }
      %scan3A_67 = arith.constant 32 : i32
      "tpu.region"() ({
        %run_scoped3A = tpu.sem_alloc : memref<!tpu.dma_semaphore, #tpu.memory_space<semaphore_mem>>
        %dma_start3A_69 = arith.constant 0 : i32
        %dma_start3A_70 = arith.constant 0 : i32
        %dma_start3A_71 = tpu.memref_slice %arg23[%dma_start3A_69, %dma_start3A_70] : memref<10112x128xf32, #tpu.memory_space<vmem_shared>> -> memref<10112x128xf32, #tpu.memory_space<vmem_shared>>
        tpu.enqueue_indirect_dma source(%arg20 : memref<128x128xf32, #tpu.memory_space<vmem>>) target(%dma_start3A_71 : memref<10112x128xf32, #tpu.memory_space<vmem_shared>>) offsets(%arg16 : memref<128xi32, #tpu.memory_space<vmem>>) semaphore(%run_scoped3A : memref<!tpu.dma_semaphore, #tpu.memory_space<semaphore_mem>>) {add = true}
        %dma_wait3A_72 = arith.constant 0 : i32
        %dma_wait3A_73 = arith.constant 0 : i32
        %dma_wait3A_74 = tpu.memref_slice %arg23[%dma_wait3A_72, %dma_wait3A_73] : memref<10112x128xf32, #tpu.memory_space<vmem_shared>> -> memref<10112x128xf32, #tpu.memory_space<vmem_shared>>
        tpu.wait_indirect_dma semaphore(%run_scoped3A : memref<!tpu.dma_semaphore, #tpu.memory_space<semaphore_mem>>) src(%arg20 : memref<128x128xf32, #tpu.memory_space<vmem>>) dst(%dma_wait3A_74 : memref<10112x128xf32, #tpu.memory_space<vmem_shared>>)
        tpu.yield
      }) : () -> ()
      "tpu.region"() ({
        %run_scoped3A = tpu.sem_alloc : memref<!tpu.dma_semaphore, #tpu.memory_space<semaphore_mem>>
        %dma_start3A_69 = arith.constant 0 : i32
        %dma_start3A_70 = arith.constant 0 : i32
        %dma_start3A_71 = tpu.memref_slice %arg24[%dma_start3A_69, %dma_start3A_70] : memref<10112x16xf32, #tpu.memory_space<vmem_shared>> -> memref<10112x16xf32, #tpu.memory_space<vmem_shared>>
        tpu.enqueue_indirect_dma source(%arg22 : memref<128x16xf32, #tpu.memory_space<vmem>>) target(%dma_start3A_71 : memref<10112x16xf32, #tpu.memory_space<vmem_shared>>) offsets(%arg16 : memref<128xi32, #tpu.memory_space<vmem>>) semaphore(%run_scoped3A : memref<!tpu.dma_semaphore, #tpu.memory_space<semaphore_mem>>) {add = true}
        %dma_wait3A_72 = arith.constant 0 : i32
        %dma_wait3A_73 = arith.constant 0 : i32
        %dma_wait3A_74 = tpu.memref_slice %arg24[%dma_wait3A_72, %dma_wait3A_73] : memref<10112x16xf32, #tpu.memory_space<vmem_shared>> -> memref<10112x16xf32, #tpu.memory_space<vmem_shared>>
        tpu.wait_indirect_dma semaphore(%run_scoped3A : memref<!tpu.dma_semaphore, #tpu.memory_space<semaphore_mem>>) src(%arg22 : memref<128x16xf32, #tpu.memory_space<vmem>>) dst(%dma_wait3A_74 : memref<10112x16xf32, #tpu.memory_space<vmem_shared>>)
        tpu.yield
      }) : () -> ()
      %scan3A_68 = arith.constant 0 : i32
      scf.yield %scan3A_68 : i32
    }
    %scan3A_12 = arith.constant 81 : i32
    %barrier3A_13 = arith.constant 0 : index
    tpu.barrier barrier_id(%barrier3A_13)
    "tpu.region"() ({
      %run_scoped3A = tpu.sem_alloc : memref<!tpu.dma_semaphore, #tpu.memory_space<semaphore_mem>>
      %dma_start3A = arith.constant 0 : i32
      %dma_start3A_14 = tpu.memref_slice %arg10[%arg0, %mul3A_2, %dma_start3A] : memref<2x10112x128xf32, #tpu.memory_space<hbm>> -> memref<1x632x128xf32, #tpu.memory_space<hbm>>
      %dma_start3A_15 = tpu.memref_squeeze %dma_start3A_14 : memref<1x632x128xf32, #tpu.memory_space<hbm>> -> memref<632x128xf32, #tpu.memory_space<hbm>>
      %dma_start3A_16 = arith.constant 0 : i32
      %dma_start3A_17 = tpu.memref_slice %arg23[%mul3A_2, %dma_start3A_16] : memref<10112x128xf32, #tpu.memory_space<vmem_shared>> -> memref<632x128xf32, #tpu.memory_space<vmem_shared>>
      tpu.enqueue_dma source(%dma_start3A_17 : memref<632x128xf32, #tpu.memory_space<vmem_shared>>) target(%dma_start3A_15 : memref<632x128xf32, #tpu.memory_space<hbm>>) target_semaphore(%run_scoped3A : memref<!tpu.dma_semaphore, #tpu.memory_space<semaphore_mem>>)
      %dma_wait3A = arith.constant 0 : i32
      %dma_wait3A_18 = tpu.memref_slice %arg10[%arg0, %mul3A_2, %dma_wait3A] : memref<2x10112x128xf32, #tpu.memory_space<hbm>> -> memref<1x632x128xf32, #tpu.memory_space<hbm>>
      %dma_wait3A_19 = tpu.memref_squeeze %dma_wait3A_18 : memref<1x632x128xf32, #tpu.memory_space<hbm>> -> memref<632x128xf32, #tpu.memory_space<hbm>>
      %dma_wait3A_20 = arith.constant 0 : i32
      %dma_wait3A_21 = tpu.memref_slice %arg23[%mul3A_2, %dma_wait3A_20] : memref<10112x128xf32, #tpu.memory_space<vmem_shared>> -> memref<632x128xf32, #tpu.memory_space<vmem_shared>>
      tpu.wait_dma2 semaphore(%run_scoped3A : memref<!tpu.dma_semaphore, #tpu.memory_space<semaphore_mem>>) src(%dma_wait3A_21 : memref<632x128xf32, #tpu.memory_space<vmem_shared>>) dst(%dma_wait3A_19 : memref<632x128xf32, #tpu.memory_space<hbm>>)
      tpu.yield
    }) : () -> ()
    "tpu.region"() ({
      %run_scoped3A = tpu.sem_alloc : memref<!tpu.dma_semaphore, #tpu.memory_space<semaphore_mem>>
      %dma_start3A = arith.constant 0 : i32
      %dma_start3A_14 = tpu.memref_slice %arg11[%arg0, %mul3A_2, %dma_start3A] : memref<2x10112x16xf32, #tpu.memory_space<hbm>> -> memref<1x632x16xf32, #tpu.memory_space<hbm>>
      %dma_start3A_15 = tpu.memref_squeeze %dma_start3A_14 : memref<1x632x16xf32, #tpu.memory_space<hbm>> -> memref<632x16xf32, #tpu.memory_space<hbm>>
      %dma_start3A_16 = arith.constant 0 : i32
      %dma_start3A_17 = tpu.memref_slice %arg24[%mul3A_2, %dma_start3A_16] : memref<10112x16xf32, #tpu.memory_space<vmem_shared>> -> memref<632x16xf32, #tpu.memory_space<vmem_shared>>
      tpu.enqueue_dma source(%dma_start3A_17 : memref<632x16xf32, #tpu.memory_space<vmem_shared>>) target(%dma_start3A_15 : memref<632x16xf32, #tpu.memory_space<hbm>>) target_semaphore(%run_scoped3A : memref<!tpu.dma_semaphore, #tpu.memory_space<semaphore_mem>>)
      %dma_wait3A = arith.constant 0 : i32
      %dma_wait3A_18 = tpu.memref_slice %arg11[%arg0, %mul3A_2, %dma_wait3A] : memref<2x10112x16xf32, #tpu.memory_space<hbm>> -> memref<1x632x16xf32, #tpu.memory_space<hbm>>
      %dma_wait3A_19 = tpu.memref_squeeze %dma_wait3A_18 : memref<1x632x16xf32, #tpu.memory_space<hbm>> -> memref<632x16xf32, #tpu.memory_space<hbm>>
      %dma_wait3A_20 = arith.constant 0 : i32
      %dma_wait3A_21 = tpu.memref_slice %arg24[%mul3A_2, %dma_wait3A_20] : memref<10112x16xf32, #tpu.memory_space<vmem_shared>> -> memref<632x16xf32, #tpu.memory_space<vmem_shared>>
      tpu.wait_dma2 semaphore(%run_scoped3A : memref<!tpu.dma_semaphore, #tpu.memory_space<semaphore_mem>>) src(%dma_wait3A_21 : memref<632x16xf32, #tpu.memory_space<vmem_shared>>) dst(%dma_wait3A_19 : memref<632x16xf32, #tpu.memory_space<hbm>>)
      tpu.yield
    }) : () -> ()
    return
  }
}

module attributes {stable_mosaic.version = 14 : i64} {
  func.func @_tc1_body(%arg0: i32, %arg1: memref<2000x128xf32, #tpu.memory_space<vmem>>, %arg2: memref<128x256xf32, #tpu.memory_space<vmem>>, %arg3: memref<4x64xf32, #tpu.memory_space<vmem>>, %arg4: memref<4x64xf32, #tpu.memory_space<vmem>>, %arg5: memref<2000x128xf32, #tpu.memory_space<vmem>>, %arg6: memref<2000x128xf32, #tpu.memory_space<vmem>>, %arg7: memref<2000x4xf32, #tpu.memory_space<vmem>>, %arg8: memref<2000x4xf32, #tpu.memory_space<vmem>>, %arg9: memref<2000x4xf32, #tpu.memory_space<vmem>>) attributes {dimension_semantics = [#tpu.dimension_semantics<arbitrary>], iteration_bounds = array<i64: 5>, scalar_prefetch = 0 : i64, scratch_operands = 0 : i64, tpu.core_type = #tpu.core_type<tc>, window_params = [{transform_indices = @transform_0, window_bounds = array<i64: 2000, 128>}, {pipeline_mode = #tpu.pipeline_mode<synchronous>, transform_indices = @transform_1, window_bounds = array<i64: 128, 256>}, {pipeline_mode = #tpu.pipeline_mode<synchronous>, transform_indices = @transform_2, window_bounds = array<i64: 4, 64>}, {pipeline_mode = #tpu.pipeline_mode<synchronous>, transform_indices = @transform_3, window_bounds = array<i64: 4, 64>}, {transform_indices = @transform_4, window_bounds = array<i64: 2000, 128>}, {transform_indices = @transform_5, window_bounds = array<i64: 2000, 128>}, {transform_indices = @transform_6, window_bounds = array<i64: 2000, 4>}, {transform_indices = @transform_7, window_bounds = array<i64: 2000, 4>}, {transform_indices = @transform_8, window_bounds = array<i64: 2000, 4>}]} {
    %get3A = arith.constant 0 : index
    %get3A_0 = arith.constant 0 : index
    %get3A_1 = vector.load %arg1[%get3A, %get3A_0] : memref<2000x128xf32, #tpu.memory_space<vmem>>, vector<2000x128xf32>
    %get3A_2 = arith.constant 0 : index
    %get3A_3 = arith.constant 0 : index
    %get3A_4 = vector.load %arg2[%get3A_2, %get3A_3] : memref<128x256xf32, #tpu.memory_space<vmem>>, vector<128x256xf32>
    %dot_general3A = arith.constant dense<0.000000e+00> : vector<2000x256xf32>
    %dot_general3A_5 = tpu.matmul %get3A_1, %get3A_4, %dot_general3A {dimension_numbers = #tpu.dot_dimension_numbers<[1], [0], [0], [1], [0, 0, 1, 1], [], []>, transpose_lhs_hint = false} : vector<2000x128xf32>, vector<128x256xf32>, vector<2000x256xf32> -> vector<2000x256xf32>
    %slice3A = vector.extract_strided_slice %dot_general3A_5 {offsets = [0, 0], sizes = [2000, 128], strides = [1, 1]} : vector<2000x256xf32> to vector<2000x128xf32>
    %swap3A = arith.constant 0 : index
    %swap3A_6 = arith.constant 0 : index
    %swap3A_7 = vector.load %arg5[%swap3A, %swap3A_6] : memref<2000x128xf32, #tpu.memory_space<vmem>>, vector<2000x128xf32>
    tpu.vector_store %arg5[%swap3A, %swap3A_6], %slice3A {strides = array<i32>} : memref<2000x128xf32, #tpu.memory_space<vmem>>, vector<2000x128xf32>,
    %slice3A_8 = vector.extract_strided_slice %dot_general3A_5 {offsets = [0, 128], sizes = [2000, 128], strides = [1, 1]} : vector<2000x256xf32> to vector<2000x128xf32>
    %swap3A_9 = arith.constant 0 : index
    %swap3A_10 = arith.constant 0 : index
    %swap3A_11 = vector.load %arg6[%swap3A_9, %swap3A_10] : memref<2000x128xf32, #tpu.memory_space<vmem>>, vector<2000x128xf32>
    tpu.vector_store %arg6[%swap3A_9, %swap3A_10], %slice3A_8 {strides = array<i32>} : memref<2000x128xf32, #tpu.memory_space<vmem>>, vector<2000x128xf32>,
    %slice3A_12 = vector.extract_strided_slice %dot_general3A_5 {offsets = [0, 0], sizes = [2000, 64], strides = [1, 1]} : vector<2000x256xf32> to vector<2000x64xf32>
    %get3A_13 = arith.constant 0 : index
    %get3A_14 = arith.constant 0 : index
    %get3A_15 = vector.load %arg3[%get3A_13, %get3A_14] : memref<4x64xf32, #tpu.memory_space<vmem>>, vector<1x64xf32>
    %get3A_16 = vector.shape_cast %get3A_15 : vector<1x64xf32> to vector<64xf32>
    %broadcast_in_dim3A = vector.shape_cast %get3A_16 : vector<64xf32> to vector<1x64xf32>
    %mul3A = vector.broadcast %broadcast_in_dim3A : vector<1x64xf32> to vector<2000x64xf32>
    %mul3A_17 = arith.mulf %slice3A_12, %mul3A : vector<2000x64xf32>
    %reduce_sum3A = arith.constant dense<0.000000e+00> : vector<2000xf32>
    %reduce_sum3A_18 = vector.multi_reduction <add>, %mul3A_17, %reduce_sum3A [1] : vector<2000x64xf32> to vector<2000xf32>
    %get3A_19 = arith.constant 0 : index
    %get3A_20 = arith.constant 0 : index
    %get3A_21 = vector.load %arg4[%get3A_19, %get3A_20] : memref<4x64xf32, #tpu.memory_space<vmem>>, vector<1x64xf32>
    %get3A_22 = vector.shape_cast %get3A_21 : vector<1x64xf32> to vector<64xf32>
    %broadcast_in_dim3A_23 = vector.shape_cast %get3A_22 : vector<64xf32> to vector<1x64xf32>
    %mul3A_24 = vector.broadcast %broadcast_in_dim3A_23 : vector<1x64xf32> to vector<2000x64xf32>
    %mul3A_25 = arith.mulf %slice3A_12, %mul3A_24 : vector<2000x64xf32>
    %reduce_sum3A_26 = arith.constant dense<0.000000e+00> : vector<2000xf32>
    %reduce_sum3A_27 = vector.multi_reduction <add>, %mul3A_25, %reduce_sum3A_26 [1] : vector<2000x64xf32> to vector<2000xf32>
    %add3A = arith.addf %reduce_sum3A_18, %reduce_sum3A_27 : vector<2000xf32>
    %mul3A_28 = arith.constant 2.000000e-01 : f32
    %mul3A_29 = vector.broadcast %mul3A_28 : f32 to vector<2000xf32>
    %mul3A_30 = arith.mulf %mul3A_29, %add3A : vector<2000xf32>
    %max3A = arith.maximumf %add3A, %mul3A_30 : vector<2000xf32>
    %slice3A_31 = vector.extract_strided_slice %dot_general3A_5 {offsets = [0, 64], sizes = [2000, 64], strides = [1, 1]} : vector<2000x256xf32> to vector<2000x64xf32>
    %get3A_32 = arith.constant 1 : index
    %get3A_33 = arith.constant 0 : index
    %get3A_34 = vector.load %arg3[%get3A_32, %get3A_33] : memref<4x64xf32, #tpu.memory_space<vmem>>, vector<1x64xf32>
    %get3A_35 = vector.shape_cast %get3A_34 : vector<1x64xf32> to vector<64xf32>
    %broadcast_in_dim3A_36 = vector.shape_cast %get3A_35 : vector<64xf32> to vector<1x64xf32>
    %mul3A_37 = vector.broadcast %broadcast_in_dim3A_36 : vector<1x64xf32> to vector<2000x64xf32>
    %mul3A_38 = arith.mulf %slice3A_31, %mul3A_37 : vector<2000x64xf32>
    %reduce_sum3A_39 = arith.constant dense<0.000000e+00> : vector<2000xf32>
    %reduce_sum3A_40 = vector.multi_reduction <add>, %mul3A_38, %reduce_sum3A_39 [1] : vector<2000x64xf32> to vector<2000xf32>
    %get3A_41 = arith.constant 1 : index
    %get3A_42 = arith.constant 0 : index
    %get3A_43 = vector.load %arg4[%get3A_41, %get3A_42] : memref<4x64xf32, #tpu.memory_space<vmem>>, vector<1x64xf32>
    %get3A_44 = vector.shape_cast %get3A_43 : vector<1x64xf32> to vector<64xf32>
    %broadcast_in_dim3A_45 = vector.shape_cast %get3A_44 : vector<64xf32> to vector<1x64xf32>
    %mul3A_46 = vector.broadcast %broadcast_in_dim3A_45 : vector<1x64xf32> to vector<2000x64xf32>
    %mul3A_47 = arith.mulf %slice3A_31, %mul3A_46 : vector<2000x64xf32>
    %reduce_sum3A_48 = arith.constant dense<0.000000e+00> : vector<2000xf32>
    %reduce_sum3A_49 = vector.multi_reduction <add>, %mul3A_47, %reduce_sum3A_48 [1] : vector<2000x64xf32> to vector<2000xf32>
    %add3A_50 = arith.addf %reduce_sum3A_40, %reduce_sum3A_49 : vector<2000xf32>
    %mul3A_51 = arith.constant 2.000000e-01 : f32
    %mul3A_52 = vector.broadcast %mul3A_51 : f32 to vector<2000xf32>
    %mul3A_53 = arith.mulf %mul3A_52, %add3A_50 : vector<2000xf32>
    %max3A_54 = arith.maximumf %add3A_50, %mul3A_53 : vector<2000xf32>
    %slice3A_55 = vector.extract_strided_slice %dot_general3A_5 {offsets = [0, 128], sizes = [2000, 64], strides = [1, 1]} : vector<2000x256xf32> to vector<2000x64xf32>
    %get3A_56 = arith.constant 2 : index
    %get3A_57 = arith.constant 0 : index
    %get3A_58 = vector.load %arg3[%get3A_56, %get3A_57] : memref<4x64xf32, #tpu.memory_space<vmem>>, vector<1x64xf32>
    %get3A_59 = vector.shape_cast %get3A_58 : vector<1x64xf32> to vector<64xf32>
    %broadcast_in_dim3A_60 = vector.shape_cast %get3A_59 : vector<64xf32> to vector<1x64xf32>
    %mul3A_61 = vector.broadcast %broadcast_in_dim3A_60 : vector<1x64xf32> to vector<2000x64xf32>
    %mul3A_62 = arith.mulf %slice3A_55, %mul3A_61 : vector<2000x64xf32>
    %reduce_sum3A_63 = arith.constant dense<0.000000e+00> : vector<2000xf32>
    %reduce_sum3A_64 = vector.multi_reduction <add>, %mul3A_62, %reduce_sum3A_63 [1] : vector<2000x64xf32> to vector<2000xf32>
    %get3A_65 = arith.constant 2 : index
    %get3A_66 = arith.constant 0 : index
    %get3A_67 = vector.load %arg4[%get3A_65, %get3A_66] : memref<4x64xf32, #tpu.memory_space<vmem>>, vector<1x64xf32>
    %get3A_68 = vector.shape_cast %get3A_67 : vector<1x64xf32> to vector<64xf32>
    %broadcast_in_dim3A_69 = vector.shape_cast %get3A_68 : vector<64xf32> to vector<1x64xf32>
    %mul3A_70 = vector.broadcast %broadcast_in_dim3A_69 : vector<1x64xf32> to vector<2000x64xf32>
    %mul3A_71 = arith.mulf %slice3A_55, %mul3A_70 : vector<2000x64xf32>
    %reduce_sum3A_72 = arith.constant dense<0.000000e+00> : vector<2000xf32>
    %reduce_sum3A_73 = vector.multi_reduction <add>, %mul3A_71, %reduce_sum3A_72 [1] : vector<2000x64xf32> to vector<2000xf32>
    %add3A_74 = arith.addf %reduce_sum3A_64, %reduce_sum3A_73 : vector<2000xf32>
    %mul3A_75 = arith.constant 2.000000e-01 : f32
    %mul3A_76 = vector.broadcast %mul3A_75 : f32 to vector<2000xf32>
    %mul3A_77 = arith.mulf %mul3A_76, %add3A_74 : vector<2000xf32>
    %max3A_78 = arith.maximumf %add3A_74, %mul3A_77 : vector<2000xf32>
    %slice3A_79 = vector.extract_strided_slice %dot_general3A_5 {offsets = [0, 192], sizes = [2000, 64], strides = [1, 1]} : vector<2000x256xf32> to vector<2000x64xf32>
    %get3A_80 = arith.constant 3 : index
    %get3A_81 = arith.constant 0 : index
    %get3A_82 = vector.load %arg3[%get3A_80, %get3A_81] : memref<4x64xf32, #tpu.memory_space<vmem>>, vector<1x64xf32>
    %get3A_83 = vector.shape_cast %get3A_82 : vector<1x64xf32> to vector<64xf32>
    %broadcast_in_dim3A_84 = vector.shape_cast %get3A_83 : vector<64xf32> to vector<1x64xf32>
    %mul3A_85 = vector.broadcast %broadcast_in_dim3A_84 : vector<1x64xf32> to vector<2000x64xf32>
    %mul3A_86 = arith.mulf %slice3A_79, %mul3A_85 : vector<2000x64xf32>
    %reduce_sum3A_87 = arith.constant dense<0.000000e+00> : vector<2000xf32>
    %reduce_sum3A_88 = vector.multi_reduction <add>, %mul3A_86, %reduce_sum3A_87 [1] : vector<2000x64xf32> to vector<2000xf32>
    %get3A_89 = arith.constant 3 : index
    %get3A_90 = arith.constant 0 : index
    %get3A_91 = vector.load %arg4[%get3A_89, %get3A_90] : memref<4x64xf32, #tpu.memory_space<vmem>>, vector<1x64xf32>
    %get3A_92 = vector.shape_cast %get3A_91 : vector<1x64xf32> to vector<64xf32>
    %broadcast_in_dim3A_93 = vector.shape_cast %get3A_92 : vector<64xf32> to vector<1x64xf32>
    %mul3A_94 = vector.broadcast %broadcast_in_dim3A_93 : vector<1x64xf32> to vector<2000x64xf32>
    %mul3A_95 = arith.mulf %slice3A_79, %mul3A_94 : vector<2000x64xf32>
    %reduce_sum3A_96 = arith.constant dense<0.000000e+00> : vector<2000xf32>
    %reduce_sum3A_97 = vector.multi_reduction <add>, %mul3A_95, %reduce_sum3A_96 [1] : vector<2000x64xf32> to vector<2000xf32>
    %add3A_98 = arith.addf %reduce_sum3A_88, %reduce_sum3A_97 : vector<2000xf32>
    %mul3A_99 = arith.constant 2.000000e-01 : f32
    %mul3A_100 = vector.broadcast %mul3A_99 : f32 to vector<2000xf32>
    %mul3A_101 = arith.mulf %mul3A_100, %add3A_98 : vector<2000xf32>
    %max3A_102 = arith.maximumf %add3A_98, %mul3A_101 : vector<2000xf32>
    %stack3A = vector.shape_cast %reduce_sum3A_18 : vector<2000xf32> to vector<2000x1xf32>
    %stack3A_103 = vector.shape_cast %reduce_sum3A_40 : vector<2000xf32> to vector<2000x1xf32>
    %stack3A_104 = vector.shape_cast %reduce_sum3A_64 : vector<2000xf32> to vector<2000x1xf32>
    %stack3A_105 = vector.shape_cast %reduce_sum3A_88 : vector<2000xf32> to vector<2000x1xf32>
    %stack3A_106 = tpu.concatenate %stack3A, %stack3A_103, %stack3A_104, %stack3A_105 in 1 : vector<2000x1xf32>, vector<2000x1xf32>, vector<2000x1xf32>, vector<2000x1xf32> -> vector<2000x4xf32>
    %swap3A_107 = arith.constant 0 : index
    %swap3A_108 = arith.constant 0 : index
    %swap3A_109 = vector.load %arg7[%swap3A_107, %swap3A_108] : memref<2000x4xf32, #tpu.memory_space<vmem>>, vector<2000x4xf32>
    tpu.vector_store %arg7[%swap3A_107, %swap3A_108], %stack3A_106 {strides = array<i32>} : memref<2000x4xf32, #tpu.memory_space<vmem>>, vector<2000x4xf32>,
    %stack3A_110 = vector.shape_cast %reduce_sum3A_27 : vector<2000xf32> to vector<2000x1xf32>
    %stack3A_111 = vector.shape_cast %reduce_sum3A_49 : vector<2000xf32> to vector<2000x1xf32>
    %stack3A_112 = vector.shape_cast %reduce_sum3A_73 : vector<2000xf32> to vector<2000x1xf32>
    %stack3A_113 = vector.shape_cast %reduce_sum3A_97 : vector<2000xf32> to vector<2000x1xf32>
    %stack3A_114 = tpu.concatenate %stack3A_110, %stack3A_111, %stack3A_112, %stack3A_113 in 1 : vector<2000x1xf32>, vector<2000x1xf32>, vector<2000x1xf32>, vector<2000x1xf32> -> vector<2000x4xf32>
    %swap3A_115 = arith.constant 0 : index
    %swap3A_116 = arith.constant 0 : index
    %swap3A_117 = vector.load %arg8[%swap3A_115, %swap3A_116] : memref<2000x4xf32, #tpu.memory_space<vmem>>, vector<2000x4xf32>
    tpu.vector_store %arg8[%swap3A_115, %swap3A_116], %stack3A_114 {strides = array<i32>} : memref<2000x4xf32, #tpu.memory_space<vmem>>, vector<2000x4xf32>,
    %stack3A_118 = vector.shape_cast %max3A : vector<2000xf32> to vector<2000x1xf32>
    %stack3A_119 = vector.shape_cast %max3A_54 : vector<2000xf32> to vector<2000x1xf32>
    %stack3A_120 = vector.shape_cast %max3A_78 : vector<2000xf32> to vector<2000x1xf32>
    %stack3A_121 = vector.shape_cast %max3A_102 : vector<2000xf32> to vector<2000x1xf32>
    %stack3A_122 = tpu.concatenate %stack3A_118, %stack3A_119, %stack3A_120, %stack3A_121 in 1 : vector<2000x1xf32>, vector<2000x1xf32>, vector<2000x1xf32>, vector<2000x1xf32> -> vector<2000x4xf32>
    %swap3A_123 = arith.constant 0 : index
    %swap3A_124 = arith.constant 0 : index
    %swap3A_125 = vector.load %arg9[%swap3A_123, %swap3A_124] : memref<2000x4xf32, #tpu.memory_space<vmem>>, vector<2000x4xf32>
    tpu.vector_store %arg9[%swap3A_123, %swap3A_124], %stack3A_122 {strides = array<i32>} : memref<2000x4xf32, #tpu.memory_space<vmem>>, vector<2000x4xf32>,
    return
  }
  func.func @transform_0(%arg0: i32) -> (i32, i32) {
    %c0_i32 = arith.constant 0 : i32
    %c0_i32_0 = arith.constant 0 : i32
    return %arg0, %c0_i32 : i32, i32
  }
  func.func @transform_1(%arg0: i32) -> (i32, i32) {
    %c0_i32 = arith.constant 0 : i32
    %c0_i32_0 = arith.constant 0 : i32
    %c0_i32_1 = arith.constant 0 : i32
    return %c0_i32, %c0_i32_0 : i32, i32
  }
  func.func @transform_2(%arg0: i32) -> (i32, i32) {
    %c0_i32 = arith.constant 0 : i32
    %c0_i32_0 = arith.constant 0 : i32
    %c0_i32_1 = arith.constant 0 : i32
    return %c0_i32, %c0_i32_0 : i32, i32
  }
  func.func @transform_3(%arg0: i32) -> (i32, i32) {
    %c0_i32 = arith.constant 0 : i32
    %c0_i32_0 = arith.constant 0 : i32
    %c0_i32_1 = arith.constant 0 : i32
    return %c0_i32, %c0_i32_0 : i32, i32
  }
  func.func @transform_4(%arg0: i32) -> (i32, i32) {
    %c0_i32 = arith.constant 0 : i32
    %c0_i32_0 = arith.constant 0 : i32
    return %arg0, %c0_i32 : i32, i32
  }
  func.func @transform_5(%arg0: i32) -> (i32, i32) {
    %c0_i32 = arith.constant 0 : i32
    %c0_i32_0 = arith.constant 0 : i32
    return %arg0, %c0_i32 : i32, i32
  }
  func.func @transform_6(%arg0: i32) -> (i32, i32) {
    %c0_i32 = arith.constant 0 : i32
    %c0_i32_0 = arith.constant 0 : i32
    return %arg0, %c0_i32 : i32, i32
  }
  func.func @transform_7(%arg0: i32) -> (i32, i32) {
    %c0_i32 = arith.constant 0 : i32
    %c0_i32_0 = arith.constant 0 : i32
    return %arg0, %c0_i32 : i32, i32
  }
  func.func @transform_8(%arg0: i32) -> (i32, i32) {
    %c0_i32 = arith.constant 0 : i32
    %c0_i32_0 = arith.constant 0 : i32
    return %arg0, %c0_i32 : i32, i32
  }
}

module attributes {stable_mosaic.version = 14 : i64} {
  func.func @_tc2_body(%arg0: i32, %arg1: memref<2x2000x128xf32, #tpu.memory_space<vmem>>, %arg2: memref<2x2000x128xf32, #tpu.memory_space<vmem>>, %arg3: memref<2x2000x16xf32, #tpu.memory_space<vmem>>, %arg4: memref<2x2000x16xf32, #tpu.memory_space<vmem>>, %arg5: memref<256xf32, #tpu.memory_space<vmem>>, %arg6: memref<256x128xf32, #tpu.memory_space<vmem>>, %arg7: memref<1x128xf32, #tpu.memory_space<vmem>>, %arg8: memref<1x128xf32, #tpu.memory_space<vmem>>, %arg9: memref<2000x128xf32, #tpu.memory_space<vmem>>, %arg10: memref<2000x1xf32, #tpu.memory_space<vmem>>, %arg11: memref<2000x1xf32, #tpu.memory_space<vmem>>, %arg12: memref<2000x1xf32, #tpu.memory_space<vmem>>) attributes {dimension_semantics = [#tpu.dimension_semantics<arbitrary>], iteration_bounds = array<i64: 5>, scalar_prefetch = 0 : i64, scratch_operands = 0 : i64, tpu.core_type = #tpu.core_type<tc>, window_params = [{transform_indices = @transform_0, window_bounds = array<i64: 2, 2000, 128>}, {transform_indices = @transform_1, window_bounds = array<i64: 2, 2000, 128>}, {transform_indices = @transform_2, window_bounds = array<i64: 2, 2000, 16>}, {transform_indices = @transform_3, window_bounds = array<i64: 2, 2000, 16>}, {pipeline_mode = #tpu.pipeline_mode<synchronous>, transform_indices = @transform_4, window_bounds = array<i64: 256>}, {pipeline_mode = #tpu.pipeline_mode<synchronous>, transform_indices = @transform_5, window_bounds = array<i64: 256, 128>}, {pipeline_mode = #tpu.pipeline_mode<synchronous>, transform_indices = @transform_6, window_bounds = array<i64: 1, 128>}, {pipeline_mode = #tpu.pipeline_mode<synchronous>, transform_indices = @transform_7, window_bounds = array<i64: 1, 128>}, {transform_indices = @transform_8, window_bounds = array<i64: 2000, 128>}, {transform_indices = @transform_9, window_bounds = array<i64: 2000, 1>}, {transform_indices = @transform_10, window_bounds = array<i64: 2000, 1>}, {transform_indices = @transform_11, window_bounds = array<i64: 2000, 1>}]} {
    %get3A = arith.constant 0 : index
    %get3A_0 = arith.constant 0 : index
    %get3A_1 = arith.constant 0 : index
    %get3A_2 = vector.load %arg1[%get3A, %get3A_0, %get3A_1] : memref<2x2000x128xf32, #tpu.memory_space<vmem>>, vector<1x2000x128xf32>
    %get3A_3 = vector.shape_cast %get3A_2 : vector<1x2000x128xf32> to vector<2000x128xf32>
    %get3A_4 = arith.constant 1 : index
    %get3A_5 = arith.constant 0 : index
    %get3A_6 = arith.constant 0 : index
    %get3A_7 = vector.load %arg1[%get3A_4, %get3A_5, %get3A_6] : memref<2x2000x128xf32, #tpu.memory_space<vmem>>, vector<1x2000x128xf32>
    %get3A_8 = vector.shape_cast %get3A_7 : vector<1x2000x128xf32> to vector<2000x128xf32>
    %add3A = arith.addf %get3A_3, %get3A_8 : vector<2000x128xf32>
    %get3A_9 = arith.constant 0 : index
    %get3A_10 = arith.constant 0 : index
    %get3A_11 = arith.constant 0 : index
    %get3A_12 = vector.load %arg2[%get3A_9, %get3A_10, %get3A_11] : memref<2x2000x128xf32, #tpu.memory_space<vmem>>, vector<1x2000x128xf32>
    %get3A_13 = vector.shape_cast %get3A_12 : vector<1x2000x128xf32> to vector<2000x128xf32>
    %get3A_14 = arith.constant 1 : index
    %get3A_15 = arith.constant 0 : index
    %get3A_16 = arith.constant 0 : index
    %get3A_17 = vector.load %arg2[%get3A_14, %get3A_15, %get3A_16] : memref<2x2000x128xf32, #tpu.memory_space<vmem>>, vector<1x2000x128xf32>
    %get3A_18 = vector.shape_cast %get3A_17 : vector<1x2000x128xf32> to vector<2000x128xf32>
    %add3A_19 = arith.addf %get3A_13, %get3A_18 : vector<2000x128xf32>
    %get3A_20 = arith.constant 0 : index
    %get3A_21 = arith.constant 0 : index
    %get3A_22 = arith.constant 0 : index
    %get3A_23 = vector.load %arg3[%get3A_20, %get3A_21, %get3A_22] : memref<2x2000x16xf32, #tpu.memory_space<vmem>>, vector<1x2000x16xf32>
    %get3A_24 = vector.shape_cast %get3A_23 : vector<1x2000x16xf32> to vector<2000x16xf32>
    %get3A_25 = arith.constant 1 : index
    %get3A_26 = arith.constant 0 : index
    %get3A_27 = arith.constant 0 : index
    %get3A_28 = vector.load %arg3[%get3A_25, %get3A_26, %get3A_27] : memref<2x2000x16xf32, #tpu.memory_space<vmem>>, vector<1x2000x16xf32>
    %get3A_29 = vector.shape_cast %get3A_28 : vector<1x2000x16xf32> to vector<2000x16xf32>
    %add3A_30 = arith.addf %get3A_24, %get3A_29 : vector<2000x16xf32>
    %get3A_31 = arith.constant 0 : index
    %get3A_32 = arith.constant 0 : index
    %get3A_33 = arith.constant 0 : index
    %get3A_34 = vector.load %arg4[%get3A_31, %get3A_32, %get3A_33] : memref<2x2000x16xf32, #tpu.memory_space<vmem>>, vector<1x2000x16xf32>
    %get3A_35 = vector.shape_cast %get3A_34 : vector<1x2000x16xf32> to vector<2000x16xf32>
    %add3A_36 = arith.addf %add3A_30, %get3A_35 : vector<2000x16xf32>
    %get3A_37 = arith.constant 1 : index
    %get3A_38 = arith.constant 0 : index
    %get3A_39 = arith.constant 0 : index
    %get3A_40 = vector.load %arg4[%get3A_37, %get3A_38, %get3A_39] : memref<2x2000x16xf32, #tpu.memory_space<vmem>>, vector<1x2000x16xf32>
    %get3A_41 = vector.shape_cast %get3A_40 : vector<1x2000x16xf32> to vector<2000x16xf32>
    %add3A_42 = arith.addf %add3A_36, %get3A_41 : vector<2000x16xf32>
    %slice3A = vector.extract_strided_slice %add3A_42 {offsets = [0, 0], sizes = [2000, 1], strides = [1, 1]} : vector<2000x16xf32> to vector<2000x1xf32>
    %squeeze3A = vector.shape_cast %slice3A : vector<2000x1xf32> to vector<2000xf32>
    %broadcast_in_dim3A = vector.shape_cast %squeeze3A : vector<2000xf32> to vector<2000x1xf32>
    %add3A_43 = arith.constant 1.000000e-16 : f32
    %add3A_44 = vector.broadcast %add3A_43 : f32 to vector<2000x1xf32>
    %add3A_45 = arith.addf %broadcast_in_dim3A, %add3A_44 : vector<2000x1xf32>
    %slice3A_46 = vector.extract_strided_slice %add3A {offsets = [0, 0], sizes = [2000, 64], strides = [1, 1]} : vector<2000x128xf32> to vector<2000x64xf32>
    %div3A = vector.broadcast %add3A_45 : vector<2000x1xf32> to vector<2000x64xf32>
    %div3A_47 = arith.divf %slice3A_46, %div3A : vector<2000x64xf32>
    %slice3A_48 = vector.extract_strided_slice %add3A_42 {offsets = [0, 1], sizes = [2000, 1], strides = [1, 1]} : vector<2000x16xf32> to vector<2000x1xf32>
    %squeeze3A_49 = vector.shape_cast %slice3A_48 : vector<2000x1xf32> to vector<2000xf32>
    %broadcast_in_dim3A_50 = vector.shape_cast %squeeze3A_49 : vector<2000xf32> to vector<2000x1xf32>
    %add3A_51 = arith.constant 1.000000e-16 : f32
    %add3A_52 = vector.broadcast %add3A_51 : f32 to vector<2000x1xf32>
    %add3A_53 = arith.addf %broadcast_in_dim3A_50, %add3A_52 : vector<2000x1xf32>
    %slice3A_54 = vector.extract_strided_slice %add3A {offsets = [0, 64], sizes = [2000, 64], strides = [1, 1]} : vector<2000x128xf32> to vector<2000x64xf32>
    %div3A_55 = vector.broadcast %add3A_53 : vector<2000x1xf32> to vector<2000x64xf32>
    %div3A_56 = arith.divf %slice3A_54, %div3A_55 : vector<2000x64xf32>
    %slice3A_57 = vector.extract_strided_slice %add3A_42 {offsets = [0, 2], sizes = [2000, 1], strides = [1, 1]} : vector<2000x16xf32> to vector<2000x1xf32>
    %squeeze3A_58 = vector.shape_cast %slice3A_57 : vector<2000x1xf32> to vector<2000xf32>
    %broadcast_in_dim3A_59 = vector.shape_cast %squeeze3A_58 : vector<2000xf32> to vector<2000x1xf32>
    %add3A_60 = arith.constant 1.000000e-16 : f32
    %add3A_61 = vector.broadcast %add3A_60 : f32 to vector<2000x1xf32>
    %add3A_62 = arith.addf %broadcast_in_dim3A_59, %add3A_61 : vector<2000x1xf32>
    %slice3A_63 = vector.extract_strided_slice %add3A_19 {offsets = [0, 0], sizes = [2000, 64], strides = [1, 1]} : vector<2000x128xf32> to vector<2000x64xf32>
    %div3A_64 = vector.broadcast %add3A_62 : vector<2000x1xf32> to vector<2000x64xf32>
    %div3A_65 = arith.divf %slice3A_63, %div3A_64 : vector<2000x64xf32>
    %slice3A_66 = vector.extract_strided_slice %add3A_42 {offsets = [0, 3], sizes = [2000, 1], strides = [1, 1]} : vector<2000x16xf32> to vector<2000x1xf32>
    %squeeze3A_67 = vector.shape_cast %slice3A_66 : vector<2000x1xf32> to vector<2000xf32>
    %broadcast_in_dim3A_68 = vector.shape_cast %squeeze3A_67 : vector<2000xf32> to vector<2000x1xf32>
    %add3A_69 = arith.constant 1.000000e-16 : f32
    %add3A_70 = vector.broadcast %add3A_69 : f32 to vector<2000x1xf32>
    %add3A_71 = arith.addf %broadcast_in_dim3A_68, %add3A_70 : vector<2000x1xf32>
    %slice3A_72 = vector.extract_strided_slice %add3A_19 {offsets = [0, 64], sizes = [2000, 64], strides = [1, 1]} : vector<2000x128xf32> to vector<2000x64xf32>
    %div3A_73 = vector.broadcast %add3A_71 : vector<2000x1xf32> to vector<2000x64xf32>
    %div3A_74 = arith.divf %slice3A_72, %div3A_73 : vector<2000x64xf32>
    %concatenate3A = tpu.concatenate %div3A_47, %div3A_56, %div3A_65, %div3A_74 in 1 : vector<2000x64xf32>, vector<2000x64xf32>, vector<2000x64xf32>, vector<2000x64xf32> -> vector<2000x256xf32>
    %get3A_75 = arith.constant 0 : index
    %get3A_76 = vector.load %arg5[%get3A_75] : memref<256xf32, #tpu.memory_space<vmem>>, vector<256xf32>
    %broadcast_in_dim3A_77 = vector.shape_cast %get3A_76 : vector<256xf32> to vector<1x256xf32>
    %add3A_78 = vector.broadcast %broadcast_in_dim3A_77 : vector<1x256xf32> to vector<2000x256xf32>
    %add3A_79 = arith.addf %concatenate3A, %add3A_78 : vector<2000x256xf32>
    %max3A = arith.constant 0.000000e+00 : f32
    %max3A_80 = vector.broadcast %max3A : f32 to vector<2000x256xf32>
    %max3A_81 = arith.maximumf %add3A_79, %max3A_80 : vector<2000x256xf32>
    %get3A_82 = arith.constant 0 : index
    %get3A_83 = arith.constant 0 : index
    %get3A_84 = vector.load %arg6[%get3A_82, %get3A_83] : memref<256x128xf32, #tpu.memory_space<vmem>>, vector<256x128xf32>
    %dot_general3A = arith.constant dense<0.000000e+00> : vector<2000x128xf32>
    %dot_general3A_85 = tpu.matmul %max3A_81, %get3A_84, %dot_general3A {dimension_numbers = #tpu.dot_dimension_numbers<[1], [0], [0], [1], [0, 0, 1, 1], [], []>, transpose_lhs_hint = false} : vector<2000x256xf32>, vector<256x128xf32>, vector<2000x128xf32> -> vector<2000x128xf32>
    %swap3A = arith.constant 0 : index
    %swap3A_86 = arith.constant 0 : index
    %swap3A_87 = vector.load %arg9[%swap3A, %swap3A_86] : memref<2000x128xf32, #tpu.memory_space<vmem>>, vector<2000x128xf32>
    tpu.vector_store %arg9[%swap3A, %swap3A_86], %dot_general3A_85 {strides = array<i32>} : memref<2000x128xf32, #tpu.memory_space<vmem>>, vector<2000x128xf32>,
    %get3A_88 = arith.constant 0 : index
    %get3A_89 = arith.constant 0 : index
    %get3A_90 = vector.load %arg7[%get3A_88, %get3A_89] : memref<1x128xf32, #tpu.memory_space<vmem>>, vector<1x128xf32>
    %get3A_91 = vector.shape_cast %get3A_90 : vector<1x128xf32> to vector<128xf32>
    %broadcast_in_dim3A_92 = vector.shape_cast %get3A_91 : vector<128xf32> to vector<1x128xf32>
    %mul3A = vector.broadcast %broadcast_in_dim3A_92 : vector<1x128xf32> to vector<2000x128xf32>
    %mul3A_93 = arith.mulf %dot_general3A_85, %mul3A : vector<2000x128xf32>
    %reduce_sum3A = arith.constant dense<0.000000e+00> : vector<2000xf32>
    %reduce_sum3A_94 = vector.multi_reduction <add>, %mul3A_93, %reduce_sum3A [1] : vector<2000x128xf32> to vector<2000xf32>
    %get3A_95 = arith.constant 0 : index
    %get3A_96 = arith.constant 0 : index
    %get3A_97 = vector.load %arg8[%get3A_95, %get3A_96] : memref<1x128xf32, #tpu.memory_space<vmem>>, vector<1x128xf32>
    %get3A_98 = vector.shape_cast %get3A_97 : vector<1x128xf32> to vector<128xf32>
    %broadcast_in_dim3A_99 = vector.shape_cast %get3A_98 : vector<128xf32> to vector<1x128xf32>
    %mul3A_100 = vector.broadcast %broadcast_in_dim3A_99 : vector<1x128xf32> to vector<2000x128xf32>
    %mul3A_101 = arith.mulf %dot_general3A_85, %mul3A_100 : vector<2000x128xf32>
    %reduce_sum3A_102 = arith.constant dense<0.000000e+00> : vector<2000xf32>
    %reduce_sum3A_103 = vector.multi_reduction <add>, %mul3A_101, %reduce_sum3A_102 [1] : vector<2000x128xf32> to vector<2000xf32>
    %add3A_104 = arith.addf %reduce_sum3A_94, %reduce_sum3A_103 : vector<2000xf32>
    %broadcast_in_dim3A_105 = vector.shape_cast %reduce_sum3A_94 : vector<2000xf32> to vector<2000x1xf32>
    %swap3A_106 = arith.constant 0 : index
    %swap3A_107 = arith.constant 0 : index
    %swap3A_108 = vector.load %arg10[%swap3A_106, %swap3A_107] : memref<2000x1xf32, #tpu.memory_space<vmem>>, vector<2000x1xf32>
    tpu.vector_store %arg10[%swap3A_106, %swap3A_107], %broadcast_in_dim3A_105 {strides = array<i32>} : memref<2000x1xf32, #tpu.memory_space<vmem>>, vector<2000x1xf32>,
    %broadcast_in_dim3A_109 = vector.shape_cast %reduce_sum3A_103 : vector<2000xf32> to vector<2000x1xf32>
    %swap3A_110 = arith.constant 0 : index
    %swap3A_111 = arith.constant 0 : index
    %swap3A_112 = vector.load %arg11[%swap3A_110, %swap3A_111] : memref<2000x1xf32, #tpu.memory_space<vmem>>, vector<2000x1xf32>
    tpu.vector_store %arg11[%swap3A_110, %swap3A_111], %broadcast_in_dim3A_109 {strides = array<i32>} : memref<2000x1xf32, #tpu.memory_space<vmem>>, vector<2000x1xf32>,
    %mul3A_113 = arith.constant 2.000000e-01 : f32
    %mul3A_114 = vector.broadcast %mul3A_113 : f32 to vector<2000xf32>
    %mul3A_115 = arith.mulf %mul3A_114, %add3A_104 : vector<2000xf32>
    %max3A_116 = arith.maximumf %add3A_104, %mul3A_115 : vector<2000xf32>
    %broadcast_in_dim3A_117 = vector.shape_cast %max3A_116 : vector<2000xf32> to vector<2000x1xf32>
    %swap3A_118 = arith.constant 0 : index
    %swap3A_119 = arith.constant 0 : index
    %swap3A_120 = vector.load %arg12[%swap3A_118, %swap3A_119] : memref<2000x1xf32, #tpu.memory_space<vmem>>, vector<2000x1xf32>
    tpu.vector_store %arg12[%swap3A_118, %swap3A_119], %broadcast_in_dim3A_117 {strides = array<i32>} : memref<2000x1xf32, #tpu.memory_space<vmem>>, vector<2000x1xf32>,
    return
  }
  func.func @transform_0(%arg0: i32) -> (i32, i32, i32) {
    %c0_i32 = arith.constant 0 : i32
    %c0_i32_0 = arith.constant 0 : i32
    %c0_i32_1 = arith.constant 0 : i32
    return %c0_i32, %arg0, %c0_i32_0 : i32, i32, i32
  }
  func.func @transform_1(%arg0: i32) -> (i32, i32, i32) {
    %c0_i32 = arith.constant 0 : i32
    %c0_i32_0 = arith.constant 0 : i32
    %c0_i32_1 = arith.constant 0 : i32
    return %c0_i32, %arg0, %c0_i32_0 : i32, i32, i32
  }
  func.func @transform_2(%arg0: i32) -> (i32, i32, i32) {
    %c0_i32 = arith.constant 0 : i32
    %c0_i32_0 = arith.constant 0 : i32
    %c0_i32_1 = arith.constant 0 : i32
    return %c0_i32, %arg0, %c0_i32_0 : i32, i32, i32
  }
  func.func @transform_3(%arg0: i32) -> (i32, i32, i32) {
    %c0_i32 = arith.constant 0 : i32
    %c0_i32_0 = arith.constant 0 : i32
    %c0_i32_1 = arith.constant 0 : i32
    return %c0_i32, %arg0, %c0_i32_0 : i32, i32, i32
  }
  func.func @transform_4(%arg0: i32) -> i32 {
    %c0_i32 = arith.constant 0 : i32
    %c0_i32_0 = arith.constant 0 : i32
    return %c0_i32 : i32
  }
  func.func @transform_5(%arg0: i32) -> (i32, i32) {
    %c0_i32 = arith.constant 0 : i32
    %c0_i32_0 = arith.constant 0 : i32
    %c0_i32_1 = arith.constant 0 : i32
    return %c0_i32, %c0_i32_0 : i32, i32
  }
  func.func @transform_6(%arg0: i32) -> (i32, i32) {
    %c0_i32 = arith.constant 0 : i32
    %c0_i32_0 = arith.constant 0 : i32
    %c0_i32_1 = arith.constant 0 : i32
    return %c0_i32, %c0_i32_0 : i32, i32
  }
  func.func @transform_7(%arg0: i32) -> (i32, i32) {
    %c0_i32 = arith.constant 0 : i32
    %c0_i32_0 = arith.constant 0 : i32
    %c0_i32_1 = arith.constant 0 : i32
    return %c0_i32, %c0_i32_0 : i32, i32
  }
  func.func @transform_8(%arg0: i32) -> (i32, i32) {
    %c0_i32 = arith.constant 0 : i32
    %c0_i32_0 = arith.constant 0 : i32
    return %arg0, %c0_i32 : i32, i32
  }
  func.func @transform_9(%arg0: i32) -> (i32, i32) {
    %c0_i32 = arith.constant 0 : i32
    %c0_i32_0 = arith.constant 0 : i32
    return %arg0, %c0_i32 : i32, i32
  }
  func.func @transform_10(%arg0: i32) -> (i32, i32) {
    %c0_i32 = arith.constant 0 : i32
    %c0_i32_0 = arith.constant 0 : i32
    return %arg0, %c0_i32 : i32, i32
  }
  func.func @transform_11(%arg0: i32) -> (i32, i32) {
    %c0_i32 = arith.constant 0 : i32
    %c0_i32_0 = arith.constant 0 : i32
    return %arg0, %c0_i32 : i32, i32
  }
}

module attributes {stable_mosaic.version = 14 : i64} {
  func.func @_tc3_body(%arg0: memref<2x10000x128xf32, #tpu.memory_space<vmem>>, %arg1: memref<2x10000x16xf32, #tpu.memory_space<vmem>>, %arg2: memref<128xf32, #tpu.memory_space<vmem>>, %arg3: memref<128xf32, #tpu.memory_space<vmem>>, %arg4: memref<128xf32, #tpu.memory_space<vmem>>, %arg5: memref<128x50xf32, #tpu.memory_space<vmem>>, %arg6: memref<50xf32, #tpu.memory_space<vmem>>, %arg7: memref<10000x50xf32, #tpu.memory_space<vmem>>) attributes {dimension_semantics = [], scalar_prefetch = 0 : i64, scratch_operands = 0 : i64, tpu.core_type = #tpu.core_type<tc>} {
    %get3A = arith.constant 0 : index
    %get3A_0 = arith.constant 0 : index
    %get3A_1 = arith.constant 0 : index
    %get3A_2 = vector.load %arg0[%get3A, %get3A_0, %get3A_1] : memref<2x10000x128xf32, #tpu.memory_space<vmem>>, vector<1x10000x128xf32>
    %get3A_3 = vector.shape_cast %get3A_2 : vector<1x10000x128xf32> to vector<10000x128xf32>
    %get3A_4 = arith.constant 1 : index
    %get3A_5 = arith.constant 0 : index
    %get3A_6 = arith.constant 0 : index
    %get3A_7 = vector.load %arg0[%get3A_4, %get3A_5, %get3A_6] : memref<2x10000x128xf32, #tpu.memory_space<vmem>>, vector<1x10000x128xf32>
    %get3A_8 = vector.shape_cast %get3A_7 : vector<1x10000x128xf32> to vector<10000x128xf32>
    %add3A = arith.addf %get3A_3, %get3A_8 : vector<10000x128xf32>
    %get3A_9 = arith.constant 0 : index
    %get3A_10 = arith.constant 0 : index
    %get3A_11 = arith.constant 0 : index
    %get3A_12 = vector.load %arg1[%get3A_9, %get3A_10, %get3A_11] : memref<2x10000x16xf32, #tpu.memory_space<vmem>>, vector<1x10000x16xf32>
    %get3A_13 = vector.shape_cast %get3A_12 : vector<1x10000x16xf32> to vector<10000x16xf32>
    %get3A_14 = arith.constant 1 : index
    %get3A_15 = arith.constant 0 : index
    %get3A_16 = arith.constant 0 : index
    %get3A_17 = vector.load %arg1[%get3A_14, %get3A_15, %get3A_16] : memref<2x10000x16xf32, #tpu.memory_space<vmem>>, vector<1x10000x16xf32>
    %get3A_18 = vector.shape_cast %get3A_17 : vector<1x10000x16xf32> to vector<10000x16xf32>
    %add3A_19 = arith.addf %get3A_13, %get3A_18 : vector<10000x16xf32>
    %slice3A = vector.extract_strided_slice %add3A_19 {offsets = [0, 0], sizes = [10000, 1], strides = [1, 1]} : vector<10000x16xf32> to vector<10000x1xf32>
    %squeeze3A = vector.shape_cast %slice3A : vector<10000x1xf32> to vector<10000xf32>
    %broadcast_in_dim3A = vector.shape_cast %squeeze3A : vector<10000xf32> to vector<10000x1xf32>
    %add3A_20 = arith.constant 1.000000e-16 : f32
    %add3A_21 = vector.broadcast %add3A_20 : f32 to vector<10000x1xf32>
    %add3A_22 = arith.addf %broadcast_in_dim3A, %add3A_21 : vector<10000x1xf32>
    %div3A = vector.broadcast %add3A_22 : vector<10000x1xf32> to vector<10000x128xf32>
    %div3A_23 = arith.divf %add3A, %div3A : vector<10000x128xf32>
    %get3A_24 = arith.constant 0 : index
    %get3A_25 = vector.load %arg2[%get3A_24] : memref<128xf32, #tpu.memory_space<vmem>>, vector<128xf32>
    %broadcast_in_dim3A_26 = vector.shape_cast %get3A_25 : vector<128xf32> to vector<1x128xf32>
    %add3A_27 = vector.broadcast %broadcast_in_dim3A_26 : vector<1x128xf32> to vector<10000x128xf32>
    %add3A_28 = arith.addf %div3A_23, %add3A_27 : vector<10000x128xf32>
    %max3A = arith.constant 0.000000e+00 : f32
    %max3A_29 = vector.broadcast %max3A : f32 to vector<10000x128xf32>
    %max3A_30 = arith.maximumf %add3A_28, %max3A_29 : vector<10000x128xf32>
    %reduce_sum3A = arith.constant dense<0.000000e+00> : vector<128xf32>
    %reduce_sum3A_31 = vector.multi_reduction <add>, %max3A_30, %reduce_sum3A [0] : vector<10000x128xf32> to vector<128xf32>
    %broadcast_in_dim3A_32 = vector.shape_cast %reduce_sum3A_31 : vector<128xf32> to vector<1x128xf32>
    %div3A_33 = arith.constant 1.000000e+04 : f32
    %div3A_34 = vector.broadcast %div3A_33 : f32 to vector<1x128xf32>
    %div3A_35 = arith.divf %broadcast_in_dim3A_32, %div3A_34 : vector<1x128xf32>
    %sub3A = vector.broadcast %div3A_35 : vector<1x128xf32> to vector<10000x128xf32>
    %sub3A_36 = arith.subf %max3A_30, %sub3A : vector<10000x128xf32>
    %integer_pow3A = arith.mulf %sub3A_36, %sub3A_36 : vector<10000x128xf32>
    %reduce_sum3A_37 = arith.constant dense<0.000000e+00> : vector<128xf32>
    %reduce_sum3A_38 = vector.multi_reduction <add>, %integer_pow3A, %reduce_sum3A_37 [0] : vector<10000x128xf32> to vector<128xf32>
    %broadcast_in_dim3A_39 = vector.shape_cast %reduce_sum3A_38 : vector<128xf32> to vector<1x128xf32>
    %div3A_40 = arith.constant 1.000000e+04 : f32
    %div3A_41 = vector.broadcast %div3A_40 : f32 to vector<1x128xf32>
    %div3A_42 = arith.divf %broadcast_in_dim3A_39, %div3A_41 : vector<1x128xf32>
    %sub3A_43 = vector.broadcast %div3A_35 : vector<1x128xf32> to vector<10000x128xf32>
    %sub3A_44 = arith.subf %max3A_30, %sub3A_43 : vector<10000x128xf32>
    %add3A_45 = arith.constant 9.99999974E-6 : f32
    %add3A_46 = vector.broadcast %add3A_45 : f32 to vector<1x128xf32>
    %add3A_47 = arith.addf %div3A_42, %add3A_46 : vector<1x128xf32>
    %sqrt3A = math.sqrt %add3A_47 : vector<1x128xf32>
    %div3A_48 = vector.broadcast %sqrt3A : vector<1x128xf32> to vector<10000x128xf32>
    %div3A_49 = arith.divf %sub3A_44, %div3A_48 : vector<10000x128xf32>
    %get3A_50 = arith.constant 0 : index
    %get3A_51 = vector.load %arg3[%get3A_50] : memref<128xf32, #tpu.memory_space<vmem>>, vector<128xf32>
    %broadcast_in_dim3A_52 = vector.shape_cast %get3A_51 : vector<128xf32> to vector<1x128xf32>
    %mul3A = vector.broadcast %broadcast_in_dim3A_52 : vector<1x128xf32> to vector<10000x128xf32>
    %mul3A_53 = arith.mulf %div3A_49, %mul3A : vector<10000x128xf32>
    %get3A_54 = arith.constant 0 : index
    %get3A_55 = vector.load %arg4[%get3A_54] : memref<128xf32, #tpu.memory_space<vmem>>, vector<128xf32>
    %broadcast_in_dim3A_56 = vector.shape_cast %get3A_55 : vector<128xf32> to vector<1x128xf32>
    %add3A_57 = vector.broadcast %broadcast_in_dim3A_56 : vector<1x128xf32> to vector<10000x128xf32>
    %add3A_58 = arith.addf %mul3A_53, %add3A_57 : vector<10000x128xf32>
    %get3A_59 = arith.constant 0 : index
    %get3A_60 = arith.constant 0 : index
    %get3A_61 = vector.load %arg5[%get3A_59, %get3A_60] : memref<128x50xf32, #tpu.memory_space<vmem>>, vector<128x50xf32>
    %dot_general3A = arith.constant dense<0.000000e+00> : vector<10000x50xf32>
    %dot_general3A_62 = tpu.matmul %add3A_58, %get3A_61, %dot_general3A {dimension_numbers = #tpu.dot_dimension_numbers<[1], [0], [0], [1], [0, 0, 1, 1], [], []>, transpose_lhs_hint = false} : vector<10000x128xf32>, vector<128x50xf32>, vector<10000x50xf32> -> vector<10000x50xf32>
    %get3A_63 = arith.constant 0 : index
    %get3A_64 = vector.load %arg6[%get3A_63] : memref<50xf32, #tpu.memory_space<vmem>>, vector<50xf32>
    %broadcast_in_dim3A_65 = vector.shape_cast %get3A_64 : vector<50xf32> to vector<1x50xf32>
    %add3A_66 = vector.broadcast %broadcast_in_dim3A_65 : vector<1x50xf32> to vector<10000x50xf32>
    %add3A_67 = arith.addf %dot_general3A_62, %add3A_66 : vector<10000x50xf32>
    %swap3A = arith.constant 0 : index
    %swap3A_68 = arith.constant 0 : index
    %swap3A_69 = vector.load %arg7[%swap3A, %swap3A_68] : memref<10000x50xf32, #tpu.memory_space<vmem>>, vector<10000x50xf32>
    tpu.vector_store %arg7[%swap3A, %swap3A_68], %add3A_67 {strides = array<i32>} : memref<10000x50xf32, #tpu.memory_space<vmem>>, vector<10000x50xf32>,
    return
  }
}

</mosaic_0001>

<sc_bundles>
// kernel: kernel.11.cloned.1.call-start
scs
__scs_entry_jumppad:
0x0: {  	(pc) =	sbr.rel $0x88, $3  }
0x1: {  	(tag) =	ssettag $0x0;
	lr =	simm.s32 $0x1  }
0x2: {  	[smem:$0x3F93] =	sst lr;
	_ =	strace $0xD0000000  }
0x3: {  	_ = 	snop  }
0x4: {  	_ = 	snop  }
0x5: {  	_ = 	snop  }
0x6: {  	_ = 	snop  }
0x7: {  	_ = 	snop  }
__scs_overlays_trampoline_lowered:
0x8: {  	[smem:$0x3FA2] =	sst s0  }
0x9: {  	[smem:$0x3FA3] =	sst s1  }
0xa: {  	[smem:$0x3FA4] =	sst s2  }
0xb: {  	[smem:$0x3FA5] =	sst s3  }
0xc: {  	[smem:$0x3FA6] =	sst s4  }
0xd: {  	[smem:$0x3FA7] =	sst s5  }
0xe: {  	[smem:$0x3FA8] =	sst s6  }
0xf: {  	[smem:$0x3FA9] =	sst s7  }
0x10: {  	[smem:$0x3FAA] =	sst s8  }
0x11: {  	[smem:$0x3FAB] =	sst s9;
	s0 =	simm.s32 @!p0 $0x0  }
0x12: {  	s1 =	sld [smem:$0x3F91];
	s0 =	simm.s32 @p0 $0x1  }
0x13: {  	[smem:$0x3FAC] =	sst s0;
	s0 =	simm.s32 @!p1 $0x0  }
0x14: {  	s2 =	sld [smem:$0x3F90];
	s0 =	simm.s32 @p1 $0x1  }
0x15: {  	[smem:$0x3FAD] =	sst s0;
	s0 =	simm.s32 @!p2 $0x0  }
0x16: {  	s3 =	sld [smem:$0x3FDB];
	s0 =	simm.s32 @p2 $0x1  }
0x17: {  	s4 =	simm.s32 $0x1BF5;
	[smem:$0x3FAF] =	sst s0  }
0x18: {  	s0 =	sld [smem:$0x3F92];
	_ =	swait.ge [sflag:s4], $0x0  }
0x19: {  	s7 =	sld [smem:$0x3F93]  }
0x1a: {  	s8 =	sadd.s32 $0xFFFFE003, lr  }
0x1b: {  	s9 =	sadd.s32 $0xFFFFFEF7, lr;
	s5 =	simm.s32 $0xFFFFFFFF;
	p2 =	slt.u32 s8, $0xFFFFF086  }
0x1c: {  	p1 =	slt.u32 s9, $0xF7A;
	s5 =	simm.s32 @!p2 $0x0  }
0x1d: {  	s5 =	simm.s32 @p1 $0x1;
	p0 =	seq.s32 s7, s2  }
0x1e: {  	s7 =	smul.u32 @!p0 $0xF7A, s2;
	p2 =	seq.s32 @!p0 s5, $0x0  }
0x1f: {  	s9 =	smul.u32 $0xF7A, s1;
	s8 =	simm.s32 @!p0 $0x1BF5;
	p2 =	por !p2, p0  }
0x20: {  	[sflag:s8] =	ssyncset.s32 @!p0 $0xFFFFF086;
	s6 =	sadd.s32 @!p0 s3, s7;
	s7 =	simm.s32 @!p0 $0x108  }
0x21: {  	s3 =	sadd.s32 s3, s9;
	s6 =	sadd.s32 @!p0 $0x88, s6;
	s7 =	simm.s32 @p2 $0x1082  }
0x22: {  	[simem:s7], [sflag:s8] =	dma.local @!p0 [hbm:s6], $0xF7A  }
0x23: {  	s9 =	sor.u32 $0xD0000000, s2;
	s6 =	simm.s32 $0x108;
	_ =	swait.ge @!p0 [sflag:s8], $0x0  }
0x24: {  	s3 =	sadd.s32 $0x88, s3;
	s6 =	simm.s32 @!p1 $0x1082;
	[sflag:s4] =	ssyncset.s32 $0xFFFFF086  }
0x25: {  	[simem:s6], [sflag:s4] =	dma.local [hbm:s3], $0xF7A  }
0x26: {  	[smem:$0x3F93] =	sst s1;
	(tag) =	ssettag s2;
	_ =	strace s9  }
0x27: {  	s1 =	sld [smem:$0x3FA3]  }
0x28: {  	s2 =	sld [smem:$0x3FA4]  }
0x29: {  	s4 =	sld [smem:$0x3FA6]  }
0x2a: {  	p0 =	seq.s32 s5, $0x0;
	s5 =	sld [smem:$0x3FA7]  }
0x2b: {  	s6 =	sld [smem:$0x3FA8]  }
0x2c: {  	s7 =	sld [smem:$0x3FA9]  }
0x2d: {  	s3 =	simm.s32 $0x108;
	s8 =	sld [smem:$0x3FAA]  }
0x2e: {  	s3 =	simm.s32 @!p0 $0x1082;
	s9 =	sld [smem:$0x3FAB]  }
0x2f: {  	lr =	sadd.s32 s0, s3;
	s0 =	sld [smem:$0x3FA2]  }
0x30: {  	s3 =	sld [smem:$0x3FA5]  }
0x31: {  	[smem:$0x3FAE] =	sst s10  }
0x32: {  	s10 =	sld [smem:$0x3FAC];
	_ =	sdelay $0x3  }
0x33: {  	p0 =	seq.s32 s10, $0x1;
	s10 =	sld [smem:$0x3FAE];
	_ =	sdelay $0x3  }
0x34: {  	[smem:$0x3FAE] =	sst s10  }
0x35: {  	s10 =	sld [smem:$0x3FAD];
	_ =	sdelay $0x3  }
0x36: {  	p1 =	seq.s32 s10, $0x1;
	s10 =	sld [smem:$0x3FAE];
	_ =	sdelay $0x3  }
0x37: {  	[smem:$0x3FAE] =	sst s10  }
0x38: {  	s10 =	sld [smem:$0x3FAF]  }
0x39: {  	_ = 	snop;
	(pc) =	sbr.ind lr, $3  }
0x3a: {  	_ = 	snop  }
0x3b: {  	_ = 	snop  }
0x3c: {  	p2 =	seq.s32 s10, $0x1;
	s10 =	sld [smem:$0x3FAE]  }
0x3d: {  	_ =	shalt  }
0x3e: {  	_ =	shalt  }
0x3f: {  	_ =	shalt  }
0x40: {  	_ =	shalt  }
0x41: {  	_ =	shalt  }
0x42: {  	_ =	shalt  }
0x43: {  	_ =	shalt  }
0x44: {  	_ =	shalt  }
0x45: {  	_ =	shalt  }
0x46: {  	_ =	shalt  }
0x47: {  	_ =	shalt  }
0x48: {  	_ =	shalt  }
0x49: {  	_ =	shalt  }
0x4a: {  	_ =	shalt  }
0x4b: {  	_ =	shalt  }
0x4c: {  	_ =	shalt  }
0x4d: {  	_ =	shalt  }
0x4e: {  	_ =	shalt  }
0x4f: {  	_ =	shalt  }
0x50: {  	_ =	shalt  }
0x51: {  	_ =	shalt  }
0x52: {  	_ =	shalt  }
0x53: {  	_ =	shalt  }
0x54: {  	_ =	shalt  }
0x55: {  	_ =	shalt  }
0x56: {  	_ =	shalt  }
0x57: {  	_ =	shalt  }
0x58: {  	_ =	shalt  }
0x59: {  	_ =	shalt  }
0x5a: {  	_ =	shalt  }
0x5b: {  	_ =	shalt  }
0x5c: {  	_ =	shalt  }
0x5d: {  	_ =	shalt  }
0x5e: {  	_ =	shalt  }
0x5f: {  	_ =	shalt  }
0x60: {  	_ =	shalt  }
0x61: {  	_ =	shalt  }
0x62: {  	_ =	shalt  }
0x63: {  	_ =	shalt  }
0x64: {  	_ =	shalt  }
0x65: {  	_ =	shalt  }
0x66: {  	_ =	shalt  }
0x67: {  	_ =	shalt  }
0x68: {  	_ =	shalt  }
0x69: {  	_ =	shalt  }
0x6a: {  	_ =	shalt  }
0x6b: {  	_ =	shalt  }
0x6c: {  	_ =	shalt  }
0x6d: {  	_ =	shalt  }
0x6e: {  	_ =	shalt  }
0x6f: {  	_ =	shalt  }
0x70: {  	_ =	shalt  }
0x71: {  	_ =	shalt  }
0x72: {  	_ =	shalt  }
0x73: {  	_ =	shalt  }
0x74: {  	_ =	shalt  }
0x75: {  	_ =	shalt  }
0x76: {  	_ =	shalt  }
0x77: {  	_ =	shalt  }
0x78: {  	_ =	shalt  }
0x79: {  	_ =	shalt  }
0x7a: {  	_ =	shalt  }
0x7b: {  	_ =	shalt  }
0x7c: {  	_ =	shalt  }
0x7d: {  	_ =	shalt  }
0x7e: {  	_ =	shalt  }
0x7f: {  	_ =	shalt  }
0x80: {  	_ =	shalt  }
0x81: {  	_ =	shalt  }
0x82: {  	_ =	shalt  }
0x83: {  	_ =	shalt  }
0x84: {  	_ =	shalt  }
0x85: {  	_ =	shalt  }
0x86: {  	_ =	shalt  }
0x87: {  	_ =	shalt  }
.Lfunc_end0:
.L_simem_size_0:
called_computation.1_lowered:
.L_overlay_start_0:
0x88: {  	s2 =	sld [smem:$0x3FD9]  }
0x89: {  	s3 =	sld [smem:$0x3FFE];
	_ =	sdelay $0x1  }
0x8a: {  	s1 =	srdreg.scid  }
0x8b: {  	s0 =	sand.u32 $0x1, s1  }
0x8c: {  	s17 =	sshll.u32 s0, $0xA;
	s2 =	sadd.s32 s3, s2  }
0x8d: {  	s2 =	sadd.s32 s2, s17  }
0x8e: {  	[smem:$0x3FBA] =	sst s2  }
0x8f: {  	_ = 	snop  }
0x90: {  	s2 =	sld [smem:$0x3FD0];
	(tm) =	ssettm $0x1  }
0x91: {  	s18 =	sld [smem:$0x3FFB];
	_ =	sdelay $0x3  }
0x92: {  	_ =	strace s18  }
0x93: {  	s3 =	sld [smem:$0x3FFC];
	_ =	sdelay $0x3  }
0x94: {  	_ =	strace s3  }
0x95: {  	s3 =	sld [smem:$0x3FFD];
	_ =	sdelay $0x3  }
0x96: {  	_ =	strace s3  }
0x97: {  	_ =	strace $0x8FFFFFFF  }
0x98: {  	s19 =	sld [smem:$0x3FDB];
	_ =	sdelay $0x1  }
0x99: {  	s4 =	simm.s32 $_scs_section_size  }
0x9a: {  	s5 =	simm.s32 $_size__tile_overlayer_lowered;
	s6 =	simm.s32 $_tile_overlayer_lowered  }
0x9b: {  	s22 =	simm.s32 $0x1BFF;
	s21 =	sshll.u32 s6, $0x1;
	s3 =	sadd.s32 s4, s19  }
0x9c: {  	s7 =	simm.s32 $0x0;
	s20 =	sshll.u32 s5, $0x1;
	s5 =	sadd.s32 s21, s3  }
0x9d: {  	[timem:s7], [sflag:s22] =	dma.local [hbm:s5], s20  }
0x9e: {  	_ =	swait.ge [sflag:s22], s20  }
0x9f: {  	s4 =	ssub.s32 $0x0, s20;
	[sflag:s22] =	ssyncset.done $0x0  }
0xa0: {  	[sflag:s22] =	ssyncadd.s32 s4;
	_ =	sdelay $0x1  }
0xa1: {  	s23 =	simm.s32 $0x1B8B  }
0xa2: {  	_ =	swait.ge [sflag:s23], $0x1  }
0xa3: {  	[sflag:s23] =	ssyncset.done $0x0  }
0xa4: {  	s25 =	simm.s32 $0x1B8E;
	s24 =	sld [smem:$0x3FFE];
	[sflag:s23] =	ssyncadd.s32 $0xFFFFFFFF  }
0xa5: {  	s26 =	simm.s32 $execute0_lowered;
	[smem:$0x3FD2] =	sst s25  }
0xa6: {  	s5 =	sshll.u32 s26, $0x1;
	_ =	strace $0x80000046;
	[dreg:$0x1] =	wrdreg $0xFFFFFFFF  }
0xa7: {  	s28 =	simm.s32 $_size_execute0_lowered;
	s3 =	sadd.s32 s3, s5;
	[dreg:$0x0] =	wrdreg $0x0  }
0xa8: {  	s5 =	sshll.u32 s28, $0x1;
	[dreg:$0x2] =	wrdreg s3  }
0xa9: {  	[dreg:$0x3] =	wrdreg s5  }
0xaa: {  	[dreg:$0x4] =	wrdreg $0xC0  }
0xab: {  	_ =	task [dreg:s7], $0x5FFFF  }
0xac: {  	[dreg:$0x1] =	wrdreg $0xFFFFFFFF  }
0xad: {  	[dreg:$0x0] =	wrdreg $0x60  }
0xae: {  	[dreg:$0x2] =	wrdreg s2  }
0xaf: {  	[dreg:$0x3] =	wrdreg s24  }
0xb0: {  	[dreg:$0x4] =	wrdreg $0x0  }
0xb1: {  	[dreg:$0x5] =	wrdreg $0x2780  }
0xb2: {  	[dreg:$0x6] =	wrdreg $0x4F00  }
0xb3: {  	[dreg:$0x7] =	wrdreg $0x7680  }
0xb4: {  	[dreg:$0x8] =	wrdreg $0x9E00  }
0xb5: {  	[dreg:$0x9] =	wrdreg $0xC580  }
0xb6: {  	[dreg:$0xa] =	wrdreg $0x5BD00  }
0xb7: {  	[dreg:$0xb] =	wrdreg $0x197D00  }
0xb8: {  	[dreg:$0xc] =	wrdreg $0xA  }
0xb9: {  	_ =	task.clear_ibuf [dreg:s7], $0xDFFFF;
	_ =	strace $0x90000046  }
0xba: {  	s29 =	simm.s32 $0xA;
	_ =	strace $0x80000048  }
0xbb: {  	_ =	swait.ge [sflag:s29], $0x1  }
0xbc: {  	[sflag:s29] =	ssyncadd.s32 $0xFFFFFFFF  }
0xbd: {  	_ =	strace $0x90000048  }
0xbe: {  	_ =	sfence  }
0xbf: {  	s30 =	sld [smem:$0x0];
	_ =	sdelay $0x2  }
0xc0: {  	s31 =	sshll.u32 s1, $0xD;
	s1 =	sshrl.u32 s1, $0x2  }
0xc1: {  	s3 =	sand.u32 $0x4000, s31;
	s1 =	sadd.s32 s1, s30  }
0xc2: {  	s0 =	sor.u32 s3, s0;
	s1 =	sshll.u32 s1, $0x11  }
0xc3: {  	s0 =	sor.u32 s1, s0  }
0xc4: {  	s0 =	sadd.s32 $0x8F2B, s0  }
0xc5: {  	[sflag:s0] =	ssyncadd.remote.s32 $0x1  }
0xc6: {  	_ =	sfence.sel $0xFFFF  }
0xc7: {  	[dreg:$0x0] =	wrdreg $0xFFFFFFFF;
	(pc) =	sbr.abs _section_cstart, $3  }
0xc8: {  	[dreg:$0x1] =	wrdreg $0xFFFFFFFF  }
0xc9: {  	_ =	task.clear_ibuf [dreg:s7], $0x2FFFF;
	_ =	strace $0x9FFFFFFF  }
0xca: {  	(tm) =	ssettm $0x7FFFFFFF  }
0xcb: {  	_ =	shalt  }
tec
execute0_lowered:
.L_overlay_start_1:
0x0: {  	(tag) =	ssettag $0x1  }
0x1: {  	s10 =	rddreg [dreg:$0x1]  }
0x2: {  	s4 =	rddreg [dreg:$0x4]  }
0x3: {  	s6 =	rddreg [dreg:$0x5]  }
0x4: {  	s7 =	rddreg [dreg:$0x6]  }
0x5: {  	s8 =	rddreg [dreg:$0x7]  }
0x6: {  	s20 =	rddreg [dreg:$0x8]  }
0x7: {  	s21 =	rddreg [dreg:$0x9];
	s25 =	simm.s32 $0x0  }
0x8: {  	s23 =	stileid.u32;
	s1 =	srdreg.scid;
	s30 =	simm.s32 $0x2  }
0x9: {  	s31 =	simm.s32 $0xED0;
	[smem:$0x7FF] =	sst s25;
	s0 =	smul.u32 $0x13C00, s23  }
0xa: {  	s13 =	sadd.s32 $0x76E00, s10;
	s9 =	smul.u32 $0x2780, s23;
	s1 =	sand.u32 $0x1, s1  }
0xb: {  	s14 =	sadd.s32 $0x4E400, s10;
	s18 =	smul.u32 $0x5100, s23;
	s28 =	sshll.u32 s23, $0x1  }
0xc: {  	s2 =	sadd.s32 $0x75C00, s10;
	s3 =	sadd.s32 $0xC00, s10;
	p0 =	sne.s32 s23, $0x0  }
0xd: {  	s26 =	sadd.s32 $0x600, s10;
	s23 =	simm.s32 $0x53D0;
	s11 =	smul.u32 $0x13C000, s1  }
0xe: {  	_ =	strace $0x80000047;
	s15 =	smul.u32 $0x27800, s1;
	s16 =	ssub.s32 $0x2, s1  }
0xf: {  	s19 =	smul.u32 $0x2880, s1;
	s1 =	sor.u32 s1, s28;
	[dreg:$0xc] =	wrdreg s2  }
0x10: {  	[dreg:$0xe] =	wrdreg s3;
	s2 =	smov.u32 s20;
	s3 =	smov.u32 s21  }
0x11: {  	[dreg:$0x16] =	wrdreg s26;
	s28 =	sadd.s32 $0x75600, s10;
	s5 =	sshrl.u32 s0, $0x3  }
0x12: {  	s12 =	sshrl.u32 s9, $0x3;
	s17 =	sshrl.u32 s16, $0x1;
	s22 =	smul.u32 $0x2880, s1  }
0x13: {  	[dreg:$0x17] =	wrdreg s28;
	s1 =	simm.s32 $0x12D0;
	s5 =	sadd.s32 s5, s10  }
0x14: {  	s12 =	sadd.s32 s12, s10;
	s16 =	ssub.s32 s16, s17;
	s11 =	sadd.s32 s0, s11  }
0x15: {  	s15 =	sadd.s32 s9, s15;
	s29 =	sadd.s32 s19, s18;
	s0 =	sadd.s32 s0, s20  }
0x16: {  	s18 =	sadd.s32 s9, s21;
	s11 =	sshrl.u32 s11, $0x3;
	[dreg:$0xd] =	wrdreg s29  }
0x17: {  	s15 =	sshrl.u32 s15, $0x3;
	[dreg:$0xf] =	wrdreg s0;
	s17 =	sadd.s32 $0x81000, s5  }
0x18: {  	[dreg:$0x11] =	wrdreg s18;
	s19 =	sadd.s32 $0x3000, s12;
	s24 =	smax.u32 s16, $0x1  }
0x19: {  	s29 =	sadd.s32 $0x1200, s10;
	s5 =	simm.s32 $0xF50;
	[dreg:$0x10] =	wrdreg s17  }
0x1a: {  	s12 =	simm.s32 $0x80;
	s18 =	simm.s32 $0x10D0;
	[dreg:$0x12] =	wrdreg s19  }
0x1b: {  	s16 =	simm.s32 $0x1050;
	s11 =	sadd.s32 s11, s10;
	[dreg:$0x15] =	wrdreg s24  }
0x1c: {  	s15 =	sadd.s32 s15, s10;
	[dreg:$0x18] =	wrdreg s29;
	s17 =	simm.s32 $0xFD0  }
0x1d: {  	s19 =	simm.s32 $0x11D0;
	s24 =	simm.s32 $0x52D0;
	s20 =	sadd.s32 $0xA8800, s11  }
0x1e: {  	v1 =	vlaneseq.u32;
	s21 =	sadd.s32 $0x8000, s15;
	s15 =	simm.s32 $0x1;
	[dreg:$0x13] =	wrdreg s20  }
0x1f: {  	v0 =	vimm.f32 $0.0e+00;
	v1 =	vmul.u32 $0x10, v1;
	[dreg:$0x14] =	wrdreg s21;
	s20 =	simm.s32 $0x1150;
	s21 =	simm.s32 $0x1250  }
.LBB2_1:
0x20: {  	[dreg:$0xb] =	wrdreg s25  }
0x21: {  	s0 =	rddreg [dreg:$0x2]  }
0x22: {  	s9 =	simm.s32 @!p0 $0x1C02;
	s10 =	rddreg [dreg:$0xc];
	s0 =	sshrl.u32 @!p0 s0, $0x3  }
0x23: {  	[spmem:s0], [sflag:s9] =	dma.local @!p0 [hbm:s10], $0x4E2  }
0x24: {  	s0 =	simm.s32 @!p0 $0x2  }
0x25: {  	_ =	swait.ge @!p0 [sflag:s0], $0x4E2  }
0x26: {  	[sflag:s0] =	ssyncset.done @!p0 $0x0  }
0x27: {  	[sflag:s0] =	ssyncadd.s32 @!p0 $0xFFFFFB1E  }
0x28: {  	s10 =	rddreg [dreg:$0x3]  }
0x29: {  	s11 =	sshrl.u32 @!p0 s10, $0x3;
	s10 =	rddreg [dreg:$0xe]  }
0x2a: {  	[spmem:s11], [sflag:s9] =	dma.local @!p0 [hbm:s10], $0x4E2  }
0x2b: {  	_ =	swait.ge @!p0 [sflag:s0], $0x4E2  }
0x2c: {  	[sflag:s0] =	ssyncset.done @!p0 $0x0  }
0x2d: {  	s11 =	sshrl.u32 @!p0 s4, $0x3;
	s10 =	rddreg [dreg:$0x16];
	[sflag:s0] =	ssyncadd.s32 @!p0 $0xFFFFFB1E  }
0x2e: {  	[spmem:s11], [sflag:s9] =	dma.local @!p0 [hbm:s10], $0x4E2  }
0x2f: {  	_ =	swait.ge @!p0 [sflag:s0], $0x4E2  }
0x30: {  	[sflag:s0] =	ssyncset.done @!p0 $0x0  }
0x31: {  	s11 =	sshrl.u32 @!p0 s6, $0x3;
	s10 =	rddreg [dreg:$0x17];
	[sflag:s0] =	ssyncadd.s32 @!p0 $0xFFFFFB1E  }
0x32: {  	[spmem:s11], [sflag:s9] =	dma.local @!p0 [hbm:s10], $0x4E2  }
0x33: {  	_ =	swait.ge @!p0 [sflag:s0], $0x4E2  }
0x34: {  	[sflag:s0] =	ssyncset.done @!p0 $0x0  }
0x35: {  	s11 =	sshrl.u32 @!p0 s7, $0x3;
	s10 =	rddreg [dreg:$0x18];
	[sflag:s0] =	ssyncadd.s32 @!p0 $0xFFFFFB1E  }
0x36: {  	[spmem:s11], [sflag:s9] =	dma.local @!p0 [hbm:s10], $0x4E2  }
0x37: {  	_ =	swait.ge @!p0 [sflag:s0], $0x4E2  }
0x38: {  	[sflag:s0] =	ssyncset.done @!p0 $0x0  }
0x39: {  	[sflag:s0] =	ssyncadd.s32 @!p0 $0xFFFFFB1E  }
0x3a: {  	s11 =	sshrl.u32 @!p0 s8, $0x3;
	s10 =	rddreg [dreg:$0x1]  }
0x3b: {  	[spmem:s11], [sflag:s9] =	dma.local @!p0 [hbm:s10], $0x4E2  }
0x3c: {  	s26 =	stileid.u32;
	_ =	swait.ge @!p0 [sflag:s0], $0x4E2  }
0x3d: {  	s9 =	sshll.u32 s26, $0x6;
	[sflag:s0] =	ssyncset.done @!p0 $0x0;
	s28 =	rddreg [dreg:$0xf]  }
0x3e: {  	s11 =	rddreg [dreg:$0x10];
	[sflag:s0] =	ssyncadd.s32 @!p0 $0xFFFFFB1E;
	s0 =	sshrl.u32 s28, $0x3  }
0x3f: {  	s9 =	sor.u32 $0x1C02, s9;
	[dreg:$0x1a] =	wrdreg s0  }
0x40: {  	[spmem:s0], [sflag:s9] =	dma.local [hbm:s11], $0x2780  }
0x41: {  	_ =	swait.ge [sflag:s30], $0x2780;
	[dreg:$0x19] =	wrdreg s9  }
0x42: {  	s25 =	rddreg [dreg:$0x11]  }
0x43: {  	[sflag:s30] =	ssyncset.done $0x0;
	s28 =	rddreg [dreg:$0x12];
	s26 =	sshrl.u32 s25, $0x3  }
0x44: {  	[sflag:s30] =	ssyncadd.s32 $0xFFFFD880;
	[dreg:$0x1b] =	wrdreg s26  }
0x45: {  	[spmem:s26], [sflag:s9] =	dma.local [hbm:s28], $0x4F0  }
0x46: {  	_ =	swait.ge [sflag:s30], $0x4F0  }
0x47: {  	[sflag:s30] =	ssyncset.done $0x0  }
0x48: {  	[sflag:s30] =	ssyncadd.s32 $0xFFFFFB10  }
0x49: {  	[bflag:$0x0] =	sbarrier.arrive $0xFFFF  }
0x4a: {  	s26 =	simm.s32 $0x0;
	s29 =	rddreg [dreg:$0xd]  }
.LBB2_2:
0x4b: {  	s0 =	sshll.u32 s26, $0x7  }
0x4c: {  	s0 =	sadd.s32 s22, s0  }
0x4d: {  	s9 =	rddreg [dreg:$0x0];
	s0 =	sshrl.u32 s0, $0x3  }
0x4e: {  	s11 =	sadd.s32 s9, s0;
	s9 =	simm.s32 $0x0  }
0x4f: {  	[tilespmem:s31], [sflag:$0x2] =	stream.linear.gather [hbm4b:s11+s9], $0x80, $0x38;
	[tilespmem:$0x1BF50] =	vst v63  }
0x50: {  	_ =	swait.ge [sflag:s30], $0x80  }
0x51: {  	[sflag:s30] =	ssyncset.done $0x0  }
0x52: {  	s0 =	sadd.s32 s13, s0;
	[sflag:s30] =	ssyncadd.s32 $0xFFFFFF80  }
0x53: {  	[tilespmem:s5], [sflag:$0x2] =	stream.linear.gather [hbm4b:s0+s9], $0x80, $0x38;
	[tilespmem:$0x1BF50] =	vst v63  }
0x54: {  	_ =	swait.ge [sflag:s30], $0x80  }
0x55: {  	[sflag:s30] =	ssyncset.done $0x0  }
0x56: {  	[sflag:s30] =	ssyncadd.s32 $0xFFFFFF80  }
0x57: {  	[tilespmem:s1], [sflag:$0x1] =	stream.indirect.gather [hbm4b:s14+s12], $0x80, s31, s12, $0xb8;
	[tilespmem:$0x1BF50] =	vst v63  }
0x58: {  	_ =	swait.ge [sflag:s15], $0x4000  }
0x59: {  	[sflag:s15] =	ssyncset.done $0x0  }
0x5a: {  	[sflag:s15] =	ssyncadd.s32 $0xFFFFC000  }
0x5b: {  	s25 =	rddreg [dreg:$0x2]  }
0x5c: {  	[tilespmem:s17], [sflag:$0x1] =	stream.indirect.gather [spmem:s25], $0x1, s31, s12, $0xb8;
	[tilespmem:$0x1BF50] =	vst v63  }
0x5d: {  	_ =	swait.ge [sflag:s15], $0x80  }
0x5e: {  	[sflag:s15] =	ssyncset.done $0x0  }
0x5f: {  	[sflag:s15] =	ssyncadd.s32 $0xFFFFFF80  }
0x60: {  	s28 =	rddreg [dreg:$0x3]  }
0x61: {  	[tilespmem:s18], [sflag:$0x1] =	stream.indirect.gather [spmem:s28], $0x1, s5, s12, $0xb8;
	[tilespmem:$0x1BF50] =	vst v63  }
0x62: {  	_ =	swait.ge [sflag:s15], $0x80  }
0x63: {  	[sflag:s15] =	ssyncset.done $0x0  }
0x64: {  	[sflag:s15] =	ssyncadd.s32 $0xFFFFFF80  }
0x65: {  	[tilespmem:s19], [sflag:$0x1] =	stream.indirect.gather [spmem:s4], $0x1, s5, s12, $0xb8;
	[tilespmem:$0x1BF50] =	vst v63  }
0x66: {  	_ =	swait.ge [sflag:s15], $0x80  }
0x67: {  	[sflag:s15] =	ssyncset.done $0x0  }
0x68: {  	[sflag:s15] =	ssyncadd.s32 $0xFFFFFF80  }
0x69: {  	[tilespmem:s16], [sflag:$0x1] =	stream.indirect.gather [spmem:s6], $0x1, s31, s12, $0xb8;
	[tilespmem:$0x1BF50] =	vst v63  }
0x6a: {  	_ =	swait.ge [sflag:s15], $0x80  }
0x6b: {  	[sflag:s15] =	ssyncset.done $0x0  }
0x6c: {  	[sflag:s15] =	ssyncadd.s32 $0xFFFFFF80  }
0x6d: {  	[tilespmem:s20], [sflag:$0x1] =	stream.indirect.gather [spmem:s7], $0x1, s5, s12, $0xb8;
	[tilespmem:$0x1BF50] =	vst v63  }
0x6e: {  	_ =	swait.ge [sflag:s15], $0x80  }
0x6f: {  	[sflag:s15] =	ssyncset.done $0x0  }
0x70: {  	[sflag:s15] =	ssyncadd.s32 $0xFFFFFF80  }
0x71: {  	[tilespmem:s21], [sflag:$0x1] =	stream.indirect.gather [spmem:s8], $0x1, s5, s12, $0xb8;
	[tilespmem:$0x1BF50] =	vst v63  }
0x72: {  	_ =	swait.ge [sflag:s15], $0x80  }
0x73: {  	[sflag:s15] =	ssyncset.done $0x0  }
0x74: {  	s11 =	simm.s32 $0x200;
	s0 =	simm.s32 $0x0;
	[sflag:s15] =	ssyncadd.s32 $0xFFFFFF80  }
.LBB2_3:
0x75: {  	p1 =	sne.s32 s11, $0x1E00;
	[tilespmem:s0+$0x5440] =	vst v0  }
0x76: {  	[tilespmem:s0+$0x53D0] =	vst v0  }
0x77: {  	[tilespmem:s0+$0x53E0] =	vst v0  }
.Ltmp0:
0x78: {  	[tilespmem:s0+$0x53F0] =	vst v0;
	(pc) =	sbr.rel @p1 .LBB2_3-.Ltmp0, $4  }
0x79: {  	[tilespmem:s0+$0x5400] =	vst v0  }
0x7a: {  	[tilespmem:s0+$0x5410] =	vst v0  }
0x7b: {  	[tilespmem:s0+$0x5420] =	vst v0  }
0x7c: {  	[tilespmem:s0+$0x5430] =	vst v0;
	s0 =	sshra.s32 s11, $0x2;
	s11 =	sadd.s32 $0x200, s11  }
0x7d: {  	[tilespmem:s0+$0x5440] =	vst v0  }
0x7e: {  	[tilespmem:s0+$0x53D0] =	vst v0  }
0x7f: {  	[tilespmem:s0+$0x53E0] =	vst v0  }
0x80: {  	[tilespmem:s0+$0x53F0] =	vst v0  }
0x81: {  	[tilespmem:s0+$0x5400] =	vst v0  }
0x82: {  	[tilespmem:s0+$0x5410] =	vst v0  }
0x83: {  	[tilespmem:s0+$0x5420] =	vst v0  }
0x84: {  	[tilespmem:s0+$0x5430] =	vst v0;
	s0 =	simm.s32 $0x1150  }
0x85: {  	s28 =	simm.s32 $0x1050;
	v2 =	vld [tilespmem:s0+$0xFFFFFF80]  }
0x86: {  	v3 =	vld [tilespmem:s28+$0xFFFFFF80];
	_ =	sdelay $0x3  }
0x87: {  	s11 =	simm.s32 $0x1250  }
0x88: {  	v4 =	vld [tilespmem:s11+$0xFFFFFF80];
	v2 =	vadd.f32 v2, v3;
	_ =	sdelay $0x1  }
0x89: {  	v3 =	vmul.f32 $2.000000030e-01, v2;
	_ =	sdelay $0x1  }
0x8a: {  	v2 =	vmax.f32 v2, v3  }
0x8b: {  	v2 =	vsub.f32 v2, v4;
	_ =	sdelay $0x1  }
0x8c: {  	v2 =	vmul.f32 $1.442695020e+00, v2;
	_ =	sdelay $0x1  }
0x8d: {  	(erf) = vpow2.f32 v2;
	_ =	sdelay $0x3  }
0x8e: {  	v2 =	vmov s9  }
0x8f: {  	v2 =	vshll.u32 v2, $0x4  }
0x90: {  	v2 =	vor.u32 v1, v2  }
0x91: {  	v3 =	vor.u32 $0x2, v2  }
0x92: {  	s25 =	sadd.s32 $0x0, s29  }
0x93: {  	p1 =	slt.u32 s25, $0x50910;
	v4 =	vpop (erf)  }
0x94: {  	s25 =	simm.s32 $0x5350;
	v4 =	vpsel !p1, $0x0, v4  }
0x95: {  	[tilespmem:s25+$0xFFFFFF80] =	vst v4  }
0x96: {  	[tilespmem:v3+s23+$0x0] =	vst.idx.msk $0xffff, v4  }
0x97: {  	v3 =	vld [tilespmem:s28+$0x0]  }
0x98: {  	v4 =	vld [tilespmem:s0+$0x0];
	_ =	sdelay $0x4  }
0x99: {  	v5 =	vld [tilespmem:s11+$0x0];
	v3 =	vadd.f32 v4, v3;
	_ =	sdelay $0x1  }
0x9a: {  	v4 =	vmul.f32 $2.000000030e-01, v3;
	_ =	sdelay $0x1  }
0x9b: {  	v3 =	vmax.f32 v3, v4  }
0x9c: {  	v3 =	vsub.f32 v3, v5;
	_ =	sdelay $0x1  }
0x9d: {  	v3 =	vmul.f32 $1.442695020e+00, v3;
	_ =	sdelay $0x1  }
0x9e: {  	(erf) = vpow2.f32 v3;
	_ =	sdelay $0x6  }
0x9f: {  	v2 =	vor.u32 $0x3, v2;
	_ =	sdelay $0x1  }
0xa0: {  	v3 =	vpop (erf)  }
0xa1: {  	s9 =	simm.s32 $0x1060;
	s28 =	simm.s32 $0x10;
	v3 =	vpsel !p1, $0x0, v3  }
.LBB2_5:
0xa2: {  	[tilespmem:s25+$0x0] =	vst v3;
	s25 =	sadd.s32 $0x10, s25;
	s11 =	sadd.s32 $0x10, s11;
	s0 =	sadd.s32 $0x10, s0  }
0xa3: {  	p1 =	sne.s32 s28, $0x70;
	s10 =	smov.u32 s28;
	s28 =	sadd.s32 $0x10, s28;
	[tilespmem:v2+s23+$0x0] =	vst.idx.msk $0xffff, v3  }
0xa4: {  	v2 =	vld [tilespmem:s0+$0xFFFFFF80]  }
0xa5: {  	v3 =	vld [tilespmem:s9+$0xFFFFFF80];
	_ =	sdelay $0x4  }
0xa6: {  	v4 =	vld [tilespmem:s11+$0xFFFFFF80];
	v2 =	vadd.f32 v2, v3;
	_ =	sdelay $0x1  }
0xa7: {  	v3 =	vmul.f32 $2.000000030e-01, v2;
	_ =	sdelay $0x1  }
0xa8: {  	v2 =	vmax.f32 v2, v3  }
0xa9: {  	v2 =	vsub.f32 v2, v4;
	_ =	sdelay $0x1  }
0xaa: {  	v2 =	vmul.f32 $1.442695020e+00, v2;
	_ =	sdelay $0x1  }
0xab: {  	(erf) = vpow2.f32 v2;
	_ =	sdelay $0x3  }
0xac: {  	v2 =	vmov s10  }
0xad: {  	v2 =	vshll.u32 v2, $0x4  }
0xae: {  	v2 =	vor.u32 v1, v2  }
0xaf: {  	v3 =	vor.u32 $0x2, v2  }
0xb0: {  	s10 =	sadd.s32 s10, s29  }
0xb1: {  	p2 =	slt.u32 s10, $0x50910;
	v4 =	vpop (erf)  }
0xb2: {  	v4 =	vpsel !p2, $0x0, v4  }
0xb3: {  	[tilespmem:s25+$0xFFFFFF80] =	vst v4  }
0xb4: {  	[tilespmem:v3+s23+$0x0] =	vst.idx.msk $0xffff, v4  }
0xb5: {  	v3 =	vld [tilespmem:s9+$0x0]  }
0xb6: {  	v4 =	vld [tilespmem:s0+$0x0];
	_ =	sdelay $0x3  }
0xb7: {  	v5 =	vld [tilespmem:s11+$0x0]  }
0xb8: {  	v3 =	vadd.f32 v4, v3;
	_ =	sdelay $0x1  }
0xb9: {  	v4 =	vmul.f32 $2.000000030e-01, v3;
	_ =	sdelay $0x1  }
0xba: {  	v3 =	vmax.f32 v3, v4  }
0xbb: {  	v3 =	vsub.f32 v3, v5;
	_ =	sdelay $0x1  }
0xbc: {  	v3 =	vmul.f32 $1.442695020e+00, v3;
	_ =	sdelay $0x1  }
0xbd: {  	(erf) = vpow2.f32 v3;
	_ =	sdelay $0x5  }
.Ltmp1:
0xbe: {  	v2 =	vor.u32 $0x3, v2;
	(pc) =	sbr.rel @p1 .LBB2_5-.Ltmp1, $3  }
0xbf: {  	_ =	sdelay $0x1  }
0xc0: {  	v3 =	vpop (erf)  }
0xc1: {  	s9 =	sadd.s32 $0x10, s9;
	v3 =	vpsel !p2, $0x0, v3  }
0xc2: {  	s0 =	simm.s32 $0x0  }
0xc3: {  	v4 =	vmov s0;
	_ =	sdelay $0x1  }
0xc4: {  	[tilespmem:s25+$0x0] =	vst v3  }
0xc5: {  	s28 =	simm.s32 $0x13D0;
	[tilespmem:v2+s23+$0x0] =	vst.idx.msk $0xffff, v3  }
0xc6: {  	v3 =	vld [tilespmem:s28+$0xFFFFFF00]  }
0xc7: {  	v2 =	vld.idx.msk [tilespmem:v4+s24+$0x0], $0xffff  }
0xc8: {  	v5 =	vld [tilespmem:s28+$0xFFFFFF10]  }
0xc9: {  	v6 =	vld [tilespmem:s28+$0xFFFFFF30]  }
0xca: {  	v7 =	vld [tilespmem:s28+$0xFFFFFF20];
	_ =	sdelay $0x1  }
0xcb: {  	v3 =	vmul.f32 v3, v2  }
0xcc: {  	v4 =	vor.u32 $0x80, v4;
	v5 =	vmul.f32 v5, v2  }
0xcd: {  	v6 =	vmul.f32 v6, v2;
	[tilespmem:s28+$0xFFFFFF00] =	vst v3  }
0xce: {  	v2 =	vmul.f32 v7, v2;
	[tilespmem:s28+$0xFFFFFF10] =	vst v5  }
0xcf: {  	[tilespmem:s28+$0xFFFFFF30] =	vst v6  }
0xd0: {  	[tilespmem:s28+$0xFFFFFF20] =	vst v2;
	v3 =	vld [tilespmem:s28+$0xFFFFFF40]  }
0xd1: {  	v2 =	vld.idx.msk [tilespmem:v4+s24+$0x0], $0xffff  }
0xd2: {  	v4 =	vld [tilespmem:s28+$0xFFFFFF50]  }
0xd3: {  	v5 =	vld [tilespmem:s28+$0xFFFFFF60]  }
0xd4: {  	v6 =	vld [tilespmem:s28+$0xFFFFFF70];
	_ =	sdelay $0x1  }
0xd5: {  	s9 =	simm.s32 $0x1;
	v3 =	vmul.f32 v3, v2  }
0xd6: {  	v7 =	vmov s9;
	v4 =	vmul.f32 v4, v2  }
0xd7: {  	v5 =	vmul.f32 v5, v2;
	[tilespmem:s28+$0xFFFFFF40] =	vst v3  }
0xd8: {  	v2 =	vmul.f32 v6, v2;
	[tilespmem:s28+$0xFFFFFF50] =	vst v4  }
0xd9: {  	[tilespmem:s28+$0xFFFFFF60] =	vst v5  }
0xda: {  	[tilespmem:s28+$0xFFFFFF70] =	vst v2;
	v3 =	vld [tilespmem:s28+$0xFFFFFF80]  }
0xdb: {  	v2 =	vld.idx.msk [tilespmem:v7+s24+$0x0], $0xffff  }
0xdc: {  	v4 =	vld [tilespmem:s28+$0xFFFFFF90]  }
0xdd: {  	v5 =	vld [tilespmem:s28+$0xFFFFFFA0]  }
0xde: {  	v6 =	vld [tilespmem:s28+$0xFFFFFFB0];
	_ =	sdelay $0x1  }
0xdf: {  	v3 =	vmul.f32 v3, v2  }
0xe0: {  	v7 =	vor.u32 $0x80, v7;
	v4 =	vmul.f32 v4, v2  }
0xe1: {  	v5 =	vmul.f32 v5, v2;
	[tilespmem:s28+$0xFFFFFF80] =	vst v3  }
0xe2: {  	v2 =	vmul.f32 v6, v2;
	[tilespmem:s28+$0xFFFFFF90] =	vst v4  }
0xe3: {  	[tilespmem:s28+$0xFFFFFFA0] =	vst v5  }
0xe4: {  	[tilespmem:s28+$0xFFFFFFB0] =	vst v2;
	v3 =	vld [tilespmem:s28+$0xFFFFFFC0]  }
0xe5: {  	v2 =	vld.idx.msk [tilespmem:v7+s24+$0x0], $0xffff  }
0xe6: {  	v4 =	vld [tilespmem:s28+$0xFFFFFFD0]  }
0xe7: {  	v5 =	vld [tilespmem:s28+$0xFFFFFFF0]  }
0xe8: {  	v6 =	vld [tilespmem:s28+$0xFFFFFFE0];
	_ =	sdelay $0x1  }
0xe9: {  	s10 =	simm.s32 $0x2;
	v3 =	vmul.f32 v3, v2  }
0xea: {  	v7 =	vmov s10;
	v4 =	vmul.f32 v4, v2  }
0xeb: {  	v5 =	vmul.f32 v5, v2;
	[tilespmem:s28+$0xFFFFFFC0] =	vst v3  }
0xec: {  	v2 =	vmul.f32 v6, v2;
	[tilespmem:s28+$0xFFFFFFD0] =	vst v4  }
0xed: {  	[tilespmem:s28+$0xFFFFFFF0] =	vst v5  }
0xee: {  	[tilespmem:s28+$0xFFFFFFE0] =	vst v2;
	v3 =	vld [tilespmem:s28+$0x0]  }
0xef: {  	v2 =	vld.idx.msk [tilespmem:v7+s24+$0x0], $0xffff  }
0xf0: {  	v4 =	vld [tilespmem:s28+$0x30]  }
0xf1: {  	v5 =	vld [tilespmem:s28+$0x10]  }
0xf2: {  	v6 =	vld [tilespmem:s28+$0x20];
	_ =	sdelay $0x1  }
0xf3: {  	v3 =	vmul.f32 v3, v2  }
0xf4: {  	v7 =	vor.u32 $0x80, v7;
	v4 =	vmul.f32 v4, v2  }
0xf5: {  	v5 =	vmul.f32 v5, v2;
	[tilespmem:s28+$0x0] =	vst v3  }
0xf6: {  	v2 =	vmul.f32 v6, v2;
	[tilespmem:s28+$0x30] =	vst v4  }
0xf7: {  	v6 =	vld [tilespmem:s28+$0x60];
	[tilespmem:s28+$0x10] =	vst v5  }
0xf8: {  	v3 =	vld [tilespmem:s28+$0x40];
	[tilespmem:s28+$0x20] =	vst v2  }
0xf9: {  	v5 =	vld.idx.msk [tilespmem:v7+s24+$0x0], $0xffff  }
0xfa: {  	v4 =	vld [tilespmem:s28+$0x50]  }
0xfb: {  	v2 =	vld [tilespmem:s28+$0x70];
	_ =	sdelay $0x2  }
0xfc: {  	v7 =	vmul.f32 v3, v5  }
0xfd: {  	s11 =	simm.s32 $0x3;
	v4 =	vmul.f32 v4, v5  }
0xfe: {  	s25 =	simm.s32 $0x4;
	v3 =	vmul.f32 v6, v5;
	v5 =	vmul.f32 v2, v5;
	v2 =	vmov s11;
	s11 =	simm.s32 $0x13D0;
	[tilespmem:s28+$0x40] =	vst v7  }
.LBB2_7:
0xff: {  	p1 =	sne.s32 s25, $0x7C  }
0x100: {  	[tilespmem:s28+$0x50] =	vst v4;
	s11 =	sadd.s32 $0x200, s11;
	s0 =	smov.u32 s25;
	s25 =	sadd.s32 $0x4, s25  }
0x101: {  	[tilespmem:s28+$0x70] =	vst v5;
	v4 =	vld [tilespmem:s28+$0xB0]  }
0x102: {  	[tilespmem:s28+$0x60] =	vst v3;
	v3 =	vld [tilespmem:s28+$0x80]  }
0x103: {  	v5 =	vld.idx.msk [tilespmem:v2+s24+$0x0], $0xffff  }
0x104: {  	v6 =	vld [tilespmem:s28+$0x90]  }
0x105: {  	v7 =	vld [tilespmem:s28+$0xA0];
	_ =	sdelay $0x3  }
0x106: {  	v3 =	vmul.f32 v3, v5;
	v6 =	vmul.f32 v6, v5  }
0x107: {  	v2 =	vor.u32 $0x80, v2;
	v4 =	vmul.f32 v4, v5;
	v7 =	vmul.f32 v7, v5  }
0x108: {  	[tilespmem:s28+$0x80] =	vst v3  }
0x109: {  	[tilespmem:s28+$0xA0] =	vst v7  }
0x10a: {  	[tilespmem:s28+$0xB0] =	vst v4;
	v3 =	vld [tilespmem:s28+$0xC0]  }
0x10b: {  	[tilespmem:s28+$0x90] =	vst v6;
	v4 =	vld [tilespmem:s28+$0xF0]  }
0x10c: {  	v2 =	vld.idx.msk [tilespmem:v2+s24+$0x0], $0xffff  }
0x10d: {  	v5 =	vld [tilespmem:s28+$0xD0]  }
0x10e: {  	v6 =	vld [tilespmem:s28+$0xE0];
	_ =	sdelay $0x2  }
0x10f: {  	v7 =	vmov s0  }
0x110: {  	v3 =	vmul.f32 v3, v2;
	v5 =	vmul.f32 v5, v2  }
0x111: {  	v6 =	vmul.f32 v6, v2;
	v2 =	vmul.f32 v4, v2  }
0x112: {  	[tilespmem:s28+$0xC0] =	vst v3  }
0x113: {  	[tilespmem:s28+$0xF0] =	vst v2  }
0x114: {  	v2 =	vld [tilespmem:s11+$0xFFFFFF30];
	[tilespmem:s28+$0xD0] =	vst v5  }
0x115: {  	v3 =	vld [tilespmem:s11+$0xFFFFFF10];
	[tilespmem:s28+$0xE0] =	vst v6;
	s28 =	smov.u32 s11  }
0x116: {  	v4 =	vld.idx.msk [tilespmem:v7+s24+$0x0], $0xffff  }
0x117: {  	v5 =	vld [tilespmem:s11+$0xFFFFFF00]  }
0x118: {  	v6 =	vld [tilespmem:s11+$0xFFFFFF20];
	_ =	sdelay $0x2  }
0x119: {  	v7 =	vor.u32 $0x80, v7  }
0x11a: {  	v3 =	vmul.f32 v3, v4;
	v5 =	vmul.f32 v5, v4  }
0x11b: {  	v2 =	vmul.f32 v2, v4;
	v6 =	vmul.f32 v6, v4  }
0x11c: {  	[tilespmem:s11+$0xFFFFFF00] =	vst v5  }
0x11d: {  	[tilespmem:s11+$0xFFFFFF10] =	vst v3  }
0x11e: {  	[tilespmem:s11+$0xFFFFFF30] =	vst v2;
	v2 =	vld [tilespmem:s11+$0xFFFFFF70]  }
0x11f: {  	[tilespmem:s11+$0xFFFFFF20] =	vst v6;
	v3 =	vld [tilespmem:s11+$0xFFFFFF50]  }
0x120: {  	v4 =	vld.idx.msk [tilespmem:v7+s24+$0x0], $0xffff  }
0x121: {  	v5 =	vld [tilespmem:s11+$0xFFFFFF40]  }
0x122: {  	v6 =	vld [tilespmem:s11+$0xFFFFFF60];
	_ =	sdelay $0x3  }
0x123: {  	s9 =	sadd.s32 $0x1, s0;
	v3 =	vmul.f32 v3, v4;
	v5 =	vmul.f32 v5, v4  }
0x124: {  	v2 =	vmul.f32 v2, v4;
	v6 =	vmul.f32 v6, v4;
	v4 =	vmov s9  }
0x125: {  	[tilespmem:s11+$0xFFFFFF40] =	vst v5  }
0x126: {  	[tilespmem:s11+$0xFFFFFF50] =	vst v3  }
0x127: {  	[tilespmem:s11+$0xFFFFFF60] =	vst v6;
	v3 =	vld [tilespmem:s11+$0xFFFFFFB0]  }
0x128: {  	[tilespmem:s11+$0xFFFFFF70] =	vst v2;
	v2 =	vld [tilespmem:s11+$0xFFFFFF90]  }
0x129: {  	v5 =	vld.idx.msk [tilespmem:v4+s24+$0x0], $0xffff  }
0x12a: {  	v6 =	vld [tilespmem:s11+$0xFFFFFF80]  }
0x12b: {  	v7 =	vld [tilespmem:s11+$0xFFFFFFA0];
	_ =	sdelay $0x3  }
0x12c: {  	v2 =	vmul.f32 v2, v5;
	v6 =	vmul.f32 v6, v5  }
0x12d: {  	v4 =	vor.u32 $0x80, v4;
	v3 =	vmul.f32 v3, v5;
	v7 =	vmul.f32 v7, v5  }
0x12e: {  	[tilespmem:s11+$0xFFFFFF80] =	vst v6  }
0x12f: {  	[tilespmem:s11+$0xFFFFFF90] =	vst v2  }
0x130: {  	[tilespmem:s11+$0xFFFFFFA0] =	vst v7;
	v2 =	vld [tilespmem:s11+$0xFFFFFFF0]  }
0x131: {  	[tilespmem:s11+$0xFFFFFFB0] =	vst v3;
	v3 =	vld [tilespmem:s11+$0xFFFFFFD0]  }
0x132: {  	v4 =	vld.idx.msk [tilespmem:v4+s24+$0x0], $0xffff  }
0x133: {  	v5 =	vld [tilespmem:s11+$0xFFFFFFC0]  }
0x134: {  	v6 =	vld [tilespmem:s11+$0xFFFFFFE0];
	_ =	sdelay $0x3  }
0x135: {  	s9 =	sadd.s32 $0x2, s0;
	v3 =	vmul.f32 v3, v4;
	v5 =	vmul.f32 v5, v4  }
0x136: {  	v2 =	vmul.f32 v2, v4;
	v6 =	vmul.f32 v6, v4;
	v4 =	vmov s9  }
0x137: {  	[tilespmem:s11+$0xFFFFFFC0] =	vst v5  }
0x138: {  	[tilespmem:s11+$0xFFFFFFD0] =	vst v3  }
0x139: {  	[tilespmem:s11+$0xFFFFFFF0] =	vst v2;
	v2 =	vld [tilespmem:s11+$0x30]  }
0x13a: {  	[tilespmem:s11+$0xFFFFFFE0] =	vst v6;
	v3 =	vld [tilespmem:s11+$0x10]  }
0x13b: {  	v5 =	vld.idx.msk [tilespmem:v4+s24+$0x0], $0xffff  }
0x13c: {  	v6 =	vld [tilespmem:s11+$0x0]  }
0x13d: {  	v7 =	vld [tilespmem:s11+$0x20];
	_ =	sdelay $0x3  }
0x13e: {  	v3 =	vmul.f32 v3, v5;
	v6 =	vmul.f32 v6, v5  }
0x13f: {  	v4 =	vor.u32 $0x80, v4;
	v2 =	vmul.f32 v2, v5;
	v7 =	vmul.f32 v7, v5  }
0x140: {  	[tilespmem:s11+$0x0] =	vst v6  }
0x141: {  	[tilespmem:s11+$0x30] =	vst v2  }
0x142: {  	[tilespmem:s11+$0x10] =	vst v3;
	v2 =	vld [tilespmem:s11+$0x40]  }
0x143: {  	[tilespmem:s11+$0x20] =	vst v7;
	v5 =	vld [tilespmem:s11+$0x70]  }
0x144: {  	v6 =	vld.idx.msk [tilespmem:v4+s24+$0x0], $0xffff  }
0x145: {  	v3 =	vld [tilespmem:s11+$0x50]  }
0x146: {  	v7 =	vld [tilespmem:s11+$0x60];
	_ =	sdelay $0x1  }
.Ltmp2:
0x147: {  	(pc) =	sbr.rel @p1 .LBB2_7-.Ltmp2, $4  }
0x148: {  	_ = 	snop  }
0x149: {  	s0 =	sadd.s32 $0x3, s0;
	v8 =	vmul.f32 v2, v6;
	v4 =	vmul.f32 v3, v6  }
0x14a: {  	v5 =	vmul.f32 v5, v6;
	v2 =	vmov s0;
	v3 =	vmul.f32 v7, v6  }
0x14b: {  	[tilespmem:s11+$0x40] =	vst v8  }
0x14c: {  	_ = 	snop  }
0x14d: {  	[tilespmem:s28+$0x50] =	vst v4  }
0x14e: {  	[tilespmem:s28+$0x70] =	vst v5  }
0x14f: {  	[tilespmem:s28+$0x60] =	vst v3;
	v3 =	vld [tilespmem:s28+$0x80]  }
0x150: {  	v4 =	vld.idx.msk [tilespmem:v2+s24+$0x0], $0xffff  }
0x151: {  	v60 =	vld [tilespmem:s28+$0xA0]  }
0x152: {  	v6 =	vld [tilespmem:s28+$0xB0]  }
0x153: {  	v7 =	vld [tilespmem:s28+$0x90];
	_ =	sdelay $0x1  }
0x154: {  	v3 =	vmul.f32 v3, v4  }
0x155: {  	v2 =	vor.u32 $0x80, v2;
	v5 =	vmul.f32 v60, v4  }
0x156: {  	v6 =	vmul.f32 v6, v4;
	[tilespmem:s28+$0x80] =	vst v3  }
0x157: {  	[tilespmem:s28+$0xA0] =	vst v5;
	v3 =	vmul.f32 v7, v4  }
0x158: {  	[tilespmem:s28+$0xB0] =	vst v6  }
0x159: {  	v61 =	vld [tilespmem:s28+$0xC0];
	[tilespmem:s28+$0x90] =	vst v3  }
0x15a: {  	v2 =	vld.idx.msk [tilespmem:v2+s24+$0x0], $0xffff  }
0x15b: {  	v3 =	vld [tilespmem:s28+$0xF0]  }
0x15c: {  	v62 =	vld [tilespmem:s28+$0xD0]  }
0x15d: {  	v63 =	vld [tilespmem:s28+$0xE0];
	_ =	sdelay $0x1  }
0x15e: {  	v4 =	vmul.f32 v61, v2  }
0x15f: {  	v3 =	vmul.f32 v3, v2  }
0x160: {  	v5 =	vmul.f32 v62, v2;
	[tilespmem:s28+$0xC0] =	vst v4  }
0x161: {  	v2 =	vmul.f32 v63, v2;
	[tilespmem:s28+$0xF0] =	vst v3  }
0x162: {  	[tilespmem:s28+$0xD0] =	vst v5  }
0x163: {  	[tilespmem:s28+$0xE0] =	vst v2  }
0x164: {  	[spmem:s2] =	stream.indirect.scatter.add.f32 [tilespmem:s1], [sflag:$0x2], $0x80, s5, s12, $0xb8;
	[tilespmem:$0x1BF50] =	vst v63  }
0x165: {  	s26 =	sadd.s32 $0x1, s26;
	_ =	swait.ge [sflag:s30], $0x4000  }
0x166: {  	p1 =	sne.s32 s26, $0x51;
	[sflag:s30] =	ssyncset.done $0x0  }
.Ltmp3:
0x167: {  	[sflag:s30] =	ssyncadd.s32 $0xFFFFC000;
	(pc) =	sbr.rel @p1 .LBB2_2-.Ltmp3, $4  }
0x168: {  	[spmem:s3] =	stream.indirect.scatter.add.f32 [tilespmem:s23], [sflag:$0x2], $0x10, s5, s12, $0xb8;
	[tilespmem:$0x1BF50] =	vst v63  }
0x169: {  	_ =	swait.ge [sflag:s30], $0x800  }
0x16a: {  	[sflag:s30] =	ssyncset.done $0x0  }
0x16b: {  	s29 =	sadd.s32 $0x80, s29;
	[sflag:s30] =	ssyncadd.s32 $0xFFFFF800  }
0x16c: {  	[bflag:$0x0] =	sbarrier.arrive $0xFFFF  }
0x16d: {  	s0 =	rddreg [dreg:$0x13]  }
0x16e: {  	s9 =	rddreg [dreg:$0x19]  }
0x16f: {  	s10 =	rddreg [dreg:$0x1a]  }
0x170: {  	[hbm:s0], [sflag:s9] =	dma.local [spmem:s10], $0x2780  }
0x171: {  	_ =	swait.ge [sflag:s30], $0x2780  }
0x172: {  	[sflag:s30] =	ssyncset.done $0x0;
	s26 =	rddreg [dreg:$0x14]  }
0x173: {  	s28 =	rddreg [dreg:$0x1b];
	[sflag:s30] =	ssyncadd.s32 $0xFFFFD880  }
0x174: {  	[hbm:s26], [sflag:s9] =	dma.local [spmem:s28], $0x4F0  }
0x175: {  	_ =	swait.ge [sflag:s30], $0x4F0  }
0x176: {  	s25 =	rddreg [dreg:$0xb]  }
0x177: {  	s29 =	rddreg [dreg:$0x15];
	s25 =	sadd.s32 $0x1, s25  }
0x178: {  	p1 =	sne.s32 s25, s29  }
.Ltmp4:
0x179: {  	_ = 	snop;
	(pc) =	sbr.rel @p1 .LBB2_1-.Ltmp4, $3  }
0x17a: {  	_ =	sdelay $0x1  }
0x17b: {  	[sflag:s30] =	ssyncset.done $0x0  }
0x17c: {  	[sflag:s30] =	ssyncadd.s32 $0xFFFFFB10  }
0x17d: {  	_ =	sfence.sel $0x180000  }
0x17e: {  	[bflag:$0x0] =	sbarrier.arrive $0xFFFF  }
0x17f: {  	_ =	strace $0x90000047  }
0x180: {  	[bflag:$0x2] =	sbarrier.arrive $0xFFFF  }
0x181: {  	s0 =	rddreg [dreg:$0xa]  }
0x182: {  	s0 =	sadd.s32 @!p0 $0x100000, s0  }
0x183: {  	[sflag:s0] =	ssyncadd.tile.s32 @!p0 $0x1;
	_ =	shalt  }
.Lfunc_end2:
_tile_overlayer_lowered:
.L_overlay_start_2:
0x184: {  	(tag) =	ssettag $0x2  }
0x185: {  	s0 =	rddreg [dreg:$0x0];
	s2 =	stileid.u32  }
0x186: {  	s1 =	rddreg [dreg:$0x1];
	p0 =	sne.s32 s2, $0x0  }
0x187: {  	s3 =	rddreg [dreg:$0x2];
	[bflag:$0x3] =	sbarrier.arrive $0xFFFF;
	s2 =	simm.s32 @!p0 $0x1C02  }
0x188: {  	[timem:s3], [sflag:s2] =	dma.local @!p0 [hbm:s0], s1  }
0x189: {  	s0 =	simm.s32 @!p0 $0x2  }
0x18a: {  	_ =	swait.ge @!p0 [sflag:s0], s1  }
0x18b: {  	s1 =	ssub.s32 @!p0 $0x0, s1;
	[sflag:s0] =	ssyncset.done @!p0 $0x0  }
0x18c: {  	[sflag:s0] =	ssyncadd.s32 @!p0 s1  }
0x18d: {  	[bflag:$0x3] =	sbarrier.arrive $0xFFFF  }
0x18e: {  	_ =	shalt  }

// kernel: kernel.14.cloned.1.call-start
scs
__scs_entry_jumppad:
0x0: {  	(pc) =	sbr.rel $0x88, $3  }
0x1: {  	(tag) =	ssettag $0x0;
	lr =	simm.s32 $0x1  }
0x2: {  	[smem:$0x3F93] =	sst lr;
	_ =	strace $0xD0000000  }
0x3: {  	_ = 	snop  }
0x4: {  	_ = 	snop  }
0x5: {  	_ = 	snop  }
0x6: {  	_ = 	snop  }
0x7: {  	_ = 	snop  }
__scs_overlays_trampoline_lowered:
0x8: {  	[smem:$0x3FA2] =	sst s0  }
0x9: {  	[smem:$0x3FA3] =	sst s1  }
0xa: {  	[smem:$0x3FA4] =	sst s2  }
0xb: {  	[smem:$0x3FA5] =	sst s3  }
0xc: {  	[smem:$0x3FA6] =	sst s4  }
0xd: {  	[smem:$0x3FA7] =	sst s5  }
0xe: {  	[smem:$0x3FA8] =	sst s6  }
0xf: {  	[smem:$0x3FA9] =	sst s7  }
0x10: {  	[smem:$0x3FAA] =	sst s8  }
0x11: {  	[smem:$0x3FAB] =	sst s9;
	s0 =	simm.s32 @!p0 $0x0  }
0x12: {  	s1 =	sld [smem:$0x3F91];
	s0 =	simm.s32 @p0 $0x1  }
0x13: {  	[smem:$0x3FAC] =	sst s0;
	s0 =	simm.s32 @!p1 $0x0  }
0x14: {  	s2 =	sld [smem:$0x3F90];
	s0 =	simm.s32 @p1 $0x1  }
0x15: {  	[smem:$0x3FAD] =	sst s0;
	s0 =	simm.s32 @!p2 $0x0  }
0x16: {  	s3 =	sld [smem:$0x3FDB];
	s0 =	simm.s32 @p2 $0x1  }
0x17: {  	s4 =	simm.s32 $0x1BF5;
	[smem:$0x3FAF] =	sst s0  }
0x18: {  	s0 =	sld [smem:$0x3F92];
	_ =	swait.ge [sflag:s4], $0x0  }
0x19: {  	s7 =	sld [smem:$0x3F93]  }
0x1a: {  	s8 =	sadd.s32 $0xFFFFE003, lr  }
0x1b: {  	s9 =	sadd.s32 $0xFFFFFEF7, lr;
	s5 =	simm.s32 $0xFFFFFFFF;
	p2 =	slt.u32 s8, $0xFFFFF086  }
0x1c: {  	p1 =	slt.u32 s9, $0xF7A;
	s5 =	simm.s32 @!p2 $0x0  }
0x1d: {  	s5 =	simm.s32 @p1 $0x1;
	p0 =	seq.s32 s7, s2  }
0x1e: {  	s7 =	smul.u32 @!p0 $0xF7A, s2;
	p2 =	seq.s32 @!p0 s5, $0x0  }
0x1f: {  	s9 =	smul.u32 $0xF7A, s1;
	s8 =	simm.s32 @!p0 $0x1BF5;
	p2 =	por !p2, p0  }
0x20: {  	[sflag:s8] =	ssyncset.s32 @!p0 $0xFFFFF086;
	s6 =	sadd.s32 @!p0 s3, s7;
	s7 =	simm.s32 @!p0 $0x108  }
0x21: {  	s3 =	sadd.s32 s3, s9;
	s6 =	sadd.s32 @!p0 $0x88, s6;
	s7 =	simm.s32 @p2 $0x1082  }
0x22: {  	[simem:s7], [sflag:s8] =	dma.local @!p0 [hbm:s6], $0xF7A  }
0x23: {  	s9 =	sor.u32 $0xD0000000, s2;
	s6 =	simm.s32 $0x108;
	_ =	swait.ge @!p0 [sflag:s8], $0x0  }
0x24: {  	s3 =	sadd.s32 $0x88, s3;
	s6 =	simm.s32 @!p1 $0x1082;
	[sflag:s4] =	ssyncset.s32 $0xFFFFF086  }
0x25: {  	[simem:s6], [sflag:s4] =	dma.local [hbm:s3], $0xF7A  }
0x26: {  	[smem:$0x3F93] =	sst s1;
	(tag) =	ssettag s2;
	_ =	strace s9  }
0x27: {  	s1 =	sld [smem:$0x3FA3]  }
0x28: {  	s2 =	sld [smem:$0x3FA4]  }
0x29: {  	s4 =	sld [smem:$0x3FA6]  }
0x2a: {  	p0 =	seq.s32 s5, $0x0;
	s5 =	sld [smem:$0x3FA7]  }
0x2b: {  	s6 =	sld [smem:$0x3FA8]  }
0x2c: {  	s7 =	sld [smem:$0x3FA9]  }
0x2d: {  	s3 =	simm.s32 $0x108;
	s8 =	sld [smem:$0x3FAA]  }
0x2e: {  	s3 =	simm.s32 @!p0 $0x1082;
	s9 =	sld [smem:$0x3FAB]  }
0x2f: {  	lr =	sadd.s32 s0, s3;
	s0 =	sld [smem:$0x3FA2]  }
0x30: {  	s3 =	sld [smem:$0x3FA5]  }
0x31: {  	[smem:$0x3FAE] =	sst s10  }
0x32: {  	s10 =	sld [smem:$0x3FAC];
	_ =	sdelay $0x3  }
0x33: {  	p0 =	seq.s32 s10, $0x1;
	s10 =	sld [smem:$0x3FAE];
	_ =	sdelay $0x3  }
0x34: {  	[smem:$0x3FAE] =	sst s10  }
0x35: {  	s10 =	sld [smem:$0x3FAD];
	_ =	sdelay $0x3  }
0x36: {  	p1 =	seq.s32 s10, $0x1;
	s10 =	sld [smem:$0x3FAE];
	_ =	sdelay $0x3  }
0x37: {  	[smem:$0x3FAE] =	sst s10  }
0x38: {  	s10 =	sld [smem:$0x3FAF]  }
0x39: {  	_ = 	snop;
	(pc) =	sbr.ind lr, $3  }
0x3a: {  	_ = 	snop  }
0x3b: {  	_ = 	snop  }
0x3c: {  	p2 =	seq.s32 s10, $0x1;
	s10 =	sld [smem:$0x3FAE]  }
0x3d: {  	_ =	shalt  }
0x3e: {  	_ =	shalt  }
0x3f: {  	_ =	shalt  }
0x40: {  	_ =	shalt  }
0x41: {  	_ =	shalt  }
0x42: {  	_ =	shalt  }
0x43: {  	_ =	shalt  }
0x44: {  	_ =	shalt  }
0x45: {  	_ =	shalt  }
0x46: {  	_ =	shalt  }
0x47: {  	_ =	shalt  }
0x48: {  	_ =	shalt  }
0x49: {  	_ =	shalt  }
0x4a: {  	_ =	shalt  }
0x4b: {  	_ =	shalt  }
0x4c: {  	_ =	shalt  }
0x4d: {  	_ =	shalt  }
0x4e: {  	_ =	shalt  }
0x4f: {  	_ =	shalt  }
0x50: {  	_ =	shalt  }
0x51: {  	_ =	shalt  }
0x52: {  	_ =	shalt  }
0x53: {  	_ =	shalt  }
0x54: {  	_ =	shalt  }
0x55: {  	_ =	shalt  }
0x56: {  	_ =	shalt  }
0x57: {  	_ =	shalt  }
0x58: {  	_ =	shalt  }
0x59: {  	_ =	shalt  }
0x5a: {  	_ =	shalt  }
0x5b: {  	_ =	shalt  }
0x5c: {  	_ =	shalt  }
0x5d: {  	_ =	shalt  }
0x5e: {  	_ =	shalt  }
0x5f: {  	_ =	shalt  }
0x60: {  	_ =	shalt  }
0x61: {  	_ =	shalt  }
0x62: {  	_ =	shalt  }
0x63: {  	_ =	shalt  }
0x64: {  	_ =	shalt  }
0x65: {  	_ =	shalt  }
0x66: {  	_ =	shalt  }
0x67: {  	_ =	shalt  }
0x68: {  	_ =	shalt  }
0x69: {  	_ =	shalt  }
0x6a: {  	_ =	shalt  }
0x6b: {  	_ =	shalt  }
0x6c: {  	_ =	shalt  }
0x6d: {  	_ =	shalt  }
0x6e: {  	_ =	shalt  }
0x6f: {  	_ =	shalt  }
0x70: {  	_ =	shalt  }
0x71: {  	_ =	shalt  }
0x72: {  	_ =	shalt  }
0x73: {  	_ =	shalt  }
0x74: {  	_ =	shalt  }
0x75: {  	_ =	shalt  }
0x76: {  	_ =	shalt  }
0x77: {  	_ =	shalt  }
0x78: {  	_ =	shalt  }
0x79: {  	_ =	shalt  }
0x7a: {  	_ =	shalt  }
0x7b: {  	_ =	shalt  }
0x7c: {  	_ =	shalt  }
0x7d: {  	_ =	shalt  }
0x7e: {  	_ =	shalt  }
0x7f: {  	_ =	shalt  }
0x80: {  	_ =	shalt  }
0x81: {  	_ =	shalt  }
0x82: {  	_ =	shalt  }
0x83: {  	_ =	shalt  }
0x84: {  	_ =	shalt  }
0x85: {  	_ =	shalt  }
0x86: {  	_ =	shalt  }
0x87: {  	_ =	shalt  }
.Lfunc_end0:
.L_simem_size_0:
called_computation.2_lowered:
.L_overlay_start_0:
0x88: {  	s2 =	sld [smem:$0x3FD9]  }
0x89: {  	s3 =	sld [smem:$0x3FFE];
	_ =	sdelay $0x1  }
0x8a: {  	s1 =	srdreg.scid  }
0x8b: {  	s0 =	sand.u32 $0x1, s1  }
0x8c: {  	s17 =	sshll.u32 s0, $0xA;
	s2 =	sadd.s32 s3, s2  }
0x8d: {  	s2 =	sadd.s32 s2, s17  }
0x8e: {  	[smem:$0x3FBA] =	sst s2  }
0x8f: {  	_ = 	snop  }
0x90: {  	s2 =	sld [smem:$0x3FD0];
	(tm) =	ssettm $0x1  }
0x91: {  	s18 =	sld [smem:$0x3FFB];
	_ =	sdelay $0x3  }
0x92: {  	_ =	strace s18  }
0x93: {  	s3 =	sld [smem:$0x3FFC];
	_ =	sdelay $0x3  }
0x94: {  	_ =	strace s3  }
0x95: {  	s3 =	sld [smem:$0x3FFD];
	_ =	sdelay $0x3  }
0x96: {  	_ =	strace s3  }
0x97: {  	_ =	strace $0x8FFFFFFF  }
0x98: {  	s19 =	sld [smem:$0x3FDB];
	_ =	sdelay $0x1  }
0x99: {  	s4 =	simm.s32 $_scs_section_size  }
0x9a: {  	s5 =	simm.s32 $_size__tile_overlayer_lowered;
	s6 =	simm.s32 $_tile_overlayer_lowered  }
0x9b: {  	s22 =	simm.s32 $0x1BFF;
	s21 =	sshll.u32 s6, $0x1;
	s3 =	sadd.s32 s4, s19  }
0x9c: {  	s7 =	simm.s32 $0x0;
	s20 =	sshll.u32 s5, $0x1;
	s5 =	sadd.s32 s21, s3  }
0x9d: {  	[timem:s7], [sflag:s22] =	dma.local [hbm:s5], s20  }
0x9e: {  	_ =	swait.ge [sflag:s22], s20  }
0x9f: {  	s4 =	ssub.s32 $0x0, s20;
	[sflag:s22] =	ssyncset.done $0x0  }
0xa0: {  	[sflag:s22] =	ssyncadd.s32 s4;
	_ =	sdelay $0x1  }
0xa1: {  	s23 =	simm.s32 $0x1B8B  }
0xa2: {  	_ =	swait.ge [sflag:s23], $0x1  }
0xa3: {  	[sflag:s23] =	ssyncset.done $0x0  }
0xa4: {  	s25 =	simm.s32 $0x1B8E;
	s24 =	sld [smem:$0x3FFE];
	[sflag:s23] =	ssyncadd.s32 $0xFFFFFFFF  }
0xa5: {  	s26 =	simm.s32 $execute0_lowered;
	[smem:$0x3FD2] =	sst s25  }
0xa6: {  	s5 =	sshll.u32 s26, $0x1;
	_ =	strace $0x8000004C;
	[dreg:$0x1] =	wrdreg $0xFFFFFFFF  }
0xa7: {  	s28 =	simm.s32 $_size_execute0_lowered;
	s3 =	sadd.s32 s3, s5;
	[dreg:$0x0] =	wrdreg $0x0  }
0xa8: {  	s5 =	sshll.u32 s28, $0x1;
	[dreg:$0x2] =	wrdreg s3  }
0xa9: {  	[dreg:$0x3] =	wrdreg s5  }
0xaa: {  	[dreg:$0x4] =	wrdreg $0xC0  }
0xab: {  	_ =	task [dreg:s7], $0x5FFFF  }
0xac: {  	[dreg:$0x1] =	wrdreg $0xFFFFFFFF  }
0xad: {  	[dreg:$0x0] =	wrdreg $0x60  }
0xae: {  	[dreg:$0x2] =	wrdreg s2  }
0xaf: {  	[dreg:$0x3] =	wrdreg s24  }
0xb0: {  	[dreg:$0x4] =	wrdreg $0x0  }
0xb1: {  	[dreg:$0x5] =	wrdreg $0x2780  }
0xb2: {  	[dreg:$0x6] =	wrdreg $0x4F00  }
0xb3: {  	[dreg:$0x7] =	wrdreg $0x52680  }
0xb4: {  	[dreg:$0x8] =	wrdreg $0x18E680  }
0xb5: {  	[dreg:$0x9] =	wrdreg $0x9  }
0xb6: {  	_ =	task.clear_ibuf [dreg:s7], $0xAFFFF;
	_ =	strace $0x9000004C  }
0xb7: {  	s29 =	simm.s32 $0x9;
	_ =	strace $0x8000004E  }
0xb8: {  	_ =	swait.ge [sflag:s29], $0x1  }
0xb9: {  	[sflag:s29] =	ssyncadd.s32 $0xFFFFFFFF  }
0xba: {  	_ =	strace $0x9000004E  }
0xbb: {  	_ =	sfence  }
0xbc: {  	s30 =	sld [smem:$0x0];
	_ =	sdelay $0x2  }
0xbd: {  	s31 =	sshll.u32 s1, $0xD;
	s1 =	sshrl.u32 s1, $0x2  }
0xbe: {  	s3 =	sand.u32 $0x4000, s31;
	s1 =	sadd.s32 s1, s30  }
0xbf: {  	s0 =	sor.u32 s3, s0;
	s1 =	sshll.u32 s1, $0x11  }
0xc0: {  	s0 =	sor.u32 s1, s0  }
0xc1: {  	s0 =	sadd.s32 $0x8F2B, s0  }
0xc2: {  	[sflag:s0] =	ssyncadd.remote.s32 $0x1  }
0xc3: {  	_ =	sfence.sel $0xFFFF  }
0xc4: {  	[dreg:$0x0] =	wrdreg $0xFFFFFFFF;
	(pc) =	sbr.abs _section_cstart, $3  }
0xc5: {  	[dreg:$0x1] =	wrdreg $0xFFFFFFFF  }
0xc6: {  	_ =	task.clear_ibuf [dreg:s7], $0x2FFFF;
	_ =	strace $0x9FFFFFFF  }
0xc7: {  	(tm) =	ssettm $0x7FFFFFFF  }
tec
execute0_lowered:
.L_overlay_start_1:
0x0: {  	(tag) =	ssettag $0x1  }
0x1: {  	s0 =	rddreg [dreg:$0x0]  }
0x2: {  	s20 =	rddreg [dreg:$0x1]  }
0x3: {  	s3 =	rddreg [dreg:$0x2]  }
0x4: {  	s4 =	rddreg [dreg:$0x3]  }
0x5: {  	s5 =	rddreg [dreg:$0x4]  }
0x6: {  	s6 =	rddreg [dreg:$0x5]  }
0x7: {  	s7 =	rddreg [dreg:$0x6];
	s1 =	stileid.u32  }
0x8: {  	s8 =	simm.s32 $0x0;
	s9 =	srdreg.scid;
	s28 =	simm.s32 $0x768  }
0x9: {  	s29 =	simm.s32 $0x7E8;
	s30 =	simm.s32 $0x80;
	s2 =	smul.u32 $0x13C00, s1  }
0xa: {  	s31 =	simm.s32 $0x9E8;
	[smem:$0x7FF] =	sst s8;
	s11 =	smul.u32 $0x2780, s1  }
0xb: {  	s12 =	sand.u32 $0x1, s9;
	s9 =	sadd.s32 $0x76E00, s20;
	s10 =	sadd.s32 $0x8000, s20  }
0xc: {  	s17 =	sadd.s32 $0xC00, s20;
	s23 =	sadd.s32 $0x600, s20;
	s18 =	sshll.u32 s1, $0x1  }
0xd: {  	s21 =	smul.u32 $0x5100, s1;
	p0 =	sne.s32 s1, $0x0;
	s1 =	sshll.u32 s1, $0x6  }
0xe: {  	_ =	strace $0x8000004D;
	s13 =	smul.u32 $0x13C000, s12;
	[dreg:$0x8] =	wrdreg s17  }
0xf: {  	s16 =	smul.u32 $0x27800, s12;
	[dreg:$0x9] =	wrdreg s23;
	s26 =	ssub.s32 $0x2, s12  }
0x10: {  	s18 =	sor.u32 s12, s18;
	s23 =	smul.u32 $0x2880, s12;
	s14 =	sshrl.u32 s2, $0x3  }
0x11: {  	s15 =	sshrl.u32 s11, $0x3;
	s19 =	sshrl.u32 s26, $0x1;
	s14 =	sadd.s32 s14, s20  }
0x12: {  	s13 =	sadd.s32 s2, s13;
	s15 =	sadd.s32 s15, s20;
	s2 =	sadd.s32 s2, s6  }
0x13: {  	s25 =	sadd.s32 s11, s16;
	s11 =	sadd.s32 s11, s7;
	[dreg:$0xa] =	wrdreg s2  }
0x14: {  	s16 =	ssub.s32 s26, s19;
	s19 =	sadd.s32 $0x81000, s14;
	[dreg:$0xc] =	wrdreg s11  }
0x15: {  	s12 =	simm.s32 $0x968;
	s22 =	sadd.s32 $0x3000, s15;
	[dreg:$0xb] =	wrdreg s19  }
0x16: {  	s13 =	sshrl.u32 s13, $0x3;
	s26 =	smax.u32 s16, $0x1;
	[dreg:$0xd] =	wrdreg s22  }
0x17: {  	s2 =	sadd.s32 s23, s21;
	s11 =	simm.s32 $0x8E8;
	[dreg:$0x10] =	wrdreg s26  }
0x18: {  	s24 =	sadd.s32 s13, s20;
	[dreg:$0x11] =	wrdreg s2;
	s2 =	sshrl.u32 @!p0 s3, $0x3  }
0x19: {  	s13 =	sshrl.u32 s25, $0x3;
	s24 =	sadd.s32 $0xA8800, s24;
	[dreg:$0x12] =	wrdreg s2  }
0x1a: {  	s20 =	sadd.s32 s13, s20;
	s2 =	sshrl.u32 @!p0 s4, $0x3;
	[dreg:$0xe] =	wrdreg s24  }
0x1b: {  	s14 =	simm.s32 $0x4A68;
	s25 =	sadd.s32 $0x2F200, s20;
	[dreg:$0x13] =	wrdreg s2  }
0x1c: {  	s15 =	simm.s32 $0x49E8;
	s2 =	sshrl.u32 @!p0 s5, $0x3;
	[dreg:$0xf] =	wrdreg s25  }
0x1d: {  	v1 =	vlaneseq.u32;
	s26 =	simm.s32 $0x2;
	s13 =	smul.u32 $0x2880, s18;
	[dreg:$0x14] =	wrdreg s2  }
0x1e: {  	v0 =	vimm.f32 $0.0e+00;
	v1 =	vmul.u32 $0x10, v1;
	s25 =	sor.u32 $0x1C02, s1;
	s2 =	simm.s32 $0x1;
	s1 =	simm.s32 $0x868  }
.LBB2_1:
0x1f: {  	s17 =	rddreg [dreg:$0x8]  }
0x20: {  	s16 =	simm.s32 @!p0 $0x1C02;
	s18 =	rddreg [dreg:$0x12]  }
0x21: {  	[spmem:s18], [sflag:s16] =	dma.local @!p0 [hbm:s17], $0x4E2  }
0x22: {  	s17 =	simm.s32 @!p0 $0x2  }
0x23: {  	_ =	swait.ge @!p0 [sflag:s17], $0x4E2  }
0x24: {  	[sflag:s17] =	ssyncset.done @!p0 $0x0;
	s18 =	rddreg [dreg:$0x9]  }
0x25: {  	s19 =	rddreg [dreg:$0x13];
	[sflag:s17] =	ssyncadd.s32 @!p0 $0xFFFFFB1E  }
0x26: {  	[spmem:s19], [sflag:s16] =	dma.local @!p0 [hbm:s18], $0x4E2  }
0x27: {  	_ =	swait.ge @!p0 [sflag:s17], $0x4E2  }
0x28: {  	[sflag:s17] =	ssyncset.done @!p0 $0x0  }
0x29: {  	s19 =	rddreg [dreg:$0x14];
	[sflag:s17] =	ssyncadd.s32 @!p0 $0xFFFFFB1E  }
0x2a: {  	s18 =	rddreg [dreg:$0x1]  }
0x2b: {  	[spmem:s19], [sflag:s16] =	dma.local @!p0 [hbm:s18], $0x4E2  }
0x2c: {  	_ =	swait.ge @!p0 [sflag:s17], $0x4E2  }
0x2d: {  	s19 =	rddreg [dreg:$0xa]  }
0x2e: {  	[sflag:s17] =	ssyncset.done @!p0 $0x0;
	s21 =	rddreg [dreg:$0xb];
	s20 =	sshrl.u32 s19, $0x3  }
0x2f: {  	[sflag:s17] =	ssyncadd.s32 @!p0 $0xFFFFFB1E;
	[dreg:$0x15] =	wrdreg s20  }
0x30: {  	[spmem:s20], [sflag:s25] =	dma.local [hbm:s21], $0x2780  }
0x31: {  	_ =	swait.ge [sflag:s26], $0x2780  }
0x32: {  	s22 =	rddreg [dreg:$0xc]  }
0x33: {  	[sflag:s26] =	ssyncset.done $0x0;
	s24 =	rddreg [dreg:$0xd];
	s23 =	sshrl.u32 s22, $0x3  }
0x34: {  	[sflag:s26] =	ssyncadd.s32 $0xFFFFD880;
	[dreg:$0x16] =	wrdreg s23  }
0x35: {  	[spmem:s23], [sflag:s25] =	dma.local [hbm:s24], $0x4F0  }
0x36: {  	_ =	swait.ge [sflag:s26], $0x4F0  }
0x37: {  	[sflag:s26] =	ssyncset.done $0x0  }
0x38: {  	[sflag:s26] =	ssyncadd.s32 $0xFFFFFB10  }
0x39: {  	[bflag:$0x0] =	sbarrier.arrive $0xFFFF  }
0x3a: {  	s19 =	simm.s32 $0x0;
	s21 =	rddreg [dreg:$0x11]  }
.LBB2_2:
0x3b: {  	s16 =	sshll.u32 s19, $0x7  }
0x3c: {  	s16 =	sadd.s32 s13, s16  }
0x3d: {  	s16 =	sshrl.u32 s16, $0x3  }
0x3e: {  	s20 =	simm.s32 $0x0;
	s18 =	sadd.s32 s0, s16  }
0x3f: {  	[tilespmem:s28], [sflag:$0x2] =	stream.linear.gather [hbm4b:s18+s20], $0x80, $0x38;
	[tilespmem:$0x1B5E8] =	vst v63  }
0x40: {  	_ =	swait.ge [sflag:s26], $0x80  }
0x41: {  	[sflag:s26] =	ssyncset.done $0x0  }
0x42: {  	s16 =	sadd.s32 s9, s16;
	[sflag:s26] =	ssyncadd.s32 $0xFFFFFF80  }
0x43: {  	[tilespmem:s29], [sflag:$0x2] =	stream.linear.gather [hbm4b:s16+s20], $0x80, $0x38;
	[tilespmem:$0x1B5E8] =	vst v63  }
0x44: {  	_ =	swait.ge [sflag:s26], $0x80  }
0x45: {  	[sflag:s26] =	ssyncset.done $0x0  }
0x46: {  	[sflag:s26] =	ssyncadd.s32 $0xFFFFFF80  }
0x47: {  	[tilespmem:s31], [sflag:$0x1] =	stream.indirect.gather [hbm4b:s10+s30], $0x80, s28, s30, $0xb8;
	[tilespmem:$0x1B5E8] =	vst v63  }
0x48: {  	_ =	swait.ge [sflag:s2], $0x4000  }
0x49: {  	[sflag:s2] =	ssyncset.done $0x0  }
0x4a: {  	[sflag:s2] =	ssyncadd.s32 $0xFFFFC000  }
0x4b: {  	[tilespmem:s1], [sflag:$0x1] =	stream.indirect.gather [spmem:s3], $0x1, s28, s30, $0xb8;
	[tilespmem:$0x1B5E8] =	vst v63  }
0x4c: {  	_ =	swait.ge [sflag:s2], $0x80  }
0x4d: {  	[sflag:s2] =	ssyncset.done $0x0  }
0x4e: {  	[sflag:s2] =	ssyncadd.s32 $0xFFFFFF80  }
0x4f: {  	[tilespmem:s11], [sflag:$0x1] =	stream.indirect.gather [spmem:s4], $0x1, s29, s30, $0xb8;
	[tilespmem:$0x1B5E8] =	vst v63  }
0x50: {  	_ =	swait.ge [sflag:s2], $0x80  }
0x51: {  	[sflag:s2] =	ssyncset.done $0x0  }
0x52: {  	[sflag:s2] =	ssyncadd.s32 $0xFFFFFF80  }
0x53: {  	[tilespmem:s12], [sflag:$0x1] =	stream.indirect.gather [spmem:s5], $0x1, s29, s30, $0xb8;
	[tilespmem:$0x1B5E8] =	vst v63  }
0x54: {  	_ =	swait.ge [sflag:s2], $0x80  }
0x55: {  	[sflag:s2] =	ssyncset.done $0x0  }
0x56: {  	s18 =	simm.s32 $0x200;
	s16 =	simm.s32 $0x0;
	[sflag:s2] =	ssyncadd.s32 $0xFFFFFF80  }
.LBB2_3:
0x57: {  	p1 =	sne.s32 s18, $0x1E00;
	[tilespmem:s16+$0x4AD8] =	vst v0  }
0x58: {  	[tilespmem:s16+$0x4A68] =	vst v0  }
0x59: {  	[tilespmem:s16+$0x4A78] =	vst v0  }
.Ltmp0:
0x5a: {  	[tilespmem:s16+$0x4A88] =	vst v0;
	(pc) =	sbr.rel @p1 .LBB2_3-.Ltmp0, $4  }
0x5b: {  	[tilespmem:s16+$0x4A98] =	vst v0  }
0x5c: {  	[tilespmem:s16+$0x4AA8] =	vst v0  }
0x5d: {  	[tilespmem:s16+$0x4AB8] =	vst v0  }
0x5e: {  	[tilespmem:s16+$0x4AC8] =	vst v0;
	s16 =	sshra.s32 s18, $0x2;
	s18 =	sadd.s32 $0x200, s18  }
0x5f: {  	[tilespmem:s16+$0x4AD8] =	vst v0  }
0x60: {  	[tilespmem:s16+$0x4A68] =	vst v0  }
0x61: {  	[tilespmem:s16+$0x4A78] =	vst v0  }
0x62: {  	[tilespmem:s16+$0x4A88] =	vst v0  }
0x63: {  	[tilespmem:s16+$0x4A98] =	vst v0  }
0x64: {  	[tilespmem:s16+$0x4AA8] =	vst v0  }
0x65: {  	[tilespmem:s16+$0x4AB8] =	vst v0  }
0x66: {  	[tilespmem:s16+$0x4AC8] =	vst v0;
	s23 =	simm.s32 $0x8E8  }
0x67: {  	s18 =	simm.s32 $0x868;
	v2 =	vld [tilespmem:s23+$0x0]  }
0x68: {  	v3 =	vld [tilespmem:s18+$0x0];
	_ =	sdelay $0x3  }
0x69: {  	s22 =	simm.s32 $0x968  }
0x6a: {  	v4 =	vld [tilespmem:s22+$0x0];
	v2 =	vadd.f32 v2, v3;
	_ =	sdelay $0x1  }
0x6b: {  	v3 =	vmul.f32 $2.000000030e-01, v2;
	_ =	sdelay $0x1  }
0x6c: {  	v2 =	vmax.f32 v2, v3  }
0x6d: {  	v2 =	vsub.f32 v2, v4;
	_ =	sdelay $0x1  }
0x6e: {  	v2 =	vmul.f32 $1.442695020e+00, v2;
	_ =	sdelay $0x1  }
0x6f: {  	(erf) = vpow2.f32 v2;
	_ =	sdelay $0x4  }
0x70: {  	v2 =	vmov s20  }
0x71: {  	v2 =	vshll.u32 v2, $0x4  }
0x72: {  	v2 =	vor.u32 v1, v2  }
0x73: {  	s24 =	sadd.s32 $0x0, s21  }
0x74: {  	p1 =	slt.u32 s24, $0x50910;
	v3 =	vpop (erf)  }
0x75: {  	s20 =	simm.s32 $0x49E8;
	v3 =	vpsel !p1, $0x0, v3  }
0x76: {  	[tilespmem:s20+$0x0] =	vst v3  }
0x77: {  	s24 =	simm.s32 $0x8F8;
	[tilespmem:v2+s14+$0x0] =	vst.idx.msk $0xffff, v3  }
0x78: {  	s18 =	simm.s32 $0x878;
	v2 =	vld [tilespmem:s24+$0x0]  }
0x79: {  	v3 =	vld [tilespmem:s18+$0x0]  }
0x7a: {  	s16 =	simm.s32 $0x20;
	s23 =	simm.s32 $0x10  }
.LBB2_5:
0x7b: {  	p1 =	sne.s32 s16, $0x70;
	_ =	sdelay $0x1  }
0x7c: {  	s22 =	sadd.s32 $0x10, s22  }
0x7d: {  	v4 =	vld [tilespmem:s22+$0x0];
	v2 =	vadd.f32 v2, v3;
	_ =	sdelay $0x1  }
0x7e: {  	v3 =	vmul.f32 $2.000000030e-01, v2;
	_ =	sdelay $0x1  }
0x7f: {  	v2 =	vmax.f32 v2, v3  }
0x80: {  	v2 =	vsub.f32 v2, v4;
	_ =	sdelay $0x1  }
0x81: {  	v2 =	vmul.f32 $1.442695020e+00, v2;
	_ =	sdelay $0x1  }
0x82: {  	(erf) = vpow2.f32 v2;
	_ =	sdelay $0x4  }
0x83: {  	v2 =	vmov s23  }
0x84: {  	v2 =	vshll.u32 v2, $0x4  }
0x85: {  	v2 =	vor.u32 v1, v2  }
0x86: {  	s17 =	sadd.s32 s23, s21;
	s23 =	smov.u32 s16  }
0x87: {  	p2 =	slt.u32 s17, $0x50910;
	v3 =	vpop (erf)  }
0x88: {  	s20 =	sadd.s32 $0x10, s20;
	v3 =	vpsel !p2, $0x0, v3  }
.Ltmp1:
0x89: {  	[tilespmem:s20+$0x0] =	vst v3;
	(pc) =	sbr.rel @p1 .LBB2_5-.Ltmp1, $4  }
0x8a: {  	s24 =	sadd.s32 $0x10, s24;
	[tilespmem:v2+s14+$0x0] =	vst.idx.msk $0xffff, v3  }
0x8b: {  	s18 =	sadd.s32 $0x10, s18;
	v2 =	vld [tilespmem:s24+$0x0]  }
0x8c: {  	v3 =	vld [tilespmem:s18+$0x0]  }
0x8d: {  	s16 =	sadd.s32 $0x10, s16  }
0x8e: {  	_ =	sdelay $0x1  }
0x8f: {  	s16 =	sadd.s32 $0x10, s22  }
0x90: {  	v4 =	vld [tilespmem:s16+$0x0];
	v2 =	vadd.f32 v2, v3;
	_ =	sdelay $0x1  }
0x91: {  	v3 =	vmul.f32 $2.000000030e-01, v2;
	_ =	sdelay $0x1  }
0x92: {  	v2 =	vmax.f32 v2, v3  }
0x93: {  	v2 =	vsub.f32 v2, v4;
	_ =	sdelay $0x1  }
0x94: {  	v2 =	vmul.f32 $1.442695020e+00, v2;
	_ =	sdelay $0x1  }
0x95: {  	(erf) = vpow2.f32 v2;
	_ =	sdelay $0x4  }
0x96: {  	s22 =	simm.s32 $0x0;
	v2 =	vmov s23  }
0x97: {  	v3 =	vmov s22;
	v2 =	vshll.u32 v2, $0x4  }
0x98: {  	v3 =	vand.u32 $0xFFFFFFFC, v3;
	v2 =	vor.u32 v1, v2  }
0x99: {  	s18 =	sadd.s32 s23, s21;
	v3 =	vbroadcast v3, $0x0  }
0x9a: {  	p1 =	slt.u32 s18, $0x50910;
	v4 =	vpop (erf)  }
0x9b: {  	s20 =	sadd.s32 $0x10, s20;
	v4 =	vpsel !p1, $0x0, v4  }
0x9c: {  	[tilespmem:s20+$0x0] =	vst v4  }
0x9d: {  	s20 =	simm.s32 $0xAE8;
	[tilespmem:v2+s14+$0x0] =	vst.idx.msk $0xffff, v4  }
0x9e: {  	v2 =	vld [tilespmem:s20+$0xFFFFFF70]  }
0x9f: {  	v3 =	vld.idx.msk [tilespmem:v3+s15+$0x0], $0xffff  }
0xa0: {  	v4 =	vld [tilespmem:s20+$0xFFFFFF00]  }
0xa1: {  	v5 =	vld [tilespmem:s20+$0xFFFFFF20]  }
0xa2: {  	v6 =	vld [tilespmem:s20+$0xFFFFFF50]  }
0xa3: {  	v7 =	vld [tilespmem:s20+$0xFFFFFF40]  }
0xa4: {  	v8 =	vld [tilespmem:s20+$0xFFFFFF60];
	v2 =	vmul.f32 v2, v3  }
0xa5: {  	s23 =	simm.s32 $0x1;
	v9 =	vld [tilespmem:s20+$0xFFFFFF30];
	v4 =	vmul.f32 v4, v3  }
0xa6: {  	v10 =	vld [tilespmem:s20+$0xFFFFFF10];
	v5 =	vmul.f32 v5, v3;
	[tilespmem:s20+$0xFFFFFF70] =	vst v2;
	v2 =	vmov s23  }
0xa7: {  	v6 =	vmul.f32 v6, v3;
	[tilespmem:s20+$0xFFFFFF00] =	vst v4;
	v2 =	vand.u32 $0xFFFFFFFD, v2  }
0xa8: {  	v4 =	vmul.f32 v7, v3;
	[tilespmem:s20+$0xFFFFFF20] =	vst v5;
	v2 =	vbroadcast v2, $0x0  }
0xa9: {  	v5 =	vmul.f32 v8, v3;
	[tilespmem:s20+$0xFFFFFF50] =	vst v6  }
0xaa: {  	v6 =	vmul.f32 v9, v3;
	[tilespmem:s20+$0xFFFFFF40] =	vst v4  }
0xab: {  	v3 =	vmul.f32 v10, v3;
	[tilespmem:s20+$0xFFFFFF60] =	vst v5  }
0xac: {  	v7 =	vld [tilespmem:s20+$0xFFFFFFC0];
	[tilespmem:s20+$0xFFFFFF30] =	vst v6  }
0xad: {  	[tilespmem:s20+$0xFFFFFF10] =	vst v3;
	v3 =	vld [tilespmem:s20+$0xFFFFFF90]  }
0xae: {  	v4 =	vld.idx.msk [tilespmem:v2+s15+$0x0], $0xffff  }
0xaf: {  	v2 =	vld [tilespmem:s20+$0xFFFFFFA0]  }
0xb0: {  	v5 =	vld [tilespmem:s20+$0xFFFFFF80]  }
0xb1: {  	v6 =	vld [tilespmem:s20+$0xFFFFFFB0]  }
0xb2: {  	v8 =	vld [tilespmem:s20+$0xFFFFFFD0]  }
0xb3: {  	v9 =	vld [tilespmem:s20+$0xFFFFFFF0];
	v3 =	vmul.f32 v3, v4  }
0xb4: {  	s24 =	simm.s32 $0x2;
	v2 =	vmul.f32 v2, v4  }
0xb5: {  	v10 =	vld [tilespmem:s20+$0xFFFFFFE0];
	v5 =	vmul.f32 v5, v4;
	[tilespmem:s20+$0xFFFFFF90] =	vst v3;
	v3 =	vmov s24  }
0xb6: {  	v6 =	vmul.f32 v6, v4;
	[tilespmem:s20+$0xFFFFFFA0] =	vst v2;
	v2 =	vand.u32 $0xFFFFFFFE, v3  }
0xb7: {  	[tilespmem:s20+$0xFFFFFF80] =	vst v5;
	v5 =	vmul.f32 v8, v4;
	v8 =	vld [tilespmem:s20+$0x0];
	v11 =	vbroadcast v2, $0x0  }
0xb8: {  	[tilespmem:s20+$0xFFFFFFB0] =	vst v6;
	v6 =	vmul.f32 v9, v4;
	v3 =	vmul.f32 v7, v4;
	v7 =	vld [tilespmem:s20+$0x60]  }
0xb9: {  	v2 =	vld [tilespmem:s20+$0x20];
	[tilespmem:s20+$0xFFFFFFD0] =	vst v5  }
0xba: {  	v4 =	vmul.f32 v10, v4;
	[tilespmem:s20+$0xFFFFFFF0] =	vst v6;
	v5 =	vld [tilespmem:s20+$0x40]  }
0xbb: {  	v6 =	vld [tilespmem:s20+$0x10];
	[tilespmem:s20+$0xFFFFFFC0] =	vst v3  }
0xbc: {  	v3 =	vld [tilespmem:s20+$0x30];
	[tilespmem:s20+$0xFFFFFFE0] =	vst v4  }
0xbd: {  	s23 =	simm.s32 $0x4;
	s24 =	simm.s32 $0xAE8;
	v4 =	vld.idx.msk [tilespmem:v11+s15+$0x0], $0xffff  }
.LBB2_7:
0xbe: {  	p1 =	sne.s32 s23, $0x7C  }
0xbf: {  	v9 =	vld [tilespmem:s20+$0x50];
	s24 =	sadd.s32 $0x200, s24;
	s16 =	smov.u32 s23;
	s23 =	sadd.s32 $0x4, s23  }
0xc0: {  	v10 =	vld [tilespmem:s20+$0x70];
	_ =	sdelay $0x1  }
0xc1: {  	v7 =	vmul.f32 v7, v4;
	v8 =	vmul.f32 v8, v4  }
0xc2: {  	v5 =	vmul.f32 v5, v4;
	v6 =	vmul.f32 v6, v4  }
0xc3: {  	v2 =	vmul.f32 v2, v4;
	v3 =	vmul.f32 v3, v4;
	[tilespmem:s20+$0x60] =	vst v7  }
0xc4: {  	[tilespmem:s20+$0x40] =	vst v5;
	v5 =	vmul.f32 v9, v4;
	v4 =	vmul.f32 v10, v4  }
0xc5: {  	s17 =	sadd.s32 $0x3, s22;
	s22 =	smov.u32 s16;
	[tilespmem:s20+$0x20] =	vst v2;
	v7 =	vld [tilespmem:s20+$0x80]  }
0xc6: {  	v2 =	vld [tilespmem:s24+$0x20];
	[tilespmem:s20+$0x0] =	vst v8;
	v8 =	vmov s17  }
0xc7: {  	[tilespmem:s20+$0x50] =	vst v5;
	v5 =	vld [tilespmem:s20+$0xE0]  }
0xc8: {  	[tilespmem:s20+$0x30] =	vst v3;
	v9 =	vld [tilespmem:s20+$0xC0]  }
0xc9: {  	v3 =	vld [tilespmem:s24+$0x30];
	[tilespmem:s20+$0x10] =	vst v6  }
0xca: {  	[tilespmem:s20+$0x70] =	vst v4;
	v4 =	vld [tilespmem:s20+$0xA0]  }
0xcb: {  	v6 =	vld.idx.msk [tilespmem:v8+s15+$0x0], $0xffff  }
0xcc: {  	v8 =	vld [tilespmem:s20+$0x90]  }
0xcd: {  	v10 =	vld [tilespmem:s20+$0xB0]  }
0xce: {  	v11 =	vld [tilespmem:s20+$0xD0]  }
0xcf: {  	v12 =	vld [tilespmem:s20+$0xF0];
	_ =	sdelay $0x1  }
0xd0: {  	v7 =	vmul.f32 v7, v6;
	v8 =	vmul.f32 v8, v6  }
0xd1: {  	v4 =	vmul.f32 v4, v6;
	v10 =	vmul.f32 v10, v6  }
0xd2: {  	v13 =	vmov s22;
	[tilespmem:s20+$0x80] =	vst v7;
	v7 =	vmul.f32 v9, v6;
	v9 =	vmul.f32 v11, v6  }
0xd3: {  	v11 =	vand.u32 $0xFFFFFFFC, v13;
	[tilespmem:s20+$0xA0] =	vst v4;
	v4 =	vmul.f32 v5, v6;
	v5 =	vmul.f32 v12, v6  }
0xd4: {  	v6 =	vbroadcast v11, $0x0;
	[tilespmem:s20+$0xC0] =	vst v7  }
0xd5: {  	[tilespmem:s20+$0xF0] =	vst v5  }
0xd6: {  	v5 =	vld [tilespmem:s24+$0xFFFFFF40];
	[tilespmem:s20+$0xE0] =	vst v4  }
0xd7: {  	v4 =	vld [tilespmem:s24+$0xFFFFFF50];
	[tilespmem:s20+$0x90] =	vst v8  }
0xd8: {  	v7 =	vld [tilespmem:s24+$0xFFFFFF60];
	[tilespmem:s20+$0xB0] =	vst v10  }
0xd9: {  	v8 =	vld [tilespmem:s24+$0xFFFFFF70];
	[tilespmem:s20+$0xD0] =	vst v9;
	s20 =	smov.u32 s24  }
0xda: {  	v6 =	vld.idx.msk [tilespmem:v6+s15+$0x0], $0xffff  }
0xdb: {  	v9 =	vld [tilespmem:s24+$0xFFFFFF00]  }
0xdc: {  	v10 =	vld [tilespmem:s24+$0xFFFFFF20]  }
0xdd: {  	v11 =	vld [tilespmem:s24+$0xFFFFFF10]  }
0xde: {  	v12 =	vld [tilespmem:s24+$0xFFFFFF30];
	_ =	sdelay $0x1  }
0xdf: {  	v8 =	vmul.f32 v8, v6;
	v9 =	vmul.f32 v9, v6  }
0xe0: {  	s16 =	sadd.s32 $0x1, s22;
	v7 =	vmul.f32 v7, v6;
	v10 =	vmul.f32 v10, v6  }
0xe1: {  	v4 =	vmul.f32 v4, v6;
	v11 =	vmul.f32 v11, v6;
	[tilespmem:s24+$0xFFFFFF70] =	vst v8;
	v8 =	vmov s16  }
0xe2: {  	v5 =	vmul.f32 v5, v6;
	[tilespmem:s24+$0xFFFFFF00] =	vst v9;
	v9 =	vmul.f32 v12, v6;
	v6 =	vand.u32 $0xFFFFFFFD, v8  }
0xe3: {  	[tilespmem:s24+$0xFFFFFF20] =	vst v10;
	v6 =	vbroadcast v6, $0x0  }
0xe4: {  	[tilespmem:s24+$0xFFFFFF50] =	vst v4  }
0xe5: {  	[tilespmem:s24+$0xFFFFFF40] =	vst v5;
	v4 =	vld [tilespmem:s24+$0xFFFFFFF0]  }
0xe6: {  	[tilespmem:s24+$0xFFFFFF60] =	vst v7;
	v5 =	vld [tilespmem:s24+$0xFFFFFFC0]  }
0xe7: {  	[tilespmem:s24+$0xFFFFFF30] =	vst v9;
	v7 =	vld [tilespmem:s24+$0xFFFFFFD0]  }
0xe8: {  	[tilespmem:s24+$0xFFFFFF10] =	vst v11;
	v8 =	vld [tilespmem:s24+$0xFFFFFF90]  }
0xe9: {  	v6 =	vld.idx.msk [tilespmem:v6+s15+$0x0], $0xffff  }
0xea: {  	v9 =	vld [tilespmem:s24+$0xFFFFFF80]  }
0xeb: {  	v10 =	vld [tilespmem:s24+$0xFFFFFFA0]  }
0xec: {  	v11 =	vld [tilespmem:s24+$0xFFFFFFB0]  }
0xed: {  	v12 =	vld [tilespmem:s24+$0xFFFFFFE0];
	_ =	sdelay $0x1  }
0xee: {  	v8 =	vmul.f32 v8, v6;
	v9 =	vmul.f32 v9, v6  }
0xef: {  	s16 =	sadd.s32 $0x2, s22;
	v7 =	vmul.f32 v7, v6;
	v10 =	vmul.f32 v10, v6  }
0xf0: {  	v5 =	vmul.f32 v5, v6;
	[tilespmem:s24+$0xFFFFFF90] =	vst v8;
	v8 =	vmul.f32 v11, v6;
	v11 =	vmov s16  }
0xf1: {  	v4 =	vmul.f32 v4, v6;
	[tilespmem:s24+$0xFFFFFFA0] =	vst v10;
	v10 =	vmul.f32 v12, v6;
	v6 =	vand.u32 $0xFFFFFFFE, v11  }
0xf2: {  	[tilespmem:s24+$0xFFFFFF80] =	vst v9;
	v6 =	vbroadcast v6, $0x0  }
0xf3: {  	[tilespmem:s24+$0xFFFFFFB0] =	vst v8  }
0xf4: {  	[tilespmem:s24+$0xFFFFFFC0] =	vst v5  }
0xf5: {  	[tilespmem:s24+$0xFFFFFFD0] =	vst v7  }
.Ltmp2:
0xf6: {  	[tilespmem:s24+$0xFFFFFFF0] =	vst v4;
	v5 =	vld [tilespmem:s24+$0x40];
	(pc) =	sbr.rel @p1 .LBB2_7-.Ltmp2, $4  }
0xf7: {  	[tilespmem:s24+$0xFFFFFFE0] =	vst v10;
	v7 =	vld [tilespmem:s24+$0x60]  }
0xf8: {  	v4 =	vld.idx.msk [tilespmem:v6+s15+$0x0], $0xffff  }
0xf9: {  	v8 =	vld [tilespmem:s24+$0x0]  }
0xfa: {  	v6 =	vld [tilespmem:s24+$0x10]  }
0xfb: {  	_ =	sdelay $0x1  }
0xfc: {  	v7 =	vmul.f32 v7, v4  }
0xfd: {  	v9 =	vld [tilespmem:s20+$0x50];
	v5 =	vmul.f32 v5, v4  }
0xfe: {  	v10 =	vld [tilespmem:s20+$0x70];
	v2 =	vmul.f32 v2, v4;
	[tilespmem:s20+$0x60] =	vst v7  }
0xff: {  	v50 =	vmul.f32 v8, v4;
	[tilespmem:s20+$0x40] =	vst v5  }
0x100: {  	s16 =	sadd.s32 $0x3, s22;
	[tilespmem:s20+$0x20] =	vst v2;
	v2 =	vmul.f32 v3, v4  }
0x101: {  	v52 =	vmov s16;
	v6 =	vmul.f32 v6, v4;
	[tilespmem:s20+$0x0] =	vst v50  }
0x102: {  	v51 =	vmul.f32 v9, v4;
	[tilespmem:s20+$0x30] =	vst v2  }
0x103: {  	v53 =	vmul.f32 v10, v4;
	[tilespmem:s20+$0x10] =	vst v6  }
0x104: {  	[tilespmem:s20+$0x50] =	vst v51  }
0x105: {  	v3 =	vld [tilespmem:s20+$0x80];
	[tilespmem:s20+$0x70] =	vst v53  }
0x106: {  	v2 =	vld.idx.msk [tilespmem:v52+s15+$0x0], $0xffff  }
0x107: {  	v54 =	vld [tilespmem:s20+$0xA0]  }
0x108: {  	v56 =	vld [tilespmem:s20+$0xF0]  }
0x109: {  	v57 =	vld [tilespmem:s20+$0xE0]  }
0x10a: {  	v55 =	vld [tilespmem:s20+$0xC0]  }
0x10b: {  	v59 =	vld [tilespmem:s20+$0xB0];
	v3 =	vmul.f32 v3, v2  }
0x10c: {  	v58 =	vld [tilespmem:s20+$0x90];
	v4 =	vmul.f32 v54, v2  }
0x10d: {  	v60 =	vld [tilespmem:s20+$0xD0];
	v61 =	vmul.f32 v56, v2;
	[tilespmem:s20+$0x80] =	vst v3  }
0x10e: {  	v62 =	vmul.f32 v57, v2;
	[tilespmem:s20+$0xA0] =	vst v4  }
0x10f: {  	v3 =	vmul.f32 v55, v2;
	[tilespmem:s20+$0xF0] =	vst v61  }
0x110: {  	v63 =	vmul.f32 v59, v2;
	[tilespmem:s20+$0xE0] =	vst v62  }
0x111: {  	[tilespmem:s20+$0xC0] =	vst v3;
	v3 =	vmul.f32 v58, v2  }
0x112: {  	[tilespmem:s20+$0xB0] =	vst v63;
	v2 =	vmul.f32 v60, v2  }
0x113: {  	[tilespmem:s20+$0x90] =	vst v3  }
0x114: {  	[tilespmem:s20+$0xD0] =	vst v2  }
0x115: {  	[spmem:s6] =	stream.indirect.scatter.add.f32 [tilespmem:s31], [sflag:$0x2], $0x80, s29, s30, $0xb8;
	[tilespmem:$0x1B5E8] =	vst v63  }
0x116: {  	s19 =	sadd.s32 $0x1, s19;
	_ =	swait.ge [sflag:s26], $0x4000  }
0x117: {  	p1 =	sne.s32 s19, $0x51;
	[sflag:s26] =	ssyncset.done $0x0  }
.Ltmp3:
0x118: {  	[sflag:s26] =	ssyncadd.s32 $0xFFFFC000;
	(pc) =	sbr.rel @p1 .LBB2_2-.Ltmp3, $4  }
0x119: {  	[spmem:s7] =	stream.indirect.scatter.add.f32 [tilespmem:s14], [sflag:$0x2], $0x10, s29, s30, $0xb8;
	[tilespmem:$0x1B5E8] =	vst v63  }
0x11a: {  	_ =	swait.ge [sflag:s26], $0x800  }
0x11b: {  	[sflag:s26] =	ssyncset.done $0x0  }
0x11c: {  	s21 =	sadd.s32 $0x80, s21;
	[sflag:s26] =	ssyncadd.s32 $0xFFFFF800  }
0x11d: {  	[bflag:$0x0] =	sbarrier.arrive $0xFFFF  }
0x11e: {  	s16 =	rddreg [dreg:$0xe]  }
0x11f: {  	s17 =	rddreg [dreg:$0x15]  }
0x120: {  	[hbm:s16], [sflag:s25] =	dma.local [spmem:s17], $0x2780  }
0x121: {  	_ =	swait.ge [sflag:s26], $0x2780  }
0x122: {  	[sflag:s26] =	ssyncset.done $0x0;
	s22 =	rddreg [dreg:$0xf]  }
0x123: {  	s23 =	rddreg [dreg:$0x16];
	[sflag:s26] =	ssyncadd.s32 $0xFFFFD880  }
0x124: {  	[hbm:s22], [sflag:s25] =	dma.local [spmem:s23], $0x4F0  }
0x125: {  	_ =	swait.ge [sflag:s26], $0x4F0  }
0x126: {  	s8 =	sadd.s32 $0x1, s8;
	s24 =	rddreg [dreg:$0x10]  }
0x127: {  	p1 =	sne.s32 s8, s24  }
.Ltmp4:
0x128: {  	_ = 	snop;
	(pc) =	sbr.rel @p1 .LBB2_1-.Ltmp4, $3  }
0x129: {  	_ =	sdelay $0x1  }
0x12a: {  	[sflag:s26] =	ssyncset.done $0x0  }
0x12b: {  	[sflag:s26] =	ssyncadd.s32 $0xFFFFFB10  }
0x12c: {  	_ =	sfence.sel $0x180000  }
0x12d: {  	[bflag:$0x0] =	sbarrier.arrive $0xFFFF  }
0x12e: {  	_ =	strace $0x9000004D  }
0x12f: {  	[bflag:$0x2] =	sbarrier.arrive $0xFFFF  }
0x130: {  	s0 =	rddreg [dreg:$0x7]  }
0x131: {  	s0 =	sadd.s32 @!p0 $0x100000, s0  }
0x132: {  	[sflag:s0] =	ssyncadd.tile.s32 @!p0 $0x1;
	_ =	shalt  }
.Lfunc_end2:
_tile_overlayer_lowered:
.L_overlay_start_2:
0x133: {  	(tag) =	ssettag $0x2  }
0x134: {  	s0 =	rddreg [dreg:$0x0];
	s2 =	stileid.u32  }
0x135: {  	s1 =	rddreg [dreg:$0x1];
	p0 =	sne.s32 s2, $0x0  }
0x136: {  	s3 =	rddreg [dreg:$0x2];
	[bflag:$0x3] =	sbarrier.arrive $0xFFFF;
	s2 =	simm.s32 @!p0 $0x1C02  }
0x137: {  	[timem:s3], [sflag:s2] =	dma.local @!p0 [hbm:s0], s1  }
0x138: {  	s0 =	simm.s32 @!p0 $0x2  }
0x139: {  	_ =	swait.ge @!p0 [sflag:s0], s1  }
0x13a: {  	s1 =	ssub.s32 @!p0 $0x0, s1;
	[sflag:s0] =	ssyncset.done @!p0 $0x0  }
0x13b: {  	[sflag:s0] =	ssyncadd.s32 @!p0 s1  }
0x13c: {  	[bflag:$0x3] =	sbarrier.arrive $0xFFFF  }
0x13d: {  	_ =	shalt  }

// kernel: kernel.8.cloned.1.call-start
scs
__scs_entry_jumppad:
0x0: {  	(pc) =	sbr.rel $0x88, $3  }
0x1: {  	(tag) =	ssettag $0x0;
	lr =	simm.s32 $0x1  }
0x2: {  	[smem:$0x3F93] =	sst lr;
	_ =	strace $0xD0000000  }
0x3: {  	_ = 	snop  }
0x4: {  	_ = 	snop  }
0x5: {  	_ = 	snop  }
0x6: {  	_ = 	snop  }
0x7: {  	_ = 	snop  }
__scs_overlays_trampoline_lowered:
0x8: {  	[smem:$0x3FA2] =	sst s0  }
0x9: {  	[smem:$0x3FA3] =	sst s1  }
0xa: {  	[smem:$0x3FA4] =	sst s2  }
0xb: {  	[smem:$0x3FA5] =	sst s3  }
0xc: {  	[smem:$0x3FA6] =	sst s4  }
0xd: {  	[smem:$0x3FA7] =	sst s5  }
0xe: {  	[smem:$0x3FA8] =	sst s6  }
0xf: {  	[smem:$0x3FA9] =	sst s7  }
0x10: {  	[smem:$0x3FAA] =	sst s8  }
0x11: {  	[smem:$0x3FAB] =	sst s9;
	s0 =	simm.s32 @!p0 $0x0  }
0x12: {  	s1 =	sld [smem:$0x3F91];
	s0 =	simm.s32 @p0 $0x1  }
0x13: {  	[smem:$0x3FAC] =	sst s0;
	s0 =	simm.s32 @!p1 $0x0  }
0x14: {  	s2 =	sld [smem:$0x3F90];
	s0 =	simm.s32 @p1 $0x1  }
0x15: {  	[smem:$0x3FAD] =	sst s0;
	s0 =	simm.s32 @!p2 $0x0  }
0x16: {  	s3 =	sld [smem:$0x3FDB];
	s0 =	simm.s32 @p2 $0x1  }
0x17: {  	s4 =	simm.s32 $0x1BF5;
	[smem:$0x3FAF] =	sst s0  }
0x18: {  	s0 =	sld [smem:$0x3F92];
	_ =	swait.ge [sflag:s4], $0x0  }
0x19: {  	s7 =	sld [smem:$0x3F93]  }
0x1a: {  	s8 =	sadd.s32 $0xFFFFE003, lr  }
0x1b: {  	s9 =	sadd.s32 $0xFFFFFEF7, lr;
	s5 =	simm.s32 $0xFFFFFFFF;
	p2 =	slt.u32 s8, $0xFFFFF086  }
0x1c: {  	p1 =	slt.u32 s9, $0xF7A;
	s5 =	simm.s32 @!p2 $0x0  }
0x1d: {  	s5 =	simm.s32 @p1 $0x1;
	p0 =	seq.s32 s7, s2  }
0x1e: {  	s7 =	smul.u32 @!p0 $0xF7A, s2;
	p2 =	seq.s32 @!p0 s5, $0x0  }
0x1f: {  	s9 =	smul.u32 $0xF7A, s1;
	s8 =	simm.s32 @!p0 $0x1BF5;
	p2 =	por !p2, p0  }
0x20: {  	[sflag:s8] =	ssyncset.s32 @!p0 $0xFFFFF086;
	s6 =	sadd.s32 @!p0 s3, s7;
	s7 =	simm.s32 @!p0 $0x108  }
0x21: {  	s3 =	sadd.s32 s3, s9;
	s6 =	sadd.s32 @!p0 $0x88, s6;
	s7 =	simm.s32 @p2 $0x1082  }
0x22: {  	[simem:s7], [sflag:s8] =	dma.local @!p0 [hbm:s6], $0xF7A  }
0x23: {  	s9 =	sor.u32 $0xD0000000, s2;
	s6 =	simm.s32 $0x108;
	_ =	swait.ge @!p0 [sflag:s8], $0x0  }
0x24: {  	s3 =	sadd.s32 $0x88, s3;
	s6 =	simm.s32 @!p1 $0x1082;
	[sflag:s4] =	ssyncset.s32 $0xFFFFF086  }
0x25: {  	[simem:s6], [sflag:s4] =	dma.local [hbm:s3], $0xF7A  }
0x26: {  	[smem:$0x3F93] =	sst s1;
	(tag) =	ssettag s2;
	_ =	strace s9  }
0x27: {  	s1 =	sld [smem:$0x3FA3]  }
0x28: {  	s2 =	sld [smem:$0x3FA4]  }
0x29: {  	s4 =	sld [smem:$0x3FA6]  }
0x2a: {  	p0 =	seq.s32 s5, $0x0;
	s5 =	sld [smem:$0x3FA7]  }
0x2b: {  	s6 =	sld [smem:$0x3FA8]  }
0x2c: {  	s7 =	sld [smem:$0x3FA9]  }
0x2d: {  	s3 =	simm.s32 $0x108;
	s8 =	sld [smem:$0x3FAA]  }
0x2e: {  	s3 =	simm.s32 @!p0 $0x1082;
	s9 =	sld [smem:$0x3FAB]  }
0x2f: {  	lr =	sadd.s32 s0, s3;
	s0 =	sld [smem:$0x3FA2]  }
0x30: {  	s3 =	sld [smem:$0x3FA5]  }
0x31: {  	[smem:$0x3FAE] =	sst s10  }
0x32: {  	s10 =	sld [smem:$0x3FAC];
	_ =	sdelay $0x3  }
0x33: {  	p0 =	seq.s32 s10, $0x1;
	s10 =	sld [smem:$0x3FAE];
	_ =	sdelay $0x3  }
0x34: {  	[smem:$0x3FAE] =	sst s10  }
0x35: {  	s10 =	sld [smem:$0x3FAD];
	_ =	sdelay $0x3  }
0x36: {  	p1 =	seq.s32 s10, $0x1;
	s10 =	sld [smem:$0x3FAE];
	_ =	sdelay $0x3  }
0x37: {  	[smem:$0x3FAE] =	sst s10  }
0x38: {  	s10 =	sld [smem:$0x3FAF]  }
0x39: {  	_ = 	snop;
	(pc) =	sbr.ind lr, $3  }
0x3a: {  	_ = 	snop  }
0x3b: {  	_ = 	snop  }
0x3c: {  	p2 =	seq.s32 s10, $0x1;
	s10 =	sld [smem:$0x3FAE]  }
0x3d: {  	_ =	shalt  }
0x3e: {  	_ =	shalt  }
0x3f: {  	_ =	shalt  }
0x40: {  	_ =	shalt  }
0x41: {  	_ =	shalt  }
0x42: {  	_ =	shalt  }
0x43: {  	_ =	shalt  }
0x44: {  	_ =	shalt  }
0x45: {  	_ =	shalt  }
0x46: {  	_ =	shalt  }
0x47: {  	_ =	shalt  }
0x48: {  	_ =	shalt  }
0x49: {  	_ =	shalt  }
0x4a: {  	_ =	shalt  }
0x4b: {  	_ =	shalt  }
0x4c: {  	_ =	shalt  }
0x4d: {  	_ =	shalt  }
0x4e: {  	_ =	shalt  }
0x4f: {  	_ =	shalt  }
0x50: {  	_ =	shalt  }
0x51: {  	_ =	shalt  }
0x52: {  	_ =	shalt  }
0x53: {  	_ =	shalt  }
0x54: {  	_ =	shalt  }
0x55: {  	_ =	shalt  }
0x56: {  	_ =	shalt  }
0x57: {  	_ =	shalt  }
0x58: {  	_ =	shalt  }
0x59: {  	_ =	shalt  }
0x5a: {  	_ =	shalt  }
0x5b: {  	_ =	shalt  }
0x5c: {  	_ =	shalt  }
0x5d: {  	_ =	shalt  }
0x5e: {  	_ =	shalt  }
0x5f: {  	_ =	shalt  }
0x60: {  	_ =	shalt  }
0x61: {  	_ =	shalt  }
0x62: {  	_ =	shalt  }
0x63: {  	_ =	shalt  }
0x64: {  	_ =	shalt  }
0x65: {  	_ =	shalt  }
0x66: {  	_ =	shalt  }
0x67: {  	_ =	shalt  }
0x68: {  	_ =	shalt  }
0x69: {  	_ =	shalt  }
0x6a: {  	_ =	shalt  }
0x6b: {  	_ =	shalt  }
0x6c: {  	_ =	shalt  }
0x6d: {  	_ =	shalt  }
0x6e: {  	_ =	shalt  }
0x6f: {  	_ =	shalt  }
0x70: {  	_ =	shalt  }
0x71: {  	_ =	shalt  }
0x72: {  	_ =	shalt  }
0x73: {  	_ =	shalt  }
0x74: {  	_ =	shalt  }
0x75: {  	_ =	shalt  }
0x76: {  	_ =	shalt  }
0x77: {  	_ =	shalt  }
0x78: {  	_ =	shalt  }
0x79: {  	_ =	shalt  }
0x7a: {  	_ =	shalt  }
0x7b: {  	_ =	shalt  }
0x7c: {  	_ =	shalt  }
0x7d: {  	_ =	shalt  }
0x7e: {  	_ =	shalt  }
0x7f: {  	_ =	shalt  }
0x80: {  	_ =	shalt  }
0x81: {  	_ =	shalt  }
0x82: {  	_ =	shalt  }
0x83: {  	_ =	shalt  }
0x84: {  	_ =	shalt  }
0x85: {  	_ =	shalt  }
0x86: {  	_ =	shalt  }
0x87: {  	_ =	shalt  }
.Lfunc_end0:
.L_simem_size_0:
called_computation_lowered:
.L_overlay_start_0:
0x88: {  	s2 =	sld [smem:$0x3FD9]  }
0x89: {  	s3 =	sld [smem:$0x3FFE];
	_ =	sdelay $0x1  }
0x8a: {  	s1 =	srdreg.scid  }
0x8b: {  	s0 =	sand.u32 $0x1, s1  }
0x8c: {  	s17 =	sshll.u32 s0, $0xA;
	s2 =	sadd.s32 s3, s2  }
0x8d: {  	s2 =	sadd.s32 s2, s17  }
0x8e: {  	[smem:$0x3FBA] =	sst s2  }
0x8f: {  	_ = 	snop  }
0x90: {  	s18 =	sld [smem:$0x3FD0];
	(tm) =	ssettm $0x1  }
0x91: {  	s19 =	sld [smem:$0x3FFB];
	_ =	sdelay $0x3  }
0x92: {  	_ =	strace s19  }
0x93: {  	s2 =	sld [smem:$0x3FFC];
	_ =	sdelay $0x3  }
0x94: {  	_ =	strace s2  }
0x95: {  	s2 =	sld [smem:$0x3FFD];
	_ =	sdelay $0x3  }
0x96: {  	_ =	strace s2  }
0x97: {  	_ =	strace $0x8FFFFFFF  }
0x98: {  	s20 =	sld [smem:$0x3FDB];
	_ =	sdelay $0x1  }
0x99: {  	s4 =	simm.s32 $_scs_section_size  }
0x9a: {  	s5 =	simm.s32 $_size__tile_overlayer_lowered;
	s6 =	simm.s32 $_tile_overlayer_lowered  }
0x9b: {  	s7 =	simm.s32 $0x1BFF;
	s21 =	sshll.u32 s6, $0x1;
	s4 =	sadd.s32 s4, s20  }
0x9c: {  	s22 =	simm.s32 $0x0;
	s5 =	sshll.u32 s5, $0x1;
	s6 =	sadd.s32 s21, s4  }
0x9d: {  	[timem:s22], [sflag:s7] =	dma.local [hbm:s6], s5  }
0x9e: {  	_ =	swait.ge [sflag:s7], s5  }
0x9f: {  	s5 =	ssub.s32 $0x0, s5;
	[sflag:s7] =	ssyncset.done $0x0  }
0xa0: {  	[sflag:s7] =	ssyncadd.s32 s5;
	_ =	sdelay $0x1  }
0xa1: {  	s23 =	simm.s32 $0x1B8B  }
0xa2: {  	_ =	swait.ge [sflag:s23], $0x1  }
0xa3: {  	[sflag:s23] =	ssyncset.done $0x0  }
0xa4: {  	[sflag:s23] =	ssyncadd.s32 $0xFFFFFFFF  }
0xa5: {  	s5 =	sld [smem:$0x0]  }
0xa6: {  	s6 =	sand.u32 $0xFFFFFFFE, s1  }
0xa7: {  	p0 =	sne.s32 s1, s6  }
0xa8: {  	s6 =	sshll.u32 @p0 s6, $0xE  }
0xa9: {  	s6 =	sadd.s32 @p0 $0x11B8D, s6;
	s7 =	sshll.u32 @p0 s5, $0x11  }
0xaa: {  	s6 =	sor.u32 @p0 s7, s6  }
0xab: {  	[sflag:s6] =	ssyncadd.remote.s32 @p0 $0x1;
	_ =	sdelay $0x1  }
0xac: {  	s6 =	simm.s32 @p0 $0x1B8D  }
0xad: {  	_ =	swait.eq @p0 [sflag:s6], $0x1  }
0xae: {  	[sflag:s6] =	ssyncadd.s32 @p0 $0xFFFFFFFF  }
0xaf: {  	s7 =	sshll.u32 @!p0 s1, $0xE  }
0xb0: {  	s7 =	sor.u32 @!p0 $0x4000, s7;
	s6 =	simm.s32 @!p0 $0x1B8D  }
0xb1: {  	s5 =	sshll.u32 @!p0 s5, $0x11;
	s7 =	sadd.s32 @!p0 $0x11B8D, s7;
	_ =	swait.eq @!p0 [sflag:s6], $0x1  }
0xb2: {  	s5 =	sor.u32 @!p0 s5, s7;
	[sflag:s6] =	ssyncadd.s32 @!p0 $0xFFFFFFFF  }
0xb3: {  	s25 =	simm.s32 $0x1B8E;
	s24 =	sld [smem:$0x3FFE];
	[sflag:s5] =	ssyncadd.remote.s32 @!p0 $0x1  }
0xb4: {  	s26 =	simm.s32 $execute0_lowered;
	[smem:$0x3FD2] =	sst s25  }
0xb5: {  	s6 =	sshll.u32 s26, $0x1;
	_ =	strace $0x80000049;
	[dreg:$0x1] =	wrdreg $0xFFFFFFFF  }
0xb6: {  	s28 =	simm.s32 $_size_execute0_lowered;
	s4 =	sadd.s32 s4, s6;
	[dreg:$0x0] =	wrdreg $0x0  }
0xb7: {  	s6 =	sshll.u32 s28, $0x1;
	[dreg:$0x2] =	wrdreg s4  }
0xb8: {  	[dreg:$0x3] =	wrdreg s6  }
0xb9: {  	[dreg:$0x4] =	wrdreg $0xC0  }
0xba: {  	_ =	task [dreg:s22], $0x5FFFF  }
0xbb: {  	[dreg:$0x1] =	wrdreg $0xFFFFFFFF  }
0xbc: {  	[dreg:$0x0] =	wrdreg $0x60  }
0xbd: {  	[dreg:$0x2] =	wrdreg s18  }
0xbe: {  	[dreg:$0x3] =	wrdreg s24  }
0xbf: {  	[dreg:$0x4] =	wrdreg $0x0  }
0xc0: {  	[dreg:$0x5] =	wrdreg $0x2780  }
0xc1: {  	[dreg:$0x6] =	wrdreg $0x4F00  }
0xc2: {  	[dreg:$0x7] =	wrdreg $0x7680  }
0xc3: {  	[dreg:$0x8] =	wrdreg $0x9E00  }
0xc4: {  	[dreg:$0x9] =	wrdreg $0xC580  }
0xc5: {  	[dreg:$0xa] =	wrdreg $0x5BD00  }
0xc6: {  	[dreg:$0xb] =	wrdreg $0x197D00  }
0xc7: {  	[dreg:$0xc] =	wrdreg $0x9  }
0xc8: {  	_ =	task.clear_ibuf [dreg:s22], $0xDFFFF;
	_ =	strace $0x90000049  }
0xc9: {  	s29 =	simm.s32 $0x9;
	_ =	strace $0x8000004B  }
0xca: {  	_ =	swait.ge [sflag:s29], $0x1  }
0xcb: {  	[sflag:s29] =	ssyncadd.s32 $0xFFFFFFFF  }
0xcc: {  	_ =	strace $0x9000004B  }
0xcd: {  	_ =	sfence  }
0xce: {  	s30 =	sld [smem:$0x0];
	_ =	sdelay $0x2  }
0xcf: {  	s31 =	sshll.u32 s1, $0xD;
	s1 =	sshrl.u32 s1, $0x2  }
0xd0: {  	s4 =	sand.u32 $0x4000, s31;
	s1 =	sadd.s32 s1, s30  }
0xd1: {  	s0 =	sor.u32 s4, s0;
	s1 =	sshll.u32 s1, $0x11  }
0xd2: {  	s0 =	sor.u32 s1, s0  }
0xd3: {  	s0 =	sadd.s32 $0x8F2B, s0  }
0xd4: {  	[sflag:s0] =	ssyncadd.remote.s32 $0x1  }
0xd5: {  	_ =	sfence.sel $0xFFFF  }
0xd6: {  	[dreg:$0x0] =	wrdreg $0xFFFFFFFF;
	(pc) =	sbr.abs _section_cstart, $3  }
0xd7: {  	[dreg:$0x1] =	wrdreg $0xFFFFFFFF  }
0xd8: {  	_ =	task.clear_ibuf [dreg:s22], $0x2FFFF;
	_ =	strace $0x9FFFFFFF  }
0xd9: {  	(tm) =	ssettm $0x7FFFFFFF  }
tec
execute0_lowered:
.L_overlay_start_1:
0x0: {  	(tag) =	ssettag $0x1  }
0x1: {  	s0 =	rddreg [dreg:$0x1]  }
0x2: {  	s3 =	rddreg [dreg:$0x4]  }
0x3: {  	s5 =	rddreg [dreg:$0x5]  }
0x4: {  	s6 =	rddreg [dreg:$0x6]  }
0x5: {  	s7 =	rddreg [dreg:$0x7]  }
0x6: {  	s9 =	rddreg [dreg:$0x8]  }
0x7: {  	s21 =	rddreg [dreg:$0x9]  }
0x8: {  	s24 =	simm.s32 $0x0;
	s22 =	stileid.u32;
	s10 =	srdreg.scid  }
0x9: {  	s30 =	simm.s32 $0x2;
	s31 =	simm.s32 $0xED0;
	s4 =	smul.u32 $0x13C00, s22  }
0xa: {  	[smem:$0x7FF] =	sst s24;
	s12 =	sadd.s32 $0x76E00, s0;
	s8 =	smul.u32 $0x2780, s22  }
0xb: {  	s13 =	sadd.s32 $0x27200, s0;
	s10 =	sand.u32 $0x1, s10;
	s19 =	sshll.u32 s22, $0x1  }
0xc: {  	s20 =	smul.u32 $0x5100, s22;
	s1 =	sadd.s32 $0x76800, s0;
	s25 =	sadd.s32 $0x2400, s0  }
0xd: {  	s29 =	sadd.s32 $0x1E00, s0;
	_ =	strace $0x8000004A;
	[dreg:$0xc] =	wrdreg s1  }
0xe: {  	s2 =	sadd.s32 $0x76200, s0;
	p0 =	sne.s32 s22, $0x0;
	[dreg:$0xe] =	wrdreg s25  }
0xf: {  	s22 =	simm.s32 $0x53D0;
	s15 =	smul.u32 $0x13C000, s10;
	[dreg:$0xf] =	wrdreg s29  }
0x10: {  	s16 =	smul.u32 $0x27800, s10;
	s17 =	ssub.s32 $0x2, s10;
	[dreg:$0x10] =	wrdreg s2  }
0x11: {  	s1 =	smov.u32 s9;
	s2 =	smov.u32 s21;
	s11 =	sshrl.u32 s4, $0x3  }
0x12: {  	s14 =	sshrl.u32 s8, $0x3;
	s18 =	sshrl.u32 s17, $0x1;
	s11 =	sadd.s32 s11, s0  }
0x13: {  	s14 =	sadd.s32 s14, s0;
	s17 =	ssub.s32 s17, s18;
	s18 =	sor.u32 s10, s19  }
0x14: {  	s10 =	smul.u32 $0x2880, s10;
	s15 =	sadd.s32 s4, s15;
	s16 =	sadd.s32 s8, s16  }
0x15: {  	s19 =	sadd.s32 s4, s9;
	s4 =	simm.s32 $0xF50;
	s15 =	sshrl.u32 s15, $0x3  }
0x16: {  	s16 =	sshrl.u32 s16, $0x3;
	[dreg:$0x13] =	wrdreg s19;
	s25 =	sadd.s32 $0x3000, s14  }
0x17: {  	s29 =	smax.u32 s17, $0x1;
	s14 =	simm.s32 $0x12D0;
	s17 =	simm.s32 $0xFD0  }
0x18: {  	s19 =	simm.s32 $0x11D0;
	s23 =	sadd.s32 s10, s20;
	[dreg:$0x16] =	wrdreg s25  }
0x19: {  	s26 =	sadd.s32 s15, s0;
	s28 =	sadd.s32 s16, s0;
	[dreg:$0x19] =	wrdreg s29  }
0x1a: {  	s16 =	sadd.s32 $0x2A00, s0;
	s0 =	sadd.s32 $0x1800, s0;
	[dreg:$0xd] =	wrdreg s23  }
0x1b: {  	s20 =	sadd.s32 $0x81000, s11;
	s25 =	smul.u32 $0x2880, s18;
	[dreg:$0x11] =	wrdreg s16  }
0x1c: {  	s11 =	simm.s32 $0x80;
	s18 =	simm.s32 $0x10D0;
	[dreg:$0x12] =	wrdreg s0  }
0x1d: {  	s15 =	simm.s32 $0x1050;
	[dreg:$0x14] =	wrdreg s20;
	s23 =	sadd.s32 s8, s21  }
0x1e: {  	s26 =	sadd.s32 $0xF7800, s26;
	s28 =	sadd.s32 $0x11E00, s28;
	[dreg:$0x15] =	wrdreg s23  }
0x1f: {  	v1 =	vlaneseq.u32;
	s16 =	simm.s32 $0x1;
	s20 =	simm.s32 $0x1150;
	[dreg:$0x17] =	wrdreg s26  }
0x20: {  	v0 =	vimm.f32 $0.0e+00;
	v1 =	vmul.u32 $0x10, v1;
	s21 =	simm.s32 $0x1250;
	[dreg:$0x18] =	wrdreg s28;
	s23 =	simm.s32 $0x52D0  }
.LBB2_1:
0x21: {  	[dreg:$0xb] =	wrdreg s24  }
0x22: {  	s0 =	rddreg [dreg:$0x2]  }
0x23: {  	s8 =	simm.s32 @!p0 $0x1C02;
	s9 =	rddreg [dreg:$0xc];
	s0 =	sshrl.u32 @!p0 s0, $0x3  }
0x24: {  	[spmem:s0], [sflag:s8] =	dma.local @!p0 [hbm:s9], $0x4E2  }
0x25: {  	s0 =	simm.s32 @!p0 $0x2  }
0x26: {  	_ =	swait.ge @!p0 [sflag:s0], $0x4E2  }
0x27: {  	[sflag:s0] =	ssyncset.done @!p0 $0x0  }
0x28: {  	[sflag:s0] =	ssyncadd.s32 @!p0 $0xFFFFFB1E  }
0x29: {  	s9 =	rddreg [dreg:$0x3]  }
0x2a: {  	s10 =	sshrl.u32 @!p0 s9, $0x3;
	s9 =	rddreg [dreg:$0xe]  }
0x2b: {  	[spmem:s10], [sflag:s8] =	dma.local @!p0 [hbm:s9], $0x4E2  }
0x2c: {  	_ =	swait.ge @!p0 [sflag:s0], $0x4E2  }
0x2d: {  	[sflag:s0] =	ssyncset.done @!p0 $0x0  }
0x2e: {  	s10 =	sshrl.u32 @!p0 s3, $0x3;
	s9 =	rddreg [dreg:$0xf];
	[sflag:s0] =	ssyncadd.s32 @!p0 $0xFFFFFB1E  }
0x2f: {  	[spmem:s10], [sflag:s8] =	dma.local @!p0 [hbm:s9], $0x4E2  }
0x30: {  	_ =	swait.ge @!p0 [sflag:s0], $0x4E2  }
0x31: {  	[sflag:s0] =	ssyncset.done @!p0 $0x0  }
0x32: {  	s10 =	sshrl.u32 @!p0 s5, $0x3;
	s9 =	rddreg [dreg:$0x10];
	[sflag:s0] =	ssyncadd.s32 @!p0 $0xFFFFFB1E  }
0x33: {  	[spmem:s10], [sflag:s8] =	dma.local @!p0 [hbm:s9], $0x4E2  }
0x34: {  	_ =	swait.ge @!p0 [sflag:s0], $0x4E2  }
0x35: {  	[sflag:s0] =	ssyncset.done @!p0 $0x0  }
0x36: {  	s10 =	sshrl.u32 @!p0 s6, $0x3;
	s9 =	rddreg [dreg:$0x11];
	[sflag:s0] =	ssyncadd.s32 @!p0 $0xFFFFFB1E  }
0x37: {  	[spmem:s10], [sflag:s8] =	dma.local @!p0 [hbm:s9], $0x4E2  }
0x38: {  	_ =	swait.ge @!p0 [sflag:s0], $0x4E2  }
0x39: {  	[sflag:s0] =	ssyncset.done @!p0 $0x0  }
0x3a: {  	s10 =	sshrl.u32 @!p0 s7, $0x3;
	s9 =	rddreg [dreg:$0x12];
	[sflag:s0] =	ssyncadd.s32 @!p0 $0xFFFFFB1E  }
0x3b: {  	[spmem:s10], [sflag:s8] =	dma.local @!p0 [hbm:s9], $0x4E2  }
0x3c: {  	s26 =	stileid.u32;
	_ =	swait.ge @!p0 [sflag:s0], $0x4E2  }
0x3d: {  	s8 =	sshll.u32 s26, $0x6;
	[sflag:s0] =	ssyncset.done @!p0 $0x0;
	s28 =	rddreg [dreg:$0x13]  }
0x3e: {  	s10 =	rddreg [dreg:$0x14];
	[sflag:s0] =	ssyncadd.s32 @!p0 $0xFFFFFB1E;
	s0 =	sshrl.u32 s28, $0x3  }
0x3f: {  	s8 =	sor.u32 $0x1C02, s8;
	[dreg:$0x1b] =	wrdreg s0  }
0x40: {  	[spmem:s0], [sflag:s8] =	dma.local [hbm:s10], $0x2780  }
0x41: {  	_ =	swait.ge [sflag:s30], $0x2780;
	[dreg:$0x1a] =	wrdreg s8  }
0x42: {  	s24 =	rddreg [dreg:$0x15]  }
0x43: {  	[sflag:s30] =	ssyncset.done $0x0;
	s28 =	rddreg [dreg:$0x16];
	s26 =	sshrl.u32 s24, $0x3  }
0x44: {  	[sflag:s30] =	ssyncadd.s32 $0xFFFFD880;
	[dreg:$0x1c] =	wrdreg s26  }
0x45: {  	[spmem:s26], [sflag:s8] =	dma.local [hbm:s28], $0x4F0  }
0x46: {  	_ =	swait.ge [sflag:s30], $0x4F0  }
0x47: {  	[sflag:s30] =	ssyncset.done $0x0  }
0x48: {  	[sflag:s30] =	ssyncadd.s32 $0xFFFFFB10  }
0x49: {  	[bflag:$0x0] =	sbarrier.arrive $0xFFFF  }
0x4a: {  	s26 =	simm.s32 $0x0;
	s29 =	rddreg [dreg:$0xd]  }
.LBB2_2:
0x4b: {  	s0 =	sshll.u32 s26, $0x7  }
0x4c: {  	s0 =	sadd.s32 s25, s0  }
0x4d: {  	s8 =	rddreg [dreg:$0x0];
	s0 =	sshrl.u32 s0, $0x3  }
0x4e: {  	s10 =	sadd.s32 s8, s0;
	s8 =	simm.s32 $0x0  }
0x4f: {  	[tilespmem:s31], [sflag:$0x2] =	stream.linear.gather [hbm4b:s10+s8], $0x80, $0x38;
	[tilespmem:$0x1BF50] =	vst v63  }
0x50: {  	_ =	swait.ge [sflag:s30], $0x80  }
0x51: {  	[sflag:s30] =	ssyncset.done $0x0  }
0x52: {  	s0 =	sadd.s32 s12, s0;
	[sflag:s30] =	ssyncadd.s32 $0xFFFFFF80  }
0x53: {  	[tilespmem:s4], [sflag:$0x2] =	stream.linear.gather [hbm4b:s0+s8], $0x80, $0x38;
	[tilespmem:$0x1BF50] =	vst v63  }
0x54: {  	_ =	swait.ge [sflag:s30], $0x80  }
0x55: {  	[sflag:s30] =	ssyncset.done $0x0  }
0x56: {  	[sflag:s30] =	ssyncadd.s32 $0xFFFFFF80  }
0x57: {  	[tilespmem:s14], [sflag:$0x1] =	stream.indirect.gather [hbm4b:s13+s11], $0x80, s31, s11, $0xb8;
	[tilespmem:$0x1BF50] =	vst v63  }
0x58: {  	_ =	swait.ge [sflag:s16], $0x4000  }
0x59: {  	[sflag:s16] =	ssyncset.done $0x0  }
0x5a: {  	[sflag:s16] =	ssyncadd.s32 $0xFFFFC000  }
0x5b: {  	s24 =	rddreg [dreg:$0x2]  }
0x5c: {  	[tilespmem:s17], [sflag:$0x1] =	stream.indirect.gather [spmem:s24], $0x1, s31, s11, $0xb8;
	[tilespmem:$0x1BF50] =	vst v63  }
0x5d: {  	_ =	swait.ge [sflag:s16], $0x80  }
0x5e: {  	[sflag:s16] =	ssyncset.done $0x0  }
0x5f: {  	[sflag:s16] =	ssyncadd.s32 $0xFFFFFF80  }
0x60: {  	s28 =	rddreg [dreg:$0x3]  }
0x61: {  	[tilespmem:s18], [sflag:$0x1] =	stream.indirect.gather [spmem:s28], $0x1, s4, s11, $0xb8;
	[tilespmem:$0x1BF50] =	vst v63  }
0x62: {  	_ =	swait.ge [sflag:s16], $0x80  }
0x63: {  	[sflag:s16] =	ssyncset.done $0x0  }
0x64: {  	[sflag:s16] =	ssyncadd.s32 $0xFFFFFF80  }
0x65: {  	[tilespmem:s19], [sflag:$0x1] =	stream.indirect.gather [spmem:s3], $0x1, s4, s11, $0xb8;
	[tilespmem:$0x1BF50] =	vst v63  }
0x66: {  	_ =	swait.ge [sflag:s16], $0x80  }
0x67: {  	[sflag:s16] =	ssyncset.done $0x0  }
0x68: {  	[sflag:s16] =	ssyncadd.s32 $0xFFFFFF80  }
0x69: {  	[tilespmem:s15], [sflag:$0x1] =	stream.indirect.gather [spmem:s5], $0x1, s31, s11, $0xb8;
	[tilespmem:$0x1BF50] =	vst v63  }
0x6a: {  	_ =	swait.ge [sflag:s16], $0x80  }
0x6b: {  	[sflag:s16] =	ssyncset.done $0x0  }
0x6c: {  	[sflag:s16] =	ssyncadd.s32 $0xFFFFFF80  }
0x6d: {  	[tilespmem:s20], [sflag:$0x1] =	stream.indirect.gather [spmem:s6], $0x1, s4, s11, $0xb8;
	[tilespmem:$0x1BF50] =	vst v63  }
0x6e: {  	_ =	swait.ge [sflag:s16], $0x80  }
0x6f: {  	[sflag:s16] =	ssyncset.done $0x0  }
0x70: {  	[sflag:s16] =	ssyncadd.s32 $0xFFFFFF80  }
0x71: {  	[tilespmem:s21], [sflag:$0x1] =	stream.indirect.gather [spmem:s7], $0x1, s4, s11, $0xb8;
	[tilespmem:$0x1BF50] =	vst v63  }
0x72: {  	_ =	swait.ge [sflag:s16], $0x80  }
0x73: {  	[sflag:s16] =	ssyncset.done $0x0  }
0x74: {  	s10 =	simm.s32 $0x200;
	s0 =	simm.s32 $0x0;
	[sflag:s16] =	ssyncadd.s32 $0xFFFFFF80  }
.LBB2_3:
0x75: {  	p1 =	sne.s32 s10, $0x1E00;
	[tilespmem:s0+$0x5440] =	vst v0  }
0x76: {  	[tilespmem:s0+$0x53D0] =	vst v0  }
0x77: {  	[tilespmem:s0+$0x53E0] =	vst v0  }
.Ltmp0:
0x78: {  	[tilespmem:s0+$0x53F0] =	vst v0;
	(pc) =	sbr.rel @p1 .LBB2_3-.Ltmp0, $4  }
0x79: {  	[tilespmem:s0+$0x5400] =	vst v0  }
0x7a: {  	[tilespmem:s0+$0x5410] =	vst v0  }
0x7b: {  	[tilespmem:s0+$0x5420] =	vst v0  }
0x7c: {  	[tilespmem:s0+$0x5430] =	vst v0;
	s0 =	sshra.s32 s10, $0x2;
	s10 =	sadd.s32 $0x200, s10  }
0x7d: {  	[tilespmem:s0+$0x5440] =	vst v0  }
0x7e: {  	[tilespmem:s0+$0x53D0] =	vst v0  }
0x7f: {  	[tilespmem:s0+$0x53E0] =	vst v0  }
0x80: {  	[tilespmem:s0+$0x53F0] =	vst v0  }
0x81: {  	[tilespmem:s0+$0x5400] =	vst v0  }
0x82: {  	[tilespmem:s0+$0x5410] =	vst v0  }
0x83: {  	[tilespmem:s0+$0x5420] =	vst v0  }
0x84: {  	[tilespmem:s0+$0x5430] =	vst v0;
	s0 =	simm.s32 $0x1150  }
0x85: {  	s28 =	simm.s32 $0x1050;
	v2 =	vld [tilespmem:s0+$0xFFFFFF80]  }
0x86: {  	v3 =	vld [tilespmem:s28+$0xFFFFFF80];
	_ =	sdelay $0x3  }
0x87: {  	s10 =	simm.s32 $0x1250  }
0x88: {  	v4 =	vld [tilespmem:s10+$0xFFFFFF80];
	v2 =	vadd.f32 v2, v3;
	_ =	sdelay $0x1  }
0x89: {  	v3 =	vmul.f32 $2.000000030e-01, v2;
	_ =	sdelay $0x1  }
0x8a: {  	v2 =	vmax.f32 v2, v3  }
0x8b: {  	v2 =	vsub.f32 v2, v4;
	_ =	sdelay $0x1  }
0x8c: {  	v2 =	vmul.f32 $1.442695020e+00, v2;
	_ =	sdelay $0x1  }
0x8d: {  	(erf) = vpow2.f32 v2;
	_ =	sdelay $0x4  }
0x8e: {  	v2 =	vmov s8  }
0x8f: {  	v2 =	vshll.u32 v2, $0x4  }
0x90: {  	v2 =	vor.u32 v1, v2  }
0x91: {  	s24 =	sadd.s32 $0x0, s29  }
0x92: {  	p1 =	slt.u32 s24, $0x50910;
	v3 =	vpop (erf)  }
0x93: {  	s24 =	simm.s32 $0x5350;
	v3 =	vpsel !p1, $0x0, v3  }
0x94: {  	[tilespmem:s24+$0xFFFFFF80] =	vst v3  }
0x95: {  	[tilespmem:v2+s22+$0x0] =	vst.idx.msk $0xffff, v3  }
0x96: {  	v3 =	vld [tilespmem:s28+$0x0]  }
0x97: {  	v4 =	vld [tilespmem:s0+$0x0];
	_ =	sdelay $0x4  }
0x98: {  	v5 =	vld [tilespmem:s10+$0x0];
	v3 =	vadd.f32 v4, v3;
	_ =	sdelay $0x1  }
0x99: {  	v4 =	vmul.f32 $2.000000030e-01, v3;
	_ =	sdelay $0x1  }
0x9a: {  	v3 =	vmax.f32 v3, v4  }
0x9b: {  	v3 =	vsub.f32 v3, v5;
	_ =	sdelay $0x1  }
0x9c: {  	v3 =	vmul.f32 $1.442695020e+00, v3;
	_ =	sdelay $0x1  }
0x9d: {  	(erf) = vpow2.f32 v3;
	_ =	sdelay $0x6  }
0x9e: {  	v2 =	vor.u32 $0x1, v2;
	_ =	sdelay $0x1  }
0x9f: {  	v3 =	vpop (erf)  }
0xa0: {  	s8 =	simm.s32 $0x1060;
	s28 =	simm.s32 $0x10;
	v3 =	vpsel !p1, $0x0, v3  }
.LBB2_5:
0xa1: {  	[tilespmem:s24+$0x0] =	vst v3;
	s24 =	sadd.s32 $0x10, s24;
	s10 =	sadd.s32 $0x10, s10;
	s0 =	sadd.s32 $0x10, s0  }
0xa2: {  	p1 =	sne.s32 s28, $0x70;
	s9 =	smov.u32 s28;
	s28 =	sadd.s32 $0x10, s28;
	[tilespmem:v2+s22+$0x0] =	vst.idx.msk $0xffff, v3  }
0xa3: {  	v2 =	vld [tilespmem:s0+$0xFFFFFF80]  }
0xa4: {  	v3 =	vld [tilespmem:s8+$0xFFFFFF80];
	_ =	sdelay $0x4  }
0xa5: {  	v4 =	vld [tilespmem:s10+$0xFFFFFF80];
	v2 =	vadd.f32 v2, v3;
	_ =	sdelay $0x1  }
0xa6: {  	v3 =	vmul.f32 $2.000000030e-01, v2;
	_ =	sdelay $0x1  }
0xa7: {  	v2 =	vmax.f32 v2, v3  }
0xa8: {  	v2 =	vsub.f32 v2, v4;
	_ =	sdelay $0x1  }
0xa9: {  	v2 =	vmul.f32 $1.442695020e+00, v2;
	_ =	sdelay $0x1  }
0xaa: {  	(erf) = vpow2.f32 v2;
	_ =	sdelay $0x4  }
0xab: {  	v2 =	vmov s9  }
0xac: {  	v2 =	vshll.u32 v2, $0x4  }
0xad: {  	v2 =	vor.u32 v1, v2  }
0xae: {  	s9 =	sadd.s32 s9, s29  }
0xaf: {  	p2 =	slt.u32 s9, $0x50910;
	v3 =	vpop (erf)  }
0xb0: {  	v3 =	vpsel !p2, $0x0, v3  }
0xb1: {  	[tilespmem:s24+$0xFFFFFF80] =	vst v3  }
0xb2: {  	[tilespmem:v2+s22+$0x0] =	vst.idx.msk $0xffff, v3  }
0xb3: {  	v3 =	vld [tilespmem:s8+$0x0]  }
0xb4: {  	v4 =	vld [tilespmem:s0+$0x0];
	_ =	sdelay $0x3  }
0xb5: {  	v5 =	vld [tilespmem:s10+$0x0]  }
0xb6: {  	v3 =	vadd.f32 v4, v3;
	_ =	sdelay $0x1  }
0xb7: {  	v4 =	vmul.f32 $2.000000030e-01, v3;
	_ =	sdelay $0x1  }
0xb8: {  	v3 =	vmax.f32 v3, v4  }
0xb9: {  	v3 =	vsub.f32 v3, v5;
	_ =	sdelay $0x1  }
0xba: {  	v3 =	vmul.f32 $1.442695020e+00, v3;
	_ =	sdelay $0x1  }
0xbb: {  	(erf) = vpow2.f32 v3;
	_ =	sdelay $0x5  }
.Ltmp1:
0xbc: {  	v2 =	vor.u32 $0x1, v2;
	(pc) =	sbr.rel @p1 .LBB2_5-.Ltmp1, $3  }
0xbd: {  	_ =	sdelay $0x1  }
0xbe: {  	v3 =	vpop (erf)  }
0xbf: {  	s8 =	sadd.s32 $0x10, s8;
	v3 =	vpsel !p2, $0x0, v3  }
0xc0: {  	s0 =	simm.s32 $0x0  }
0xc1: {  	v4 =	vmov s0;
	_ =	sdelay $0x1  }
0xc2: {  	[tilespmem:s24+$0x0] =	vst v3  }
0xc3: {  	s28 =	simm.s32 $0x13D0;
	[tilespmem:v2+s22+$0x0] =	vst.idx.msk $0xffff, v3  }
0xc4: {  	v3 =	vld [tilespmem:s28+$0xFFFFFF00]  }
0xc5: {  	v2 =	vld.idx.msk [tilespmem:v4+s23+$0x0], $0xffff  }
0xc6: {  	v5 =	vld [tilespmem:s28+$0xFFFFFF10]  }
0xc7: {  	v6 =	vld [tilespmem:s28+$0xFFFFFF30]  }
0xc8: {  	v7 =	vld [tilespmem:s28+$0xFFFFFF20];
	_ =	sdelay $0x1  }
0xc9: {  	v3 =	vmul.f32 v3, v2  }
0xca: {  	v4 =	vor.u32 $0x80, v4;
	v5 =	vmul.f32 v5, v2  }
0xcb: {  	v6 =	vmul.f32 v6, v2;
	[tilespmem:s28+$0xFFFFFF00] =	vst v3  }
0xcc: {  	v2 =	vmul.f32 v7, v2;
	[tilespmem:s28+$0xFFFFFF10] =	vst v5  }
0xcd: {  	[tilespmem:s28+$0xFFFFFF30] =	vst v6  }
0xce: {  	[tilespmem:s28+$0xFFFFFF20] =	vst v2;
	v3 =	vld [tilespmem:s28+$0xFFFFFF40]  }
0xcf: {  	v2 =	vld.idx.msk [tilespmem:v4+s23+$0x0], $0xffff  }
0xd0: {  	v4 =	vld [tilespmem:s28+$0xFFFFFF50]  }
0xd1: {  	v5 =	vld [tilespmem:s28+$0xFFFFFF60]  }
0xd2: {  	v6 =	vld [tilespmem:s28+$0xFFFFFF70];
	_ =	sdelay $0x1  }
0xd3: {  	s8 =	simm.s32 $0x1;
	v3 =	vmul.f32 v3, v2  }
0xd4: {  	v7 =	vmov s8;
	v4 =	vmul.f32 v4, v2  }
0xd5: {  	v5 =	vmul.f32 v5, v2;
	[tilespmem:s28+$0xFFFFFF40] =	vst v3  }
0xd6: {  	v2 =	vmul.f32 v6, v2;
	[tilespmem:s28+$0xFFFFFF50] =	vst v4  }
0xd7: {  	[tilespmem:s28+$0xFFFFFF60] =	vst v5  }
0xd8: {  	[tilespmem:s28+$0xFFFFFF70] =	vst v2;
	v3 =	vld [tilespmem:s28+$0xFFFFFF80]  }
0xd9: {  	v2 =	vld.idx.msk [tilespmem:v7+s23+$0x0], $0xffff  }
0xda: {  	v4 =	vld [tilespmem:s28+$0xFFFFFF90]  }
0xdb: {  	v5 =	vld [tilespmem:s28+$0xFFFFFFA0]  }
0xdc: {  	v6 =	vld [tilespmem:s28+$0xFFFFFFB0];
	_ =	sdelay $0x1  }
0xdd: {  	v3 =	vmul.f32 v3, v2  }
0xde: {  	v7 =	vor.u32 $0x80, v7;
	v4 =	vmul.f32 v4, v2  }
0xdf: {  	v5 =	vmul.f32 v5, v2;
	[tilespmem:s28+$0xFFFFFF80] =	vst v3  }
0xe0: {  	v2 =	vmul.f32 v6, v2;
	[tilespmem:s28+$0xFFFFFF90] =	vst v4  }
0xe1: {  	[tilespmem:s28+$0xFFFFFFA0] =	vst v5  }
0xe2: {  	[tilespmem:s28+$0xFFFFFFB0] =	vst v2;
	v3 =	vld [tilespmem:s28+$0xFFFFFFC0]  }
0xe3: {  	v2 =	vld.idx.msk [tilespmem:v7+s23+$0x0], $0xffff  }
0xe4: {  	v4 =	vld [tilespmem:s28+$0xFFFFFFD0]  }
0xe5: {  	v5 =	vld [tilespmem:s28+$0xFFFFFFF0]  }
0xe6: {  	v6 =	vld [tilespmem:s28+$0xFFFFFFE0];
	_ =	sdelay $0x1  }
0xe7: {  	s9 =	simm.s32 $0x2;
	v3 =	vmul.f32 v3, v2  }
0xe8: {  	v7 =	vmov s9;
	v4 =	vmul.f32 v4, v2  }
0xe9: {  	v5 =	vmul.f32 v5, v2;
	[tilespmem:s28+$0xFFFFFFC0] =	vst v3  }
0xea: {  	v2 =	vmul.f32 v6, v2;
	[tilespmem:s28+$0xFFFFFFD0] =	vst v4  }
0xeb: {  	[tilespmem:s28+$0xFFFFFFF0] =	vst v5  }
0xec: {  	[tilespmem:s28+$0xFFFFFFE0] =	vst v2;
	v3 =	vld [tilespmem:s28+$0x0]  }
0xed: {  	v2 =	vld.idx.msk [tilespmem:v7+s23+$0x0], $0xffff  }
0xee: {  	v4 =	vld [tilespmem:s28+$0x30]  }
0xef: {  	v5 =	vld [tilespmem:s28+$0x10]  }
0xf0: {  	v6 =	vld [tilespmem:s28+$0x20];
	_ =	sdelay $0x1  }
0xf1: {  	v3 =	vmul.f32 v3, v2  }
0xf2: {  	v7 =	vor.u32 $0x80, v7;
	v4 =	vmul.f32 v4, v2  }
0xf3: {  	v5 =	vmul.f32 v5, v2;
	[tilespmem:s28+$0x0] =	vst v3  }
0xf4: {  	v2 =	vmul.f32 v6, v2;
	[tilespmem:s28+$0x30] =	vst v4  }
0xf5: {  	v6 =	vld [tilespmem:s28+$0x60];
	[tilespmem:s28+$0x10] =	vst v5  }
0xf6: {  	v3 =	vld [tilespmem:s28+$0x40];
	[tilespmem:s28+$0x20] =	vst v2  }
0xf7: {  	v5 =	vld.idx.msk [tilespmem:v7+s23+$0x0], $0xffff  }
0xf8: {  	v4 =	vld [tilespmem:s28+$0x50]  }
0xf9: {  	v2 =	vld [tilespmem:s28+$0x70];
	_ =	sdelay $0x2  }
0xfa: {  	v7 =	vmul.f32 v3, v5  }
0xfb: {  	s10 =	simm.s32 $0x3;
	v4 =	vmul.f32 v4, v5  }
0xfc: {  	s24 =	simm.s32 $0x4;
	v3 =	vmul.f32 v6, v5;
	v5 =	vmul.f32 v2, v5;
	v2 =	vmov s10;
	s10 =	simm.s32 $0x13D0;
	[tilespmem:s28+$0x40] =	vst v7  }
.LBB2_7:
0xfd: {  	p1 =	sne.s32 s24, $0x7C  }
0xfe: {  	[tilespmem:s28+$0x50] =	vst v4;
	s10 =	sadd.s32 $0x200, s10;
	s0 =	smov.u32 s24;
	s24 =	sadd.s32 $0x4, s24  }
0xff: {  	[tilespmem:s28+$0x70] =	vst v5;
	v4 =	vld [tilespmem:s28+$0xB0]  }
0x100: {  	[tilespmem:s28+$0x60] =	vst v3;
	v3 =	vld [tilespmem:s28+$0x80]  }
0x101: {  	v5 =	vld.idx.msk [tilespmem:v2+s23+$0x0], $0xffff  }
0x102: {  	v6 =	vld [tilespmem:s28+$0x90]  }
0x103: {  	v7 =	vld [tilespmem:s28+$0xA0];
	_ =	sdelay $0x3  }
0x104: {  	v3 =	vmul.f32 v3, v5;
	v6 =	vmul.f32 v6, v5  }
0x105: {  	v2 =	vor.u32 $0x80, v2;
	v4 =	vmul.f32 v4, v5;
	v7 =	vmul.f32 v7, v5  }
0x106: {  	[tilespmem:s28+$0x80] =	vst v3  }
0x107: {  	[tilespmem:s28+$0xA0] =	vst v7  }
0x108: {  	[tilespmem:s28+$0xB0] =	vst v4;
	v3 =	vld [tilespmem:s28+$0xC0]  }
0x109: {  	[tilespmem:s28+$0x90] =	vst v6;
	v4 =	vld [tilespmem:s28+$0xF0]  }
0x10a: {  	v2 =	vld.idx.msk [tilespmem:v2+s23+$0x0], $0xffff  }
0x10b: {  	v5 =	vld [tilespmem:s28+$0xD0]  }
0x10c: {  	v6 =	vld [tilespmem:s28+$0xE0];
	_ =	sdelay $0x2  }
0x10d: {  	v7 =	vmov s0  }
0x10e: {  	v3 =	vmul.f32 v3, v2;
	v5 =	vmul.f32 v5, v2  }
0x10f: {  	v6 =	vmul.f32 v6, v2;
	v2 =	vmul.f32 v4, v2  }
0x110: {  	[tilespmem:s28+$0xC0] =	vst v3  }
0x111: {  	[tilespmem:s28+$0xF0] =	vst v2  }
0x112: {  	v2 =	vld [tilespmem:s10+$0xFFFFFF30];
	[tilespmem:s28+$0xD0] =	vst v5  }
0x113: {  	v3 =	vld [tilespmem:s10+$0xFFFFFF10];
	[tilespmem:s28+$0xE0] =	vst v6;
	s28 =	smov.u32 s10  }
0x114: {  	v4 =	vld.idx.msk [tilespmem:v7+s23+$0x0], $0xffff  }
0x115: {  	v5 =	vld [tilespmem:s10+$0xFFFFFF00]  }
0x116: {  	v6 =	vld [tilespmem:s10+$0xFFFFFF20];
	_ =	sdelay $0x2  }
0x117: {  	v7 =	vor.u32 $0x80, v7  }
0x118: {  	v3 =	vmul.f32 v3, v4;
	v5 =	vmul.f32 v5, v4  }
0x119: {  	v2 =	vmul.f32 v2, v4;
	v6 =	vmul.f32 v6, v4  }
0x11a: {  	[tilespmem:s10+$0xFFFFFF00] =	vst v5  }
0x11b: {  	[tilespmem:s10+$0xFFFFFF10] =	vst v3  }
0x11c: {  	[tilespmem:s10+$0xFFFFFF30] =	vst v2;
	v2 =	vld [tilespmem:s10+$0xFFFFFF70]  }
0x11d: {  	[tilespmem:s10+$0xFFFFFF20] =	vst v6;
	v3 =	vld [tilespmem:s10+$0xFFFFFF50]  }
0x11e: {  	v4 =	vld.idx.msk [tilespmem:v7+s23+$0x0], $0xffff  }
0x11f: {  	v5 =	vld [tilespmem:s10+$0xFFFFFF40]  }
0x120: {  	v6 =	vld [tilespmem:s10+$0xFFFFFF60];
	_ =	sdelay $0x3  }
0x121: {  	s8 =	sadd.s32 $0x1, s0;
	v3 =	vmul.f32 v3, v4;
	v5 =	vmul.f32 v5, v4  }
0x122: {  	v2 =	vmul.f32 v2, v4;
	v6 =	vmul.f32 v6, v4;
	v4 =	vmov s8  }
0x123: {  	[tilespmem:s10+$0xFFFFFF40] =	vst v5  }
0x124: {  	[tilespmem:s10+$0xFFFFFF50] =	vst v3  }
0x125: {  	[tilespmem:s10+$0xFFFFFF60] =	vst v6;
	v3 =	vld [tilespmem:s10+$0xFFFFFFB0]  }
0x126: {  	[tilespmem:s10+$0xFFFFFF70] =	vst v2;
	v2 =	vld [tilespmem:s10+$0xFFFFFF90]  }
0x127: {  	v5 =	vld.idx.msk [tilespmem:v4+s23+$0x0], $0xffff  }
0x128: {  	v6 =	vld [tilespmem:s10+$0xFFFFFF80]  }
0x129: {  	v7 =	vld [tilespmem:s10+$0xFFFFFFA0];
	_ =	sdelay $0x3  }
0x12a: {  	v2 =	vmul.f32 v2, v5;
	v6 =	vmul.f32 v6, v5  }
0x12b: {  	v4 =	vor.u32 $0x80, v4;
	v3 =	vmul.f32 v3, v5;
	v7 =	vmul.f32 v7, v5  }
0x12c: {  	[tilespmem:s10+$0xFFFFFF80] =	vst v6  }
0x12d: {  	[tilespmem:s10+$0xFFFFFF90] =	vst v2  }
0x12e: {  	[tilespmem:s10+$0xFFFFFFA0] =	vst v7;
	v2 =	vld [tilespmem:s10+$0xFFFFFFF0]  }
0x12f: {  	[tilespmem:s10+$0xFFFFFFB0] =	vst v3;
	v3 =	vld [tilespmem:s10+$0xFFFFFFD0]  }
0x130: {  	v4 =	vld.idx.msk [tilespmem:v4+s23+$0x0], $0xffff  }
0x131: {  	v5 =	vld [tilespmem:s10+$0xFFFFFFC0]  }
0x132: {  	v6 =	vld [tilespmem:s10+$0xFFFFFFE0];
	_ =	sdelay $0x3  }
0x133: {  	s8 =	sadd.s32 $0x2, s0;
	v3 =	vmul.f32 v3, v4;
	v5 =	vmul.f32 v5, v4  }
0x134: {  	v2 =	vmul.f32 v2, v4;
	v6 =	vmul.f32 v6, v4;
	v4 =	vmov s8  }
0x135: {  	[tilespmem:s10+$0xFFFFFFC0] =	vst v5  }
0x136: {  	[tilespmem:s10+$0xFFFFFFD0] =	vst v3  }
0x137: {  	[tilespmem:s10+$0xFFFFFFF0] =	vst v2;
	v2 =	vld [tilespmem:s10+$0x30]  }
0x138: {  	[tilespmem:s10+$0xFFFFFFE0] =	vst v6;
	v3 =	vld [tilespmem:s10+$0x10]  }
0x139: {  	v5 =	vld.idx.msk [tilespmem:v4+s23+$0x0], $0xffff  }
0x13a: {  	v6 =	vld [tilespmem:s10+$0x0]  }
0x13b: {  	v7 =	vld [tilespmem:s10+$0x20];
	_ =	sdelay $0x3  }
0x13c: {  	v3 =	vmul.f32 v3, v5;
	v6 =	vmul.f32 v6, v5  }
0x13d: {  	v4 =	vor.u32 $0x80, v4;
	v2 =	vmul.f32 v2, v5;
	v7 =	vmul.f32 v7, v5  }
0x13e: {  	[tilespmem:s10+$0x0] =	vst v6  }
0x13f: {  	[tilespmem:s10+$0x30] =	vst v2  }
0x140: {  	[tilespmem:s10+$0x10] =	vst v3;
	v2 =	vld [tilespmem:s10+$0x40]  }
0x141: {  	[tilespmem:s10+$0x20] =	vst v7;
	v5 =	vld [tilespmem:s10+$0x70]  }
0x142: {  	v6 =	vld.idx.msk [tilespmem:v4+s23+$0x0], $0xffff  }
0x143: {  	v3 =	vld [tilespmem:s10+$0x50]  }
0x144: {  	v7 =	vld [tilespmem:s10+$0x60];
	_ =	sdelay $0x1  }
.Ltmp2:
0x145: {  	(pc) =	sbr.rel @p1 .LBB2_7-.Ltmp2, $4  }
0x146: {  	_ = 	snop  }
0x147: {  	s0 =	sadd.s32 $0x3, s0;
	v8 =	vmul.f32 v2, v6;
	v4 =	vmul.f32 v3, v6  }
0x148: {  	v5 =	vmul.f32 v5, v6;
	v2 =	vmov s0;
	v3 =	vmul.f32 v7, v6  }
0x149: {  	[tilespmem:s10+$0x40] =	vst v8  }
0x14a: {  	_ = 	snop  }
0x14b: {  	[tilespmem:s28+$0x50] =	vst v4  }
0x14c: {  	[tilespmem:s28+$0x70] =	vst v5  }
0x14d: {  	[tilespmem:s28+$0x60] =	vst v3;
	v3 =	vld [tilespmem:s28+$0x80]  }
0x14e: {  	v4 =	vld.idx.msk [tilespmem:v2+s23+$0x0], $0xffff  }
0x14f: {  	v60 =	vld [tilespmem:s28+$0xA0]  }
0x150: {  	v6 =	vld [tilespmem:s28+$0xB0]  }
0x151: {  	v7 =	vld [tilespmem:s28+$0x90];
	_ =	sdelay $0x1  }
0x152: {  	v3 =	vmul.f32 v3, v4  }
0x153: {  	v2 =	vor.u32 $0x80, v2;
	v5 =	vmul.f32 v60, v4  }
0x154: {  	v6 =	vmul.f32 v6, v4;
	[tilespmem:s28+$0x80] =	vst v3  }
0x155: {  	[tilespmem:s28+$0xA0] =	vst v5;
	v3 =	vmul.f32 v7, v4  }
0x156: {  	[tilespmem:s28+$0xB0] =	vst v6  }
0x157: {  	v61 =	vld [tilespmem:s28+$0xC0];
	[tilespmem:s28+$0x90] =	vst v3  }
0x158: {  	v2 =	vld.idx.msk [tilespmem:v2+s23+$0x0], $0xffff  }
0x159: {  	v3 =	vld [tilespmem:s28+$0xF0]  }
0x15a: {  	v62 =	vld [tilespmem:s28+$0xD0]  }
0x15b: {  	v63 =	vld [tilespmem:s28+$0xE0];
	_ =	sdelay $0x1  }
0x15c: {  	v4 =	vmul.f32 v61, v2  }
0x15d: {  	v3 =	vmul.f32 v3, v2  }
0x15e: {  	v5 =	vmul.f32 v62, v2;
	[tilespmem:s28+$0xC0] =	vst v4  }
0x15f: {  	v2 =	vmul.f32 v63, v2;
	[tilespmem:s28+$0xF0] =	vst v3  }
0x160: {  	[tilespmem:s28+$0xD0] =	vst v5  }
0x161: {  	[tilespmem:s28+$0xE0] =	vst v2  }
0x162: {  	[spmem:s1] =	stream.indirect.scatter.add.f32 [tilespmem:s14], [sflag:$0x2], $0x80, s4, s11, $0xb8;
	[tilespmem:$0x1BF50] =	vst v63  }
0x163: {  	s26 =	sadd.s32 $0x1, s26;
	_ =	swait.ge [sflag:s30], $0x4000  }
0x164: {  	p1 =	sne.s32 s26, $0x51;
	[sflag:s30] =	ssyncset.done $0x0  }
.Ltmp3:
0x165: {  	[sflag:s30] =	ssyncadd.s32 $0xFFFFC000;
	(pc) =	sbr.rel @p1 .LBB2_2-.Ltmp3, $4  }
0x166: {  	[spmem:s2] =	stream.indirect.scatter.add.f32 [tilespmem:s22], [sflag:$0x2], $0x10, s4, s11, $0xb8;
	[tilespmem:$0x1BF50] =	vst v63  }
0x167: {  	_ =	swait.ge [sflag:s30], $0x800  }
0x168: {  	[sflag:s30] =	ssyncset.done $0x0  }
0x169: {  	s29 =	sadd.s32 $0x80, s29;
	[sflag:s30] =	ssyncadd.s32 $0xFFFFF800  }
0x16a: {  	[bflag:$0x0] =	sbarrier.arrive $0xFFFF  }
0x16b: {  	s0 =	rddreg [dreg:$0x17]  }
0x16c: {  	s8 =	rddreg [dreg:$0x1a]  }
0x16d: {  	s9 =	rddreg [dreg:$0x1b]  }
0x16e: {  	[hbm:s0], [sflag:s8] =	dma.local [spmem:s9], $0x2780  }
0x16f: {  	_ =	swait.ge [sflag:s30], $0x2780  }
0x170: {  	[sflag:s30] =	ssyncset.done $0x0;
	s26 =	rddreg [dreg:$0x18]  }
0x171: {  	s28 =	rddreg [dreg:$0x1c];
	[sflag:s30] =	ssyncadd.s32 $0xFFFFD880  }
0x172: {  	[hbm:s26], [sflag:s8] =	dma.local [spmem:s28], $0x4F0  }
0x173: {  	_ =	swait.ge [sflag:s30], $0x4F0  }
0x174: {  	s24 =	rddreg [dreg:$0xb]  }
0x175: {  	s29 =	rddreg [dreg:$0x19];
	s24 =	sadd.s32 $0x1, s24  }
0x176: {  	p1 =	sne.s32 s24, s29  }
.Ltmp4:
0x177: {  	_ = 	snop;
	(pc) =	sbr.rel @p1 .LBB2_1-.Ltmp4, $3  }
0x178: {  	_ =	sdelay $0x1  }
0x179: {  	[sflag:s30] =	ssyncset.done $0x0  }
0x17a: {  	[sflag:s30] =	ssyncadd.s32 $0xFFFFFB10  }
0x17b: {  	_ =	sfence.sel $0x180000  }
0x17c: {  	[bflag:$0x0] =	sbarrier.arrive $0xFFFF  }
0x17d: {  	_ =	strace $0x9000004A  }
0x17e: {  	[bflag:$0x2] =	sbarrier.arrive $0xFFFF  }
0x17f: {  	s0 =	rddreg [dreg:$0xa]  }
0x180: {  	s0 =	sadd.s32 @!p0 $0x100000, s0  }
0x181: {  	[sflag:s0] =	ssyncadd.tile.s32 @!p0 $0x1;
	_ =	shalt  }
.Lfunc_end2:
_tile_overlayer_lowered:
.L_overlay_start_2:
0x182: {  	(tag) =	ssettag $0x2  }
0x183: {  	s0 =	rddreg [dreg:$0x0];
	s2 =	stileid.u32  }
0x184: {  	s1 =	rddreg [dreg:$0x1];
	p0 =	sne.s32 s2, $0x0  }
0x185: {  	s3 =	rddreg [dreg:$0x2];
	[bflag:$0x3] =	sbarrier.arrive $0xFFFF;
	s2 =	simm.s32 @!p0 $0x1C02  }
0x186: {  	[timem:s3], [sflag:s2] =	dma.local @!p0 [hbm:s0], s1  }
0x187: {  	s0 =	simm.s32 @!p0 $0x2  }
0x188: {  	_ =	swait.ge @!p0 [sflag:s0], s1  }
0x189: {  	s1 =	ssub.s32 @!p0 $0x0, s1;
	[sflag:s0] =	ssyncset.done @!p0 $0x0  }
0x18a: {  	[sflag:s0] =	ssyncadd.s32 @!p0 s1  }
0x18b: {  	[bflag:$0x3] =	sbarrier.arrive $0xFFFF  }
0x18c: {  	_ =	shalt  }

</sc_bundles>
